<compile_context>
chip_gen: v7x
topology: tpu7x:2x2x1
jax: 0.10.2.dev20260603
libtpu: 0.0.44.dev20260713+nightly
codegen_flags: <defaults>
</compile_context>

<pallas_src>
import jax
import jax.numpy as jnp
from jax import lax
from jax.experimental import pallas as pl
from jax.experimental.pallas import tpu as pltpu
from jax.experimental.pallas import tpu_sc as plsc

BATCH = 16384
EMB = 128
NW = 32
CHUNK = 64
BPW = BATCH // NW
CPW = BPW // CHUNK


def _sc_dot_kernel(uidx_hbm, iidx_hbm, utab_hbm, itab_hbm, out_hbm,
                   uidx_v, iidx_v, urows_v, irows_v, outbuf_v, stage_v,
                   sem0, sem1):
    wid = lax.axis_index("s") * 2 + lax.axis_index("c")
    base = wid * BPW
    du = pltpu.async_copy(uidx_hbm.at[pl.ds(base, BPW)], uidx_v, sem0)
    di = pltpu.async_copy(iidx_hbm.at[pl.ds(base, BPW)], iidx_v, sem1)
    rowv = lax.iota(jnp.int32, 16)
    sems = (sem0, sem1)

    def issue(c, p):
        pltpu.async_copy(utab_hbm.at[uidx_v.at[pl.ds(c * CHUNK, CHUNK)]],
                         urows_v.at[p], sems[p])
        pltpu.async_copy(itab_hbm.at[iidx_v.at[pl.ds(c * CHUNK, CHUNK)]],
                         irows_v.at[p], sems[p])

    du.wait()
    pltpu.async_copy(utab_hbm.at[uidx_v.at[pl.ds(0, CHUNK)]],
                     urows_v.at[0], sems[0])
    di.wait()
    pltpu.async_copy(itab_hbm.at[iidx_v.at[pl.ds(0, CHUNK)]],
                     irows_v.at[0], sems[0])

    def round_body(r, _):
        for p in (0, 1):
            c = 2 * r + p

            @pl.when(c + 1 < CPW)
            def _():
                issue(c + 1, 1 - p)

            pltpu.make_async_copy(utab_hbm.at[uidx_v.at[pl.ds(0, CHUNK)]],
                                  urows_v.at[p], sems[p]).wait()
            pltpu.make_async_copy(itab_hbm.at[iidx_v.at[pl.ds(0, CHUNK)]],
                                  irows_v.at[p], sems[p]).wait()

            def group_body(g, _):
                for l in range(0, 16, 4):
                    acc = [[None, None] for _ in range(4)]
                    for j in range(EMB // 16):
                        for k in range(4):
                            e = g * 16 + l + k
                            t = (urows_v[p, e, pl.ds(j * 16, 16)]
                                 * irows_v[p, e, pl.ds(j * 16, 16)])
                            s = j & 1
                            acc[k][s] = t if acc[k][s] is None else acc[k][s] + t
                    for k in range(4):
                        stage_v[l + k, pl.ds(0, 16)] = acc[k][0] + acc[k][1]
                parts = [plsc.load_gather(stage_v, [rowv, jnp.full((16,), j, jnp.int32)])
                         for j in range(16)]
                while len(parts) > 1:
                    parts = [a + b for a, b in zip(parts[::2], parts[1::2])]
                outbuf_v[pl.ds(c * CHUNK + g * 16, 16)] = parts[0]
                return 0

            lax.fori_loop(0, CHUNK // 16, group_body, 0)
        return 0

    lax.fori_loop(0, CPW // 2, round_body, 0)
    pltpu.sync_copy(outbuf_v, out_hbm.at[pl.ds(base, BPW)])


@jax.jit
def kernel(user_idx, item_idx, user_table, item_table):
    mesh = plsc.VectorSubcoreMesh(core_axis_name="c", subcore_axis_name="s")
    return pl.kernel(
        _sc_dot_kernel,
        mesh=mesh,
        compiler_params=pltpu.CompilerParams(needs_layout_passes=False),
        out_type=jax.ShapeDtypeStruct((BATCH,), jnp.float32),
        scratch_types=[
            pltpu.VMEM((BPW,), jnp.int32),
            pltpu.VMEM((BPW,), jnp.int32),
            pltpu.VMEM((2, CHUNK, EMB), jnp.float32),
            pltpu.VMEM((2, CHUNK, EMB), jnp.float32),
            pltpu.VMEM((BPW,), jnp.float32),
            pltpu.VMEM((16, 17), jnp.float32),
            pltpu.SemaphoreType.DMA,
            pltpu.SemaphoreType.DMA,
        ],
    )(user_idx, item_idx, user_table, item_table)

# --- scband reference (transcript-rebuilt; emitter-appended) ---
"""Pipeline reference for scband-matrix-completion-model-50714973831369 (READ-ONLY COPY).

The authoritative reference and input builder live on the scoring server;
editing this copy changes nothing except your own understanding.
"""

import jax, jax.numpy as jnp
import numpy as np

N_USERS = 100000
N_ITEMS = 1000000
EMB = 128
BATCH = 16384

def setup_inputs(seed: int = 0) -> dict:
    key = jax.random.key(seed)
    k1, k2, k3, k4 = jax.random.split(key, 4)
    user_idx = jax.random.randint(k1, (BATCH,), 0, N_USERS, dtype=jnp.int64 if jax.config.jax_enable_x64 else jnp.int32)
    item_idx = jax.random.randint(k2, (BATCH,), 0, N_ITEMS, dtype=jnp.int64 if jax.config.jax_enable_x64 else jnp.int32)
    # Xavier uniform init: bound = sqrt(6 / (fan_in + fan_out))
    ub = float(np.sqrt(6.0 / (N_USERS + EMB)))
    ib = float(np.sqrt(6.0 / (N_ITEMS + EMB)))
    user_table = jax.random.uniform(k3, (N_USERS, EMB), dtype=jnp.float32, minval=-ub, maxval=ub)
    item_table = jax.random.uniform(k4, (N_ITEMS, EMB), dtype=jnp.float32, minval=-ib, maxval=ib)
    return {"user_idx": user_idx, "item_idx": item_idx, "user_table": user_table, "item_table": item_table}

def reference(user_idx, item_idx, user_table, item_table):
    user_embedding = jnp.take(user_table, user_idx, axis=0)
    item_embedding = jnp.take(item_table, item_idx, axis=0)
    prediction = jnp.sum(user_embedding * item_embedding, axis=1)
    return prediction

if __name__ == "__main__":
    import jax
    _d = setup_inputs()
    print(jax.jit(kernel)(*tuple(_d.values())))

</pallas_src>

<mosaic_0001>
#map = affine_map<(d0, d1) -> (0)>
#map1 = affine_map<(d0, d1) -> (0, 0)>
module attributes {stable_mosaic.version = 14 : i64} {
  func.func @_sc_dot_kernel(%arg0: i32, %arg1: i32, %arg2: memref<16384xi32, #tpu.memory_space<hbm>>, %arg3: memref<16384xi32, #tpu.memory_space<hbm>>, %arg4: memref<100000x128xf32, #tpu.memory_space<hbm>>, %arg5: memref<1000000x128xf32, #tpu.memory_space<hbm>>, %arg6: memref<16384xf32, #tpu.memory_space<hbm>>, %arg7: memref<512xi32, #tpu.memory_space<vmem>>, %arg8: memref<512xi32, #tpu.memory_space<vmem>>, %arg9: memref<2x64x128xf32, #tpu.memory_space<vmem>>, %arg10: memref<2x64x128xf32, #tpu.memory_space<vmem>>, %arg11: memref<512xf32, #tpu.memory_space<vmem>>, %arg12: memref<16x17xf32, #tpu.memory_space<vmem>>, %arg13: memref<!tpu.dma_semaphore, #tpu.memory_space<semaphore_mem>>, %arg14: memref<!tpu.dma_semaphore, #tpu.memory_space<semaphore_mem>>) attributes {dimension_semantics = [#tpu.dimension_semantics<core_parallel>, #tpu.dimension_semantics<subcore_parallel>], iteration_bounds = array<i64: 2, 16>, scalar_prefetch = 0 : i64, scratch_operands = 8 : i64, tpu.core_type = #tpu.core_type<sc_vector_subcore>, window_params = [{transform_indices = #map}, {transform_indices = #map}, {transform_indices = #map1}, {transform_indices = #map1}, {transform_indices = #map}]} {
    %mul3A = arith.constant 2 : i32
    %mul3A_0 = arith.muli %arg1, %mul3A : i32
    %add3A = arith.addi %mul3A_0, %arg0 : i32
    %mul3A_1 = arith.constant 512 : i32
    %mul3A_2 = arith.muli %add3A, %mul3A_1 : i32
    %dma_start3A = tpu.memref_slice %arg2[%mul3A_2] : memref<16384xi32, #tpu.memory_space<hbm>> -> memref<512xi32, #tpu.memory_space<hbm>>
    %dma_start3A_3 = tpu.memref_slice %arg2[%mul3A_2] : memref<16384xi32, #tpu.memory_space<hbm>> -> memref<512xi32, #tpu.memory_space<hbm>>
    tpu.enqueue_dma source(%dma_start3A_3 : memref<512xi32, #tpu.memory_space<hbm>>) target(%arg7 : memref<512xi32, #tpu.memory_space<vmem>>) target_semaphore(%arg13 : memref<!tpu.dma_semaphore, #tpu.memory_space<semaphore_mem>>)
    %dma_start3A_4 = tpu.memref_slice %arg3[%mul3A_2] : memref<16384xi32, #tpu.memory_space<hbm>> -> memref<512xi32, #tpu.memory_space<hbm>>
    %dma_start3A_5 = tpu.memref_slice %arg3[%mul3A_2] : memref<16384xi32, #tpu.memory_space<hbm>> -> memref<512xi32, #tpu.memory_space<hbm>>
    tpu.enqueue_dma source(%dma_start3A_5 : memref<512xi32, #tpu.memory_space<hbm>>) target(%arg8 : memref<512xi32, #tpu.memory_space<vmem>>) target_semaphore(%arg14 : memref<!tpu.dma_semaphore, #tpu.memory_space<semaphore_mem>>)
    %iota3A = tpu.iota {dimensions = array<i32: 0>} : vector<16xi32>
    %dma_wait3A = tpu.memref_slice %arg2[%mul3A_2] : memref<16384xi32, #tpu.memory_space<hbm>> -> memref<512xi32, #tpu.memory_space<hbm>>
    %dma_wait3A_6 = tpu.memref_slice %arg2[%mul3A_2] : memref<16384xi32, #tpu.memory_space<hbm>> -> memref<512xi32, #tpu.memory_space<hbm>>
    tpu.wait_dma2 semaphore(%arg13 : memref<!tpu.dma_semaphore, #tpu.memory_space<semaphore_mem>>) src(%dma_wait3A_6 : memref<512xi32, #tpu.memory_space<hbm>>) dst(%arg7 : memref<512xi32, #tpu.memory_space<vmem>>)
    %dma_start3A_7 = arith.constant 0 : i32
    %dma_start3A_8 = arith.constant 0 : i32
    %dma_start3A_9 = arith.constant 0 : i32
    %dma_start3A_10 = tpu.memref_slice %arg9[%dma_start3A_7, %dma_start3A_8, %dma_start3A_9] : memref<2x64x128xf32, #tpu.memory_space<vmem>> -> memref<1x64x128xf32, #tpu.memory_space<vmem>>
    %dma_start3A_11 = tpu.memref_squeeze %dma_start3A_10 : memref<1x64x128xf32, #tpu.memory_space<vmem>> -> memref<64x128xf32, #tpu.memory_space<vmem>>
    %dma_start3A_12 = arith.constant 0 : i32
    %dma_start3A_13 = tpu.memref_slice %arg7[%dma_start3A_12] : memref<512xi32, #tpu.memory_space<vmem>> -> memref<64xi32, #tpu.memory_space<vmem>>
    %dma_start3A_14 = arith.constant 0 : i32
    %dma_start3A_15 = arith.constant 0 : i32
    %dma_start3A_16 = tpu.memref_slice %arg4[%dma_start3A_14, %dma_start3A_15] : memref<100000x128xf32, #tpu.memory_space<hbm>> -> memref<100000x128xf32, #tpu.memory_space<hbm>>
    tpu.enqueue_indirect_dma source(%dma_start3A_16 : memref<100000x128xf32, #tpu.memory_space<hbm>>) target(%dma_start3A_11 : memref<64x128xf32, #tpu.memory_space<vmem>>) offsets(%dma_start3A_13 : memref<64xi32, #tpu.memory_space<vmem>>) semaphore(%arg13 : memref<!tpu.dma_semaphore, #tpu.memory_space<semaphore_mem>>)
    %dma_wait3A_17 = tpu.memref_slice %arg3[%mul3A_2] : memref<16384xi32, #tpu.memory_space<hbm>> -> memref<512xi32, #tpu.memory_space<hbm>>
    %dma_wait3A_18 = tpu.memref_slice %arg3[%mul3A_2] : memref<16384xi32, #tpu.memory_space<hbm>> -> memref<512xi32, #tpu.memory_space<hbm>>
    tpu.wait_dma2 semaphore(%arg14 : memref<!tpu.dma_semaphore, #tpu.memory_space<semaphore_mem>>) src(%dma_wait3A_18 : memref<512xi32, #tpu.memory_space<hbm>>) dst(%arg8 : memref<512xi32, #tpu.memory_space<vmem>>)
    %dma_start3A_19 = arith.constant 0 : i32
    %dma_start3A_20 = arith.constant 0 : i32
    %dma_start3A_21 = arith.constant 0 : i32
    %dma_start3A_22 = tpu.memref_slice %arg10[%dma_start3A_19, %dma_start3A_20, %dma_start3A_21] : memref<2x64x128xf32, #tpu.memory_space<vmem>> -> memref<1x64x128xf32, #tpu.memory_space<vmem>>
    %dma_start3A_23 = tpu.memref_squeeze %dma_start3A_22 : memref<1x64x128xf32, #tpu.memory_space<vmem>> -> memref<64x128xf32, #tpu.memory_space<vmem>>
    %dma_start3A_24 = arith.constant 0 : i32
    %dma_start3A_25 = tpu.memref_slice %arg8[%dma_start3A_24] : memref<512xi32, #tpu.memory_space<vmem>> -> memref<64xi32, #tpu.memory_space<vmem>>
    %dma_start3A_26 = arith.constant 0 : i32
    %dma_start3A_27 = arith.constant 0 : i32
    %dma_start3A_28 = tpu.memref_slice %arg5[%dma_start3A_26, %dma_start3A_27] : memref<1000000x128xf32, #tpu.memory_space<hbm>> -> memref<1000000x128xf32, #tpu.memory_space<hbm>>
    tpu.enqueue_indirect_dma source(%dma_start3A_28 : memref<1000000x128xf32, #tpu.memory_space<hbm>>) target(%dma_start3A_23 : memref<64x128xf32, #tpu.memory_space<vmem>>) offsets(%dma_start3A_25 : memref<64xi32, #tpu.memory_space<vmem>>) semaphore(%arg13 : memref<!tpu.dma_semaphore, #tpu.memory_space<semaphore_mem>>)
    %scan3A = arith.constant 0 : i32
    %scan3A_29 = arith.constant 0 : i32
    %scan3A_30 = arith.constant 4 : i32
    %scan3A_31 = arith.addi %scan3A_29, %scan3A_30 : i32
    %scan3A_32 = arith.constant 1 : i32
    %scan3A_33 = scf.for %scan3A_35 = %scan3A_29 to %scan3A_31 step %scan3A_32 iter_args(%scan3A_36 = %scan3A) -> (i32)  : i32 {
      %mul3A_37 = arith.constant 2 : i32
      %mul3A_38 = arith.muli %mul3A_37, %scan3A_35 : i32
      %add3A_39 = arith.constant 0 : i32
      %add3A_40 = arith.addi %mul3A_38, %add3A_39 : i32
      %add3A_41 = arith.constant 1 : i32
      %add3A_42 = arith.addi %add3A_40, %add3A_41 : i32
      %lt3A = arith.constant 8 : i32
      %lt3A_43 = arith.cmpi slt, %add3A_42, %lt3A : i32
      %convert_element_type3A = arith.extui %lt3A_43 : i1 to i32
      %cond3A = arith.constant 0 : i32
      %cond3A_44 = arith.cmpi ne, %convert_element_type3A, %cond3A : i32
      scf.if %cond3A_44 {
        %add3A_111 = arith.constant 1 : i32
        %add3A_112 = arith.addi %add3A_40, %add3A_111 : i32
        %mul3A_113 = arith.constant 64 : i32
        %mul3A_114 = arith.muli %add3A_112, %mul3A_113 : i32
        %dma_start3A_115 = arith.constant 1 : i32
        %dma_start3A_116 = arith.constant 0 : i32
        %dma_start3A_117 = arith.constant 0 : i32
        %dma_start3A_118 = tpu.memref_slice %arg9[%dma_start3A_115, %dma_start3A_116, %dma_start3A_117] : memref<2x64x128xf32, #tpu.memory_space<vmem>> -> memref<1x64x128xf32, #tpu.memory_space<vmem>>
        %dma_start3A_119 = tpu.memref_squeeze %dma_start3A_118 : memref<1x64x128xf32, #tpu.memory_space<vmem>> -> memref<64x128xf32, #tpu.memory_space<vmem>>
        %dma_start3A_120 = tpu.memref_slice %arg7[%mul3A_114] : memref<512xi32, #tpu.memory_space<vmem>> -> memref<64xi32, #tpu.memory_space<vmem>>
        %dma_start3A_121 = arith.constant 0 : i32
        %dma_start3A_122 = arith.constant 0 : i32
        %dma_start3A_123 = tpu.memref_slice %arg4[%dma_start3A_121, %dma_start3A_122] : memref<100000x128xf32, #tpu.memory_space<hbm>> -> memref<100000x128xf32, #tpu.memory_space<hbm>>
        tpu.enqueue_indirect_dma source(%dma_start3A_123 : memref<100000x128xf32, #tpu.memory_space<hbm>>) target(%dma_start3A_119 : memref<64x128xf32, #tpu.memory_space<vmem>>) offsets(%dma_start3A_120 : memref<64xi32, #tpu.memory_space<vmem>>) semaphore(%arg14 : memref<!tpu.dma_semaphore, #tpu.memory_space<semaphore_mem>>)
        %mul3A_124 = arith.constant 64 : i32
        %mul3A_125 = arith.muli %add3A_112, %mul3A_124 : i32
        %dma_start3A_126 = arith.constant 1 : i32
        %dma_start3A_127 = arith.constant 0 : i32
        %dma_start3A_128 = arith.constant 0 : i32
        %dma_start3A_129 = tpu.memref_slice %arg10[%dma_start3A_126, %dma_start3A_127, %dma_start3A_128] : memref<2x64x128xf32, #tpu.memory_space<vmem>> -> memref<1x64x128xf32, #tpu.memory_space<vmem>>
        %dma_start3A_130 = tpu.memref_squeeze %dma_start3A_129 : memref<1x64x128xf32, #tpu.memory_space<vmem>> -> memref<64x128xf32, #tpu.memory_space<vmem>>
        %dma_start3A_131 = tpu.memref_slice %arg8[%mul3A_125] : memref<512xi32, #tpu.memory_space<vmem>> -> memref<64xi32, #tpu.memory_space<vmem>>
        %dma_start3A_132 = arith.constant 0 : i32
        %dma_start3A_133 = arith.constant 0 : i32
        %dma_start3A_134 = tpu.memref_slice %arg5[%dma_start3A_132, %dma_start3A_133] : memref<1000000x128xf32, #tpu.memory_space<hbm>> -> memref<1000000x128xf32, #tpu.memory_space<hbm>>
        tpu.enqueue_indirect_dma source(%dma_start3A_134 : memref<1000000x128xf32, #tpu.memory_space<hbm>>) target(%dma_start3A_130 : memref<64x128xf32, #tpu.memory_space<vmem>>) offsets(%dma_start3A_131 : memref<64xi32, #tpu.memory_space<vmem>>) semaphore(%arg14 : memref<!tpu.dma_semaphore, #tpu.memory_space<semaphore_mem>>)
      } else {
      }
      %dma_wait3A_45 = arith.constant 0 : i32
      %dma_wait3A_46 = arith.constant 0 : i32
      %dma_wait3A_47 = arith.constant 0 : i32
      %dma_wait3A_48 = tpu.memref_slice %arg9[%dma_wait3A_45, %dma_wait3A_46, %dma_wait3A_47] : memref<2x64x128xf32, #tpu.memory_space<vmem>> -> memref<1x64x128xf32, #tpu.memory_space<vmem>>
      %dma_wait3A_49 = tpu.memref_squeeze %dma_wait3A_48 : memref<1x64x128xf32, #tpu.memory_space<vmem>> -> memref<64x128xf32, #tpu.memory_space<vmem>>
      %dma_wait3A_50 = arith.constant 0 : i32
      %dma_wait3A_51 = tpu.memref_slice %arg7[%dma_wait3A_50] : memref<512xi32, #tpu.memory_space<vmem>> -> memref<64xi32, #tpu.memory_space<vmem>>
      %dma_wait3A_52 = arith.constant 0 : i32
      %dma_wait3A_53 = arith.constant 0 : i32
      %dma_wait3A_54 = tpu.memref_slice %arg4[%dma_wait3A_52, %dma_wait3A_53] : memref<100000x128xf32, #tpu.memory_space<hbm>> -> memref<100000x128xf32, #tpu.memory_space<hbm>>
      tpu.wait_indirect_dma semaphore(%arg13 : memref<!tpu.dma_semaphore, #tpu.memory_space<semaphore_mem>>) src(%dma_wait3A_54 : memref<100000x128xf32, #tpu.memory_space<hbm>>) dst(%dma_wait3A_49 : memref<64x128xf32, #tpu.memory_space<vmem>>)
      %dma_wait3A_55 = arith.constant 0 : i32
      %dma_wait3A_56 = arith.constant 0 : i32
      %dma_wait3A_57 = arith.constant 0 : i32
      %dma_wait3A_58 = tpu.memref_slice %arg10[%dma_wait3A_55, %dma_wait3A_56, %dma_wait3A_57] : memref<2x64x128xf32, #tpu.memory_space<vmem>> -> memref<1x64x128xf32, #tpu.memory_space<vmem>>
      %dma_wait3A_59 = tpu.memref_squeeze %dma_wait3A_58 : memref<1x64x128xf32, #tpu.memory_space<vmem>> -> memref<64x128xf32, #tpu.memory_space<vmem>>
      %dma_wait3A_60 = arith.constant 0 : i32
      %dma_wait3A_61 = tpu.memref_slice %arg8[%dma_wait3A_60] : memref<512xi32, #tpu.memory_space<vmem>> -> memref<64xi32, #tpu.memory_space<vmem>>
      %dma_wait3A_62 = arith.constant 0 : i32
      %dma_wait3A_63 = arith.constant 0 : i32
      %dma_wait3A_64 = tpu.memref_slice %arg5[%dma_wait3A_62, %dma_wait3A_63] : memref<1000000x128xf32, #tpu.memory_space<hbm>> -> memref<1000000x128xf32, #tpu.memory_space<hbm>>
      tpu.wait_indirect_dma semaphore(%arg13 : memref<!tpu.dma_semaphore, #tpu.memory_space<semaphore_mem>>) src(%dma_wait3A_64 : memref<1000000x128xf32, #tpu.memory_space<hbm>>) dst(%dma_wait3A_59 : memref<64x128xf32, #tpu.memory_space<vmem>>)
      %scan3A_65 = arith.constant 0 : i32
      %scan3A_66 = arith.constant 0 : i32
      %scan3A_67 = arith.constant 4 : i32
      %scan3A_68 = arith.addi %scan3A_66, %scan3A_67 : i32
      %scan3A_69 = arith.constant 1 : i32
      %scan3A_70 = scf.for %scan3A_111 = %scan3A_66 to %scan3A_68 step %scan3A_69 iter_args(%scan3A_112 = %scan3A_65) -> (i32)  : i32 {
        %mul3A_113 = arith.constant 16 : i32
        %mul3A_114 = arith.muli %scan3A_111, %mul3A_113 : i32
        %add3A_115 = arith.constant 0 : i32
        %add3A_116 = arith.addi %mul3A_114, %add3A_115 : i32
        %add3A_117 = arith.constant 0 : i32
        %add3A_118 = arith.addi %add3A_116, %add3A_117 : i32
        %get3A = arith.constant 0 : i32
        %get3A_119 = arith.index_cast %get3A : i32 to index
        %get3A_120 = arith.index_cast %add3A_118 : i32 to index
        %get3A_121 = arith.constant 0 : index
        %get3A_122 = tpu.vector_load %arg9[%get3A_119, %get3A_120, %get3A_121] {strides = array<i32>} : memref<2x64x128xf32, #tpu.memory_space<vmem>>, vector<16xf32>,
        %get3A_123 = arith.constant 0 : i32
        %get3A_124 = arith.index_cast %get3A_123 : i32 to index
        %get3A_125 = arith.index_cast %add3A_118 : i32 to index
        %get3A_126 = arith.constant 0 : index
        %get3A_127 = tpu.vector_load %arg10[%get3A_124, %get3A_125, %get3A_126] {strides = array<i32>} : memref<2x64x128xf32, #tpu.memory_space<vmem>>, vector<16xf32>,
        %mul3A_128 = arith.mulf %get3A_122, %get3A_127 : vector<16xf32>
        %mul3A_129 = arith.constant 16 : i32
        %mul3A_130 = arith.muli %scan3A_111, %mul3A_129 : i32
        %add3A_131 = arith.constant 0 : i32
        %add3A_132 = arith.addi %mul3A_130, %add3A_131 : i32
        %add3A_133 = arith.constant 1 : i32
        %add3A_134 = arith.addi %add3A_132, %add3A_133 : i32
        %get3A_135 = arith.constant 0 : i32
        %get3A_136 = arith.index_cast %get3A_135 : i32 to index
        %get3A_137 = arith.index_cast %add3A_134 : i32 to index
        %get3A_138 = arith.constant 0 : index
        %get3A_139 = tpu.vector_load %arg9[%get3A_136, %get3A_137, %get3A_138] {strides = array<i32>} : memref<2x64x128xf32, #tpu.memory_space<vmem>>, vector<16xf32>,
        %get3A_140 = arith.constant 0 : i32
        %get3A_141 = arith.index_cast %get3A_140 : i32 to index
        %get3A_142 = arith.index_cast %add3A_134 : i32 to index
        %get3A_143 = arith.constant 0 : index
        %get3A_144 = tpu.vector_load %arg10[%get3A_141, %get3A_142, %get3A_143] {strides = array<i32>} : memref<2x64x128xf32, #tpu.memory_space<vmem>>, vector<16xf32>,
        %mul3A_145 = arith.mulf %get3A_139, %get3A_144 : vector<16xf32>
        %mul3A_146 = arith.constant 16 : i32
        %mul3A_147 = arith.muli %scan3A_111, %mul3A_146 : i32
        %add3A_148 = arith.constant 0 : i32
        %add3A_149 = arith.addi %mul3A_147, %add3A_148 : i32
        %add3A_150 = arith.constant 2 : i32
        %add3A_151 = arith.addi %add3A_149, %add3A_150 : i32
        %get3A_152 = arith.constant 0 : i32
        %get3A_153 = arith.index_cast %get3A_152 : i32 to index
        %get3A_154 = arith.index_cast %add3A_151 : i32 to index
        %get3A_155 = arith.constant 0 : index
        %get3A_156 = tpu.vector_load %arg9[%get3A_153, %get3A_154, %get3A_155] {strides = array<i32>} : memref<2x64x128xf32, #tpu.memory_space<vmem>>, vector<16xf32>,
        %get3A_157 = arith.constant 0 : i32
        %get3A_158 = arith.index_cast %get3A_157 : i32 to index
        %get3A_159 = arith.index_cast %add3A_151 : i32 to index
        %get3A_160 = arith.constant 0 : index
        %get3A_161 = tpu.vector_load %arg10[%get3A_158, %get3A_159, %get3A_160] {strides = array<i32>} : memref<2x64x128xf32, #tpu.memory_space<vmem>>, vector<16xf32>,
        %mul3A_162 = arith.mulf %get3A_156, %get3A_161 : vector<16xf32>
        %mul3A_163 = arith.constant 16 : i32
        %mul3A_164 = arith.muli %scan3A_111, %mul3A_163 : i32
        %add3A_165 = arith.constant 0 : i32
        %add3A_166 = arith.addi %mul3A_164, %add3A_165 : i32
        %add3A_167 = arith.constant 3 : i32
        %add3A_168 = arith.addi %add3A_166, %add3A_167 : i32
        %get3A_169 = arith.constant 0 : i32
        %get3A_170 = arith.index_cast %get3A_169 : i32 to index
        %get3A_171 = arith.index_cast %add3A_168 : i32 to index
        %get3A_172 = arith.constant 0 : index
        %get3A_173 = tpu.vector_load %arg9[%get3A_170, %get3A_171, %get3A_172] {strides = array<i32>} : memref<2x64x128xf32, #tpu.memory_space<vmem>>, vector<16xf32>,
        %get3A_174 = arith.constant 0 : i32
        %get3A_175 = arith.index_cast %get3A_174 : i32 to index
        %get3A_176 = arith.index_cast %add3A_168 : i32 to index
        %get3A_177 = arith.constant 0 : index
        %get3A_178 = tpu.vector_load %arg10[%get3A_175, %get3A_176, %get3A_177] {strides = array<i32>} : memref<2x64x128xf32, #tpu.memory_space<vmem>>, vector<16xf32>,
        %mul3A_179 = arith.mulf %get3A_173, %get3A_178 : vector<16xf32>
        %mul3A_180 = arith.constant 16 : i32
        %mul3A_181 = arith.muli %scan3A_111, %mul3A_180 : i32
        %add3A_182 = arith.constant 0 : i32
        %add3A_183 = arith.addi %mul3A_181, %add3A_182 : i32
        %add3A_184 = arith.constant 0 : i32
        %add3A_185 = arith.addi %add3A_183, %add3A_184 : i32
        %get3A_186 = arith.constant 0 : i32
        %get3A_187 = arith.index_cast %get3A_186 : i32 to index
        %get3A_188 = arith.index_cast %add3A_185 : i32 to index
        %get3A_189 = arith.constant 16 : index
        %get3A_190 = tpu.vector_load %arg9[%get3A_187, %get3A_188, %get3A_189] {strides = array<i32>} : memref<2x64x128xf32, #tpu.memory_space<vmem>>, vector<16xf32>,
        %get3A_191 = arith.constant 0 : i32
        %get3A_192 = arith.index_cast %get3A_191 : i32 to index
        %get3A_193 = arith.index_cast %add3A_185 : i32 to index
        %get3A_194 = arith.constant 16 : index
        %get3A_195 = tpu.vector_load %arg10[%get3A_192, %get3A_193, %get3A_194] {strides = array<i32>} : memref<2x64x128xf32, #tpu.memory_space<vmem>>, vector<16xf32>,
        %mul3A_196 = arith.mulf %get3A_190, %get3A_195 : vector<16xf32>
        %mul3A_197 = arith.constant 16 : i32
        %mul3A_198 = arith.muli %scan3A_111, %mul3A_197 : i32
        %add3A_199 = arith.constant 0 : i32
        %add3A_200 = arith.addi %mul3A_198, %add3A_199 : i32
        %add3A_201 = arith.constant 1 : i32
        %add3A_202 = arith.addi %add3A_200, %add3A_201 : i32
        %get3A_203 = arith.constant 0 : i32
        %get3A_204 = arith.index_cast %get3A_203 : i32 to index
        %get3A_205 = arith.index_cast %add3A_202 : i32 to index
        %get3A_206 = arith.constant 16 : index
        %get3A_207 = tpu.vector_load %arg9[%get3A_204, %get3A_205, %get3A_206] {strides = array<i32>} : memref<2x64x128xf32, #tpu.memory_space<vmem>>, vector<16xf32>,
        %get3A_208 = arith.constant 0 : i32
        %get3A_209 = arith.index_cast %get3A_208 : i32 to index
        %get3A_210 = arith.index_cast %add3A_202 : i32 to index
        %get3A_211 = arith.constant 16 : index
        %get3A_212 = tpu.vector_load %arg10[%get3A_209, %get3A_210, %get3A_211] {strides = array<i32>} : memref<2x64x128xf32, #tpu.memory_space<vmem>>, vector<16xf32>,
        %mul3A_213 = arith.mulf %get3A_207, %get3A_212 : vector<16xf32>
        %mul3A_214 = arith.constant 16 : i32
        %mul3A_215 = arith.muli %scan3A_111, %mul3A_214 : i32
        %add3A_216 = arith.constant 0 : i32
        %add3A_217 = arith.addi %mul3A_215, %add3A_216 : i32
        %add3A_218 = arith.constant 2 : i32
        %add3A_219 = arith.addi %add3A_217, %add3A_218 : i32
        %get3A_220 = arith.constant 0 : i32
        %get3A_221 = arith.index_cast %get3A_220 : i32 to index
        %get3A_222 = arith.index_cast %add3A_219 : i32 to index
        %get3A_223 = arith.constant 16 : index
        %get3A_224 = tpu.vector_load %arg9[%get3A_221, %get3A_222, %get3A_223] {strides = array<i32>} : memref<2x64x128xf32, #tpu.memory_space<vmem>>, vector<16xf32>,
        %get3A_225 = arith.constant 0 : i32
        %get3A_226 = arith.index_cast %get3A_225 : i32 to index
        %get3A_227 = arith.index_cast %add3A_219 : i32 to index
        %get3A_228 = arith.constant 16 : index
        %get3A_229 = tpu.vector_load %arg10[%get3A_226, %get3A_227, %get3A_228] {strides = array<i32>} : memref<2x64x128xf32, #tpu.memory_space<vmem>>, vector<16xf32>,
        %mul3A_230 = arith.mulf %get3A_224, %get3A_229 : vector<16xf32>
        %mul3A_231 = arith.constant 16 : i32
        %mul3A_232 = arith.muli %scan3A_111, %mul3A_231 : i32
        %add3A_233 = arith.constant 0 : i32
        %add3A_234 = arith.addi %mul3A_232, %add3A_233 : i32
        %add3A_235 = arith.constant 3 : i32
        %add3A_236 = arith.addi %add3A_234, %add3A_235 : i32
        %get3A_237 = arith.constant 0 : i32
        %get3A_238 = arith.index_cast %get3A_237 : i32 to index
        %get3A_239 = arith.index_cast %add3A_236 : i32 to index
        %get3A_240 = arith.constant 16 : index
        %get3A_241 = tpu.vector_load %arg9[%get3A_238, %get3A_239, %get3A_240] {strides = array<i32>} : memref<2x64x128xf32, #tpu.memory_space<vmem>>, vector<16xf32>,
        %get3A_242 = arith.constant 0 : i32
        %get3A_243 = arith.index_cast %get3A_242 : i32 to index
        %get3A_244 = arith.index_cast %add3A_236 : i32 to index
        %get3A_245 = arith.constant 16 : index
        %get3A_246 = tpu.vector_load %arg10[%get3A_243, %get3A_244, %get3A_245] {strides = array<i32>} : memref<2x64x128xf32, #tpu.memory_space<vmem>>, vector<16xf32>,
        %mul3A_247 = arith.mulf %get3A_241, %get3A_246 : vector<16xf32>
        %mul3A_248 = arith.constant 16 : i32
        %mul3A_249 = arith.muli %scan3A_111, %mul3A_248 : i32
        %add3A_250 = arith.constant 0 : i32
        %add3A_251 = arith.addi %mul3A_249, %add3A_250 : i32
        %add3A_252 = arith.constant 0 : i32
        %add3A_253 = arith.addi %add3A_251, %add3A_252 : i32
        %get3A_254 = arith.constant 0 : i32
        %get3A_255 = arith.index_cast %get3A_254 : i32 to index
        %get3A_256 = arith.index_cast %add3A_253 : i32 to index
        %get3A_257 = arith.constant 32 : index
        %get3A_258 = tpu.vector_load %arg9[%get3A_255, %get3A_256, %get3A_257] {strides = array<i32>} : memref<2x64x128xf32, #tpu.memory_space<vmem>>, vector<16xf32>,
        %get3A_259 = arith.constant 0 : i32
        %get3A_260 = arith.index_cast %get3A_259 : i32 to index
        %get3A_261 = arith.index_cast %add3A_253 : i32 to index
        %get3A_262 = arith.constant 32 : index
        %get3A_263 = tpu.vector_load %arg10[%get3A_260, %get3A_261, %get3A_262] {strides = array<i32>} : memref<2x64x128xf32, #tpu.memory_space<vmem>>, vector<16xf32>,
        %mul3A_264 = arith.mulf %get3A_258, %get3A_263 : vector<16xf32>
        %add3A_265 = arith.addf %mul3A_128, %mul3A_264 : vector<16xf32>
        %mul3A_266 = arith.constant 16 : i32
        %mul3A_267 = arith.muli %scan3A_111, %mul3A_266 : i32
        %add3A_268 = arith.constant 0 : i32
        %add3A_269 = arith.addi %mul3A_267, %add3A_268 : i32
        %add3A_270 = arith.constant 1 : i32
        %add3A_271 = arith.addi %add3A_269, %add3A_270 : i32
        %get3A_272 = arith.constant 0 : i32
        %get3A_273 = arith.index_cast %get3A_272 : i32 to index
        %get3A_274 = arith.index_cast %add3A_271 : i32 to index
        %get3A_275 = arith.constant 32 : index
        %get3A_276 = tpu.vector_load %arg9[%get3A_273, %get3A_274, %get3A_275] {strides = array<i32>} : memref<2x64x128xf32, #tpu.memory_space<vmem>>, vector<16xf32>,
        %get3A_277 = arith.constant 0 : i32
        %get3A_278 = arith.index_cast %get3A_277 : i32 to index
        %get3A_279 = arith.index_cast %add3A_271 : i32 to index
        %get3A_280 = arith.constant 32 : index
        %get3A_281 = tpu.vector_load %arg10[%get3A_278, %get3A_279, %get3A_280] {strides = array<i32>} : memref<2x64x128xf32, #tpu.memory_space<vmem>>, vector<16xf32>,
        %mul3A_282 = arith.mulf %get3A_276, %get3A_281 : vector<16xf32>
        %add3A_283 = arith.addf %mul3A_145, %mul3A_282 : vector<16xf32>
        %mul3A_284 = arith.constant 16 : i32
        %mul3A_285 = arith.muli %scan3A_111, %mul3A_284 : i32
        %add3A_286 = arith.constant 0 : i32
        %add3A_287 = arith.addi %mul3A_285, %add3A_286 : i32
        %add3A_288 = arith.constant 2 : i32
        %add3A_289 = arith.addi %add3A_287, %add3A_288 : i32
        %get3A_290 = arith.constant 0 : i32
        %get3A_291 = arith.index_cast %get3A_290 : i32 to index
        %get3A_292 = arith.index_cast %add3A_289 : i32 to index
        %get3A_293 = arith.constant 32 : index
        %get3A_294 = tpu.vector_load %arg9[%get3A_291, %get3A_292, %get3A_293] {strides = array<i32>} : memref<2x64x128xf32, #tpu.memory_space<vmem>>, vector<16xf32>,
        %get3A_295 = arith.constant 0 : i32
        %get3A_296 = arith.index_cast %get3A_295 : i32 to index
        %get3A_297 = arith.index_cast %add3A_289 : i32 to index
        %get3A_298 = arith.constant 32 : index
        %get3A_299 = tpu.vector_load %arg10[%get3A_296, %get3A_297, %get3A_298] {strides = array<i32>} : memref<2x64x128xf32, #tpu.memory_space<vmem>>, vector<16xf32>,
        %mul3A_300 = arith.mulf %get3A_294, %get3A_299 : vector<16xf32>
        %add3A_301 = arith.addf %mul3A_162, %mul3A_300 : vector<16xf32>
        %mul3A_302 = arith.constant 16 : i32
        %mul3A_303 = arith.muli %scan3A_111, %mul3A_302 : i32
        %add3A_304 = arith.constant 0 : i32
        %add3A_305 = arith.addi %mul3A_303, %add3A_304 : i32
        %add3A_306 = arith.constant 3 : i32
        %add3A_307 = arith.addi %add3A_305, %add3A_306 : i32
        %get3A_308 = arith.constant 0 : i32
        %get3A_309 = arith.index_cast %get3A_308 : i32 to index
        %get3A_310 = arith.index_cast %add3A_307 : i32 to index
        %get3A_311 = arith.constant 32 : index
        %get3A_312 = tpu.vector_load %arg9[%get3A_309, %get3A_310, %get3A_311] {strides = array<i32>} : memref<2x64x128xf32, #tpu.memory_space<vmem>>, vector<16xf32>,
        %get3A_313 = arith.constant 0 : i32
        %get3A_314 = arith.index_cast %get3A_313 : i32 to index
        %get3A_315 = arith.index_cast %add3A_307 : i32 to index
        %get3A_316 = arith.constant 32 : index
        %get3A_317 = tpu.vector_load %arg10[%get3A_314, %get3A_315, %get3A_316] {strides = array<i32>} : memref<2x64x128xf32, #tpu.memory_space<vmem>>, vector<16xf32>,
        %mul3A_318 = arith.mulf %get3A_312, %get3A_317 : vector<16xf32>
        %add3A_319 = arith.addf %mul3A_179, %mul3A_318 : vector<16xf32>
        %mul3A_320 = arith.constant 16 : i32
        %mul3A_321 = arith.muli %scan3A_111, %mul3A_320 : i32
        %add3A_322 = arith.constant 0 : i32
        %add3A_323 = arith.addi %mul3A_321, %add3A_322 : i32
        %add3A_324 = arith.constant 0 : i32
        %add3A_325 = arith.addi %add3A_323, %add3A_324 : i32
        %get3A_326 = arith.constant 0 : i32
        %get3A_327 = arith.index_cast %get3A_326 : i32 to index
        %get3A_328 = arith.index_cast %add3A_325 : i32 to index
        %get3A_329 = arith.constant 48 : index
        %get3A_330 = tpu.vector_load %arg9[%get3A_327, %get3A_328, %get3A_329] {strides = array<i32>} : memref<2x64x128xf32, #tpu.memory_space<vmem>>, vector<16xf32>,
        %get3A_331 = arith.constant 0 : i32
        %get3A_332 = arith.index_cast %get3A_331 : i32 to index
        %get3A_333 = arith.index_cast %add3A_325 : i32 to index
        %get3A_334 = arith.constant 48 : index
        %get3A_335 = tpu.vector_load %arg10[%get3A_332, %get3A_333, %get3A_334] {strides = array<i32>} : memref<2x64x128xf32, #tpu.memory_space<vmem>>, vector<16xf32>,
        %mul3A_336 = arith.mulf %get3A_330, %get3A_335 : vector<16xf32>
        %add3A_337 = arith.addf %mul3A_196, %mul3A_336 : vector<16xf32>
        %mul3A_338 = arith.constant 16 : i32
        %mul3A_339 = arith.muli %scan3A_111, %mul3A_338 : i32
        %add3A_340 = arith.constant 0 : i32
        %add3A_341 = arith.addi %mul3A_339, %add3A_340 : i32
        %add3A_342 = arith.constant 1 : i32
        %add3A_343 = arith.addi %add3A_341, %add3A_342 : i32
        %get3A_344 = arith.constant 0 : i32
        %get3A_345 = arith.index_cast %get3A_344 : i32 to index
        %get3A_346 = arith.index_cast %add3A_343 : i32 to index
        %get3A_347 = arith.constant 48 : index
        %get3A_348 = tpu.vector_load %arg9[%get3A_345, %get3A_346, %get3A_347] {strides = array<i32>} : memref<2x64x128xf32, #tpu.memory_space<vmem>>, vector<16xf32>,
        %get3A_349 = arith.constant 0 : i32
        %get3A_350 = arith.index_cast %get3A_349 : i32 to index
        %get3A_351 = arith.index_cast %add3A_343 : i32 to index
        %get3A_352 = arith.constant 48 : index
        %get3A_353 = tpu.vector_load %arg10[%get3A_350, %get3A_351, %get3A_352] {strides = array<i32>} : memref<2x64x128xf32, #tpu.memory_space<vmem>>, vector<16xf32>,
        %mul3A_354 = arith.mulf %get3A_348, %get3A_353 : vector<16xf32>
        %add3A_355 = arith.addf %mul3A_213, %mul3A_354 : vector<16xf32>
        %mul3A_356 = arith.constant 16 : i32
        %mul3A_357 = arith.muli %scan3A_111, %mul3A_356 : i32
        %add3A_358 = arith.constant 0 : i32
        %add3A_359 = arith.addi %mul3A_357, %add3A_358 : i32
        %add3A_360 = arith.constant 2 : i32
        %add3A_361 = arith.addi %add3A_359, %add3A_360 : i32
        %get3A_362 = arith.constant 0 : i32
        %get3A_363 = arith.index_cast %get3A_362 : i32 to index
        %get3A_364 = arith.index_cast %add3A_361 : i32 to index
        %get3A_365 = arith.constant 48 : index
        %get3A_366 = tpu.vector_load %arg9[%get3A_363, %get3A_364, %get3A_365] {strides = array<i32>} : memref<2x64x128xf32, #tpu.memory_space<vmem>>, vector<16xf32>,
        %get3A_367 = arith.constant 0 : i32
        %get3A_368 = arith.index_cast %get3A_367 : i32 to index
        %get3A_369 = arith.index_cast %add3A_361 : i32 to index
        %get3A_370 = arith.constant 48 : index
        %get3A_371 = tpu.vector_load %arg10[%get3A_368, %get3A_369, %get3A_370] {strides = array<i32>} : memref<2x64x128xf32, #tpu.memory_space<vmem>>, vector<16xf32>,
        %mul3A_372 = arith.mulf %get3A_366, %get3A_371 : vector<16xf32>
        %add3A_373 = arith.addf %mul3A_230, %mul3A_372 : vector<16xf32>
        %mul3A_374 = arith.constant 16 : i32
        %mul3A_375 = arith.muli %scan3A_111, %mul3A_374 : i32
        %add3A_376 = arith.constant 0 : i32
        %add3A_377 = arith.addi %mul3A_375, %add3A_376 : i32
        %add3A_378 = arith.constant 3 : i32
        %add3A_379 = arith.addi %add3A_377, %add3A_378 : i32
        %get3A_380 = arith.constant 0 : i32
        %get3A_381 = arith.index_cast %get3A_380 : i32 to index
        %get3A_382 = arith.index_cast %add3A_379 : i32 to index
        %get3A_383 = arith.constant 48 : index
        %get3A_384 = tpu.vector_load %arg9[%get3A_381, %get3A_382, %get3A_383] {strides = array<i32>} : memref<2x64x128xf32, #tpu.memory_space<vmem>>, vector<16xf32>,
        %get3A_385 = arith.constant 0 : i32
        %get3A_386 = arith.index_cast %get3A_385 : i32 to index
        %get3A_387 = arith.index_cast %add3A_379 : i32 to index
        %get3A_388 = arith.constant 48 : index
        %get3A_389 = tpu.vector_load %arg10[%get3A_386, %get3A_387, %get3A_388] {strides = array<i32>} : memref<2x64x128xf32, #tpu.memory_space<vmem>>, vector<16xf32>,
        %mul3A_390 = arith.mulf %get3A_384, %get3A_389 : vector<16xf32>
        %add3A_391 = arith.addf %mul3A_247, %mul3A_390 : vector<16xf32>
        %mul3A_392 = arith.constant 16 : i32
        %mul3A_393 = arith.muli %scan3A_111, %mul3A_392 : i32
        %add3A_394 = arith.constant 0 : i32
        %add3A_395 = arith.addi %mul3A_393, %add3A_394 : i32
        %add3A_396 = arith.constant 0 : i32
        %add3A_397 = arith.addi %add3A_395, %add3A_396 : i32
        %get3A_398 = arith.constant 0 : i32
        %get3A_399 = arith.index_cast %get3A_398 : i32 to index
        %get3A_400 = arith.index_cast %add3A_397 : i32 to index
        %get3A_401 = arith.constant 64 : index
        %get3A_402 = tpu.vector_load %arg9[%get3A_399, %get3A_400, %get3A_401] {strides = array<i32>} : memref<2x64x128xf32, #tpu.memory_space<vmem>>, vector<16xf32>,
        %get3A_403 = arith.constant 0 : i32
        %get3A_404 = arith.index_cast %get3A_403 : i32 to index
        %get3A_405 = arith.index_cast %add3A_397 : i32 to index
        %get3A_406 = arith.constant 64 : index
        %get3A_407 = tpu.vector_load %arg10[%get3A_404, %get3A_405, %get3A_406] {strides = array<i32>} : memref<2x64x128xf32, #tpu.memory_space<vmem>>, vector<16xf32>,
        %mul3A_408 = arith.mulf %get3A_402, %get3A_407 : vector<16xf32>
        %add3A_409 = arith.addf %add3A_265, %mul3A_408 : vector<16xf32>
        %mul3A_410 = arith.constant 16 : i32
        %mul3A_411 = arith.muli %scan3A_111, %mul3A_410 : i32
        %add3A_412 = arith.constant 0 : i32
        %add3A_413 = arith.addi %mul3A_411, %add3A_412 : i32
        %add3A_414 = arith.constant 1 : i32
        %add3A_415 = arith.addi %add3A_413, %add3A_414 : i32
        %get3A_416 = arith.constant 0 : i32
        %get3A_417 = arith.index_cast %get3A_416 : i32 to index
        %get3A_418 = arith.index_cast %add3A_415 : i32 to index
        %get3A_419 = arith.constant 64 : index
        %get3A_420 = tpu.vector_load %arg9[%get3A_417, %get3A_418, %get3A_419] {strides = array<i32>} : memref<2x64x128xf32, #tpu.memory_space<vmem>>, vector<16xf32>,
        %get3A_421 = arith.constant 0 : i32
        %get3A_422 = arith.index_cast %get3A_421 : i32 to index
        %get3A_423 = arith.index_cast %add3A_415 : i32 to index
        %get3A_424 = arith.constant 64 : index
        %get3A_425 = tpu.vector_load %arg10[%get3A_422, %get3A_423, %get3A_424] {strides = array<i32>} : memref<2x64x128xf32, #tpu.memory_space<vmem>>, vector<16xf32>,
        %mul3A_426 = arith.mulf %get3A_420, %get3A_425 : vector<16xf32>
        %add3A_427 = arith.addf %add3A_283, %mul3A_426 : vector<16xf32>
        %mul3A_428 = arith.constant 16 : i32
        %mul3A_429 = arith.muli %scan3A_111, %mul3A_428 : i32
        %add3A_430 = arith.constant 0 : i32
        %add3A_431 = arith.addi %mul3A_429, %add3A_430 : i32
        %add3A_432 = arith.constant 2 : i32
        %add3A_433 = arith.addi %add3A_431, %add3A_432 : i32
        %get3A_434 = arith.constant 0 : i32
        %get3A_435 = arith.index_cast %get3A_434 : i32 to index
        %get3A_436 = arith.index_cast %add3A_433 : i32 to index
        %get3A_437 = arith.constant 64 : index
        %get3A_438 = tpu.vector_load %arg9[%get3A_435, %get3A_436, %get3A_437] {strides = array<i32>} : memref<2x64x128xf32, #tpu.memory_space<vmem>>, vector<16xf32>,
        %get3A_439 = arith.constant 0 : i32
        %get3A_440 = arith.index_cast %get3A_439 : i32 to index
        %get3A_441 = arith.index_cast %add3A_433 : i32 to index
        %get3A_442 = arith.constant 64 : index
        %get3A_443 = tpu.vector_load %arg10[%get3A_440, %get3A_441, %get3A_442] {strides = array<i32>} : memref<2x64x128xf32, #tpu.memory_space<vmem>>, vector<16xf32>,
        %mul3A_444 = arith.mulf %get3A_438, %get3A_443 : vector<16xf32>
        %add3A_445 = arith.addf %add3A_301, %mul3A_444 : vector<16xf32>
        %mul3A_446 = arith.constant 16 : i32
        %mul3A_447 = arith.muli %scan3A_111, %mul3A_446 : i32
        %add3A_448 = arith.constant 0 : i32
        %add3A_449 = arith.addi %mul3A_447, %add3A_448 : i32
        %add3A_450 = arith.constant 3 : i32
        %add3A_451 = arith.addi %add3A_449, %add3A_450 : i32
        %get3A_452 = arith.constant 0 : i32
        %get3A_453 = arith.index_cast %get3A_452 : i32 to index
        %get3A_454 = arith.index_cast %add3A_451 : i32 to index
        %get3A_455 = arith.constant 64 : index
        %get3A_456 = tpu.vector_load %arg9[%get3A_453, %get3A_454, %get3A_455] {strides = array<i32>} : memref<2x64x128xf32, #tpu.memory_space<vmem>>, vector<16xf32>,
        %get3A_457 = arith.constant 0 : i32
        %get3A_458 = arith.index_cast %get3A_457 : i32 to index
        %get3A_459 = arith.index_cast %add3A_451 : i32 to index
        %get3A_460 = arith.constant 64 : index
        %get3A_461 = tpu.vector_load %arg10[%get3A_458, %get3A_459, %get3A_460] {strides = array<i32>} : memref<2x64x128xf32, #tpu.memory_space<vmem>>, vector<16xf32>,
        %mul3A_462 = arith.mulf %get3A_456, %get3A_461 : vector<16xf32>
        %add3A_463 = arith.addf %add3A_319, %mul3A_462 : vector<16xf32>
        %mul3A_464 = arith.constant 16 : i32
        %mul3A_465 = arith.muli %scan3A_111, %mul3A_464 : i32
        %add3A_466 = arith.constant 0 : i32
        %add3A_467 = arith.addi %mul3A_465, %add3A_466 : i32
        %add3A_468 = arith.constant 0 : i32
        %add3A_469 = arith.addi %add3A_467, %add3A_468 : i32
        %get3A_470 = arith.constant 0 : i32
        %get3A_471 = arith.index_cast %get3A_470 : i32 to index
        %get3A_472 = arith.index_cast %add3A_469 : i32 to index
        %get3A_473 = arith.constant 80 : index
        %get3A_474 = tpu.vector_load %arg9[%get3A_471, %get3A_472, %get3A_473] {strides = array<i32>} : memref<2x64x128xf32, #tpu.memory_space<vmem>>, vector<16xf32>,
        %get3A_475 = arith.constant 0 : i32
        %get3A_476 = arith.index_cast %get3A_475 : i32 to index
        %get3A_477 = arith.index_cast %add3A_469 : i32 to index
        %get3A_478 = arith.constant 80 : index
        %get3A_479 = tpu.vector_load %arg10[%get3A_476, %get3A_477, %get3A_478] {strides = array<i32>} : memref<2x64x128xf32, #tpu.memory_space<vmem>>, vector<16xf32>,
        %mul3A_480 = arith.mulf %get3A_474, %get3A_479 : vector<16xf32>
        %add3A_481 = arith.addf %add3A_337, %mul3A_480 : vector<16xf32>
        %mul3A_482 = arith.constant 16 : i32
        %mul3A_483 = arith.muli %scan3A_111, %mul3A_482 : i32
        %add3A_484 = arith.constant 0 : i32
        %add3A_485 = arith.addi %mul3A_483, %add3A_484 : i32
        %add3A_486 = arith.constant 1 : i32
        %add3A_487 = arith.addi %add3A_485, %add3A_486 : i32
        %get3A_488 = arith.constant 0 : i32
        %get3A_489 = arith.index_cast %get3A_488 : i32 to index
        %get3A_490 = arith.index_cast %add3A_487 : i32 to index
        %get3A_491 = arith.constant 80 : index
        %get3A_492 = tpu.vector_load %arg9[%get3A_489, %get3A_490, %get3A_491] {strides = array<i32>} : memref<2x64x128xf32, #tpu.memory_space<vmem>>, vector<16xf32>,
        %get3A_493 = arith.constant 0 : i32
        %get3A_494 = arith.index_cast %get3A_493 : i32 to index
        %get3A_495 = arith.index_cast %add3A_487 : i32 to index
        %get3A_496 = arith.constant 80 : index
        %get3A_497 = tpu.vector_load %arg10[%get3A_494, %get3A_495, %get3A_496] {strides = array<i32>} : memref<2x64x128xf32, #tpu.memory_space<vmem>>, vector<16xf32>,
        %mul3A_498 = arith.mulf %get3A_492, %get3A_497 : vector<16xf32>
        %add3A_499 = arith.addf %add3A_355, %mul3A_498 : vector<16xf32>
        %mul3A_500 = arith.constant 16 : i32
        %mul3A_501 = arith.muli %scan3A_111, %mul3A_500 : i32
        %add3A_502 = arith.constant 0 : i32
        %add3A_503 = arith.addi %mul3A_501, %add3A_502 : i32
        %add3A_504 = arith.constant 2 : i32
        %add3A_505 = arith.addi %add3A_503, %add3A_504 : i32
        %get3A_506 = arith.constant 0 : i32
        %get3A_507 = arith.index_cast %get3A_506 : i32 to index
        %get3A_508 = arith.index_cast %add3A_505 : i32 to index
        %get3A_509 = arith.constant 80 : index
        %get3A_510 = tpu.vector_load %arg9[%get3A_507, %get3A_508, %get3A_509] {strides = array<i32>} : memref<2x64x128xf32, #tpu.memory_space<vmem>>, vector<16xf32>,
        %get3A_511 = arith.constant 0 : i32
        %get3A_512 = arith.index_cast %get3A_511 : i32 to index
        %get3A_513 = arith.index_cast %add3A_505 : i32 to index
        %get3A_514 = arith.constant 80 : index
        %get3A_515 = tpu.vector_load %arg10[%get3A_512, %get3A_513, %get3A_514] {strides = array<i32>} : memref<2x64x128xf32, #tpu.memory_space<vmem>>, vector<16xf32>,
        %mul3A_516 = arith.mulf %get3A_510, %get3A_515 : vector<16xf32>
        %add3A_517 = arith.addf %add3A_373, %mul3A_516 : vector<16xf32>
        %mul3A_518 = arith.constant 16 : i32
        %mul3A_519 = arith.muli %scan3A_111, %mul3A_518 : i32
        %add3A_520 = arith.constant 0 : i32
        %add3A_521 = arith.addi %mul3A_519, %add3A_520 : i32
        %add3A_522 = arith.constant 3 : i32
        %add3A_523 = arith.addi %add3A_521, %add3A_522 : i32
        %get3A_524 = arith.constant 0 : i32
        %get3A_525 = arith.index_cast %get3A_524 : i32 to index
        %get3A_526 = arith.index_cast %add3A_523 : i32 to index
        %get3A_527 = arith.constant 80 : index
        %get3A_528 = tpu.vector_load %arg9[%get3A_525, %get3A_526, %get3A_527] {strides = array<i32>} : memref<2x64x128xf32, #tpu.memory_space<vmem>>, vector<16xf32>,
        %get3A_529 = arith.constant 0 : i32
        %get3A_530 = arith.index_cast %get3A_529 : i32 to index
        %get3A_531 = arith.index_cast %add3A_523 : i32 to index
        %get3A_532 = arith.constant 80 : index
        %get3A_533 = tpu.vector_load %arg10[%get3A_530, %get3A_531, %get3A_532] {strides = array<i32>} : memref<2x64x128xf32, #tpu.memory_space<vmem>>, vector<16xf32>,
        %mul3A_534 = arith.mulf %get3A_528, %get3A_533 : vector<16xf32>
        %add3A_535 = arith.addf %add3A_391, %mul3A_534 : vector<16xf32>
        %mul3A_536 = arith.constant 16 : i32
        %mul3A_537 = arith.muli %scan3A_111, %mul3A_536 : i32
        %add3A_538 = arith.constant 0 : i32
        %add3A_539 = arith.addi %mul3A_537, %add3A_538 : i32
        %add3A_540 = arith.constant 0 : i32
        %add3A_541 = arith.addi %add3A_539, %add3A_540 : i32
        %get3A_542 = arith.constant 0 : i32
        %get3A_543 = arith.index_cast %get3A_542 : i32 to index
        %get3A_544 = arith.index_cast %add3A_541 : i32 to index
        %get3A_545 = arith.constant 96 : index
        %get3A_546 = tpu.vector_load %arg9[%get3A_543, %get3A_544, %get3A_545] {strides = array<i32>} : memref<2x64x128xf32, #tpu.memory_space<vmem>>, vector<16xf32>,
        %get3A_547 = arith.constant 0 : i32
        %get3A_548 = arith.index_cast %get3A_547 : i32 to index
        %get3A_549 = arith.index_cast %add3A_541 : i32 to index
        %get3A_550 = arith.constant 96 : index
        %get3A_551 = tpu.vector_load %arg10[%get3A_548, %get3A_549, %get3A_550] {strides = array<i32>} : memref<2x64x128xf32, #tpu.memory_space<vmem>>, vector<16xf32>,
        %mul3A_552 = arith.mulf %get3A_546, %get3A_551 : vector<16xf32>
        %add3A_553 = arith.addf %add3A_409, %mul3A_552 : vector<16xf32>
        %mul3A_554 = arith.constant 16 : i32
        %mul3A_555 = arith.muli %scan3A_111, %mul3A_554 : i32
        %add3A_556 = arith.constant 0 : i32
        %add3A_557 = arith.addi %mul3A_555, %add3A_556 : i32
        %add3A_558 = arith.constant 1 : i32
        %add3A_559 = arith.addi %add3A_557, %add3A_558 : i32
        %get3A_560 = arith.constant 0 : i32
        %get3A_561 = arith.index_cast %get3A_560 : i32 to index
        %get3A_562 = arith.index_cast %add3A_559 : i32 to index
        %get3A_563 = arith.constant 96 : index
        %get3A_564 = tpu.vector_load %arg9[%get3A_561, %get3A_562, %get3A_563] {strides = array<i32>} : memref<2x64x128xf32, #tpu.memory_space<vmem>>, vector<16xf32>,
        %get3A_565 = arith.constant 0 : i32
        %get3A_566 = arith.index_cast %get3A_565 : i32 to index
        %get3A_567 = arith.index_cast %add3A_559 : i32 to index
        %get3A_568 = arith.constant 96 : index
        %get3A_569 = tpu.vector_load %arg10[%get3A_566, %get3A_567, %get3A_568] {strides = array<i32>} : memref<2x64x128xf32, #tpu.memory_space<vmem>>, vector<16xf32>,
        %mul3A_570 = arith.mulf %get3A_564, %get3A_569 : vector<16xf32>
        %add3A_571 = arith.addf %add3A_427, %mul3A_570 : vector<16xf32>
        %mul3A_572 = arith.constant 16 : i32
        %mul3A_573 = arith.muli %scan3A_111, %mul3A_572 : i32
        %add3A_574 = arith.constant 0 : i32
        %add3A_575 = arith.addi %mul3A_573, %add3A_574 : i32
        %add3A_576 = arith.constant 2 : i32
        %add3A_577 = arith.addi %add3A_575, %add3A_576 : i32
        %get3A_578 = arith.constant 0 : i32
        %get3A_579 = arith.index_cast %get3A_578 : i32 to index
        %get3A_580 = arith.index_cast %add3A_577 : i32 to index
        %get3A_581 = arith.constant 96 : index
        %get3A_582 = tpu.vector_load %arg9[%get3A_579, %get3A_580, %get3A_581] {strides = array<i32>} : memref<2x64x128xf32, #tpu.memory_space<vmem>>, vector<16xf32>,
        %get3A_583 = arith.constant 0 : i32
        %get3A_584 = arith.index_cast %get3A_583 : i32 to index
        %get3A_585 = arith.index_cast %add3A_577 : i32 to index
        %get3A_586 = arith.constant 96 : index
        %get3A_587 = tpu.vector_load %arg10[%get3A_584, %get3A_585, %get3A_586] {strides = array<i32>} : memref<2x64x128xf32, #tpu.memory_space<vmem>>, vector<16xf32>,
        %mul3A_588 = arith.mulf %get3A_582, %get3A_587 : vector<16xf32>
        %add3A_589 = arith.addf %add3A_445, %mul3A_588 : vector<16xf32>
        %mul3A_590 = arith.constant 16 : i32
        %mul3A_591 = arith.muli %scan3A_111, %mul3A_590 : i32
        %add3A_592 = arith.constant 0 : i32
        %add3A_593 = arith.addi %mul3A_591, %add3A_592 : i32
        %add3A_594 = arith.constant 3 : i32
        %add3A_595 = arith.addi %add3A_593, %add3A_594 : i32
        %get3A_596 = arith.constant 0 : i32
        %get3A_597 = arith.index_cast %get3A_596 : i32 to index
        %get3A_598 = arith.index_cast %add3A_595 : i32 to index
        %get3A_599 = arith.constant 96 : index
        %get3A_600 = tpu.vector_load %arg9[%get3A_597, %get3A_598, %get3A_599] {strides = array<i32>} : memref<2x64x128xf32, #tpu.memory_space<vmem>>, vector<16xf32>,
        %get3A_601 = arith.constant 0 : i32
        %get3A_602 = arith.index_cast %get3A_601 : i32 to index
        %get3A_603 = arith.index_cast %add3A_595 : i32 to index
        %get3A_604 = arith.constant 96 : index
        %get3A_605 = tpu.vector_load %arg10[%get3A_602, %get3A_603, %get3A_604] {strides = array<i32>} : memref<2x64x128xf32, #tpu.memory_space<vmem>>, vector<16xf32>,
        %mul3A_606 = arith.mulf %get3A_600, %get3A_605 : vector<16xf32>
        %add3A_607 = arith.addf %add3A_463, %mul3A_606 : vector<16xf32>
        %mul3A_608 = arith.constant 16 : i32
        %mul3A_609 = arith.muli %scan3A_111, %mul3A_608 : i32
        %add3A_610 = arith.constant 0 : i32
        %add3A_611 = arith.addi %mul3A_609, %add3A_610 : i32
        %add3A_612 = arith.constant 0 : i32
        %add3A_613 = arith.addi %add3A_611, %add3A_612 : i32
        %get3A_614 = arith.constant 0 : i32
        %get3A_615 = arith.index_cast %get3A_614 : i32 to index
        %get3A_616 = arith.index_cast %add3A_613 : i32 to index
        %get3A_617 = arith.constant 112 : index
        %get3A_618 = tpu.vector_load %arg9[%get3A_615, %get3A_616, %get3A_617] {strides = array<i32>} : memref<2x64x128xf32, #tpu.memory_space<vmem>>, vector<16xf32>,
        %get3A_619 = arith.constant 0 : i32
        %get3A_620 = arith.index_cast %get3A_619 : i32 to index
        %get3A_621 = arith.index_cast %add3A_613 : i32 to index
        %get3A_622 = arith.constant 112 : index
        %get3A_623 = tpu.vector_load %arg10[%get3A_620, %get3A_621, %get3A_622] {strides = array<i32>} : memref<2x64x128xf32, #tpu.memory_space<vmem>>, vector<16xf32>,
        %mul3A_624 = arith.mulf %get3A_618, %get3A_623 : vector<16xf32>
        %add3A_625 = arith.addf %add3A_481, %mul3A_624 : vector<16xf32>
        %mul3A_626 = arith.constant 16 : i32
        %mul3A_627 = arith.muli %scan3A_111, %mul3A_626 : i32
        %add3A_628 = arith.constant 0 : i32
        %add3A_629 = arith.addi %mul3A_627, %add3A_628 : i32
        %add3A_630 = arith.constant 1 : i32
        %add3A_631 = arith.addi %add3A_629, %add3A_630 : i32
        %get3A_632 = arith.constant 0 : i32
        %get3A_633 = arith.index_cast %get3A_632 : i32 to index
        %get3A_634 = arith.index_cast %add3A_631 : i32 to index
        %get3A_635 = arith.constant 112 : index
        %get3A_636 = tpu.vector_load %arg9[%get3A_633, %get3A_634, %get3A_635] {strides = array<i32>} : memref<2x64x128xf32, #tpu.memory_space<vmem>>, vector<16xf32>,
        %get3A_637 = arith.constant 0 : i32
        %get3A_638 = arith.index_cast %get3A_637 : i32 to index
        %get3A_639 = arith.index_cast %add3A_631 : i32 to index
        %get3A_640 = arith.constant 112 : index
        %get3A_641 = tpu.vector_load %arg10[%get3A_638, %get3A_639, %get3A_640] {strides = array<i32>} : memref<2x64x128xf32, #tpu.memory_space<vmem>>, vector<16xf32>,
        %mul3A_642 = arith.mulf %get3A_636, %get3A_641 : vector<16xf32>
        %add3A_643 = arith.addf %add3A_499, %mul3A_642 : vector<16xf32>
        %mul3A_644 = arith.constant 16 : i32
        %mul3A_645 = arith.muli %scan3A_111, %mul3A_644 : i32
        %add3A_646 = arith.constant 0 : i32
        %add3A_647 = arith.addi %mul3A_645, %add3A_646 : i32
        %add3A_648 = arith.constant 2 : i32
        %add3A_649 = arith.addi %add3A_647, %add3A_648 : i32
        %get3A_650 = arith.constant 0 : i32
        %get3A_651 = arith.index_cast %get3A_650 : i32 to index
        %get3A_652 = arith.index_cast %add3A_649 : i32 to index
        %get3A_653 = arith.constant 112 : index
        %get3A_654 = tpu.vector_load %arg9[%get3A_651, %get3A_652, %get3A_653] {strides = array<i32>} : memref<2x64x128xf32, #tpu.memory_space<vmem>>, vector<16xf32>,
        %get3A_655 = arith.constant 0 : i32
        %get3A_656 = arith.index_cast %get3A_655 : i32 to index
        %get3A_657 = arith.index_cast %add3A_649 : i32 to index
        %get3A_658 = arith.constant 112 : index
        %get3A_659 = tpu.vector_load %arg10[%get3A_656, %get3A_657, %get3A_658] {strides = array<i32>} : memref<2x64x128xf32, #tpu.memory_space<vmem>>, vector<16xf32>,
        %mul3A_660 = arith.mulf %get3A_654, %get3A_659 : vector<16xf32>
        %add3A_661 = arith.addf %add3A_517, %mul3A_660 : vector<16xf32>
        %mul3A_662 = arith.constant 16 : i32
        %mul3A_663 = arith.muli %scan3A_111, %mul3A_662 : i32
        %add3A_664 = arith.constant 0 : i32
        %add3A_665 = arith.addi %mul3A_663, %add3A_664 : i32
        %add3A_666 = arith.constant 3 : i32
        %add3A_667 = arith.addi %add3A_665, %add3A_666 : i32
        %get3A_668 = arith.constant 0 : i32
        %get3A_669 = arith.index_cast %get3A_668 : i32 to index
        %get3A_670 = arith.index_cast %add3A_667 : i32 to index
        %get3A_671 = arith.constant 112 : index
        %get3A_672 = tpu.vector_load %arg9[%get3A_669, %get3A_670, %get3A_671] {strides = array<i32>} : memref<2x64x128xf32, #tpu.memory_space<vmem>>, vector<16xf32>,
        %get3A_673 = arith.constant 0 : i32
        %get3A_674 = arith.index_cast %get3A_673 : i32 to index
        %get3A_675 = arith.index_cast %add3A_667 : i32 to index
        %get3A_676 = arith.constant 112 : index
        %get3A_677 = tpu.vector_load %arg10[%get3A_674, %get3A_675, %get3A_676] {strides = array<i32>} : memref<2x64x128xf32, #tpu.memory_space<vmem>>, vector<16xf32>,
        %mul3A_678 = arith.mulf %get3A_672, %get3A_677 : vector<16xf32>
        %add3A_679 = arith.addf %add3A_535, %mul3A_678 : vector<16xf32>
        %add3A_680 = arith.addf %add3A_553, %add3A_625 : vector<16xf32>
        %swap3A = arith.constant 0 : i32
        %swap3A_681 = arith.index_cast %swap3A : i32 to index
        %swap3A_682 = arith.constant 0 : index
        %swap3A_683 = tpu.vector_load %arg12[%swap3A_681, %swap3A_682] {strides = array<i32>} : memref<16x17xf32, #tpu.memory_space<vmem>>, vector<16xf32>,
        tpu.vector_store %arg12[%swap3A_681, %swap3A_682], %add3A_680 {strides = array<i32>} : memref<16x17xf32, #tpu.memory_space<vmem>>, vector<16xf32>,
        %add3A_684 = arith.addf %add3A_571, %add3A_643 : vector<16xf32>
        %swap3A_685 = arith.constant 1 : i32
        %swap3A_686 = arith.index_cast %swap3A_685 : i32 to index
        %swap3A_687 = arith.constant 0 : index
        %swap3A_688 = tpu.vector_load %arg12[%swap3A_686, %swap3A_687] {strides = array<i32>} : memref<16x17xf32, #tpu.memory_space<vmem>>, vector<16xf32>,
        tpu.vector_store %arg12[%swap3A_686, %swap3A_687], %add3A_684 {strides = array<i32>} : memref<16x17xf32, #tpu.memory_space<vmem>>, vector<16xf32>,
        %add3A_689 = arith.addf %add3A_589, %add3A_661 : vector<16xf32>
        %swap3A_690 = arith.constant 2 : i32
        %swap3A_691 = arith.index_cast %swap3A_690 : i32 to index
        %swap3A_692 = arith.constant 0 : index
        %swap3A_693 = tpu.vector_load %arg12[%swap3A_691, %swap3A_692] {strides = array<i32>} : memref<16x17xf32, #tpu.memory_space<vmem>>, vector<16xf32>,
        tpu.vector_store %arg12[%swap3A_691, %swap3A_692], %add3A_689 {strides = array<i32>} : memref<16x17xf32, #tpu.memory_space<vmem>>, vector<16xf32>,
        %add3A_694 = arith.addf %add3A_607, %add3A_679 : vector<16xf32>
        %swap3A_695 = arith.constant 3 : i32
        %swap3A_696 = arith.index_cast %swap3A_695 : i32 to index
        %swap3A_697 = arith.constant 0 : index
        %swap3A_698 = tpu.vector_load %arg12[%swap3A_696, %swap3A_697] {strides = array<i32>} : memref<16x17xf32, #tpu.memory_space<vmem>>, vector<16xf32>,
        tpu.vector_store %arg12[%swap3A_696, %swap3A_697], %add3A_694 {strides = array<i32>} : memref<16x17xf32, #tpu.memory_space<vmem>>, vector<16xf32>,
        %mul3A_699 = arith.constant 16 : i32
        %mul3A_700 = arith.muli %scan3A_111, %mul3A_699 : i32
        %add3A_701 = arith.constant 4 : i32
        %add3A_702 = arith.addi %mul3A_700, %add3A_701 : i32
        %add3A_703 = arith.constant 0 : i32
        %add3A_704 = arith.addi %add3A_702, %add3A_703 : i32
        %get3A_705 = arith.constant 0 : i32
        %get3A_706 = arith.index_cast %get3A_705 : i32 to index
        %get3A_707 = arith.index_cast %add3A_704 : i32 to index
        %get3A_708 = arith.constant 0 : index
        %get3A_709 = tpu.vector_load %arg9[%get3A_706, %get3A_707, %get3A_708] {strides = array<i32>} : memref<2x64x128xf32, #tpu.memory_space<vmem>>, vector<16xf32>,
        %get3A_710 = arith.constant 0 : i32
        %get3A_711 = arith.index_cast %get3A_710 : i32 to index
        %get3A_712 = arith.index_cast %add3A_704 : i32 to index
        %get3A_713 = arith.constant 0 : index
        %get3A_714 = tpu.vector_load %arg10[%get3A_711, %get3A_712, %get3A_713] {strides = array<i32>} : memref<2x64x128xf32, #tpu.memory_space<vmem>>, vector<16xf32>,
        %mul3A_715 = arith.mulf %get3A_709, %get3A_714 : vector<16xf32>
        %mul3A_716 = arith.constant 16 : i32
        %mul3A_717 = arith.muli %scan3A_111, %mul3A_716 : i32
        %add3A_718 = arith.constant 4 : i32
        %add3A_719 = arith.addi %mul3A_717, %add3A_718 : i32
        %add3A_720 = arith.constant 1 : i32
        %add3A_721 = arith.addi %add3A_719, %add3A_720 : i32
        %get3A_722 = arith.constant 0 : i32
        %get3A_723 = arith.index_cast %get3A_722 : i32 to index
        %get3A_724 = arith.index_cast %add3A_721 : i32 to index
        %get3A_725 = arith.constant 0 : index
        %get3A_726 = tpu.vector_load %arg9[%get3A_723, %get3A_724, %get3A_725] {strides = array<i32>} : memref<2x64x128xf32, #tpu.memory_space<vmem>>, vector<16xf32>,
        %get3A_727 = arith.constant 0 : i32
        %get3A_728 = arith.index_cast %get3A_727 : i32 to index
        %get3A_729 = arith.index_cast %add3A_721 : i32 to index
        %get3A_730 = arith.constant 0 : index
        %get3A_731 = tpu.vector_load %arg10[%get3A_728, %get3A_729, %get3A_730] {strides = array<i32>} : memref<2x64x128xf32, #tpu.memory_space<vmem>>, vector<16xf32>,
        %mul3A_732 = arith.mulf %get3A_726, %get3A_731 : vector<16xf32>
        %mul3A_733 = arith.constant 16 : i32
        %mul3A_734 = arith.muli %scan3A_111, %mul3A_733 : i32
        %add3A_735 = arith.constant 4 : i32
        %add3A_736 = arith.addi %mul3A_734, %add3A_735 : i32
        %add3A_737 = arith.constant 2 : i32
        %add3A_738 = arith.addi %add3A_736, %add3A_737 : i32
        %get3A_739 = arith.constant 0 : i32
        %get3A_740 = arith.index_cast %get3A_739 : i32 to index
        %get3A_741 = arith.index_cast %add3A_738 : i32 to index
        %get3A_742 = arith.constant 0 : index
        %get3A_743 = tpu.vector_load %arg9[%get3A_740, %get3A_741, %get3A_742] {strides = array<i32>} : memref<2x64x128xf32, #tpu.memory_space<vmem>>, vector<16xf32>,
        %get3A_744 = arith.constant 0 : i32
        %get3A_745 = arith.index_cast %get3A_744 : i32 to index
        %get3A_746 = arith.index_cast %add3A_738 : i32 to index
        %get3A_747 = arith.constant 0 : index
        %get3A_748 = tpu.vector_load %arg10[%get3A_745, %get3A_746, %get3A_747] {strides = array<i32>} : memref<2x64x128xf32, #tpu.memory_space<vmem>>, vector<16xf32>,
        %mul3A_749 = arith.mulf %get3A_743, %get3A_748 : vector<16xf32>
        %mul3A_750 = arith.constant 16 : i32
        %mul3A_751 = arith.muli %scan3A_111, %mul3A_750 : i32
        %add3A_752 = arith.constant 4 : i32
        %add3A_753 = arith.addi %mul3A_751, %add3A_752 : i32
        %add3A_754 = arith.constant 3 : i32
        %add3A_755 = arith.addi %add3A_753, %add3A_754 : i32
        %get3A_756 = arith.constant 0 : i32
        %get3A_757 = arith.index_cast %get3A_756 : i32 to index
        %get3A_758 = arith.index_cast %add3A_755 : i32 to index
        %get3A_759 = arith.constant 0 : index
        %get3A_760 = tpu.vector_load %arg9[%get3A_757, %get3A_758, %get3A_759] {strides = array<i32>} : memref<2x64x128xf32, #tpu.memory_space<vmem>>, vector<16xf32>,
        %get3A_761 = arith.constant 0 : i32
        %get3A_762 = arith.index_cast %get3A_761 : i32 to index
        %get3A_763 = arith.index_cast %add3A_755 : i32 to index
        %get3A_764 = arith.constant 0 : index
        %get3A_765 = tpu.vector_load %arg10[%get3A_762, %get3A_763, %get3A_764] {strides = array<i32>} : memref<2x64x128xf32, #tpu.memory_space<vmem>>, vector<16xf32>,
        %mul3A_766 = arith.mulf %get3A_760, %get3A_765 : vector<16xf32>
        %mul3A_767 = arith.constant 16 : i32
        %mul3A_768 = arith.muli %scan3A_111, %mul3A_767 : i32
        %add3A_769 = arith.constant 4 : i32
        %add3A_770 = arith.addi %mul3A_768, %add3A_769 : i32
        %add3A_771 = arith.constant 0 : i32
        %add3A_772 = arith.addi %add3A_770, %add3A_771 : i32
        %get3A_773 = arith.constant 0 : i32
        %get3A_774 = arith.index_cast %get3A_773 : i32 to index
        %get3A_775 = arith.index_cast %add3A_772 : i32 to index
        %get3A_776 = arith.constant 16 : index
        %get3A_777 = tpu.vector_load %arg9[%get3A_774, %get3A_775, %get3A_776] {strides = array<i32>} : memref<2x64x128xf32, #tpu.memory_space<vmem>>, vector<16xf32>,
        %get3A_778 = arith.constant 0 : i32
        %get3A_779 = arith.index_cast %get3A_778 : i32 to index
        %get3A_780 = arith.index_cast %add3A_772 : i32 to index
        %get3A_781 = arith.constant 16 : index
        %get3A_782 = tpu.vector_load %arg10[%get3A_779, %get3A_780, %get3A_781] {strides = array<i32>} : memref<2x64x128xf32, #tpu.memory_space<vmem>>, vector<16xf32>,
        %mul3A_783 = arith.mulf %get3A_777, %get3A_782 : vector<16xf32>
        %mul3A_784 = arith.constant 16 : i32
        %mul3A_785 = arith.muli %scan3A_111, %mul3A_784 : i32
        %add3A_786 = arith.constant 4 : i32
        %add3A_787 = arith.addi %mul3A_785, %add3A_786 : i32
        %add3A_788 = arith.constant 1 : i32
        %add3A_789 = arith.addi %add3A_787, %add3A_788 : i32
        %get3A_790 = arith.constant 0 : i32
        %get3A_791 = arith.index_cast %get3A_790 : i32 to index
        %get3A_792 = arith.index_cast %add3A_789 : i32 to index
        %get3A_793 = arith.constant 16 : index
        %get3A_794 = tpu.vector_load %arg9[%get3A_791, %get3A_792, %get3A_793] {strides = array<i32>} : memref<2x64x128xf32, #tpu.memory_space<vmem>>, vector<16xf32>,
        %get3A_795 = arith.constant 0 : i32
        %get3A_796 = arith.index_cast %get3A_795 : i32 to index
        %get3A_797 = arith.index_cast %add3A_789 : i32 to index
        %get3A_798 = arith.constant 16 : index
        %get3A_799 = tpu.vector_load %arg10[%get3A_796, %get3A_797, %get3A_798] {strides = array<i32>} : memref<2x64x128xf32, #tpu.memory_space<vmem>>, vector<16xf32>,
        %mul3A_800 = arith.mulf %get3A_794, %get3A_799 : vector<16xf32>
        %mul3A_801 = arith.constant 16 : i32
        %mul3A_802 = arith.muli %scan3A_111, %mul3A_801 : i32
        %add3A_803 = arith.constant 4 : i32
        %add3A_804 = arith.addi %mul3A_802, %add3A_803 : i32
        %add3A_805 = arith.constant 2 : i32
        %add3A_806 = arith.addi %add3A_804, %add3A_805 : i32
        %get3A_807 = arith.constant 0 : i32
        %get3A_808 = arith.index_cast %get3A_807 : i32 to index
        %get3A_809 = arith.index_cast %add3A_806 : i32 to index
        %get3A_810 = arith.constant 16 : index
        %get3A_811 = tpu.vector_load %arg9[%get3A_808, %get3A_809, %get3A_810] {strides = array<i32>} : memref<2x64x128xf32, #tpu.memory_space<vmem>>, vector<16xf32>,
        %get3A_812 = arith.constant 0 : i32
        %get3A_813 = arith.index_cast %get3A_812 : i32 to index
        %get3A_814 = arith.index_cast %add3A_806 : i32 to index
        %get3A_815 = arith.constant 16 : index
        %get3A_816 = tpu.vector_load %arg10[%get3A_813, %get3A_814, %get3A_815] {strides = array<i32>} : memref<2x64x128xf32, #tpu.memory_space<vmem>>, vector<16xf32>,
        %mul3A_817 = arith.mulf %get3A_811, %get3A_816 : vector<16xf32>
        %mul3A_818 = arith.constant 16 : i32
        %mul3A_819 = arith.muli %scan3A_111, %mul3A_818 : i32
        %add3A_820 = arith.constant 4 : i32
        %add3A_821 = arith.addi %mul3A_819, %add3A_820 : i32
        %add3A_822 = arith.constant 3 : i32
        %add3A_823 = arith.addi %add3A_821, %add3A_822 : i32
        %get3A_824 = arith.constant 0 : i32
        %get3A_825 = arith.index_cast %get3A_824 : i32 to index
        %get3A_826 = arith.index_cast %add3A_823 : i32 to index
        %get3A_827 = arith.constant 16 : index
        %get3A_828 = tpu.vector_load %arg9[%get3A_825, %get3A_826, %get3A_827] {strides = array<i32>} : memref<2x64x128xf32, #tpu.memory_space<vmem>>, vector<16xf32>,
        %get3A_829 = arith.constant 0 : i32
        %get3A_830 = arith.index_cast %get3A_829 : i32 to index
        %get3A_831 = arith.index_cast %add3A_823 : i32 to index
        %get3A_832 = arith.constant 16 : index
        %get3A_833 = tpu.vector_load %arg10[%get3A_830, %get3A_831, %get3A_832] {strides = array<i32>} : memref<2x64x128xf32, #tpu.memory_space<vmem>>, vector<16xf32>,
        %mul3A_834 = arith.mulf %get3A_828, %get3A_833 : vector<16xf32>
        %mul3A_835 = arith.constant 16 : i32
        %mul3A_836 = arith.muli %scan3A_111, %mul3A_835 : i32
        %add3A_837 = arith.constant 4 : i32
        %add3A_838 = arith.addi %mul3A_836, %add3A_837 : i32
        %add3A_839 = arith.constant 0 : i32
        %add3A_840 = arith.addi %add3A_838, %add3A_839 : i32
        %get3A_841 = arith.constant 0 : i32
        %get3A_842 = arith.index_cast %get3A_841 : i32 to index
        %get3A_843 = arith.index_cast %add3A_840 : i32 to index
        %get3A_844 = arith.constant 32 : index
        %get3A_845 = tpu.vector_load %arg9[%get3A_842, %get3A_843, %get3A_844] {strides = array<i32>} : memref<2x64x128xf32, #tpu.memory_space<vmem>>, vector<16xf32>,
        %get3A_846 = arith.constant 0 : i32
        %get3A_847 = arith.index_cast %get3A_846 : i32 to index
        %get3A_848 = arith.index_cast %add3A_840 : i32 to index
        %get3A_849 = arith.constant 32 : index
        %get3A_850 = tpu.vector_load %arg10[%get3A_847, %get3A_848, %get3A_849] {strides = array<i32>} : memref<2x64x128xf32, #tpu.memory_space<vmem>>, vector<16xf32>,
        %mul3A_851 = arith.mulf %get3A_845, %get3A_850 : vector<16xf32>
        %add3A_852 = arith.addf %mul3A_715, %mul3A_851 : vector<16xf32>
        %mul3A_853 = arith.constant 16 : i32
        %mul3A_854 = arith.muli %scan3A_111, %mul3A_853 : i32
        %add3A_855 = arith.constant 4 : i32
        %add3A_856 = arith.addi %mul3A_854, %add3A_855 : i32
        %add3A_857 = arith.constant 1 : i32
        %add3A_858 = arith.addi %add3A_856, %add3A_857 : i32
        %get3A_859 = arith.constant 0 : i32
        %get3A_860 = arith.index_cast %get3A_859 : i32 to index
        %get3A_861 = arith.index_cast %add3A_858 : i32 to index
        %get3A_862 = arith.constant 32 : index
        %get3A_863 = tpu.vector_load %arg9[%get3A_860, %get3A_861, %get3A_862] {strides = array<i32>} : memref<2x64x128xf32, #tpu.memory_space<vmem>>, vector<16xf32>,
        %get3A_864 = arith.constant 0 : i32
        %get3A_865 = arith.index_cast %get3A_864 : i32 to index
        %get3A_866 = arith.index_cast %add3A_858 : i32 to index
        %get3A_867 = arith.constant 32 : index
        %get3A_868 = tpu.vector_load %arg10[%get3A_865, %get3A_866, %get3A_867] {strides = array<i32>} : memref<2x64x128xf32, #tpu.memory_space<vmem>>, vector<16xf32>,
        %mul3A_869 = arith.mulf %get3A_863, %get3A_868 : vector<16xf32>
        %add3A_870 = arith.addf %mul3A_732, %mul3A_869 : vector<16xf32>
        %mul3A_871 = arith.constant 16 : i32
        %mul3A_872 = arith.muli %scan3A_111, %mul3A_871 : i32
        %add3A_873 = arith.constant 4 : i32
        %add3A_874 = arith.addi %mul3A_872, %add3A_873 : i32
        %add3A_875 = arith.constant 2 : i32
        %add3A_876 = arith.addi %add3A_874, %add3A_875 : i32
        %get3A_877 = arith.constant 0 : i32
        %get3A_878 = arith.index_cast %get3A_877 : i32 to index
        %get3A_879 = arith.index_cast %add3A_876 : i32 to index
        %get3A_880 = arith.constant 32 : index
        %get3A_881 = tpu.vector_load %arg9[%get3A_878, %get3A_879, %get3A_880] {strides = array<i32>} : memref<2x64x128xf32, #tpu.memory_space<vmem>>, vector<16xf32>,
        %get3A_882 = arith.constant 0 : i32
        %get3A_883 = arith.index_cast %get3A_882 : i32 to index
        %get3A_884 = arith.index_cast %add3A_876 : i32 to index
        %get3A_885 = arith.constant 32 : index
        %get3A_886 = tpu.vector_load %arg10[%get3A_883, %get3A_884, %get3A_885] {strides = array<i32>} : memref<2x64x128xf32, #tpu.memory_space<vmem>>, vector<16xf32>,
        %mul3A_887 = arith.mulf %get3A_881, %get3A_886 : vector<16xf32>
        %add3A_888 = arith.addf %mul3A_749, %mul3A_887 : vector<16xf32>
        %mul3A_889 = arith.constant 16 : i32
        %mul3A_890 = arith.muli %scan3A_111, %mul3A_889 : i32
        %add3A_891 = arith.constant 4 : i32
        %add3A_892 = arith.addi %mul3A_890, %add3A_891 : i32
        %add3A_893 = arith.constant 3 : i32
        %add3A_894 = arith.addi %add3A_892, %add3A_893 : i32
        %get3A_895 = arith.constant 0 : i32
        %get3A_896 = arith.index_cast %get3A_895 : i32 to index
        %get3A_897 = arith.index_cast %add3A_894 : i32 to index
        %get3A_898 = arith.constant 32 : index
        %get3A_899 = tpu.vector_load %arg9[%get3A_896, %get3A_897, %get3A_898] {strides = array<i32>} : memref<2x64x128xf32, #tpu.memory_space<vmem>>, vector<16xf32>,
        %get3A_900 = arith.constant 0 : i32
        %get3A_901 = arith.index_cast %get3A_900 : i32 to index
        %get3A_902 = arith.index_cast %add3A_894 : i32 to index
        %get3A_903 = arith.constant 32 : index
        %get3A_904 = tpu.vector_load %arg10[%get3A_901, %get3A_902, %get3A_903] {strides = array<i32>} : memref<2x64x128xf32, #tpu.memory_space<vmem>>, vector<16xf32>,
        %mul3A_905 = arith.mulf %get3A_899, %get3A_904 : vector<16xf32>
        %add3A_906 = arith.addf %mul3A_766, %mul3A_905 : vector<16xf32>
        %mul3A_907 = arith.constant 16 : i32
        %mul3A_908 = arith.muli %scan3A_111, %mul3A_907 : i32
        %add3A_909 = arith.constant 4 : i32
        %add3A_910 = arith.addi %mul3A_908, %add3A_909 : i32
        %add3A_911 = arith.constant 0 : i32
        %add3A_912 = arith.addi %add3A_910, %add3A_911 : i32
        %get3A_913 = arith.constant 0 : i32
        %get3A_914 = arith.index_cast %get3A_913 : i32 to index
        %get3A_915 = arith.index_cast %add3A_912 : i32 to index
        %get3A_916 = arith.constant 48 : index
        %get3A_917 = tpu.vector_load %arg9[%get3A_914, %get3A_915, %get3A_916] {strides = array<i32>} : memref<2x64x128xf32, #tpu.memory_space<vmem>>, vector<16xf32>,
        %get3A_918 = arith.constant 0 : i32
        %get3A_919 = arith.index_cast %get3A_918 : i32 to index
        %get3A_920 = arith.index_cast %add3A_912 : i32 to index
        %get3A_921 = arith.constant 48 : index
        %get3A_922 = tpu.vector_load %arg10[%get3A_919, %get3A_920, %get3A_921] {strides = array<i32>} : memref<2x64x128xf32, #tpu.memory_space<vmem>>, vector<16xf32>,
        %mul3A_923 = arith.mulf %get3A_917, %get3A_922 : vector<16xf32>
        %add3A_924 = arith.addf %mul3A_783, %mul3A_923 : vector<16xf32>
        %mul3A_925 = arith.constant 16 : i32
        %mul3A_926 = arith.muli %scan3A_111, %mul3A_925 : i32
        %add3A_927 = arith.constant 4 : i32
        %add3A_928 = arith.addi %mul3A_926, %add3A_927 : i32
        %add3A_929 = arith.constant 1 : i32
        %add3A_930 = arith.addi %add3A_928, %add3A_929 : i32
        %get3A_931 = arith.constant 0 : i32
        %get3A_932 = arith.index_cast %get3A_931 : i32 to index
        %get3A_933 = arith.index_cast %add3A_930 : i32 to index
        %get3A_934 = arith.constant 48 : index
        %get3A_935 = tpu.vector_load %arg9[%get3A_932, %get3A_933, %get3A_934] {strides = array<i32>} : memref<2x64x128xf32, #tpu.memory_space<vmem>>, vector<16xf32>,
        %get3A_936 = arith.constant 0 : i32
        %get3A_937 = arith.index_cast %get3A_936 : i32 to index
        %get3A_938 = arith.index_cast %add3A_930 : i32 to index
        %get3A_939 = arith.constant 48 : index
        %get3A_940 = tpu.vector_load %arg10[%get3A_937, %get3A_938, %get3A_939] {strides = array<i32>} : memref<2x64x128xf32, #tpu.memory_space<vmem>>, vector<16xf32>,
        %mul3A_941 = arith.mulf %get3A_935, %get3A_940 : vector<16xf32>
        %add3A_942 = arith.addf %mul3A_800, %mul3A_941 : vector<16xf32>
        %mul3A_943 = arith.constant 16 : i32
        %mul3A_944 = arith.muli %scan3A_111, %mul3A_943 : i32
        %add3A_945 = arith.constant 4 : i32
        %add3A_946 = arith.addi %mul3A_944, %add3A_945 : i32
        %add3A_947 = arith.constant 2 : i32
        %add3A_948 = arith.addi %add3A_946, %add3A_947 : i32
        %get3A_949 = arith.constant 0 : i32
        %get3A_950 = arith.index_cast %get3A_949 : i32 to index
        %get3A_951 = arith.index_cast %add3A_948 : i32 to index
        %get3A_952 = arith.constant 48 : index
        %get3A_953 = tpu.vector_load %arg9[%get3A_950, %get3A_951, %get3A_952] {strides = array<i32>} : memref<2x64x128xf32, #tpu.memory_space<vmem>>, vector<16xf32>,
        %get3A_954 = arith.constant 0 : i32
        %get3A_955 = arith.index_cast %get3A_954 : i32 to index
        %get3A_956 = arith.index_cast %add3A_948 : i32 to index
        %get3A_957 = arith.constant 48 : index
        %get3A_958 = tpu.vector_load %arg10[%get3A_955, %get3A_956, %get3A_957] {strides = array<i32>} : memref<2x64x128xf32, #tpu.memory_space<vmem>>, vector<16xf32>,
        %mul3A_959 = arith.mulf %get3A_953, %get3A_958 : vector<16xf32>
        %add3A_960 = arith.addf %mul3A_817, %mul3A_959 : vector<16xf32>
        %mul3A_961 = arith.constant 16 : i32
        %mul3A_962 = arith.muli %scan3A_111, %mul3A_961 : i32
        %add3A_963 = arith.constant 4 : i32
        %add3A_964 = arith.addi %mul3A_962, %add3A_963 : i32
        %add3A_965 = arith.constant 3 : i32
        %add3A_966 = arith.addi %add3A_964, %add3A_965 : i32
        %get3A_967 = arith.constant 0 : i32
        %get3A_968 = arith.index_cast %get3A_967 : i32 to index
        %get3A_969 = arith.index_cast %add3A_966 : i32 to index
        %get3A_970 = arith.constant 48 : index
        %get3A_971 = tpu.vector_load %arg9[%get3A_968, %get3A_969, %get3A_970] {strides = array<i32>} : memref<2x64x128xf32, #tpu.memory_space<vmem>>, vector<16xf32>,
        %get3A_972 = arith.constant 0 : i32
        %get3A_973 = arith.index_cast %get3A_972 : i32 to index
        %get3A_974 = arith.index_cast %add3A_966 : i32 to index
        %get3A_975 = arith.constant 48 : index
        %get3A_976 = tpu.vector_load %arg10[%get3A_973, %get3A_974, %get3A_975] {strides = array<i32>} : memref<2x64x128xf32, #tpu.memory_space<vmem>>, vector<16xf32>,
        %mul3A_977 = arith.mulf %get3A_971, %get3A_976 : vector<16xf32>
        %add3A_978 = arith.addf %mul3A_834, %mul3A_977 : vector<16xf32>
        %mul3A_979 = arith.constant 16 : i32
        %mul3A_980 = arith.muli %scan3A_111, %mul3A_979 : i32
        %add3A_981 = arith.constant 4 : i32
        %add3A_982 = arith.addi %mul3A_980, %add3A_981 : i32
        %add3A_983 = arith.constant 0 : i32
        %add3A_984 = arith.addi %add3A_982, %add3A_983 : i32
        %get3A_985 = arith.constant 0 : i32
        %get3A_986 = arith.index_cast %get3A_985 : i32 to index
        %get3A_987 = arith.index_cast %add3A_984 : i32 to index
        %get3A_988 = arith.constant 64 : index
        %get3A_989 = tpu.vector_load %arg9[%get3A_986, %get3A_987, %get3A_988] {strides = array<i32>} : memref<2x64x128xf32, #tpu.memory_space<vmem>>, vector<16xf32>,
        %get3A_990 = arith.constant 0 : i32
        %get3A_991 = arith.index_cast %get3A_990 : i32 to index
        %get3A_992 = arith.index_cast %add3A_984 : i32 to index
        %get3A_993 = arith.constant 64 : index
        %get3A_994 = tpu.vector_load %arg10[%get3A_991, %get3A_992, %get3A_993] {strides = array<i32>} : memref<2x64x128xf32, #tpu.memory_space<vmem>>, vector<16xf32>,
        %mul3A_995 = arith.mulf %get3A_989, %get3A_994 : vector<16xf32>
        %add3A_996 = arith.addf %add3A_852, %mul3A_995 : vector<16xf32>
        %mul3A_997 = arith.constant 16 : i32
        %mul3A_998 = arith.muli %scan3A_111, %mul3A_997 : i32
        %add3A_999 = arith.constant 4 : i32
        %add3A_1000 = arith.addi %mul3A_998, %add3A_999 : i32
        %add3A_1001 = arith.constant 1 : i32
        %add3A_1002 = arith.addi %add3A_1000, %add3A_1001 : i32
        %get3A_1003 = arith.constant 0 : i32
        %get3A_1004 = arith.index_cast %get3A_1003 : i32 to index
        %get3A_1005 = arith.index_cast %add3A_1002 : i32 to index
        %get3A_1006 = arith.constant 64 : index
        %get3A_1007 = tpu.vector_load %arg9[%get3A_1004, %get3A_1005, %get3A_1006] {strides = array<i32>} : memref<2x64x128xf32, #tpu.memory_space<vmem>>, vector<16xf32>,
        %get3A_1008 = arith.constant 0 : i32
        %get3A_1009 = arith.index_cast %get3A_1008 : i32 to index
        %get3A_1010 = arith.index_cast %add3A_1002 : i32 to index
        %get3A_1011 = arith.constant 64 : index
        %get3A_1012 = tpu.vector_load %arg10[%get3A_1009, %get3A_1010, %get3A_1011] {strides = array<i32>} : memref<2x64x128xf32, #tpu.memory_space<vmem>>, vector<16xf32>,
        %mul3A_1013 = arith.mulf %get3A_1007, %get3A_1012 : vector<16xf32>
        %add3A_1014 = arith.addf %add3A_870, %mul3A_1013 : vector<16xf32>
        %mul3A_1015 = arith.constant 16 : i32
        %mul3A_1016 = arith.muli %scan3A_111, %mul3A_1015 : i32
        %add3A_1017 = arith.constant 4 : i32
        %add3A_1018 = arith.addi %mul3A_1016, %add3A_1017 : i32
        %add3A_1019 = arith.constant 2 : i32
        %add3A_1020 = arith.addi %add3A_1018, %add3A_1019 : i32
        %get3A_1021 = arith.constant 0 : i32
        %get3A_1022 = arith.index_cast %get3A_1021 : i32 to index
        %get3A_1023 = arith.index_cast %add3A_1020 : i32 to index
        %get3A_1024 = arith.constant 64 : index
        %get3A_1025 = tpu.vector_load %arg9[%get3A_1022, %get3A_1023, %get3A_1024] {strides = array<i32>} : memref<2x64x128xf32, #tpu.memory_space<vmem>>, vector<16xf32>,
        %get3A_1026 = arith.constant 0 : i32
        %get3A_1027 = arith.index_cast %get3A_1026 : i32 to index
        %get3A_1028 = arith.index_cast %add3A_1020 : i32 to index
        %get3A_1029 = arith.constant 64 : index
        %get3A_1030 = tpu.vector_load %arg10[%get3A_1027, %get3A_1028, %get3A_1029] {strides = array<i32>} : memref<2x64x128xf32, #tpu.memory_space<vmem>>, vector<16xf32>,
        %mul3A_1031 = arith.mulf %get3A_1025, %get3A_1030 : vector<16xf32>
        %add3A_1032 = arith.addf %add3A_888, %mul3A_1031 : vector<16xf32>
        %mul3A_1033 = arith.constant 16 : i32
        %mul3A_1034 = arith.muli %scan3A_111, %mul3A_1033 : i32
        %add3A_1035 = arith.constant 4 : i32
        %add3A_1036 = arith.addi %mul3A_1034, %add3A_1035 : i32
        %add3A_1037 = arith.constant 3 : i32
        %add3A_1038 = arith.addi %add3A_1036, %add3A_1037 : i32
        %get3A_1039 = arith.constant 0 : i32
        %get3A_1040 = arith.index_cast %get3A_1039 : i32 to index
        %get3A_1041 = arith.index_cast %add3A_1038 : i32 to index
        %get3A_1042 = arith.constant 64 : index
        %get3A_1043 = tpu.vector_load %arg9[%get3A_1040, %get3A_1041, %get3A_1042] {strides = array<i32>} : memref<2x64x128xf32, #tpu.memory_space<vmem>>, vector<16xf32>,
        %get3A_1044 = arith.constant 0 : i32
        %get3A_1045 = arith.index_cast %get3A_1044 : i32 to index
        %get3A_1046 = arith.index_cast %add3A_1038 : i32 to index
        %get3A_1047 = arith.constant 64 : index
        %get3A_1048 = tpu.vector_load %arg10[%get3A_1045, %get3A_1046, %get3A_1047] {strides = array<i32>} : memref<2x64x128xf32, #tpu.memory_space<vmem>>, vector<16xf32>,
        %mul3A_1049 = arith.mulf %get3A_1043, %get3A_1048 : vector<16xf32>
        %add3A_1050 = arith.addf %add3A_906, %mul3A_1049 : vector<16xf32>
        %mul3A_1051 = arith.constant 16 : i32
        %mul3A_1052 = arith.muli %scan3A_111, %mul3A_1051 : i32
        %add3A_1053 = arith.constant 4 : i32
        %add3A_1054 = arith.addi %mul3A_1052, %add3A_1053 : i32
        %add3A_1055 = arith.constant 0 : i32
        %add3A_1056 = arith.addi %add3A_1054, %add3A_1055 : i32
        %get3A_1057 = arith.constant 0 : i32
        %get3A_1058 = arith.index_cast %get3A_1057 : i32 to index
        %get3A_1059 = arith.index_cast %add3A_1056 : i32 to index
        %get3A_1060 = arith.constant 80 : index
        %get3A_1061 = tpu.vector_load %arg9[%get3A_1058, %get3A_1059, %get3A_1060] {strides = array<i32>} : memref<2x64x128xf32, #tpu.memory_space<vmem>>, vector<16xf32>,
        %get3A_1062 = arith.constant 0 : i32
        %get3A_1063 = arith.index_cast %get3A_1062 : i32 to index
        %get3A_1064 = arith.index_cast %add3A_1056 : i32 to index
        %get3A_1065 = arith.constant 80 : index
        %get3A_1066 = tpu.vector_load %arg10[%get3A_1063, %get3A_1064, %get3A_1065] {strides = array<i32>} : memref<2x64x128xf32, #tpu.memory_space<vmem>>, vector<16xf32>,
        %mul3A_1067 = arith.mulf %get3A_1061, %get3A_1066 : vector<16xf32>
        %add3A_1068 = arith.addf %add3A_924, %mul3A_1067 : vector<16xf32>
        %mul3A_1069 = arith.constant 16 : i32
        %mul3A_1070 = arith.muli %scan3A_111, %mul3A_1069 : i32
        %add3A_1071 = arith.constant 4 : i32
        %add3A_1072 = arith.addi %mul3A_1070, %add3A_1071 : i32
        %add3A_1073 = arith.constant 1 : i32
        %add3A_1074 = arith.addi %add3A_1072, %add3A_1073 : i32
        %get3A_1075 = arith.constant 0 : i32
        %get3A_1076 = arith.index_cast %get3A_1075 : i32 to index
        %get3A_1077 = arith.index_cast %add3A_1074 : i32 to index
        %get3A_1078 = arith.constant 80 : index
        %get3A_1079 = tpu.vector_load %arg9[%get3A_1076, %get3A_1077, %get3A_1078] {strides = array<i32>} : memref<2x64x128xf32, #tpu.memory_space<vmem>>, vector<16xf32>,
        %get3A_1080 = arith.constant 0 : i32
        %get3A_1081 = arith.index_cast %get3A_1080 : i32 to index
        %get3A_1082 = arith.index_cast %add3A_1074 : i32 to index
        %get3A_1083 = arith.constant 80 : index
        %get3A_1084 = tpu.vector_load %arg10[%get3A_1081, %get3A_1082, %get3A_1083] {strides = array<i32>} : memref<2x64x128xf32, #tpu.memory_space<vmem>>, vector<16xf32>,
        %mul3A_1085 = arith.mulf %get3A_1079, %get3A_1084 : vector<16xf32>
        %add3A_1086 = arith.addf %add3A_942, %mul3A_1085 : vector<16xf32>
        %mul3A_1087 = arith.constant 16 : i32
        %mul3A_1088 = arith.muli %scan3A_111, %mul3A_1087 : i32
        %add3A_1089 = arith.constant 4 : i32
        %add3A_1090 = arith.addi %mul3A_1088, %add3A_1089 : i32
        %add3A_1091 = arith.constant 2 : i32
        %add3A_1092 = arith.addi %add3A_1090, %add3A_1091 : i32
        %get3A_1093 = arith.constant 0 : i32
        %get3A_1094 = arith.index_cast %get3A_1093 : i32 to index
        %get3A_1095 = arith.index_cast %add3A_1092 : i32 to index
        %get3A_1096 = arith.constant 80 : index
        %get3A_1097 = tpu.vector_load %arg9[%get3A_1094, %get3A_1095, %get3A_1096] {strides = array<i32>} : memref<2x64x128xf32, #tpu.memory_space<vmem>>, vector<16xf32>,
        %get3A_1098 = arith.constant 0 : i32
        %get3A_1099 = arith.index_cast %get3A_1098 : i32 to index
        %get3A_1100 = arith.index_cast %add3A_1092 : i32 to index
        %get3A_1101 = arith.constant 80 : index
        %get3A_1102 = tpu.vector_load %arg10[%get3A_1099, %get3A_1100, %get3A_1101] {strides = array<i32>} : memref<2x64x128xf32, #tpu.memory_space<vmem>>, vector<16xf32>,
        %mul3A_1103 = arith.mulf %get3A_1097, %get3A_1102 : vector<16xf32>
        %add3A_1104 = arith.addf %add3A_960, %mul3A_1103 : vector<16xf32>
        %mul3A_1105 = arith.constant 16 : i32
        %mul3A_1106 = arith.muli %scan3A_111, %mul3A_1105 : i32
        %add3A_1107 = arith.constant 4 : i32
        %add3A_1108 = arith.addi %mul3A_1106, %add3A_1107 : i32
        %add3A_1109 = arith.constant 3 : i32
        %add3A_1110 = arith.addi %add3A_1108, %add3A_1109 : i32
        %get3A_1111 = arith.constant 0 : i32
        %get3A_1112 = arith.index_cast %get3A_1111 : i32 to index
        %get3A_1113 = arith.index_cast %add3A_1110 : i32 to index
        %get3A_1114 = arith.constant 80 : index
        %get3A_1115 = tpu.vector_load %arg9[%get3A_1112, %get3A_1113, %get3A_1114] {strides = array<i32>} : memref<2x64x128xf32, #tpu.memory_space<vmem>>, vector<16xf32>,
        %get3A_1116 = arith.constant 0 : i32
        %get3A_1117 = arith.index_cast %get3A_1116 : i32 to index
        %get3A_1118 = arith.index_cast %add3A_1110 : i32 to index
        %get3A_1119 = arith.constant 80 : index
        %get3A_1120 = tpu.vector_load %arg10[%get3A_1117, %get3A_1118, %get3A_1119] {strides = array<i32>} : memref<2x64x128xf32, #tpu.memory_space<vmem>>, vector<16xf32>,
        %mul3A_1121 = arith.mulf %get3A_1115, %get3A_1120 : vector<16xf32>
        %add3A_1122 = arith.addf %add3A_978, %mul3A_1121 : vector<16xf32>
        %mul3A_1123 = arith.constant 16 : i32
        %mul3A_1124 = arith.muli %scan3A_111, %mul3A_1123 : i32
        %add3A_1125 = arith.constant 4 : i32
        %add3A_1126 = arith.addi %mul3A_1124, %add3A_1125 : i32
        %add3A_1127 = arith.constant 0 : i32
        %add3A_1128 = arith.addi %add3A_1126, %add3A_1127 : i32
        %get3A_1129 = arith.constant 0 : i32
        %get3A_1130 = arith.index_cast %get3A_1129 : i32 to index
        %get3A_1131 = arith.index_cast %add3A_1128 : i32 to index
        %get3A_1132 = arith.constant 96 : index
        %get3A_1133 = tpu.vector_load %arg9[%get3A_1130, %get3A_1131, %get3A_1132] {strides = array<i32>} : memref<2x64x128xf32, #tpu.memory_space<vmem>>, vector<16xf32>,
        %get3A_1134 = arith.constant 0 : i32
        %get3A_1135 = arith.index_cast %get3A_1134 : i32 to index
        %get3A_1136 = arith.index_cast %add3A_1128 : i32 to index
        %get3A_1137 = arith.constant 96 : index
        %get3A_1138 = tpu.vector_load %arg10[%get3A_1135, %get3A_1136, %get3A_1137] {strides = array<i32>} : memref<2x64x128xf32, #tpu.memory_space<vmem>>, vector<16xf32>,
        %mul3A_1139 = arith.mulf %get3A_1133, %get3A_1138 : vector<16xf32>
        %add3A_1140 = arith.addf %add3A_996, %mul3A_1139 : vector<16xf32>
        %mul3A_1141 = arith.constant 16 : i32
        %mul3A_1142 = arith.muli %scan3A_111, %mul3A_1141 : i32
        %add3A_1143 = arith.constant 4 : i32
        %add3A_1144 = arith.addi %mul3A_1142, %add3A_1143 : i32
        %add3A_1145 = arith.constant 1 : i32
        %add3A_1146 = arith.addi %add3A_1144, %add3A_1145 : i32
        %get3A_1147 = arith.constant 0 : i32
        %get3A_1148 = arith.index_cast %get3A_1147 : i32 to index
        %get3A_1149 = arith.index_cast %add3A_1146 : i32 to index
        %get3A_1150 = arith.constant 96 : index
        %get3A_1151 = tpu.vector_load %arg9[%get3A_1148, %get3A_1149, %get3A_1150] {strides = array<i32>} : memref<2x64x128xf32, #tpu.memory_space<vmem>>, vector<16xf32>,
        %get3A_1152 = arith.constant 0 : i32
        %get3A_1153 = arith.index_cast %get3A_1152 : i32 to index
        %get3A_1154 = arith.index_cast %add3A_1146 : i32 to index
        %get3A_1155 = arith.constant 96 : index
        %get3A_1156 = tpu.vector_load %arg10[%get3A_1153, %get3A_1154, %get3A_1155] {strides = array<i32>} : memref<2x64x128xf32, #tpu.memory_space<vmem>>, vector<16xf32>,
        %mul3A_1157 = arith.mulf %get3A_1151, %get3A_1156 : vector<16xf32>
        %add3A_1158 = arith.addf %add3A_1014, %mul3A_1157 : vector<16xf32>
        %mul3A_1159 = arith.constant 16 : i32
        %mul3A_1160 = arith.muli %scan3A_111, %mul3A_1159 : i32
        %add3A_1161 = arith.constant 4 : i32
        %add3A_1162 = arith.addi %mul3A_1160, %add3A_1161 : i32
        %add3A_1163 = arith.constant 2 : i32
        %add3A_1164 = arith.addi %add3A_1162, %add3A_1163 : i32
        %get3A_1165 = arith.constant 0 : i32
        %get3A_1166 = arith.index_cast %get3A_1165 : i32 to index
        %get3A_1167 = arith.index_cast %add3A_1164 : i32 to index
        %get3A_1168 = arith.constant 96 : index
        %get3A_1169 = tpu.vector_load %arg9[%get3A_1166, %get3A_1167, %get3A_1168] {strides = array<i32>} : memref<2x64x128xf32, #tpu.memory_space<vmem>>, vector<16xf32>,
        %get3A_1170 = arith.constant 0 : i32
        %get3A_1171 = arith.index_cast %get3A_1170 : i32 to index
        %get3A_1172 = arith.index_cast %add3A_1164 : i32 to index
        %get3A_1173 = arith.constant 96 : index
        %get3A_1174 = tpu.vector_load %arg10[%get3A_1171, %get3A_1172, %get3A_1173] {strides = array<i32>} : memref<2x64x128xf32, #tpu.memory_space<vmem>>, vector<16xf32>,
        %mul3A_1175 = arith.mulf %get3A_1169, %get3A_1174 : vector<16xf32>
        %add3A_1176 = arith.addf %add3A_1032, %mul3A_1175 : vector<16xf32>
        %mul3A_1177 = arith.constant 16 : i32
        %mul3A_1178 = arith.muli %scan3A_111, %mul3A_1177 : i32
        %add3A_1179 = arith.constant 4 : i32
        %add3A_1180 = arith.addi %mul3A_1178, %add3A_1179 : i32
        %add3A_1181 = arith.constant 3 : i32
        %add3A_1182 = arith.addi %add3A_1180, %add3A_1181 : i32
        %get3A_1183 = arith.constant 0 : i32
        %get3A_1184 = arith.index_cast %get3A_1183 : i32 to index
        %get3A_1185 = arith.index_cast %add3A_1182 : i32 to index
        %get3A_1186 = arith.constant 96 : index
        %get3A_1187 = tpu.vector_load %arg9[%get3A_1184, %get3A_1185, %get3A_1186] {strides = array<i32>} : memref<2x64x128xf32, #tpu.memory_space<vmem>>, vector<16xf32>,
        %get3A_1188 = arith.constant 0 : i32
        %get3A_1189 = arith.index_cast %get3A_1188 : i32 to index
        %get3A_1190 = arith.index_cast %add3A_1182 : i32 to index
        %get3A_1191 = arith.constant 96 : index
        %get3A_1192 = tpu.vector_load %arg10[%get3A_1189, %get3A_1190, %get3A_1191] {strides = array<i32>} : memref<2x64x128xf32, #tpu.memory_space<vmem>>, vector<16xf32>,
        %mul3A_1193 = arith.mulf %get3A_1187, %get3A_1192 : vector<16xf32>
        %add3A_1194 = arith.addf %add3A_1050, %mul3A_1193 : vector<16xf32>
        %mul3A_1195 = arith.constant 16 : i32
        %mul3A_1196 = arith.muli %scan3A_111, %mul3A_1195 : i32
        %add3A_1197 = arith.constant 4 : i32
        %add3A_1198 = arith.addi %mul3A_1196, %add3A_1197 : i32
        %add3A_1199 = arith.constant 0 : i32
        %add3A_1200 = arith.addi %add3A_1198, %add3A_1199 : i32
        %get3A_1201 = arith.constant 0 : i32
        %get3A_1202 = arith.index_cast %get3A_1201 : i32 to index
        %get3A_1203 = arith.index_cast %add3A_1200 : i32 to index
        %get3A_1204 = arith.constant 112 : index
        %get3A_1205 = tpu.vector_load %arg9[%get3A_1202, %get3A_1203, %get3A_1204] {strides = array<i32>} : memref<2x64x128xf32, #tpu.memory_space<vmem>>, vector<16xf32>,
        %get3A_1206 = arith.constant 0 : i32
        %get3A_1207 = arith.index_cast %get3A_1206 : i32 to index
        %get3A_1208 = arith.index_cast %add3A_1200 : i32 to index
        %get3A_1209 = arith.constant 112 : index
        %get3A_1210 = tpu.vector_load %arg10[%get3A_1207, %get3A_1208, %get3A_1209] {strides = array<i32>} : memref<2x64x128xf32, #tpu.memory_space<vmem>>, vector<16xf32>,
        %mul3A_1211 = arith.mulf %get3A_1205, %get3A_1210 : vector<16xf32>
        %add3A_1212 = arith.addf %add3A_1068, %mul3A_1211 : vector<16xf32>
        %mul3A_1213 = arith.constant 16 : i32
        %mul3A_1214 = arith.muli %scan3A_111, %mul3A_1213 : i32
        %add3A_1215 = arith.constant 4 : i32
        %add3A_1216 = arith.addi %mul3A_1214, %add3A_1215 : i32
        %add3A_1217 = arith.constant 1 : i32
        %add3A_1218 = arith.addi %add3A_1216, %add3A_1217 : i32
        %get3A_1219 = arith.constant 0 : i32
        %get3A_1220 = arith.index_cast %get3A_1219 : i32 to index
        %get3A_1221 = arith.index_cast %add3A_1218 : i32 to index
        %get3A_1222 = arith.constant 112 : index
        %get3A_1223 = tpu.vector_load %arg9[%get3A_1220, %get3A_1221, %get3A_1222] {strides = array<i32>} : memref<2x64x128xf32, #tpu.memory_space<vmem>>, vector<16xf32>,
        %get3A_1224 = arith.constant 0 : i32
        %get3A_1225 = arith.index_cast %get3A_1224 : i32 to index
        %get3A_1226 = arith.index_cast %add3A_1218 : i32 to index
        %get3A_1227 = arith.constant 112 : index
        %get3A_1228 = tpu.vector_load %arg10[%get3A_1225, %get3A_1226, %get3A_1227] {strides = array<i32>} : memref<2x64x128xf32, #tpu.memory_space<vmem>>, vector<16xf32>,
        %mul3A_1229 = arith.mulf %get3A_1223, %get3A_1228 : vector<16xf32>
        %add3A_1230 = arith.addf %add3A_1086, %mul3A_1229 : vector<16xf32>
        %mul3A_1231 = arith.constant 16 : i32
        %mul3A_1232 = arith.muli %scan3A_111, %mul3A_1231 : i32
        %add3A_1233 = arith.constant 4 : i32
        %add3A_1234 = arith.addi %mul3A_1232, %add3A_1233 : i32
        %add3A_1235 = arith.constant 2 : i32
        %add3A_1236 = arith.addi %add3A_1234, %add3A_1235 : i32
        %get3A_1237 = arith.constant 0 : i32
        %get3A_1238 = arith.index_cast %get3A_1237 : i32 to index
        %get3A_1239 = arith.index_cast %add3A_1236 : i32 to index
        %get3A_1240 = arith.constant 112 : index
        %get3A_1241 = tpu.vector_load %arg9[%get3A_1238, %get3A_1239, %get3A_1240] {strides = array<i32>} : memref<2x64x128xf32, #tpu.memory_space<vmem>>, vector<16xf32>,
        %get3A_1242 = arith.constant 0 : i32
        %get3A_1243 = arith.index_cast %get3A_1242 : i32 to index
        %get3A_1244 = arith.index_cast %add3A_1236 : i32 to index
        %get3A_1245 = arith.constant 112 : index
        %get3A_1246 = tpu.vector_load %arg10[%get3A_1243, %get3A_1244, %get3A_1245] {strides = array<i32>} : memref<2x64x128xf32, #tpu.memory_space<vmem>>, vector<16xf32>,
        %mul3A_1247 = arith.mulf %get3A_1241, %get3A_1246 : vector<16xf32>
        %add3A_1248 = arith.addf %add3A_1104, %mul3A_1247 : vector<16xf32>
        %mul3A_1249 = arith.constant 16 : i32
        %mul3A_1250 = arith.muli %scan3A_111, %mul3A_1249 : i32
        %add3A_1251 = arith.constant 4 : i32
        %add3A_1252 = arith.addi %mul3A_1250, %add3A_1251 : i32
        %add3A_1253 = arith.constant 3 : i32
        %add3A_1254 = arith.addi %add3A_1252, %add3A_1253 : i32
        %get3A_1255 = arith.constant 0 : i32
        %get3A_1256 = arith.index_cast %get3A_1255 : i32 to index
        %get3A_1257 = arith.index_cast %add3A_1254 : i32 to index
        %get3A_1258 = arith.constant 112 : index
        %get3A_1259 = tpu.vector_load %arg9[%get3A_1256, %get3A_1257, %get3A_1258] {strides = array<i32>} : memref<2x64x128xf32, #tpu.memory_space<vmem>>, vector<16xf32>,
        %get3A_1260 = arith.constant 0 : i32
        %get3A_1261 = arith.index_cast %get3A_1260 : i32 to index
        %get3A_1262 = arith.index_cast %add3A_1254 : i32 to index
        %get3A_1263 = arith.constant 112 : index
        %get3A_1264 = tpu.vector_load %arg10[%get3A_1261, %get3A_1262, %get3A_1263] {strides = array<i32>} : memref<2x64x128xf32, #tpu.memory_space<vmem>>, vector<16xf32>,
        %mul3A_1265 = arith.mulf %get3A_1259, %get3A_1264 : vector<16xf32>
        %add3A_1266 = arith.addf %add3A_1122, %mul3A_1265 : vector<16xf32>
        %add3A_1267 = arith.addf %add3A_1140, %add3A_1212 : vector<16xf32>
        %swap3A_1268 = arith.constant 4 : i32
        %swap3A_1269 = arith.index_cast %swap3A_1268 : i32 to index
        %swap3A_1270 = arith.constant 0 : index
        %swap3A_1271 = tpu.vector_load %arg12[%swap3A_1269, %swap3A_1270] {strides = array<i32>} : memref<16x17xf32, #tpu.memory_space<vmem>>, vector<16xf32>,
        tpu.vector_store %arg12[%swap3A_1269, %swap3A_1270], %add3A_1267 {strides = array<i32>} : memref<16x17xf32, #tpu.memory_space<vmem>>, vector<16xf32>,
        %add3A_1272 = arith.addf %add3A_1158, %add3A_1230 : vector<16xf32>
        %swap3A_1273 = arith.constant 5 : i32
        %swap3A_1274 = arith.index_cast %swap3A_1273 : i32 to index
        %swap3A_1275 = arith.constant 0 : index
        %swap3A_1276 = tpu.vector_load %arg12[%swap3A_1274, %swap3A_1275] {strides = array<i32>} : memref<16x17xf32, #tpu.memory_space<vmem>>, vector<16xf32>,
        tpu.vector_store %arg12[%swap3A_1274, %swap3A_1275], %add3A_1272 {strides = array<i32>} : memref<16x17xf32, #tpu.memory_space<vmem>>, vector<16xf32>,
        %add3A_1277 = arith.addf %add3A_1176, %add3A_1248 : vector<16xf32>
        %swap3A_1278 = arith.constant 6 : i32
        %swap3A_1279 = arith.index_cast %swap3A_1278 : i32 to index
        %swap3A_1280 = arith.constant 0 : index
        %swap3A_1281 = tpu.vector_load %arg12[%swap3A_1279, %swap3A_1280] {strides = array<i32>} : memref<16x17xf32, #tpu.memory_space<vmem>>, vector<16xf32>,
        tpu.vector_store %arg12[%swap3A_1279, %swap3A_1280], %add3A_1277 {strides = array<i32>} : memref<16x17xf32, #tpu.memory_space<vmem>>, vector<16xf32>,
        %add3A_1282 = arith.addf %add3A_1194, %add3A_1266 : vector<16xf32>
        %swap3A_1283 = arith.constant 7 : i32
        %swap3A_1284 = arith.index_cast %swap3A_1283 : i32 to index
        %swap3A_1285 = arith.constant 0 : index
        %swap3A_1286 = tpu.vector_load %arg12[%swap3A_1284, %swap3A_1285] {strides = array<i32>} : memref<16x17xf32, #tpu.memory_space<vmem>>, vector<16xf32>,
        tpu.vector_store %arg12[%swap3A_1284, %swap3A_1285], %add3A_1282 {strides = array<i32>} : memref<16x17xf32, #tpu.memory_space<vmem>>, vector<16xf32>,
        %mul3A_1287 = arith.constant 16 : i32
        %mul3A_1288 = arith.muli %scan3A_111, %mul3A_1287 : i32
        %add3A_1289 = arith.constant 8 : i32
        %add3A_1290 = arith.addi %mul3A_1288, %add3A_1289 : i32
        %add3A_1291 = arith.constant 0 : i32
        %add3A_1292 = arith.addi %add3A_1290, %add3A_1291 : i32
        %get3A_1293 = arith.constant 0 : i32
        %get3A_1294 = arith.index_cast %get3A_1293 : i32 to index
        %get3A_1295 = arith.index_cast %add3A_1292 : i32 to index
        %get3A_1296 = arith.constant 0 : index
        %get3A_1297 = tpu.vector_load %arg9[%get3A_1294, %get3A_1295, %get3A_1296] {strides = array<i32>} : memref<2x64x128xf32, #tpu.memory_space<vmem>>, vector<16xf32>,
        %get3A_1298 = arith.constant 0 : i32
        %get3A_1299 = arith.index_cast %get3A_1298 : i32 to index
        %get3A_1300 = arith.index_cast %add3A_1292 : i32 to index
        %get3A_1301 = arith.constant 0 : index
        %get3A_1302 = tpu.vector_load %arg10[%get3A_1299, %get3A_1300, %get3A_1301] {strides = array<i32>} : memref<2x64x128xf32, #tpu.memory_space<vmem>>, vector<16xf32>,
        %mul3A_1303 = arith.mulf %get3A_1297, %get3A_1302 : vector<16xf32>
        %mul3A_1304 = arith.constant 16 : i32
        %mul3A_1305 = arith.muli %scan3A_111, %mul3A_1304 : i32
        %add3A_1306 = arith.constant 8 : i32
        %add3A_1307 = arith.addi %mul3A_1305, %add3A_1306 : i32
        %add3A_1308 = arith.constant 1 : i32
        %add3A_1309 = arith.addi %add3A_1307, %add3A_1308 : i32
        %get3A_1310 = arith.constant 0 : i32
        %get3A_1311 = arith.index_cast %get3A_1310 : i32 to index
        %get3A_1312 = arith.index_cast %add3A_1309 : i32 to index
        %get3A_1313 = arith.constant 0 : index
        %get3A_1314 = tpu.vector_load %arg9[%get3A_1311, %get3A_1312, %get3A_1313] {strides = array<i32>} : memref<2x64x128xf32, #tpu.memory_space<vmem>>, vector<16xf32>,
        %get3A_1315 = arith.constant 0 : i32
        %get3A_1316 = arith.index_cast %get3A_1315 : i32 to index
        %get3A_1317 = arith.index_cast %add3A_1309 : i32 to index
        %get3A_1318 = arith.constant 0 : index
        %get3A_1319 = tpu.vector_load %arg10[%get3A_1316, %get3A_1317, %get3A_1318] {strides = array<i32>} : memref<2x64x128xf32, #tpu.memory_space<vmem>>, vector<16xf32>,
        %mul3A_1320 = arith.mulf %get3A_1314, %get3A_1319 : vector<16xf32>
        %mul3A_1321 = arith.constant 16 : i32
        %mul3A_1322 = arith.muli %scan3A_111, %mul3A_1321 : i32
        %add3A_1323 = arith.constant 8 : i32
        %add3A_1324 = arith.addi %mul3A_1322, %add3A_1323 : i32
        %add3A_1325 = arith.constant 2 : i32
        %add3A_1326 = arith.addi %add3A_1324, %add3A_1325 : i32
        %get3A_1327 = arith.constant 0 : i32
        %get3A_1328 = arith.index_cast %get3A_1327 : i32 to index
        %get3A_1329 = arith.index_cast %add3A_1326 : i32 to index
        %get3A_1330 = arith.constant 0 : index
        %get3A_1331 = tpu.vector_load %arg9[%get3A_1328, %get3A_1329, %get3A_1330] {strides = array<i32>} : memref<2x64x128xf32, #tpu.memory_space<vmem>>, vector<16xf32>,
        %get3A_1332 = arith.constant 0 : i32
        %get3A_1333 = arith.index_cast %get3A_1332 : i32 to index
        %get3A_1334 = arith.index_cast %add3A_1326 : i32 to index
        %get3A_1335 = arith.constant 0 : index
        %get3A_1336 = tpu.vector_load %arg10[%get3A_1333, %get3A_1334, %get3A_1335] {strides = array<i32>} : memref<2x64x128xf32, #tpu.memory_space<vmem>>, vector<16xf32>,
        %mul3A_1337 = arith.mulf %get3A_1331, %get3A_1336 : vector<16xf32>
        %mul3A_1338 = arith.constant 16 : i32
        %mul3A_1339 = arith.muli %scan3A_111, %mul3A_1338 : i32
        %add3A_1340 = arith.constant 8 : i32
        %add3A_1341 = arith.addi %mul3A_1339, %add3A_1340 : i32
        %add3A_1342 = arith.constant 3 : i32
        %add3A_1343 = arith.addi %add3A_1341, %add3A_1342 : i32
        %get3A_1344 = arith.constant 0 : i32
        %get3A_1345 = arith.index_cast %get3A_1344 : i32 to index
        %get3A_1346 = arith.index_cast %add3A_1343 : i32 to index
        %get3A_1347 = arith.constant 0 : index
        %get3A_1348 = tpu.vector_load %arg9[%get3A_1345, %get3A_1346, %get3A_1347] {strides = array<i32>} : memref<2x64x128xf32, #tpu.memory_space<vmem>>, vector<16xf32>,
        %get3A_1349 = arith.constant 0 : i32
        %get3A_1350 = arith.index_cast %get3A_1349 : i32 to index
        %get3A_1351 = arith.index_cast %add3A_1343 : i32 to index
        %get3A_1352 = arith.constant 0 : index
        %get3A_1353 = tpu.vector_load %arg10[%get3A_1350, %get3A_1351, %get3A_1352] {strides = array<i32>} : memref<2x64x128xf32, #tpu.memory_space<vmem>>, vector<16xf32>,
        %mul3A_1354 = arith.mulf %get3A_1348, %get3A_1353 : vector<16xf32>
        %mul3A_1355 = arith.constant 16 : i32
        %mul3A_1356 = arith.muli %scan3A_111, %mul3A_1355 : i32
        %add3A_1357 = arith.constant 8 : i32
        %add3A_1358 = arith.addi %mul3A_1356, %add3A_1357 : i32
        %add3A_1359 = arith.constant 0 : i32
        %add3A_1360 = arith.addi %add3A_1358, %add3A_1359 : i32
        %get3A_1361 = arith.constant 0 : i32
        %get3A_1362 = arith.index_cast %get3A_1361 : i32 to index
        %get3A_1363 = arith.index_cast %add3A_1360 : i32 to index
        %get3A_1364 = arith.constant 16 : index
        %get3A_1365 = tpu.vector_load %arg9[%get3A_1362, %get3A_1363, %get3A_1364] {strides = array<i32>} : memref<2x64x128xf32, #tpu.memory_space<vmem>>, vector<16xf32>,
        %get3A_1366 = arith.constant 0 : i32
        %get3A_1367 = arith.index_cast %get3A_1366 : i32 to index
        %get3A_1368 = arith.index_cast %add3A_1360 : i32 to index
        %get3A_1369 = arith.constant 16 : index
        %get3A_1370 = tpu.vector_load %arg10[%get3A_1367, %get3A_1368, %get3A_1369] {strides = array<i32>} : memref<2x64x128xf32, #tpu.memory_space<vmem>>, vector<16xf32>,
        %mul3A_1371 = arith.mulf %get3A_1365, %get3A_1370 : vector<16xf32>
        %mul3A_1372 = arith.constant 16 : i32
        %mul3A_1373 = arith.muli %scan3A_111, %mul3A_1372 : i32
        %add3A_1374 = arith.constant 8 : i32
        %add3A_1375 = arith.addi %mul3A_1373, %add3A_1374 : i32
        %add3A_1376 = arith.constant 1 : i32
        %add3A_1377 = arith.addi %add3A_1375, %add3A_1376 : i32
        %get3A_1378 = arith.constant 0 : i32
        %get3A_1379 = arith.index_cast %get3A_1378 : i32 to index
        %get3A_1380 = arith.index_cast %add3A_1377 : i32 to index
        %get3A_1381 = arith.constant 16 : index
        %get3A_1382 = tpu.vector_load %arg9[%get3A_1379, %get3A_1380, %get3A_1381] {strides = array<i32>} : memref<2x64x128xf32, #tpu.memory_space<vmem>>, vector<16xf32>,
        %get3A_1383 = arith.constant 0 : i32
        %get3A_1384 = arith.index_cast %get3A_1383 : i32 to index
        %get3A_1385 = arith.index_cast %add3A_1377 : i32 to index
        %get3A_1386 = arith.constant 16 : index
        %get3A_1387 = tpu.vector_load %arg10[%get3A_1384, %get3A_1385, %get3A_1386] {strides = array<i32>} : memref<2x64x128xf32, #tpu.memory_space<vmem>>, vector<16xf32>,
        %mul3A_1388 = arith.mulf %get3A_1382, %get3A_1387 : vector<16xf32>
        %mul3A_1389 = arith.constant 16 : i32
        %mul3A_1390 = arith.muli %scan3A_111, %mul3A_1389 : i32
        %add3A_1391 = arith.constant 8 : i32
        %add3A_1392 = arith.addi %mul3A_1390, %add3A_1391 : i32
        %add3A_1393 = arith.constant 2 : i32
        %add3A_1394 = arith.addi %add3A_1392, %add3A_1393 : i32
        %get3A_1395 = arith.constant 0 : i32
        %get3A_1396 = arith.index_cast %get3A_1395 : i32 to index
        %get3A_1397 = arith.index_cast %add3A_1394 : i32 to index
        %get3A_1398 = arith.constant 16 : index
        %get3A_1399 = tpu.vector_load %arg9[%get3A_1396, %get3A_1397, %get3A_1398] {strides = array<i32>} : memref<2x64x128xf32, #tpu.memory_space<vmem>>, vector<16xf32>,
        %get3A_1400 = arith.constant 0 : i32
        %get3A_1401 = arith.index_cast %get3A_1400 : i32 to index
        %get3A_1402 = arith.index_cast %add3A_1394 : i32 to index
        %get3A_1403 = arith.constant 16 : index
        %get3A_1404 = tpu.vector_load %arg10[%get3A_1401, %get3A_1402, %get3A_1403] {strides = array<i32>} : memref<2x64x128xf32, #tpu.memory_space<vmem>>, vector<16xf32>,
        %mul3A_1405 = arith.mulf %get3A_1399, %get3A_1404 : vector<16xf32>
        %mul3A_1406 = arith.constant 16 : i32
        %mul3A_1407 = arith.muli %scan3A_111, %mul3A_1406 : i32
        %add3A_1408 = arith.constant 8 : i32
        %add3A_1409 = arith.addi %mul3A_1407, %add3A_1408 : i32
        %add3A_1410 = arith.constant 3 : i32
        %add3A_1411 = arith.addi %add3A_1409, %add3A_1410 : i32
        %get3A_1412 = arith.constant 0 : i32
        %get3A_1413 = arith.index_cast %get3A_1412 : i32 to index
        %get3A_1414 = arith.index_cast %add3A_1411 : i32 to index
        %get3A_1415 = arith.constant 16 : index
        %get3A_1416 = tpu.vector_load %arg9[%get3A_1413, %get3A_1414, %get3A_1415] {strides = array<i32>} : memref<2x64x128xf32, #tpu.memory_space<vmem>>, vector<16xf32>,
        %get3A_1417 = arith.constant 0 : i32
        %get3A_1418 = arith.index_cast %get3A_1417 : i32 to index
        %get3A_1419 = arith.index_cast %add3A_1411 : i32 to index
        %get3A_1420 = arith.constant 16 : index
        %get3A_1421 = tpu.vector_load %arg10[%get3A_1418, %get3A_1419, %get3A_1420] {strides = array<i32>} : memref<2x64x128xf32, #tpu.memory_space<vmem>>, vector<16xf32>,
        %mul3A_1422 = arith.mulf %get3A_1416, %get3A_1421 : vector<16xf32>
        %mul3A_1423 = arith.constant 16 : i32
        %mul3A_1424 = arith.muli %scan3A_111, %mul3A_1423 : i32
        %add3A_1425 = arith.constant 8 : i32
        %add3A_1426 = arith.addi %mul3A_1424, %add3A_1425 : i32
        %add3A_1427 = arith.constant 0 : i32
        %add3A_1428 = arith.addi %add3A_1426, %add3A_1427 : i32
        %get3A_1429 = arith.constant 0 : i32
        %get3A_1430 = arith.index_cast %get3A_1429 : i32 to index
        %get3A_1431 = arith.index_cast %add3A_1428 : i32 to index
        %get3A_1432 = arith.constant 32 : index
        %get3A_1433 = tpu.vector_load %arg9[%get3A_1430, %get3A_1431, %get3A_1432] {strides = array<i32>} : memref<2x64x128xf32, #tpu.memory_space<vmem>>, vector<16xf32>,
        %get3A_1434 = arith.constant 0 : i32
        %get3A_1435 = arith.index_cast %get3A_1434 : i32 to index
        %get3A_1436 = arith.index_cast %add3A_1428 : i32 to index
        %get3A_1437 = arith.constant 32 : index
        %get3A_1438 = tpu.vector_load %arg10[%get3A_1435, %get3A_1436, %get3A_1437] {strides = array<i32>} : memref<2x64x128xf32, #tpu.memory_space<vmem>>, vector<16xf32>,
        %mul3A_1439 = arith.mulf %get3A_1433, %get3A_1438 : vector<16xf32>
        %add3A_1440 = arith.addf %mul3A_1303, %mul3A_1439 : vector<16xf32>
        %mul3A_1441 = arith.constant 16 : i32
        %mul3A_1442 = arith.muli %scan3A_111, %mul3A_1441 : i32
        %add3A_1443 = arith.constant 8 : i32
        %add3A_1444 = arith.addi %mul3A_1442, %add3A_1443 : i32
        %add3A_1445 = arith.constant 1 : i32
        %add3A_1446 = arith.addi %add3A_1444, %add3A_1445 : i32
        %get3A_1447 = arith.constant 0 : i32
        %get3A_1448 = arith.index_cast %get3A_1447 : i32 to index
        %get3A_1449 = arith.index_cast %add3A_1446 : i32 to index
        %get3A_1450 = arith.constant 32 : index
        %get3A_1451 = tpu.vector_load %arg9[%get3A_1448, %get3A_1449, %get3A_1450] {strides = array<i32>} : memref<2x64x128xf32, #tpu.memory_space<vmem>>, vector<16xf32>,
        %get3A_1452 = arith.constant 0 : i32
        %get3A_1453 = arith.index_cast %get3A_1452 : i32 to index
        %get3A_1454 = arith.index_cast %add3A_1446 : i32 to index
        %get3A_1455 = arith.constant 32 : index
        %get3A_1456 = tpu.vector_load %arg10[%get3A_1453, %get3A_1454, %get3A_1455] {strides = array<i32>} : memref<2x64x128xf32, #tpu.memory_space<vmem>>, vector<16xf32>,
        %mul3A_1457 = arith.mulf %get3A_1451, %get3A_1456 : vector<16xf32>
        %add3A_1458 = arith.addf %mul3A_1320, %mul3A_1457 : vector<16xf32>
        %mul3A_1459 = arith.constant 16 : i32
        %mul3A_1460 = arith.muli %scan3A_111, %mul3A_1459 : i32
        %add3A_1461 = arith.constant 8 : i32
        %add3A_1462 = arith.addi %mul3A_1460, %add3A_1461 : i32
        %add3A_1463 = arith.constant 2 : i32
        %add3A_1464 = arith.addi %add3A_1462, %add3A_1463 : i32
        %get3A_1465 = arith.constant 0 : i32
        %get3A_1466 = arith.index_cast %get3A_1465 : i32 to index
        %get3A_1467 = arith.index_cast %add3A_1464 : i32 to index
        %get3A_1468 = arith.constant 32 : index
        %get3A_1469 = tpu.vector_load %arg9[%get3A_1466, %get3A_1467, %get3A_1468] {strides = array<i32>} : memref<2x64x128xf32, #tpu.memory_space<vmem>>, vector<16xf32>,
        %get3A_1470 = arith.constant 0 : i32
        %get3A_1471 = arith.index_cast %get3A_1470 : i32 to index
        %get3A_1472 = arith.index_cast %add3A_1464 : i32 to index
        %get3A_1473 = arith.constant 32 : index
        %get3A_1474 = tpu.vector_load %arg10[%get3A_1471, %get3A_1472, %get3A_1473] {strides = array<i32>} : memref<2x64x128xf32, #tpu.memory_space<vmem>>, vector<16xf32>,
        %mul3A_1475 = arith.mulf %get3A_1469, %get3A_1474 : vector<16xf32>
        %add3A_1476 = arith.addf %mul3A_1337, %mul3A_1475 : vector<16xf32>
        %mul3A_1477 = arith.constant 16 : i32
        %mul3A_1478 = arith.muli %scan3A_111, %mul3A_1477 : i32
        %add3A_1479 = arith.constant 8 : i32
        %add3A_1480 = arith.addi %mul3A_1478, %add3A_1479 : i32
        %add3A_1481 = arith.constant 3 : i32
        %add3A_1482 = arith.addi %add3A_1480, %add3A_1481 : i32
        %get3A_1483 = arith.constant 0 : i32
        %get3A_1484 = arith.index_cast %get3A_1483 : i32 to index
        %get3A_1485 = arith.index_cast %add3A_1482 : i32 to index
        %get3A_1486 = arith.constant 32 : index
        %get3A_1487 = tpu.vector_load %arg9[%get3A_1484, %get3A_1485, %get3A_1486] {strides = array<i32>} : memref<2x64x128xf32, #tpu.memory_space<vmem>>, vector<16xf32>,
        %get3A_1488 = arith.constant 0 : i32
        %get3A_1489 = arith.index_cast %get3A_1488 : i32 to index
        %get3A_1490 = arith.index_cast %add3A_1482 : i32 to index
        %get3A_1491 = arith.constant 32 : index
        %get3A_1492 = tpu.vector_load %arg10[%get3A_1489, %get3A_1490, %get3A_1491] {strides = array<i32>} : memref<2x64x128xf32, #tpu.memory_space<vmem>>, vector<16xf32>,
        %mul3A_1493 = arith.mulf %get3A_1487, %get3A_1492 : vector<16xf32>
        %add3A_1494 = arith.addf %mul3A_1354, %mul3A_1493 : vector<16xf32>
        %mul3A_1495 = arith.constant 16 : i32
        %mul3A_1496 = arith.muli %scan3A_111, %mul3A_1495 : i32
        %add3A_1497 = arith.constant 8 : i32
        %add3A_1498 = arith.addi %mul3A_1496, %add3A_1497 : i32
        %add3A_1499 = arith.constant 0 : i32
        %add3A_1500 = arith.addi %add3A_1498, %add3A_1499 : i32
        %get3A_1501 = arith.constant 0 : i32
        %get3A_1502 = arith.index_cast %get3A_1501 : i32 to index
        %get3A_1503 = arith.index_cast %add3A_1500 : i32 to index
        %get3A_1504 = arith.constant 48 : index
        %get3A_1505 = tpu.vector_load %arg9[%get3A_1502, %get3A_1503, %get3A_1504] {strides = array<i32>} : memref<2x64x128xf32, #tpu.memory_space<vmem>>, vector<16xf32>,
        %get3A_1506 = arith.constant 0 : i32
        %get3A_1507 = arith.index_cast %get3A_1506 : i32 to index
        %get3A_1508 = arith.index_cast %add3A_1500 : i32 to index
        %get3A_1509 = arith.constant 48 : index
        %get3A_1510 = tpu.vector_load %arg10[%get3A_1507, %get3A_1508, %get3A_1509] {strides = array<i32>} : memref<2x64x128xf32, #tpu.memory_space<vmem>>, vector<16xf32>,
        %mul3A_1511 = arith.mulf %get3A_1505, %get3A_1510 : vector<16xf32>
        %add3A_1512 = arith.addf %mul3A_1371, %mul3A_1511 : vector<16xf32>
        %mul3A_1513 = arith.constant 16 : i32
        %mul3A_1514 = arith.muli %scan3A_111, %mul3A_1513 : i32
        %add3A_1515 = arith.constant 8 : i32
        %add3A_1516 = arith.addi %mul3A_1514, %add3A_1515 : i32
        %add3A_1517 = arith.constant 1 : i32
        %add3A_1518 = arith.addi %add3A_1516, %add3A_1517 : i32
        %get3A_1519 = arith.constant 0 : i32
        %get3A_1520 = arith.index_cast %get3A_1519 : i32 to index
        %get3A_1521 = arith.index_cast %add3A_1518 : i32 to index
        %get3A_1522 = arith.constant 48 : index
        %get3A_1523 = tpu.vector_load %arg9[%get3A_1520, %get3A_1521, %get3A_1522] {strides = array<i32>} : memref<2x64x128xf32, #tpu.memory_space<vmem>>, vector<16xf32>,
        %get3A_1524 = arith.constant 0 : i32
        %get3A_1525 = arith.index_cast %get3A_1524 : i32 to index
        %get3A_1526 = arith.index_cast %add3A_1518 : i32 to index
        %get3A_1527 = arith.constant 48 : index
        %get3A_1528 = tpu.vector_load %arg10[%get3A_1525, %get3A_1526, %get3A_1527] {strides = array<i32>} : memref<2x64x128xf32, #tpu.memory_space<vmem>>, vector<16xf32>,
        %mul3A_1529 = arith.mulf %get3A_1523, %get3A_1528 : vector<16xf32>
        %add3A_1530 = arith.addf %mul3A_1388, %mul3A_1529 : vector<16xf32>
        %mul3A_1531 = arith.constant 16 : i32
        %mul3A_1532 = arith.muli %scan3A_111, %mul3A_1531 : i32
        %add3A_1533 = arith.constant 8 : i32
        %add3A_1534 = arith.addi %mul3A_1532, %add3A_1533 : i32
        %add3A_1535 = arith.constant 2 : i32
        %add3A_1536 = arith.addi %add3A_1534, %add3A_1535 : i32
        %get3A_1537 = arith.constant 0 : i32
        %get3A_1538 = arith.index_cast %get3A_1537 : i32 to index
        %get3A_1539 = arith.index_cast %add3A_1536 : i32 to index
        %get3A_1540 = arith.constant 48 : index
        %get3A_1541 = tpu.vector_load %arg9[%get3A_1538, %get3A_1539, %get3A_1540] {strides = array<i32>} : memref<2x64x128xf32, #tpu.memory_space<vmem>>, vector<16xf32>,
        %get3A_1542 = arith.constant 0 : i32
        %get3A_1543 = arith.index_cast %get3A_1542 : i32 to index
        %get3A_1544 = arith.index_cast %add3A_1536 : i32 to index
        %get3A_1545 = arith.constant 48 : index
        %get3A_1546 = tpu.vector_load %arg10[%get3A_1543, %get3A_1544, %get3A_1545] {strides = array<i32>} : memref<2x64x128xf32, #tpu.memory_space<vmem>>, vector<16xf32>,
        %mul3A_1547 = arith.mulf %get3A_1541, %get3A_1546 : vector<16xf32>
        %add3A_1548 = arith.addf %mul3A_1405, %mul3A_1547 : vector<16xf32>
        %mul3A_1549 = arith.constant 16 : i32
        %mul3A_1550 = arith.muli %scan3A_111, %mul3A_1549 : i32
        %add3A_1551 = arith.constant 8 : i32
        %add3A_1552 = arith.addi %mul3A_1550, %add3A_1551 : i32
        %add3A_1553 = arith.constant 3 : i32
        %add3A_1554 = arith.addi %add3A_1552, %add3A_1553 : i32
        %get3A_1555 = arith.constant 0 : i32
        %get3A_1556 = arith.index_cast %get3A_1555 : i32 to index
        %get3A_1557 = arith.index_cast %add3A_1554 : i32 to index
        %get3A_1558 = arith.constant 48 : index
        %get3A_1559 = tpu.vector_load %arg9[%get3A_1556, %get3A_1557, %get3A_1558] {strides = array<i32>} : memref<2x64x128xf32, #tpu.memory_space<vmem>>, vector<16xf32>,
        %get3A_1560 = arith.constant 0 : i32
        %get3A_1561 = arith.index_cast %get3A_1560 : i32 to index
        %get3A_1562 = arith.index_cast %add3A_1554 : i32 to index
        %get3A_1563 = arith.constant 48 : index
        %get3A_1564 = tpu.vector_load %arg10[%get3A_1561, %get3A_1562, %get3A_1563] {strides = array<i32>} : memref<2x64x128xf32, #tpu.memory_space<vmem>>, vector<16xf32>,
        %mul3A_1565 = arith.mulf %get3A_1559, %get3A_1564 : vector<16xf32>
        %add3A_1566 = arith.addf %mul3A_1422, %mul3A_1565 : vector<16xf32>
        %mul3A_1567 = arith.constant 16 : i32
        %mul3A_1568 = arith.muli %scan3A_111, %mul3A_1567 : i32
        %add3A_1569 = arith.constant 8 : i32
        %add3A_1570 = arith.addi %mul3A_1568, %add3A_1569 : i32
        %add3A_1571 = arith.constant 0 : i32
        %add3A_1572 = arith.addi %add3A_1570, %add3A_1571 : i32
        %get3A_1573 = arith.constant 0 : i32
        %get3A_1574 = arith.index_cast %get3A_1573 : i32 to index
        %get3A_1575 = arith.index_cast %add3A_1572 : i32 to index
        %get3A_1576 = arith.constant 64 : index
        %get3A_1577 = tpu.vector_load %arg9[%get3A_1574, %get3A_1575, %get3A_1576] {strides = array<i32>} : memref<2x64x128xf32, #tpu.memory_space<vmem>>, vector<16xf32>,
        %get3A_1578 = arith.constant 0 : i32
        %get3A_1579 = arith.index_cast %get3A_1578 : i32 to index
        %get3A_1580 = arith.index_cast %add3A_1572 : i32 to index
        %get3A_1581 = arith.constant 64 : index
        %get3A_1582 = tpu.vector_load %arg10[%get3A_1579, %get3A_1580, %get3A_1581] {strides = array<i32>} : memref<2x64x128xf32, #tpu.memory_space<vmem>>, vector<16xf32>,
        %mul3A_1583 = arith.mulf %get3A_1577, %get3A_1582 : vector<16xf32>
        %add3A_1584 = arith.addf %add3A_1440, %mul3A_1583 : vector<16xf32>
        %mul3A_1585 = arith.constant 16 : i32
        %mul3A_1586 = arith.muli %scan3A_111, %mul3A_1585 : i32
        %add3A_1587 = arith.constant 8 : i32
        %add3A_1588 = arith.addi %mul3A_1586, %add3A_1587 : i32
        %add3A_1589 = arith.constant 1 : i32
        %add3A_1590 = arith.addi %add3A_1588, %add3A_1589 : i32
        %get3A_1591 = arith.constant 0 : i32
        %get3A_1592 = arith.index_cast %get3A_1591 : i32 to index
        %get3A_1593 = arith.index_cast %add3A_1590 : i32 to index
        %get3A_1594 = arith.constant 64 : index
        %get3A_1595 = tpu.vector_load %arg9[%get3A_1592, %get3A_1593, %get3A_1594] {strides = array<i32>} : memref<2x64x128xf32, #tpu.memory_space<vmem>>, vector<16xf32>,
        %get3A_1596 = arith.constant 0 : i32
        %get3A_1597 = arith.index_cast %get3A_1596 : i32 to index
        %get3A_1598 = arith.index_cast %add3A_1590 : i32 to index
        %get3A_1599 = arith.constant 64 : index
        %get3A_1600 = tpu.vector_load %arg10[%get3A_1597, %get3A_1598, %get3A_1599] {strides = array<i32>} : memref<2x64x128xf32, #tpu.memory_space<vmem>>, vector<16xf32>,
        %mul3A_1601 = arith.mulf %get3A_1595, %get3A_1600 : vector<16xf32>
        %add3A_1602 = arith.addf %add3A_1458, %mul3A_1601 : vector<16xf32>
        %mul3A_1603 = arith.constant 16 : i32
        %mul3A_1604 = arith.muli %scan3A_111, %mul3A_1603 : i32
        %add3A_1605 = arith.constant 8 : i32
        %add3A_1606 = arith.addi %mul3A_1604, %add3A_1605 : i32
        %add3A_1607 = arith.constant 2 : i32
        %add3A_1608 = arith.addi %add3A_1606, %add3A_1607 : i32
        %get3A_1609 = arith.constant 0 : i32
        %get3A_1610 = arith.index_cast %get3A_1609 : i32 to index
        %get3A_1611 = arith.index_cast %add3A_1608 : i32 to index
        %get3A_1612 = arith.constant 64 : index
        %get3A_1613 = tpu.vector_load %arg9[%get3A_1610, %get3A_1611, %get3A_1612] {strides = array<i32>} : memref<2x64x128xf32, #tpu.memory_space<vmem>>, vector<16xf32>,
        %get3A_1614 = arith.constant 0 : i32
        %get3A_1615 = arith.index_cast %get3A_1614 : i32 to index
        %get3A_1616 = arith.index_cast %add3A_1608 : i32 to index
        %get3A_1617 = arith.constant 64 : index
        %get3A_1618 = tpu.vector_load %arg10[%get3A_1615, %get3A_1616, %get3A_1617] {strides = array<i32>} : memref<2x64x128xf32, #tpu.memory_space<vmem>>, vector<16xf32>,
        %mul3A_1619 = arith.mulf %get3A_1613, %get3A_1618 : vector<16xf32>
        %add3A_1620 = arith.addf %add3A_1476, %mul3A_1619 : vector<16xf32>
        %mul3A_1621 = arith.constant 16 : i32
        %mul3A_1622 = arith.muli %scan3A_111, %mul3A_1621 : i32
        %add3A_1623 = arith.constant 8 : i32
        %add3A_1624 = arith.addi %mul3A_1622, %add3A_1623 : i32
        %add3A_1625 = arith.constant 3 : i32
        %add3A_1626 = arith.addi %add3A_1624, %add3A_1625 : i32
        %get3A_1627 = arith.constant 0 : i32
        %get3A_1628 = arith.index_cast %get3A_1627 : i32 to index
        %get3A_1629 = arith.index_cast %add3A_1626 : i32 to index
        %get3A_1630 = arith.constant 64 : index
        %get3A_1631 = tpu.vector_load %arg9[%get3A_1628, %get3A_1629, %get3A_1630] {strides = array<i32>} : memref<2x64x128xf32, #tpu.memory_space<vmem>>, vector<16xf32>,
        %get3A_1632 = arith.constant 0 : i32
        %get3A_1633 = arith.index_cast %get3A_1632 : i32 to index
        %get3A_1634 = arith.index_cast %add3A_1626 : i32 to index
        %get3A_1635 = arith.constant 64 : index
        %get3A_1636 = tpu.vector_load %arg10[%get3A_1633, %get3A_1634, %get3A_1635] {strides = array<i32>} : memref<2x64x128xf32, #tpu.memory_space<vmem>>, vector<16xf32>,
        %mul3A_1637 = arith.mulf %get3A_1631, %get3A_1636 : vector<16xf32>
        %add3A_1638 = arith.addf %add3A_1494, %mul3A_1637 : vector<16xf32>
        %mul3A_1639 = arith.constant 16 : i32
        %mul3A_1640 = arith.muli %scan3A_111, %mul3A_1639 : i32
        %add3A_1641 = arith.constant 8 : i32
        %add3A_1642 = arith.addi %mul3A_1640, %add3A_1641 : i32
        %add3A_1643 = arith.constant 0 : i32
        %add3A_1644 = arith.addi %add3A_1642, %add3A_1643 : i32
        %get3A_1645 = arith.constant 0 : i32
        %get3A_1646 = arith.index_cast %get3A_1645 : i32 to index
        %get3A_1647 = arith.index_cast %add3A_1644 : i32 to index
        %get3A_1648 = arith.constant 80 : index
        %get3A_1649 = tpu.vector_load %arg9[%get3A_1646, %get3A_1647, %get3A_1648] {strides = array<i32>} : memref<2x64x128xf32, #tpu.memory_space<vmem>>, vector<16xf32>,
        %get3A_1650 = arith.constant 0 : i32
        %get3A_1651 = arith.index_cast %get3A_1650 : i32 to index
        %get3A_1652 = arith.index_cast %add3A_1644 : i32 to index
        %get3A_1653 = arith.constant 80 : index
        %get3A_1654 = tpu.vector_load %arg10[%get3A_1651, %get3A_1652, %get3A_1653] {strides = array<i32>} : memref<2x64x128xf32, #tpu.memory_space<vmem>>, vector<16xf32>,
        %mul3A_1655 = arith.mulf %get3A_1649, %get3A_1654 : vector<16xf32>
        %add3A_1656 = arith.addf %add3A_1512, %mul3A_1655 : vector<16xf32>
        %mul3A_1657 = arith.constant 16 : i32
        %mul3A_1658 = arith.muli %scan3A_111, %mul3A_1657 : i32
        %add3A_1659 = arith.constant 8 : i32
        %add3A_1660 = arith.addi %mul3A_1658, %add3A_1659 : i32
        %add3A_1661 = arith.constant 1 : i32
        %add3A_1662 = arith.addi %add3A_1660, %add3A_1661 : i32
        %get3A_1663 = arith.constant 0 : i32
        %get3A_1664 = arith.index_cast %get3A_1663 : i32 to index
        %get3A_1665 = arith.index_cast %add3A_1662 : i32 to index
        %get3A_1666 = arith.constant 80 : index
        %get3A_1667 = tpu.vector_load %arg9[%get3A_1664, %get3A_1665, %get3A_1666] {strides = array<i32>} : memref<2x64x128xf32, #tpu.memory_space<vmem>>, vector<16xf32>,
        %get3A_1668 = arith.constant 0 : i32
        %get3A_1669 = arith.index_cast %get3A_1668 : i32 to index
        %get3A_1670 = arith.index_cast %add3A_1662 : i32 to index
        %get3A_1671 = arith.constant 80 : index
        %get3A_1672 = tpu.vector_load %arg10[%get3A_1669, %get3A_1670, %get3A_1671] {strides = array<i32>} : memref<2x64x128xf32, #tpu.memory_space<vmem>>, vector<16xf32>,
        %mul3A_1673 = arith.mulf %get3A_1667, %get3A_1672 : vector<16xf32>
        %add3A_1674 = arith.addf %add3A_1530, %mul3A_1673 : vector<16xf32>
        %mul3A_1675 = arith.constant 16 : i32
        %mul3A_1676 = arith.muli %scan3A_111, %mul3A_1675 : i32
        %add3A_1677 = arith.constant 8 : i32
        %add3A_1678 = arith.addi %mul3A_1676, %add3A_1677 : i32
        %add3A_1679 = arith.constant 2 : i32
        %add3A_1680 = arith.addi %add3A_1678, %add3A_1679 : i32
        %get3A_1681 = arith.constant 0 : i32
        %get3A_1682 = arith.index_cast %get3A_1681 : i32 to index
        %get3A_1683 = arith.index_cast %add3A_1680 : i32 to index
        %get3A_1684 = arith.constant 80 : index
        %get3A_1685 = tpu.vector_load %arg9[%get3A_1682, %get3A_1683, %get3A_1684] {strides = array<i32>} : memref<2x64x128xf32, #tpu.memory_space<vmem>>, vector<16xf32>,
        %get3A_1686 = arith.constant 0 : i32
        %get3A_1687 = arith.index_cast %get3A_1686 : i32 to index
        %get3A_1688 = arith.index_cast %add3A_1680 : i32 to index
        %get3A_1689 = arith.constant 80 : index
        %get3A_1690 = tpu.vector_load %arg10[%get3A_1687, %get3A_1688, %get3A_1689] {strides = array<i32>} : memref<2x64x128xf32, #tpu.memory_space<vmem>>, vector<16xf32>,
        %mul3A_1691 = arith.mulf %get3A_1685, %get3A_1690 : vector<16xf32>
        %add3A_1692 = arith.addf %add3A_1548, %mul3A_1691 : vector<16xf32>
        %mul3A_1693 = arith.constant 16 : i32
        %mul3A_1694 = arith.muli %scan3A_111, %mul3A_1693 : i32
        %add3A_1695 = arith.constant 8 : i32
        %add3A_1696 = arith.addi %mul3A_1694, %add3A_1695 : i32
        %add3A_1697 = arith.constant 3 : i32
        %add3A_1698 = arith.addi %add3A_1696, %add3A_1697 : i32
        %get3A_1699 = arith.constant 0 : i32
        %get3A_1700 = arith.index_cast %get3A_1699 : i32 to index
        %get3A_1701 = arith.index_cast %add3A_1698 : i32 to index
        %get3A_1702 = arith.constant 80 : index
        %get3A_1703 = tpu.vector_load %arg9[%get3A_1700, %get3A_1701, %get3A_1702] {strides = array<i32>} : memref<2x64x128xf32, #tpu.memory_space<vmem>>, vector<16xf32>,
        %get3A_1704 = arith.constant 0 : i32
        %get3A_1705 = arith.index_cast %get3A_1704 : i32 to index
        %get3A_1706 = arith.index_cast %add3A_1698 : i32 to index
        %get3A_1707 = arith.constant 80 : index
        %get3A_1708 = tpu.vector_load %arg10[%get3A_1705, %get3A_1706, %get3A_1707] {strides = array<i32>} : memref<2x64x128xf32, #tpu.memory_space<vmem>>, vector<16xf32>,
        %mul3A_1709 = arith.mulf %get3A_1703, %get3A_1708 : vector<16xf32>
        %add3A_1710 = arith.addf %add3A_1566, %mul3A_1709 : vector<16xf32>
        %mul3A_1711 = arith.constant 16 : i32
        %mul3A_1712 = arith.muli %scan3A_111, %mul3A_1711 : i32
        %add3A_1713 = arith.constant 8 : i32
        %add3A_1714 = arith.addi %mul3A_1712, %add3A_1713 : i32
        %add3A_1715 = arith.constant 0 : i32
        %add3A_1716 = arith.addi %add3A_1714, %add3A_1715 : i32
        %get3A_1717 = arith.constant 0 : i32
        %get3A_1718 = arith.index_cast %get3A_1717 : i32 to index
        %get3A_1719 = arith.index_cast %add3A_1716 : i32 to index
        %get3A_1720 = arith.constant 96 : index
        %get3A_1721 = tpu.vector_load %arg9[%get3A_1718, %get3A_1719, %get3A_1720] {strides = array<i32>} : memref<2x64x128xf32, #tpu.memory_space<vmem>>, vector<16xf32>,
        %get3A_1722 = arith.constant 0 : i32
        %get3A_1723 = arith.index_cast %get3A_1722 : i32 to index
        %get3A_1724 = arith.index_cast %add3A_1716 : i32 to index
        %get3A_1725 = arith.constant 96 : index
        %get3A_1726 = tpu.vector_load %arg10[%get3A_1723, %get3A_1724, %get3A_1725] {strides = array<i32>} : memref<2x64x128xf32, #tpu.memory_space<vmem>>, vector<16xf32>,
        %mul3A_1727 = arith.mulf %get3A_1721, %get3A_1726 : vector<16xf32>
        %add3A_1728 = arith.addf %add3A_1584, %mul3A_1727 : vector<16xf32>
        %mul3A_1729 = arith.constant 16 : i32
        %mul3A_1730 = arith.muli %scan3A_111, %mul3A_1729 : i32
        %add3A_1731 = arith.constant 8 : i32
        %add3A_1732 = arith.addi %mul3A_1730, %add3A_1731 : i32
        %add3A_1733 = arith.constant 1 : i32
        %add3A_1734 = arith.addi %add3A_1732, %add3A_1733 : i32
        %get3A_1735 = arith.constant 0 : i32
        %get3A_1736 = arith.index_cast %get3A_1735 : i32 to index
        %get3A_1737 = arith.index_cast %add3A_1734 : i32 to index
        %get3A_1738 = arith.constant 96 : index
        %get3A_1739 = tpu.vector_load %arg9[%get3A_1736, %get3A_1737, %get3A_1738] {strides = array<i32>} : memref<2x64x128xf32, #tpu.memory_space<vmem>>, vector<16xf32>,
        %get3A_1740 = arith.constant 0 : i32
        %get3A_1741 = arith.index_cast %get3A_1740 : i32 to index
        %get3A_1742 = arith.index_cast %add3A_1734 : i32 to index
        %get3A_1743 = arith.constant 96 : index
        %get3A_1744 = tpu.vector_load %arg10[%get3A_1741, %get3A_1742, %get3A_1743] {strides = array<i32>} : memref<2x64x128xf32, #tpu.memory_space<vmem>>, vector<16xf32>,
        %mul3A_1745 = arith.mulf %get3A_1739, %get3A_1744 : vector<16xf32>
        %add3A_1746 = arith.addf %add3A_1602, %mul3A_1745 : vector<16xf32>
        %mul3A_1747 = arith.constant 16 : i32
        %mul3A_1748 = arith.muli %scan3A_111, %mul3A_1747 : i32
        %add3A_1749 = arith.constant 8 : i32
        %add3A_1750 = arith.addi %mul3A_1748, %add3A_1749 : i32
        %add3A_1751 = arith.constant 2 : i32
        %add3A_1752 = arith.addi %add3A_1750, %add3A_1751 : i32
        %get3A_1753 = arith.constant 0 : i32
        %get3A_1754 = arith.index_cast %get3A_1753 : i32 to index
        %get3A_1755 = arith.index_cast %add3A_1752 : i32 to index
        %get3A_1756 = arith.constant 96 : index
        %get3A_1757 = tpu.vector_load %arg9[%get3A_1754, %get3A_1755, %get3A_1756] {strides = array<i32>} : memref<2x64x128xf32, #tpu.memory_space<vmem>>, vector<16xf32>,
        %get3A_1758 = arith.constant 0 : i32
        %get3A_1759 = arith.index_cast %get3A_1758 : i32 to index
        %get3A_1760 = arith.index_cast %add3A_1752 : i32 to index
        %get3A_1761 = arith.constant 96 : index
        %get3A_1762 = tpu.vector_load %arg10[%get3A_1759, %get3A_1760, %get3A_1761] {strides = array<i32>} : memref<2x64x128xf32, #tpu.memory_space<vmem>>, vector<16xf32>,
        %mul3A_1763 = arith.mulf %get3A_1757, %get3A_1762 : vector<16xf32>
        %add3A_1764 = arith.addf %add3A_1620, %mul3A_1763 : vector<16xf32>
        %mul3A_1765 = arith.constant 16 : i32
        %mul3A_1766 = arith.muli %scan3A_111, %mul3A_1765 : i32
        %add3A_1767 = arith.constant 8 : i32
        %add3A_1768 = arith.addi %mul3A_1766, %add3A_1767 : i32
        %add3A_1769 = arith.constant 3 : i32
        %add3A_1770 = arith.addi %add3A_1768, %add3A_1769 : i32
        %get3A_1771 = arith.constant 0 : i32
        %get3A_1772 = arith.index_cast %get3A_1771 : i32 to index
        %get3A_1773 = arith.index_cast %add3A_1770 : i32 to index
        %get3A_1774 = arith.constant 96 : index
        %get3A_1775 = tpu.vector_load %arg9[%get3A_1772, %get3A_1773, %get3A_1774] {strides = array<i32>} : memref<2x64x128xf32, #tpu.memory_space<vmem>>, vector<16xf32>,
        %get3A_1776 = arith.constant 0 : i32
        %get3A_1777 = arith.index_cast %get3A_1776 : i32 to index
        %get3A_1778 = arith.index_cast %add3A_1770 : i32 to index
        %get3A_1779 = arith.constant 96 : index
        %get3A_1780 = tpu.vector_load %arg10[%get3A_1777, %get3A_1778, %get3A_1779] {strides = array<i32>} : memref<2x64x128xf32, #tpu.memory_space<vmem>>, vector<16xf32>,
        %mul3A_1781 = arith.mulf %get3A_1775, %get3A_1780 : vector<16xf32>
        %add3A_1782 = arith.addf %add3A_1638, %mul3A_1781 : vector<16xf32>
        %mul3A_1783 = arith.constant 16 : i32
        %mul3A_1784 = arith.muli %scan3A_111, %mul3A_1783 : i32
        %add3A_1785 = arith.constant 8 : i32
        %add3A_1786 = arith.addi %mul3A_1784, %add3A_1785 : i32
        %add3A_1787 = arith.constant 0 : i32
        %add3A_1788 = arith.addi %add3A_1786, %add3A_1787 : i32
        %get3A_1789 = arith.constant 0 : i32
        %get3A_1790 = arith.index_cast %get3A_1789 : i32 to index
        %get3A_1791 = arith.index_cast %add3A_1788 : i32 to index
        %get3A_1792 = arith.constant 112 : index
        %get3A_1793 = tpu.vector_load %arg9[%get3A_1790, %get3A_1791, %get3A_1792] {strides = array<i32>} : memref<2x64x128xf32, #tpu.memory_space<vmem>>, vector<16xf32>,
        %get3A_1794 = arith.constant 0 : i32
        %get3A_1795 = arith.index_cast %get3A_1794 : i32 to index
        %get3A_1796 = arith.index_cast %add3A_1788 : i32 to index
        %get3A_1797 = arith.constant 112 : index
        %get3A_1798 = tpu.vector_load %arg10[%get3A_1795, %get3A_1796, %get3A_1797] {strides = array<i32>} : memref<2x64x128xf32, #tpu.memory_space<vmem>>, vector<16xf32>,
        %mul3A_1799 = arith.mulf %get3A_1793, %get3A_1798 : vector<16xf32>
        %add3A_1800 = arith.addf %add3A_1656, %mul3A_1799 : vector<16xf32>
        %mul3A_1801 = arith.constant 16 : i32
        %mul3A_1802 = arith.muli %scan3A_111, %mul3A_1801 : i32
        %add3A_1803 = arith.constant 8 : i32
        %add3A_1804 = arith.addi %mul3A_1802, %add3A_1803 : i32
        %add3A_1805 = arith.constant 1 : i32
        %add3A_1806 = arith.addi %add3A_1804, %add3A_1805 : i32
        %get3A_1807 = arith.constant 0 : i32
        %get3A_1808 = arith.index_cast %get3A_1807 : i32 to index
        %get3A_1809 = arith.index_cast %add3A_1806 : i32 to index
        %get3A_1810 = arith.constant 112 : index
        %get3A_1811 = tpu.vector_load %arg9[%get3A_1808, %get3A_1809, %get3A_1810] {strides = array<i32>} : memref<2x64x128xf32, #tpu.memory_space<vmem>>, vector<16xf32>,
        %get3A_1812 = arith.constant 0 : i32
        %get3A_1813 = arith.index_cast %get3A_1812 : i32 to index
        %get3A_1814 = arith.index_cast %add3A_1806 : i32 to index
        %get3A_1815 = arith.constant 112 : index
        %get3A_1816 = tpu.vector_load %arg10[%get3A_1813, %get3A_1814, %get3A_1815] {strides = array<i32>} : memref<2x64x128xf32, #tpu.memory_space<vmem>>, vector<16xf32>,
        %mul3A_1817 = arith.mulf %get3A_1811, %get3A_1816 : vector<16xf32>
        %add3A_1818 = arith.addf %add3A_1674, %mul3A_1817 : vector<16xf32>
        %mul3A_1819 = arith.constant 16 : i32
        %mul3A_1820 = arith.muli %scan3A_111, %mul3A_1819 : i32
        %add3A_1821 = arith.constant 8 : i32
        %add3A_1822 = arith.addi %mul3A_1820, %add3A_1821 : i32
        %add3A_1823 = arith.constant 2 : i32
        %add3A_1824 = arith.addi %add3A_1822, %add3A_1823 : i32
        %get3A_1825 = arith.constant 0 : i32
        %get3A_1826 = arith.index_cast %get3A_1825 : i32 to index
        %get3A_1827 = arith.index_cast %add3A_1824 : i32 to index
        %get3A_1828 = arith.constant 112 : index
        %get3A_1829 = tpu.vector_load %arg9[%get3A_1826, %get3A_1827, %get3A_1828] {strides = array<i32>} : memref<2x64x128xf32, #tpu.memory_space<vmem>>, vector<16xf32>,
        %get3A_1830 = arith.constant 0 : i32
        %get3A_1831 = arith.index_cast %get3A_1830 : i32 to index
        %get3A_1832 = arith.index_cast %add3A_1824 : i32 to index
        %get3A_1833 = arith.constant 112 : index
        %get3A_1834 = tpu.vector_load %arg10[%get3A_1831, %get3A_1832, %get3A_1833] {strides = array<i32>} : memref<2x64x128xf32, #tpu.memory_space<vmem>>, vector<16xf32>,
        %mul3A_1835 = arith.mulf %get3A_1829, %get3A_1834 : vector<16xf32>
        %add3A_1836 = arith.addf %add3A_1692, %mul3A_1835 : vector<16xf32>
        %mul3A_1837 = arith.constant 16 : i32
        %mul3A_1838 = arith.muli %scan3A_111, %mul3A_1837 : i32
        %add3A_1839 = arith.constant 8 : i32
        %add3A_1840 = arith.addi %mul3A_1838, %add3A_1839 : i32
        %add3A_1841 = arith.constant 3 : i32
        %add3A_1842 = arith.addi %add3A_1840, %add3A_1841 : i32
        %get3A_1843 = arith.constant 0 : i32
        %get3A_1844 = arith.index_cast %get3A_1843 : i32 to index
        %get3A_1845 = arith.index_cast %add3A_1842 : i32 to index
        %get3A_1846 = arith.constant 112 : index
        %get3A_1847 = tpu.vector_load %arg9[%get3A_1844, %get3A_1845, %get3A_1846] {strides = array<i32>} : memref<2x64x128xf32, #tpu.memory_space<vmem>>, vector<16xf32>,
        %get3A_1848 = arith.constant 0 : i32
        %get3A_1849 = arith.index_cast %get3A_1848 : i32 to index
        %get3A_1850 = arith.index_cast %add3A_1842 : i32 to index
        %get3A_1851 = arith.constant 112 : index
        %get3A_1852 = tpu.vector_load %arg10[%get3A_1849, %get3A_1850, %get3A_1851] {strides = array<i32>} : memref<2x64x128xf32, #tpu.memory_space<vmem>>, vector<16xf32>,
        %mul3A_1853 = arith.mulf %get3A_1847, %get3A_1852 : vector<16xf32>
        %add3A_1854 = arith.addf %add3A_1710, %mul3A_1853 : vector<16xf32>
        %add3A_1855 = arith.addf %add3A_1728, %add3A_1800 : vector<16xf32>
        %swap3A_1856 = arith.constant 8 : i32
        %swap3A_1857 = arith.index_cast %swap3A_1856 : i32 to index
        %swap3A_1858 = arith.constant 0 : index
        %swap3A_1859 = tpu.vector_load %arg12[%swap3A_1857, %swap3A_1858] {strides = array<i32>} : memref<16x17xf32, #tpu.memory_space<vmem>>, vector<16xf32>,
        tpu.vector_store %arg12[%swap3A_1857, %swap3A_1858], %add3A_1855 {strides = array<i32>} : memref<16x17xf32, #tpu.memory_space<vmem>>, vector<16xf32>,
        %add3A_1860 = arith.addf %add3A_1746, %add3A_1818 : vector<16xf32>
        %swap3A_1861 = arith.constant 9 : i32
        %swap3A_1862 = arith.index_cast %swap3A_1861 : i32 to index
        %swap3A_1863 = arith.constant 0 : index
        %swap3A_1864 = tpu.vector_load %arg12[%swap3A_1862, %swap3A_1863] {strides = array<i32>} : memref<16x17xf32, #tpu.memory_space<vmem>>, vector<16xf32>,
        tpu.vector_store %arg12[%swap3A_1862, %swap3A_1863], %add3A_1860 {strides = array<i32>} : memref<16x17xf32, #tpu.memory_space<vmem>>, vector<16xf32>,
        %add3A_1865 = arith.addf %add3A_1764, %add3A_1836 : vector<16xf32>
        %swap3A_1866 = arith.constant 10 : i32
        %swap3A_1867 = arith.index_cast %swap3A_1866 : i32 to index
        %swap3A_1868 = arith.constant 0 : index
        %swap3A_1869 = tpu.vector_load %arg12[%swap3A_1867, %swap3A_1868] {strides = array<i32>} : memref<16x17xf32, #tpu.memory_space<vmem>>, vector<16xf32>,
        tpu.vector_store %arg12[%swap3A_1867, %swap3A_1868], %add3A_1865 {strides = array<i32>} : memref<16x17xf32, #tpu.memory_space<vmem>>, vector<16xf32>,
        %add3A_1870 = arith.addf %add3A_1782, %add3A_1854 : vector<16xf32>
        %swap3A_1871 = arith.constant 11 : i32
        %swap3A_1872 = arith.index_cast %swap3A_1871 : i32 to index
        %swap3A_1873 = arith.constant 0 : index
        %swap3A_1874 = tpu.vector_load %arg12[%swap3A_1872, %swap3A_1873] {strides = array<i32>} : memref<16x17xf32, #tpu.memory_space<vmem>>, vector<16xf32>,
        tpu.vector_store %arg12[%swap3A_1872, %swap3A_1873], %add3A_1870 {strides = array<i32>} : memref<16x17xf32, #tpu.memory_space<vmem>>, vector<16xf32>,
        %mul3A_1875 = arith.constant 16 : i32
        %mul3A_1876 = arith.muli %scan3A_111, %mul3A_1875 : i32
        %add3A_1877 = arith.constant 12 : i32
        %add3A_1878 = arith.addi %mul3A_1876, %add3A_1877 : i32
        %add3A_1879 = arith.constant 0 : i32
        %add3A_1880 = arith.addi %add3A_1878, %add3A_1879 : i32
        %get3A_1881 = arith.constant 0 : i32
        %get3A_1882 = arith.index_cast %get3A_1881 : i32 to index
        %get3A_1883 = arith.index_cast %add3A_1880 : i32 to index
        %get3A_1884 = arith.constant 0 : index
        %get3A_1885 = tpu.vector_load %arg9[%get3A_1882, %get3A_1883, %get3A_1884] {strides = array<i32>} : memref<2x64x128xf32, #tpu.memory_space<vmem>>, vector<16xf32>,
        %get3A_1886 = arith.constant 0 : i32
        %get3A_1887 = arith.index_cast %get3A_1886 : i32 to index
        %get3A_1888 = arith.index_cast %add3A_1880 : i32 to index
        %get3A_1889 = arith.constant 0 : index
        %get3A_1890 = tpu.vector_load %arg10[%get3A_1887, %get3A_1888, %get3A_1889] {strides = array<i32>} : memref<2x64x128xf32, #tpu.memory_space<vmem>>, vector<16xf32>,
        %mul3A_1891 = arith.mulf %get3A_1885, %get3A_1890 : vector<16xf32>
        %mul3A_1892 = arith.constant 16 : i32
        %mul3A_1893 = arith.muli %scan3A_111, %mul3A_1892 : i32
        %add3A_1894 = arith.constant 12 : i32
        %add3A_1895 = arith.addi %mul3A_1893, %add3A_1894 : i32
        %add3A_1896 = arith.constant 1 : i32
        %add3A_1897 = arith.addi %add3A_1895, %add3A_1896 : i32
        %get3A_1898 = arith.constant 0 : i32
        %get3A_1899 = arith.index_cast %get3A_1898 : i32 to index
        %get3A_1900 = arith.index_cast %add3A_1897 : i32 to index
        %get3A_1901 = arith.constant 0 : index
        %get3A_1902 = tpu.vector_load %arg9[%get3A_1899, %get3A_1900, %get3A_1901] {strides = array<i32>} : memref<2x64x128xf32, #tpu.memory_space<vmem>>, vector<16xf32>,
        %get3A_1903 = arith.constant 0 : i32
        %get3A_1904 = arith.index_cast %get3A_1903 : i32 to index
        %get3A_1905 = arith.index_cast %add3A_1897 : i32 to index
        %get3A_1906 = arith.constant 0 : index
        %get3A_1907 = tpu.vector_load %arg10[%get3A_1904, %get3A_1905, %get3A_1906] {strides = array<i32>} : memref<2x64x128xf32, #tpu.memory_space<vmem>>, vector<16xf32>,
        %mul3A_1908 = arith.mulf %get3A_1902, %get3A_1907 : vector<16xf32>
        %mul3A_1909 = arith.constant 16 : i32
        %mul3A_1910 = arith.muli %scan3A_111, %mul3A_1909 : i32
        %add3A_1911 = arith.constant 12 : i32
        %add3A_1912 = arith.addi %mul3A_1910, %add3A_1911 : i32
        %add3A_1913 = arith.constant 2 : i32
        %add3A_1914 = arith.addi %add3A_1912, %add3A_1913 : i32
        %get3A_1915 = arith.constant 0 : i32
        %get3A_1916 = arith.index_cast %get3A_1915 : i32 to index
        %get3A_1917 = arith.index_cast %add3A_1914 : i32 to index
        %get3A_1918 = arith.constant 0 : index
        %get3A_1919 = tpu.vector_load %arg9[%get3A_1916, %get3A_1917, %get3A_1918] {strides = array<i32>} : memref<2x64x128xf32, #tpu.memory_space<vmem>>, vector<16xf32>,
        %get3A_1920 = arith.constant 0 : i32
        %get3A_1921 = arith.index_cast %get3A_1920 : i32 to index
        %get3A_1922 = arith.index_cast %add3A_1914 : i32 to index
        %get3A_1923 = arith.constant 0 : index
        %get3A_1924 = tpu.vector_load %arg10[%get3A_1921, %get3A_1922, %get3A_1923] {strides = array<i32>} : memref<2x64x128xf32, #tpu.memory_space<vmem>>, vector<16xf32>,
        %mul3A_1925 = arith.mulf %get3A_1919, %get3A_1924 : vector<16xf32>
        %mul3A_1926 = arith.constant 16 : i32
        %mul3A_1927 = arith.muli %scan3A_111, %mul3A_1926 : i32
        %add3A_1928 = arith.constant 12 : i32
        %add3A_1929 = arith.addi %mul3A_1927, %add3A_1928 : i32
        %add3A_1930 = arith.constant 3 : i32
        %add3A_1931 = arith.addi %add3A_1929, %add3A_1930 : i32
        %get3A_1932 = arith.constant 0 : i32
        %get3A_1933 = arith.index_cast %get3A_1932 : i32 to index
        %get3A_1934 = arith.index_cast %add3A_1931 : i32 to index
        %get3A_1935 = arith.constant 0 : index
        %get3A_1936 = tpu.vector_load %arg9[%get3A_1933, %get3A_1934, %get3A_1935] {strides = array<i32>} : memref<2x64x128xf32, #tpu.memory_space<vmem>>, vector<16xf32>,
        %get3A_1937 = arith.constant 0 : i32
        %get3A_1938 = arith.index_cast %get3A_1937 : i32 to index
        %get3A_1939 = arith.index_cast %add3A_1931 : i32 to index
        %get3A_1940 = arith.constant 0 : index
        %get3A_1941 = tpu.vector_load %arg10[%get3A_1938, %get3A_1939, %get3A_1940] {strides = array<i32>} : memref<2x64x128xf32, #tpu.memory_space<vmem>>, vector<16xf32>,
        %mul3A_1942 = arith.mulf %get3A_1936, %get3A_1941 : vector<16xf32>
        %mul3A_1943 = arith.constant 16 : i32
        %mul3A_1944 = arith.muli %scan3A_111, %mul3A_1943 : i32
        %add3A_1945 = arith.constant 12 : i32
        %add3A_1946 = arith.addi %mul3A_1944, %add3A_1945 : i32
        %add3A_1947 = arith.constant 0 : i32
        %add3A_1948 = arith.addi %add3A_1946, %add3A_1947 : i32
        %get3A_1949 = arith.constant 0 : i32
        %get3A_1950 = arith.index_cast %get3A_1949 : i32 to index
        %get3A_1951 = arith.index_cast %add3A_1948 : i32 to index
        %get3A_1952 = arith.constant 16 : index
        %get3A_1953 = tpu.vector_load %arg9[%get3A_1950, %get3A_1951, %get3A_1952] {strides = array<i32>} : memref<2x64x128xf32, #tpu.memory_space<vmem>>, vector<16xf32>,
        %get3A_1954 = arith.constant 0 : i32
        %get3A_1955 = arith.index_cast %get3A_1954 : i32 to index
        %get3A_1956 = arith.index_cast %add3A_1948 : i32 to index
        %get3A_1957 = arith.constant 16 : index
        %get3A_1958 = tpu.vector_load %arg10[%get3A_1955, %get3A_1956, %get3A_1957] {strides = array<i32>} : memref<2x64x128xf32, #tpu.memory_space<vmem>>, vector<16xf32>,
        %mul3A_1959 = arith.mulf %get3A_1953, %get3A_1958 : vector<16xf32>
        %mul3A_1960 = arith.constant 16 : i32
        %mul3A_1961 = arith.muli %scan3A_111, %mul3A_1960 : i32
        %add3A_1962 = arith.constant 12 : i32
        %add3A_1963 = arith.addi %mul3A_1961, %add3A_1962 : i32
        %add3A_1964 = arith.constant 1 : i32
        %add3A_1965 = arith.addi %add3A_1963, %add3A_1964 : i32
        %get3A_1966 = arith.constant 0 : i32
        %get3A_1967 = arith.index_cast %get3A_1966 : i32 to index
        %get3A_1968 = arith.index_cast %add3A_1965 : i32 to index
        %get3A_1969 = arith.constant 16 : index
        %get3A_1970 = tpu.vector_load %arg9[%get3A_1967, %get3A_1968, %get3A_1969] {strides = array<i32>} : memref<2x64x128xf32, #tpu.memory_space<vmem>>, vector<16xf32>,
        %get3A_1971 = arith.constant 0 : i32
        %get3A_1972 = arith.index_cast %get3A_1971 : i32 to index
        %get3A_1973 = arith.index_cast %add3A_1965 : i32 to index
        %get3A_1974 = arith.constant 16 : index
        %get3A_1975 = tpu.vector_load %arg10[%get3A_1972, %get3A_1973, %get3A_1974] {strides = array<i32>} : memref<2x64x128xf32, #tpu.memory_space<vmem>>, vector<16xf32>,
        %mul3A_1976 = arith.mulf %get3A_1970, %get3A_1975 : vector<16xf32>
        %mul3A_1977 = arith.constant 16 : i32
        %mul3A_1978 = arith.muli %scan3A_111, %mul3A_1977 : i32
        %add3A_1979 = arith.constant 12 : i32
        %add3A_1980 = arith.addi %mul3A_1978, %add3A_1979 : i32
        %add3A_1981 = arith.constant 2 : i32
        %add3A_1982 = arith.addi %add3A_1980, %add3A_1981 : i32
        %get3A_1983 = arith.constant 0 : i32
        %get3A_1984 = arith.index_cast %get3A_1983 : i32 to index
        %get3A_1985 = arith.index_cast %add3A_1982 : i32 to index
        %get3A_1986 = arith.constant 16 : index
        %get3A_1987 = tpu.vector_load %arg9[%get3A_1984, %get3A_1985, %get3A_1986] {strides = array<i32>} : memref<2x64x128xf32, #tpu.memory_space<vmem>>, vector<16xf32>,
        %get3A_1988 = arith.constant 0 : i32
        %get3A_1989 = arith.index_cast %get3A_1988 : i32 to index
        %get3A_1990 = arith.index_cast %add3A_1982 : i32 to index
        %get3A_1991 = arith.constant 16 : index
        %get3A_1992 = tpu.vector_load %arg10[%get3A_1989, %get3A_1990, %get3A_1991] {strides = array<i32>} : memref<2x64x128xf32, #tpu.memory_space<vmem>>, vector<16xf32>,
        %mul3A_1993 = arith.mulf %get3A_1987, %get3A_1992 : vector<16xf32>
        %mul3A_1994 = arith.constant 16 : i32
        %mul3A_1995 = arith.muli %scan3A_111, %mul3A_1994 : i32
        %add3A_1996 = arith.constant 12 : i32
        %add3A_1997 = arith.addi %mul3A_1995, %add3A_1996 : i32
        %add3A_1998 = arith.constant 3 : i32
        %add3A_1999 = arith.addi %add3A_1997, %add3A_1998 : i32
        %get3A_2000 = arith.constant 0 : i32
        %get3A_2001 = arith.index_cast %get3A_2000 : i32 to index
        %get3A_2002 = arith.index_cast %add3A_1999 : i32 to index
        %get3A_2003 = arith.constant 16 : index
        %get3A_2004 = tpu.vector_load %arg9[%get3A_2001, %get3A_2002, %get3A_2003] {strides = array<i32>} : memref<2x64x128xf32, #tpu.memory_space<vmem>>, vector<16xf32>,
        %get3A_2005 = arith.constant 0 : i32
        %get3A_2006 = arith.index_cast %get3A_2005 : i32 to index
        %get3A_2007 = arith.index_cast %add3A_1999 : i32 to index
        %get3A_2008 = arith.constant 16 : index
        %get3A_2009 = tpu.vector_load %arg10[%get3A_2006, %get3A_2007, %get3A_2008] {strides = array<i32>} : memref<2x64x128xf32, #tpu.memory_space<vmem>>, vector<16xf32>,
        %mul3A_2010 = arith.mulf %get3A_2004, %get3A_2009 : vector<16xf32>
        %mul3A_2011 = arith.constant 16 : i32
        %mul3A_2012 = arith.muli %scan3A_111, %mul3A_2011 : i32
        %add3A_2013 = arith.constant 12 : i32
        %add3A_2014 = arith.addi %mul3A_2012, %add3A_2013 : i32
        %add3A_2015 = arith.constant 0 : i32
        %add3A_2016 = arith.addi %add3A_2014, %add3A_2015 : i32
        %get3A_2017 = arith.constant 0 : i32
        %get3A_2018 = arith.index_cast %get3A_2017 : i32 to index
        %get3A_2019 = arith.index_cast %add3A_2016 : i32 to index
        %get3A_2020 = arith.constant 32 : index
        %get3A_2021 = tpu.vector_load %arg9[%get3A_2018, %get3A_2019, %get3A_2020] {strides = array<i32>} : memref<2x64x128xf32, #tpu.memory_space<vmem>>, vector<16xf32>,
        %get3A_2022 = arith.constant 0 : i32
        %get3A_2023 = arith.index_cast %get3A_2022 : i32 to index
        %get3A_2024 = arith.index_cast %add3A_2016 : i32 to index
        %get3A_2025 = arith.constant 32 : index
        %get3A_2026 = tpu.vector_load %arg10[%get3A_2023, %get3A_2024, %get3A_2025] {strides = array<i32>} : memref<2x64x128xf32, #tpu.memory_space<vmem>>, vector<16xf32>,
        %mul3A_2027 = arith.mulf %get3A_2021, %get3A_2026 : vector<16xf32>
        %add3A_2028 = arith.addf %mul3A_1891, %mul3A_2027 : vector<16xf32>
        %mul3A_2029 = arith.constant 16 : i32
        %mul3A_2030 = arith.muli %scan3A_111, %mul3A_2029 : i32
        %add3A_2031 = arith.constant 12 : i32
        %add3A_2032 = arith.addi %mul3A_2030, %add3A_2031 : i32
        %add3A_2033 = arith.constant 1 : i32
        %add3A_2034 = arith.addi %add3A_2032, %add3A_2033 : i32
        %get3A_2035 = arith.constant 0 : i32
        %get3A_2036 = arith.index_cast %get3A_2035 : i32 to index
        %get3A_2037 = arith.index_cast %add3A_2034 : i32 to index
        %get3A_2038 = arith.constant 32 : index
        %get3A_2039 = tpu.vector_load %arg9[%get3A_2036, %get3A_2037, %get3A_2038] {strides = array<i32>} : memref<2x64x128xf32, #tpu.memory_space<vmem>>, vector<16xf32>,
        %get3A_2040 = arith.constant 0 : i32
        %get3A_2041 = arith.index_cast %get3A_2040 : i32 to index
        %get3A_2042 = arith.index_cast %add3A_2034 : i32 to index
        %get3A_2043 = arith.constant 32 : index
        %get3A_2044 = tpu.vector_load %arg10[%get3A_2041, %get3A_2042, %get3A_2043] {strides = array<i32>} : memref<2x64x128xf32, #tpu.memory_space<vmem>>, vector<16xf32>,
        %mul3A_2045 = arith.mulf %get3A_2039, %get3A_2044 : vector<16xf32>
        %add3A_2046 = arith.addf %mul3A_1908, %mul3A_2045 : vector<16xf32>
        %mul3A_2047 = arith.constant 16 : i32
        %mul3A_2048 = arith.muli %scan3A_111, %mul3A_2047 : i32
        %add3A_2049 = arith.constant 12 : i32
        %add3A_2050 = arith.addi %mul3A_2048, %add3A_2049 : i32
        %add3A_2051 = arith.constant 2 : i32
        %add3A_2052 = arith.addi %add3A_2050, %add3A_2051 : i32
        %get3A_2053 = arith.constant 0 : i32
        %get3A_2054 = arith.index_cast %get3A_2053 : i32 to index
        %get3A_2055 = arith.index_cast %add3A_2052 : i32 to index
        %get3A_2056 = arith.constant 32 : index
        %get3A_2057 = tpu.vector_load %arg9[%get3A_2054, %get3A_2055, %get3A_2056] {strides = array<i32>} : memref<2x64x128xf32, #tpu.memory_space<vmem>>, vector<16xf32>,
        %get3A_2058 = arith.constant 0 : i32
        %get3A_2059 = arith.index_cast %get3A_2058 : i32 to index
        %get3A_2060 = arith.index_cast %add3A_2052 : i32 to index
        %get3A_2061 = arith.constant 32 : index
        %get3A_2062 = tpu.vector_load %arg10[%get3A_2059, %get3A_2060, %get3A_2061] {strides = array<i32>} : memref<2x64x128xf32, #tpu.memory_space<vmem>>, vector<16xf32>,
        %mul3A_2063 = arith.mulf %get3A_2057, %get3A_2062 : vector<16xf32>
        %add3A_2064 = arith.addf %mul3A_1925, %mul3A_2063 : vector<16xf32>
        %mul3A_2065 = arith.constant 16 : i32
        %mul3A_2066 = arith.muli %scan3A_111, %mul3A_2065 : i32
        %add3A_2067 = arith.constant 12 : i32
        %add3A_2068 = arith.addi %mul3A_2066, %add3A_2067 : i32
        %add3A_2069 = arith.constant 3 : i32
        %add3A_2070 = arith.addi %add3A_2068, %add3A_2069 : i32
        %get3A_2071 = arith.constant 0 : i32
        %get3A_2072 = arith.index_cast %get3A_2071 : i32 to index
        %get3A_2073 = arith.index_cast %add3A_2070 : i32 to index
        %get3A_2074 = arith.constant 32 : index
        %get3A_2075 = tpu.vector_load %arg9[%get3A_2072, %get3A_2073, %get3A_2074] {strides = array<i32>} : memref<2x64x128xf32, #tpu.memory_space<vmem>>, vector<16xf32>,
        %get3A_2076 = arith.constant 0 : i32
        %get3A_2077 = arith.index_cast %get3A_2076 : i32 to index
        %get3A_2078 = arith.index_cast %add3A_2070 : i32 to index
        %get3A_2079 = arith.constant 32 : index
        %get3A_2080 = tpu.vector_load %arg10[%get3A_2077, %get3A_2078, %get3A_2079] {strides = array<i32>} : memref<2x64x128xf32, #tpu.memory_space<vmem>>, vector<16xf32>,
        %mul3A_2081 = arith.mulf %get3A_2075, %get3A_2080 : vector<16xf32>
        %add3A_2082 = arith.addf %mul3A_1942, %mul3A_2081 : vector<16xf32>
        %mul3A_2083 = arith.constant 16 : i32
        %mul3A_2084 = arith.muli %scan3A_111, %mul3A_2083 : i32
        %add3A_2085 = arith.constant 12 : i32
        %add3A_2086 = arith.addi %mul3A_2084, %add3A_2085 : i32
        %add3A_2087 = arith.constant 0 : i32
        %add3A_2088 = arith.addi %add3A_2086, %add3A_2087 : i32
        %get3A_2089 = arith.constant 0 : i32
        %get3A_2090 = arith.index_cast %get3A_2089 : i32 to index
        %get3A_2091 = arith.index_cast %add3A_2088 : i32 to index
        %get3A_2092 = arith.constant 48 : index
        %get3A_2093 = tpu.vector_load %arg9[%get3A_2090, %get3A_2091, %get3A_2092] {strides = array<i32>} : memref<2x64x128xf32, #tpu.memory_space<vmem>>, vector<16xf32>,
        %get3A_2094 = arith.constant 0 : i32
        %get3A_2095 = arith.index_cast %get3A_2094 : i32 to index
        %get3A_2096 = arith.index_cast %add3A_2088 : i32 to index
        %get3A_2097 = arith.constant 48 : index
        %get3A_2098 = tpu.vector_load %arg10[%get3A_2095, %get3A_2096, %get3A_2097] {strides = array<i32>} : memref<2x64x128xf32, #tpu.memory_space<vmem>>, vector<16xf32>,
        %mul3A_2099 = arith.mulf %get3A_2093, %get3A_2098 : vector<16xf32>
        %add3A_2100 = arith.addf %mul3A_1959, %mul3A_2099 : vector<16xf32>
        %mul3A_2101 = arith.constant 16 : i32
        %mul3A_2102 = arith.muli %scan3A_111, %mul3A_2101 : i32
        %add3A_2103 = arith.constant 12 : i32
        %add3A_2104 = arith.addi %mul3A_2102, %add3A_2103 : i32
        %add3A_2105 = arith.constant 1 : i32
        %add3A_2106 = arith.addi %add3A_2104, %add3A_2105 : i32
        %get3A_2107 = arith.constant 0 : i32
        %get3A_2108 = arith.index_cast %get3A_2107 : i32 to index
        %get3A_2109 = arith.index_cast %add3A_2106 : i32 to index
        %get3A_2110 = arith.constant 48 : index
        %get3A_2111 = tpu.vector_load %arg9[%get3A_2108, %get3A_2109, %get3A_2110] {strides = array<i32>} : memref<2x64x128xf32, #tpu.memory_space<vmem>>, vector<16xf32>,
        %get3A_2112 = arith.constant 0 : i32
        %get3A_2113 = arith.index_cast %get3A_2112 : i32 to index
        %get3A_2114 = arith.index_cast %add3A_2106 : i32 to index
        %get3A_2115 = arith.constant 48 : index
        %get3A_2116 = tpu.vector_load %arg10[%get3A_2113, %get3A_2114, %get3A_2115] {strides = array<i32>} : memref<2x64x128xf32, #tpu.memory_space<vmem>>, vector<16xf32>,
        %mul3A_2117 = arith.mulf %get3A_2111, %get3A_2116 : vector<16xf32>
        %add3A_2118 = arith.addf %mul3A_1976, %mul3A_2117 : vector<16xf32>
        %mul3A_2119 = arith.constant 16 : i32
        %mul3A_2120 = arith.muli %scan3A_111, %mul3A_2119 : i32
        %add3A_2121 = arith.constant 12 : i32
        %add3A_2122 = arith.addi %mul3A_2120, %add3A_2121 : i32
        %add3A_2123 = arith.constant 2 : i32
        %add3A_2124 = arith.addi %add3A_2122, %add3A_2123 : i32
        %get3A_2125 = arith.constant 0 : i32
        %get3A_2126 = arith.index_cast %get3A_2125 : i32 to index
        %get3A_2127 = arith.index_cast %add3A_2124 : i32 to index
        %get3A_2128 = arith.constant 48 : index
        %get3A_2129 = tpu.vector_load %arg9[%get3A_2126, %get3A_2127, %get3A_2128] {strides = array<i32>} : memref<2x64x128xf32, #tpu.memory_space<vmem>>, vector<16xf32>,
        %get3A_2130 = arith.constant 0 : i32
        %get3A_2131 = arith.index_cast %get3A_2130 : i32 to index
        %get3A_2132 = arith.index_cast %add3A_2124 : i32 to index
        %get3A_2133 = arith.constant 48 : index
        %get3A_2134 = tpu.vector_load %arg10[%get3A_2131, %get3A_2132, %get3A_2133] {strides = array<i32>} : memref<2x64x128xf32, #tpu.memory_space<vmem>>, vector<16xf32>,
        %mul3A_2135 = arith.mulf %get3A_2129, %get3A_2134 : vector<16xf32>
        %add3A_2136 = arith.addf %mul3A_1993, %mul3A_2135 : vector<16xf32>
        %mul3A_2137 = arith.constant 16 : i32
        %mul3A_2138 = arith.muli %scan3A_111, %mul3A_2137 : i32
        %add3A_2139 = arith.constant 12 : i32
        %add3A_2140 = arith.addi %mul3A_2138, %add3A_2139 : i32
        %add3A_2141 = arith.constant 3 : i32
        %add3A_2142 = arith.addi %add3A_2140, %add3A_2141 : i32
        %get3A_2143 = arith.constant 0 : i32
        %get3A_2144 = arith.index_cast %get3A_2143 : i32 to index
        %get3A_2145 = arith.index_cast %add3A_2142 : i32 to index
        %get3A_2146 = arith.constant 48 : index
        %get3A_2147 = tpu.vector_load %arg9[%get3A_2144, %get3A_2145, %get3A_2146] {strides = array<i32>} : memref<2x64x128xf32, #tpu.memory_space<vmem>>, vector<16xf32>,
        %get3A_2148 = arith.constant 0 : i32
        %get3A_2149 = arith.index_cast %get3A_2148 : i32 to index
        %get3A_2150 = arith.index_cast %add3A_2142 : i32 to index
        %get3A_2151 = arith.constant 48 : index
        %get3A_2152 = tpu.vector_load %arg10[%get3A_2149, %get3A_2150, %get3A_2151] {strides = array<i32>} : memref<2x64x128xf32, #tpu.memory_space<vmem>>, vector<16xf32>,
        %mul3A_2153 = arith.mulf %get3A_2147, %get3A_2152 : vector<16xf32>
        %add3A_2154 = arith.addf %mul3A_2010, %mul3A_2153 : vector<16xf32>
        %mul3A_2155 = arith.constant 16 : i32
        %mul3A_2156 = arith.muli %scan3A_111, %mul3A_2155 : i32
        %add3A_2157 = arith.constant 12 : i32
        %add3A_2158 = arith.addi %mul3A_2156, %add3A_2157 : i32
        %add3A_2159 = arith.constant 0 : i32
        %add3A_2160 = arith.addi %add3A_2158, %add3A_2159 : i32
        %get3A_2161 = arith.constant 0 : i32
        %get3A_2162 = arith.index_cast %get3A_2161 : i32 to index
        %get3A_2163 = arith.index_cast %add3A_2160 : i32 to index
        %get3A_2164 = arith.constant 64 : index
        %get3A_2165 = tpu.vector_load %arg9[%get3A_2162, %get3A_2163, %get3A_2164] {strides = array<i32>} : memref<2x64x128xf32, #tpu.memory_space<vmem>>, vector<16xf32>,
        %get3A_2166 = arith.constant 0 : i32
        %get3A_2167 = arith.index_cast %get3A_2166 : i32 to index
        %get3A_2168 = arith.index_cast %add3A_2160 : i32 to index
        %get3A_2169 = arith.constant 64 : index
        %get3A_2170 = tpu.vector_load %arg10[%get3A_2167, %get3A_2168, %get3A_2169] {strides = array<i32>} : memref<2x64x128xf32, #tpu.memory_space<vmem>>, vector<16xf32>,
        %mul3A_2171 = arith.mulf %get3A_2165, %get3A_2170 : vector<16xf32>
        %add3A_2172 = arith.addf %add3A_2028, %mul3A_2171 : vector<16xf32>
        %mul3A_2173 = arith.constant 16 : i32
        %mul3A_2174 = arith.muli %scan3A_111, %mul3A_2173 : i32
        %add3A_2175 = arith.constant 12 : i32
        %add3A_2176 = arith.addi %mul3A_2174, %add3A_2175 : i32
        %add3A_2177 = arith.constant 1 : i32
        %add3A_2178 = arith.addi %add3A_2176, %add3A_2177 : i32
        %get3A_2179 = arith.constant 0 : i32
        %get3A_2180 = arith.index_cast %get3A_2179 : i32 to index
        %get3A_2181 = arith.index_cast %add3A_2178 : i32 to index
        %get3A_2182 = arith.constant 64 : index
        %get3A_2183 = tpu.vector_load %arg9[%get3A_2180, %get3A_2181, %get3A_2182] {strides = array<i32>} : memref<2x64x128xf32, #tpu.memory_space<vmem>>, vector<16xf32>,
        %get3A_2184 = arith.constant 0 : i32
        %get3A_2185 = arith.index_cast %get3A_2184 : i32 to index
        %get3A_2186 = arith.index_cast %add3A_2178 : i32 to index
        %get3A_2187 = arith.constant 64 : index
        %get3A_2188 = tpu.vector_load %arg10[%get3A_2185, %get3A_2186, %get3A_2187] {strides = array<i32>} : memref<2x64x128xf32, #tpu.memory_space<vmem>>, vector<16xf32>,
        %mul3A_2189 = arith.mulf %get3A_2183, %get3A_2188 : vector<16xf32>
        %add3A_2190 = arith.addf %add3A_2046, %mul3A_2189 : vector<16xf32>
        %mul3A_2191 = arith.constant 16 : i32
        %mul3A_2192 = arith.muli %scan3A_111, %mul3A_2191 : i32
        %add3A_2193 = arith.constant 12 : i32
        %add3A_2194 = arith.addi %mul3A_2192, %add3A_2193 : i32
        %add3A_2195 = arith.constant 2 : i32
        %add3A_2196 = arith.addi %add3A_2194, %add3A_2195 : i32
        %get3A_2197 = arith.constant 0 : i32
        %get3A_2198 = arith.index_cast %get3A_2197 : i32 to index
        %get3A_2199 = arith.index_cast %add3A_2196 : i32 to index
        %get3A_2200 = arith.constant 64 : index
        %get3A_2201 = tpu.vector_load %arg9[%get3A_2198, %get3A_2199, %get3A_2200] {strides = array<i32>} : memref<2x64x128xf32, #tpu.memory_space<vmem>>, vector<16xf32>,
        %get3A_2202 = arith.constant 0 : i32
        %get3A_2203 = arith.index_cast %get3A_2202 : i32 to index
        %get3A_2204 = arith.index_cast %add3A_2196 : i32 to index
        %get3A_2205 = arith.constant 64 : index
        %get3A_2206 = tpu.vector_load %arg10[%get3A_2203, %get3A_2204, %get3A_2205] {strides = array<i32>} : memref<2x64x128xf32, #tpu.memory_space<vmem>>, vector<16xf32>,
        %mul3A_2207 = arith.mulf %get3A_2201, %get3A_2206 : vector<16xf32>
        %add3A_2208 = arith.addf %add3A_2064, %mul3A_2207 : vector<16xf32>
        %mul3A_2209 = arith.constant 16 : i32
        %mul3A_2210 = arith.muli %scan3A_111, %mul3A_2209 : i32
        %add3A_2211 = arith.constant 12 : i32
        %add3A_2212 = arith.addi %mul3A_2210, %add3A_2211 : i32
        %add3A_2213 = arith.constant 3 : i32
        %add3A_2214 = arith.addi %add3A_2212, %add3A_2213 : i32
        %get3A_2215 = arith.constant 0 : i32
        %get3A_2216 = arith.index_cast %get3A_2215 : i32 to index
        %get3A_2217 = arith.index_cast %add3A_2214 : i32 to index
        %get3A_2218 = arith.constant 64 : index
        %get3A_2219 = tpu.vector_load %arg9[%get3A_2216, %get3A_2217, %get3A_2218] {strides = array<i32>} : memref<2x64x128xf32, #tpu.memory_space<vmem>>, vector<16xf32>,
        %get3A_2220 = arith.constant 0 : i32
        %get3A_2221 = arith.index_cast %get3A_2220 : i32 to index
        %get3A_2222 = arith.index_cast %add3A_2214 : i32 to index
        %get3A_2223 = arith.constant 64 : index
        %get3A_2224 = tpu.vector_load %arg10[%get3A_2221, %get3A_2222, %get3A_2223] {strides = array<i32>} : memref<2x64x128xf32, #tpu.memory_space<vmem>>, vector<16xf32>,
        %mul3A_2225 = arith.mulf %get3A_2219, %get3A_2224 : vector<16xf32>
        %add3A_2226 = arith.addf %add3A_2082, %mul3A_2225 : vector<16xf32>
        %mul3A_2227 = arith.constant 16 : i32
        %mul3A_2228 = arith.muli %scan3A_111, %mul3A_2227 : i32
        %add3A_2229 = arith.constant 12 : i32
        %add3A_2230 = arith.addi %mul3A_2228, %add3A_2229 : i32
        %add3A_2231 = arith.constant 0 : i32
        %add3A_2232 = arith.addi %add3A_2230, %add3A_2231 : i32
        %get3A_2233 = arith.constant 0 : i32
        %get3A_2234 = arith.index_cast %get3A_2233 : i32 to index
        %get3A_2235 = arith.index_cast %add3A_2232 : i32 to index
        %get3A_2236 = arith.constant 80 : index
        %get3A_2237 = tpu.vector_load %arg9[%get3A_2234, %get3A_2235, %get3A_2236] {strides = array<i32>} : memref<2x64x128xf32, #tpu.memory_space<vmem>>, vector<16xf32>,
        %get3A_2238 = arith.constant 0 : i32
        %get3A_2239 = arith.index_cast %get3A_2238 : i32 to index
        %get3A_2240 = arith.index_cast %add3A_2232 : i32 to index
        %get3A_2241 = arith.constant 80 : index
        %get3A_2242 = tpu.vector_load %arg10[%get3A_2239, %get3A_2240, %get3A_2241] {strides = array<i32>} : memref<2x64x128xf32, #tpu.memory_space<vmem>>, vector<16xf32>,
        %mul3A_2243 = arith.mulf %get3A_2237, %get3A_2242 : vector<16xf32>
        %add3A_2244 = arith.addf %add3A_2100, %mul3A_2243 : vector<16xf32>
        %mul3A_2245 = arith.constant 16 : i32
        %mul3A_2246 = arith.muli %scan3A_111, %mul3A_2245 : i32
        %add3A_2247 = arith.constant 12 : i32
        %add3A_2248 = arith.addi %mul3A_2246, %add3A_2247 : i32
        %add3A_2249 = arith.constant 1 : i32
        %add3A_2250 = arith.addi %add3A_2248, %add3A_2249 : i32
        %get3A_2251 = arith.constant 0 : i32
        %get3A_2252 = arith.index_cast %get3A_2251 : i32 to index
        %get3A_2253 = arith.index_cast %add3A_2250 : i32 to index
        %get3A_2254 = arith.constant 80 : index
        %get3A_2255 = tpu.vector_load %arg9[%get3A_2252, %get3A_2253, %get3A_2254] {strides = array<i32>} : memref<2x64x128xf32, #tpu.memory_space<vmem>>, vector<16xf32>,
        %get3A_2256 = arith.constant 0 : i32
        %get3A_2257 = arith.index_cast %get3A_2256 : i32 to index
        %get3A_2258 = arith.index_cast %add3A_2250 : i32 to index
        %get3A_2259 = arith.constant 80 : index
        %get3A_2260 = tpu.vector_load %arg10[%get3A_2257, %get3A_2258, %get3A_2259] {strides = array<i32>} : memref<2x64x128xf32, #tpu.memory_space<vmem>>, vector<16xf32>,
        %mul3A_2261 = arith.mulf %get3A_2255, %get3A_2260 : vector<16xf32>
        %add3A_2262 = arith.addf %add3A_2118, %mul3A_2261 : vector<16xf32>
        %mul3A_2263 = arith.constant 16 : i32
        %mul3A_2264 = arith.muli %scan3A_111, %mul3A_2263 : i32
        %add3A_2265 = arith.constant 12 : i32
        %add3A_2266 = arith.addi %mul3A_2264, %add3A_2265 : i32
        %add3A_2267 = arith.constant 2 : i32
        %add3A_2268 = arith.addi %add3A_2266, %add3A_2267 : i32
        %get3A_2269 = arith.constant 0 : i32
        %get3A_2270 = arith.index_cast %get3A_2269 : i32 to index
        %get3A_2271 = arith.index_cast %add3A_2268 : i32 to index
        %get3A_2272 = arith.constant 80 : index
        %get3A_2273 = tpu.vector_load %arg9[%get3A_2270, %get3A_2271, %get3A_2272] {strides = array<i32>} : memref<2x64x128xf32, #tpu.memory_space<vmem>>, vector<16xf32>,
        %get3A_2274 = arith.constant 0 : i32
        %get3A_2275 = arith.index_cast %get3A_2274 : i32 to index
        %get3A_2276 = arith.index_cast %add3A_2268 : i32 to index
        %get3A_2277 = arith.constant 80 : index
        %get3A_2278 = tpu.vector_load %arg10[%get3A_2275, %get3A_2276, %get3A_2277] {strides = array<i32>} : memref<2x64x128xf32, #tpu.memory_space<vmem>>, vector<16xf32>,
        %mul3A_2279 = arith.mulf %get3A_2273, %get3A_2278 : vector<16xf32>
        %add3A_2280 = arith.addf %add3A_2136, %mul3A_2279 : vector<16xf32>
        %mul3A_2281 = arith.constant 16 : i32
        %mul3A_2282 = arith.muli %scan3A_111, %mul3A_2281 : i32
        %add3A_2283 = arith.constant 12 : i32
        %add3A_2284 = arith.addi %mul3A_2282, %add3A_2283 : i32
        %add3A_2285 = arith.constant 3 : i32
        %add3A_2286 = arith.addi %add3A_2284, %add3A_2285 : i32
        %get3A_2287 = arith.constant 0 : i32
        %get3A_2288 = arith.index_cast %get3A_2287 : i32 to index
        %get3A_2289 = arith.index_cast %add3A_2286 : i32 to index
        %get3A_2290 = arith.constant 80 : index
        %get3A_2291 = tpu.vector_load %arg9[%get3A_2288, %get3A_2289, %get3A_2290] {strides = array<i32>} : memref<2x64x128xf32, #tpu.memory_space<vmem>>, vector<16xf32>,
        %get3A_2292 = arith.constant 0 : i32
        %get3A_2293 = arith.index_cast %get3A_2292 : i32 to index
        %get3A_2294 = arith.index_cast %add3A_2286 : i32 to index
        %get3A_2295 = arith.constant 80 : index
        %get3A_2296 = tpu.vector_load %arg10[%get3A_2293, %get3A_2294, %get3A_2295] {strides = array<i32>} : memref<2x64x128xf32, #tpu.memory_space<vmem>>, vector<16xf32>,
        %mul3A_2297 = arith.mulf %get3A_2291, %get3A_2296 : vector<16xf32>
        %add3A_2298 = arith.addf %add3A_2154, %mul3A_2297 : vector<16xf32>
        %mul3A_2299 = arith.constant 16 : i32
        %mul3A_2300 = arith.muli %scan3A_111, %mul3A_2299 : i32
        %add3A_2301 = arith.constant 12 : i32
        %add3A_2302 = arith.addi %mul3A_2300, %add3A_2301 : i32
        %add3A_2303 = arith.constant 0 : i32
        %add3A_2304 = arith.addi %add3A_2302, %add3A_2303 : i32
        %get3A_2305 = arith.constant 0 : i32
        %get3A_2306 = arith.index_cast %get3A_2305 : i32 to index
        %get3A_2307 = arith.index_cast %add3A_2304 : i32 to index
        %get3A_2308 = arith.constant 96 : index
        %get3A_2309 = tpu.vector_load %arg9[%get3A_2306, %get3A_2307, %get3A_2308] {strides = array<i32>} : memref<2x64x128xf32, #tpu.memory_space<vmem>>, vector<16xf32>,
        %get3A_2310 = arith.constant 0 : i32
        %get3A_2311 = arith.index_cast %get3A_2310 : i32 to index
        %get3A_2312 = arith.index_cast %add3A_2304 : i32 to index
        %get3A_2313 = arith.constant 96 : index
        %get3A_2314 = tpu.vector_load %arg10[%get3A_2311, %get3A_2312, %get3A_2313] {strides = array<i32>} : memref<2x64x128xf32, #tpu.memory_space<vmem>>, vector<16xf32>,
        %mul3A_2315 = arith.mulf %get3A_2309, %get3A_2314 : vector<16xf32>
        %add3A_2316 = arith.addf %add3A_2172, %mul3A_2315 : vector<16xf32>
        %mul3A_2317 = arith.constant 16 : i32
        %mul3A_2318 = arith.muli %scan3A_111, %mul3A_2317 : i32
        %add3A_2319 = arith.constant 12 : i32
        %add3A_2320 = arith.addi %mul3A_2318, %add3A_2319 : i32
        %add3A_2321 = arith.constant 1 : i32
        %add3A_2322 = arith.addi %add3A_2320, %add3A_2321 : i32
        %get3A_2323 = arith.constant 0 : i32
        %get3A_2324 = arith.index_cast %get3A_2323 : i32 to index
        %get3A_2325 = arith.index_cast %add3A_2322 : i32 to index
        %get3A_2326 = arith.constant 96 : index
        %get3A_2327 = tpu.vector_load %arg9[%get3A_2324, %get3A_2325, %get3A_2326] {strides = array<i32>} : memref<2x64x128xf32, #tpu.memory_space<vmem>>, vector<16xf32>,
        %get3A_2328 = arith.constant 0 : i32
        %get3A_2329 = arith.index_cast %get3A_2328 : i32 to index
        %get3A_2330 = arith.index_cast %add3A_2322 : i32 to index
        %get3A_2331 = arith.constant 96 : index
        %get3A_2332 = tpu.vector_load %arg10[%get3A_2329, %get3A_2330, %get3A_2331] {strides = array<i32>} : memref<2x64x128xf32, #tpu.memory_space<vmem>>, vector<16xf32>,
        %mul3A_2333 = arith.mulf %get3A_2327, %get3A_2332 : vector<16xf32>
        %add3A_2334 = arith.addf %add3A_2190, %mul3A_2333 : vector<16xf32>
        %mul3A_2335 = arith.constant 16 : i32
        %mul3A_2336 = arith.muli %scan3A_111, %mul3A_2335 : i32
        %add3A_2337 = arith.constant 12 : i32
        %add3A_2338 = arith.addi %mul3A_2336, %add3A_2337 : i32
        %add3A_2339 = arith.constant 2 : i32
        %add3A_2340 = arith.addi %add3A_2338, %add3A_2339 : i32
        %get3A_2341 = arith.constant 0 : i32
        %get3A_2342 = arith.index_cast %get3A_2341 : i32 to index
        %get3A_2343 = arith.index_cast %add3A_2340 : i32 to index
        %get3A_2344 = arith.constant 96 : index
        %get3A_2345 = tpu.vector_load %arg9[%get3A_2342, %get3A_2343, %get3A_2344] {strides = array<i32>} : memref<2x64x128xf32, #tpu.memory_space<vmem>>, vector<16xf32>,
        %get3A_2346 = arith.constant 0 : i32
        %get3A_2347 = arith.index_cast %get3A_2346 : i32 to index
        %get3A_2348 = arith.index_cast %add3A_2340 : i32 to index
        %get3A_2349 = arith.constant 96 : index
        %get3A_2350 = tpu.vector_load %arg10[%get3A_2347, %get3A_2348, %get3A_2349] {strides = array<i32>} : memref<2x64x128xf32, #tpu.memory_space<vmem>>, vector<16xf32>,
        %mul3A_2351 = arith.mulf %get3A_2345, %get3A_2350 : vector<16xf32>
        %add3A_2352 = arith.addf %add3A_2208, %mul3A_2351 : vector<16xf32>
        %mul3A_2353 = arith.constant 16 : i32
        %mul3A_2354 = arith.muli %scan3A_111, %mul3A_2353 : i32
        %add3A_2355 = arith.constant 12 : i32
        %add3A_2356 = arith.addi %mul3A_2354, %add3A_2355 : i32
        %add3A_2357 = arith.constant 3 : i32
        %add3A_2358 = arith.addi %add3A_2356, %add3A_2357 : i32
        %get3A_2359 = arith.constant 0 : i32
        %get3A_2360 = arith.index_cast %get3A_2359 : i32 to index
        %get3A_2361 = arith.index_cast %add3A_2358 : i32 to index
        %get3A_2362 = arith.constant 96 : index
        %get3A_2363 = tpu.vector_load %arg9[%get3A_2360, %get3A_2361, %get3A_2362] {strides = array<i32>} : memref<2x64x128xf32, #tpu.memory_space<vmem>>, vector<16xf32>,
        %get3A_2364 = arith.constant 0 : i32
        %get3A_2365 = arith.index_cast %get3A_2364 : i32 to index
        %get3A_2366 = arith.index_cast %add3A_2358 : i32 to index
        %get3A_2367 = arith.constant 96 : index
        %get3A_2368 = tpu.vector_load %arg10[%get3A_2365, %get3A_2366, %get3A_2367] {strides = array<i32>} : memref<2x64x128xf32, #tpu.memory_space<vmem>>, vector<16xf32>,
        %mul3A_2369 = arith.mulf %get3A_2363, %get3A_2368 : vector<16xf32>
        %add3A_2370 = arith.addf %add3A_2226, %mul3A_2369 : vector<16xf32>
        %mul3A_2371 = arith.constant 16 : i32
        %mul3A_2372 = arith.muli %scan3A_111, %mul3A_2371 : i32
        %add3A_2373 = arith.constant 12 : i32
        %add3A_2374 = arith.addi %mul3A_2372, %add3A_2373 : i32
        %add3A_2375 = arith.constant 0 : i32
        %add3A_2376 = arith.addi %add3A_2374, %add3A_2375 : i32
        %get3A_2377 = arith.constant 0 : i32
        %get3A_2378 = arith.index_cast %get3A_2377 : i32 to index
        %get3A_2379 = arith.index_cast %add3A_2376 : i32 to index
        %get3A_2380 = arith.constant 112 : index
        %get3A_2381 = tpu.vector_load %arg9[%get3A_2378, %get3A_2379, %get3A_2380] {strides = array<i32>} : memref<2x64x128xf32, #tpu.memory_space<vmem>>, vector<16xf32>,
        %get3A_2382 = arith.constant 0 : i32
        %get3A_2383 = arith.index_cast %get3A_2382 : i32 to index
        %get3A_2384 = arith.index_cast %add3A_2376 : i32 to index
        %get3A_2385 = arith.constant 112 : index
        %get3A_2386 = tpu.vector_load %arg10[%get3A_2383, %get3A_2384, %get3A_2385] {strides = array<i32>} : memref<2x64x128xf32, #tpu.memory_space<vmem>>, vector<16xf32>,
        %mul3A_2387 = arith.mulf %get3A_2381, %get3A_2386 : vector<16xf32>
        %add3A_2388 = arith.addf %add3A_2244, %mul3A_2387 : vector<16xf32>
        %mul3A_2389 = arith.constant 16 : i32
        %mul3A_2390 = arith.muli %scan3A_111, %mul3A_2389 : i32
        %add3A_2391 = arith.constant 12 : i32
        %add3A_2392 = arith.addi %mul3A_2390, %add3A_2391 : i32
        %add3A_2393 = arith.constant 1 : i32
        %add3A_2394 = arith.addi %add3A_2392, %add3A_2393 : i32
        %get3A_2395 = arith.constant 0 : i32
        %get3A_2396 = arith.index_cast %get3A_2395 : i32 to index
        %get3A_2397 = arith.index_cast %add3A_2394 : i32 to index
        %get3A_2398 = arith.constant 112 : index
        %get3A_2399 = tpu.vector_load %arg9[%get3A_2396, %get3A_2397, %get3A_2398] {strides = array<i32>} : memref<2x64x128xf32, #tpu.memory_space<vmem>>, vector<16xf32>,
        %get3A_2400 = arith.constant 0 : i32
        %get3A_2401 = arith.index_cast %get3A_2400 : i32 to index
        %get3A_2402 = arith.index_cast %add3A_2394 : i32 to index
        %get3A_2403 = arith.constant 112 : index
        %get3A_2404 = tpu.vector_load %arg10[%get3A_2401, %get3A_2402, %get3A_2403] {strides = array<i32>} : memref<2x64x128xf32, #tpu.memory_space<vmem>>, vector<16xf32>,
        %mul3A_2405 = arith.mulf %get3A_2399, %get3A_2404 : vector<16xf32>
        %add3A_2406 = arith.addf %add3A_2262, %mul3A_2405 : vector<16xf32>
        %mul3A_2407 = arith.constant 16 : i32
        %mul3A_2408 = arith.muli %scan3A_111, %mul3A_2407 : i32
        %add3A_2409 = arith.constant 12 : i32
        %add3A_2410 = arith.addi %mul3A_2408, %add3A_2409 : i32
        %add3A_2411 = arith.constant 2 : i32
        %add3A_2412 = arith.addi %add3A_2410, %add3A_2411 : i32
        %get3A_2413 = arith.constant 0 : i32
        %get3A_2414 = arith.index_cast %get3A_2413 : i32 to index
        %get3A_2415 = arith.index_cast %add3A_2412 : i32 to index
        %get3A_2416 = arith.constant 112 : index
        %get3A_2417 = tpu.vector_load %arg9[%get3A_2414, %get3A_2415, %get3A_2416] {strides = array<i32>} : memref<2x64x128xf32, #tpu.memory_space<vmem>>, vector<16xf32>,
        %get3A_2418 = arith.constant 0 : i32
        %get3A_2419 = arith.index_cast %get3A_2418 : i32 to index
        %get3A_2420 = arith.index_cast %add3A_2412 : i32 to index
        %get3A_2421 = arith.constant 112 : index
        %get3A_2422 = tpu.vector_load %arg10[%get3A_2419, %get3A_2420, %get3A_2421] {strides = array<i32>} : memref<2x64x128xf32, #tpu.memory_space<vmem>>, vector<16xf32>,
        %mul3A_2423 = arith.mulf %get3A_2417, %get3A_2422 : vector<16xf32>
        %add3A_2424 = arith.addf %add3A_2280, %mul3A_2423 : vector<16xf32>
        %mul3A_2425 = arith.constant 16 : i32
        %mul3A_2426 = arith.muli %scan3A_111, %mul3A_2425 : i32
        %add3A_2427 = arith.constant 12 : i32
        %add3A_2428 = arith.addi %mul3A_2426, %add3A_2427 : i32
        %add3A_2429 = arith.constant 3 : i32
        %add3A_2430 = arith.addi %add3A_2428, %add3A_2429 : i32
        %get3A_2431 = arith.constant 0 : i32
        %get3A_2432 = arith.index_cast %get3A_2431 : i32 to index
        %get3A_2433 = arith.index_cast %add3A_2430 : i32 to index
        %get3A_2434 = arith.constant 112 : index
        %get3A_2435 = tpu.vector_load %arg9[%get3A_2432, %get3A_2433, %get3A_2434] {strides = array<i32>} : memref<2x64x128xf32, #tpu.memory_space<vmem>>, vector<16xf32>,
        %get3A_2436 = arith.constant 0 : i32
        %get3A_2437 = arith.index_cast %get3A_2436 : i32 to index
        %get3A_2438 = arith.index_cast %add3A_2430 : i32 to index
        %get3A_2439 = arith.constant 112 : index
        %get3A_2440 = tpu.vector_load %arg10[%get3A_2437, %get3A_2438, %get3A_2439] {strides = array<i32>} : memref<2x64x128xf32, #tpu.memory_space<vmem>>, vector<16xf32>,
        %mul3A_2441 = arith.mulf %get3A_2435, %get3A_2440 : vector<16xf32>
        %add3A_2442 = arith.addf %add3A_2298, %mul3A_2441 : vector<16xf32>
        %add3A_2443 = arith.addf %add3A_2316, %add3A_2388 : vector<16xf32>
        %swap3A_2444 = arith.constant 12 : i32
        %swap3A_2445 = arith.index_cast %swap3A_2444 : i32 to index
        %swap3A_2446 = arith.constant 0 : index
        %swap3A_2447 = tpu.vector_load %arg12[%swap3A_2445, %swap3A_2446] {strides = array<i32>} : memref<16x17xf32, #tpu.memory_space<vmem>>, vector<16xf32>,
        tpu.vector_store %arg12[%swap3A_2445, %swap3A_2446], %add3A_2443 {strides = array<i32>} : memref<16x17xf32, #tpu.memory_space<vmem>>, vector<16xf32>,
        %add3A_2448 = arith.addf %add3A_2334, %add3A_2406 : vector<16xf32>
        %swap3A_2449 = arith.constant 13 : i32
        %swap3A_2450 = arith.index_cast %swap3A_2449 : i32 to index
        %swap3A_2451 = arith.constant 0 : index
        %swap3A_2452 = tpu.vector_load %arg12[%swap3A_2450, %swap3A_2451] {strides = array<i32>} : memref<16x17xf32, #tpu.memory_space<vmem>>, vector<16xf32>,
        tpu.vector_store %arg12[%swap3A_2450, %swap3A_2451], %add3A_2448 {strides = array<i32>} : memref<16x17xf32, #tpu.memory_space<vmem>>, vector<16xf32>,
        %add3A_2453 = arith.addf %add3A_2352, %add3A_2424 : vector<16xf32>
        %swap3A_2454 = arith.constant 14 : i32
        %swap3A_2455 = arith.index_cast %swap3A_2454 : i32 to index
        %swap3A_2456 = arith.constant 0 : index
        %swap3A_2457 = tpu.vector_load %arg12[%swap3A_2455, %swap3A_2456] {strides = array<i32>} : memref<16x17xf32, #tpu.memory_space<vmem>>, vector<16xf32>,
        tpu.vector_store %arg12[%swap3A_2455, %swap3A_2456], %add3A_2453 {strides = array<i32>} : memref<16x17xf32, #tpu.memory_space<vmem>>, vector<16xf32>,
        %add3A_2458 = arith.addf %add3A_2370, %add3A_2442 : vector<16xf32>
        %swap3A_2459 = arith.constant 15 : i32
        %swap3A_2460 = arith.index_cast %swap3A_2459 : i32 to index
        %swap3A_2461 = arith.constant 0 : index
        %swap3A_2462 = tpu.vector_load %arg12[%swap3A_2460, %swap3A_2461] {strides = array<i32>} : memref<16x17xf32, #tpu.memory_space<vmem>>, vector<16xf32>,
        tpu.vector_store %arg12[%swap3A_2460, %swap3A_2461], %add3A_2458 {strides = array<i32>} : memref<16x17xf32, #tpu.memory_space<vmem>>, vector<16xf32>,
        %broadcast_in_dim3A = arith.constant 0 : i32
        %broadcast_in_dim3A_2463 = vector.broadcast %broadcast_in_dim3A : i32 to vector<16xi32>
        %gather3A = tpu.vector_load_idx %arg12[%iota3A, %broadcast_in_dim3A_2463] : memref<16x17xf32, #tpu.memory_space<vmem>>[vector<16xi32>, vector<16xi32>], vector<16xf32>,
        %broadcast_in_dim3A_2464 = arith.constant 1 : i32
        %broadcast_in_dim3A_2465 = vector.broadcast %broadcast_in_dim3A_2464 : i32 to vector<16xi32>
        %gather3A_2466 = tpu.vector_load_idx %arg12[%iota3A, %broadcast_in_dim3A_2465] : memref<16x17xf32, #tpu.memory_space<vmem>>[vector<16xi32>, vector<16xi32>], vector<16xf32>,
        %broadcast_in_dim3A_2467 = arith.constant 2 : i32
        %broadcast_in_dim3A_2468 = vector.broadcast %broadcast_in_dim3A_2467 : i32 to vector<16xi32>
        %gather3A_2469 = tpu.vector_load_idx %arg12[%iota3A, %broadcast_in_dim3A_2468] : memref<16x17xf32, #tpu.memory_space<vmem>>[vector<16xi32>, vector<16xi32>], vector<16xf32>,
        %broadcast_in_dim3A_2470 = arith.constant 3 : i32
        %broadcast_in_dim3A_2471 = vector.broadcast %broadcast_in_dim3A_2470 : i32 to vector<16xi32>
        %gather3A_2472 = tpu.vector_load_idx %arg12[%iota3A, %broadcast_in_dim3A_2471] : memref<16x17xf32, #tpu.memory_space<vmem>>[vector<16xi32>, vector<16xi32>], vector<16xf32>,
        %broadcast_in_dim3A_2473 = arith.constant 4 : i32
        %broadcast_in_dim3A_2474 = vector.broadcast %broadcast_in_dim3A_2473 : i32 to vector<16xi32>
        %gather3A_2475 = tpu.vector_load_idx %arg12[%iota3A, %broadcast_in_dim3A_2474] : memref<16x17xf32, #tpu.memory_space<vmem>>[vector<16xi32>, vector<16xi32>], vector<16xf32>,
        %broadcast_in_dim3A_2476 = arith.constant 5 : i32
        %broadcast_in_dim3A_2477 = vector.broadcast %broadcast_in_dim3A_2476 : i32 to vector<16xi32>
        %gather3A_2478 = tpu.vector_load_idx %arg12[%iota3A, %broadcast_in_dim3A_2477] : memref<16x17xf32, #tpu.memory_space<vmem>>[vector<16xi32>, vector<16xi32>], vector<16xf32>,
        %broadcast_in_dim3A_2479 = arith.constant 6 : i32
        %broadcast_in_dim3A_2480 = vector.broadcast %broadcast_in_dim3A_2479 : i32 to vector<16xi32>
        %gather3A_2481 = tpu.vector_load_idx %arg12[%iota3A, %broadcast_in_dim3A_2480] : memref<16x17xf32, #tpu.memory_space<vmem>>[vector<16xi32>, vector<16xi32>], vector<16xf32>,
        %broadcast_in_dim3A_2482 = arith.constant 7 : i32
        %broadcast_in_dim3A_2483 = vector.broadcast %broadcast_in_dim3A_2482 : i32 to vector<16xi32>
        %gather3A_2484 = tpu.vector_load_idx %arg12[%iota3A, %broadcast_in_dim3A_2483] : memref<16x17xf32, #tpu.memory_space<vmem>>[vector<16xi32>, vector<16xi32>], vector<16xf32>,
        %broadcast_in_dim3A_2485 = arith.constant 8 : i32
        %broadcast_in_dim3A_2486 = vector.broadcast %broadcast_in_dim3A_2485 : i32 to vector<16xi32>
        %gather3A_2487 = tpu.vector_load_idx %arg12[%iota3A, %broadcast_in_dim3A_2486] : memref<16x17xf32, #tpu.memory_space<vmem>>[vector<16xi32>, vector<16xi32>], vector<16xf32>,
        %broadcast_in_dim3A_2488 = arith.constant 9 : i32
        %broadcast_in_dim3A_2489 = vector.broadcast %broadcast_in_dim3A_2488 : i32 to vector<16xi32>
        %gather3A_2490 = tpu.vector_load_idx %arg12[%iota3A, %broadcast_in_dim3A_2489] : memref<16x17xf32, #tpu.memory_space<vmem>>[vector<16xi32>, vector<16xi32>], vector<16xf32>,
        %broadcast_in_dim3A_2491 = arith.constant 10 : i32
        %broadcast_in_dim3A_2492 = vector.broadcast %broadcast_in_dim3A_2491 : i32 to vector<16xi32>
        %gather3A_2493 = tpu.vector_load_idx %arg12[%iota3A, %broadcast_in_dim3A_2492] : memref<16x17xf32, #tpu.memory_space<vmem>>[vector<16xi32>, vector<16xi32>], vector<16xf32>,
        %broadcast_in_dim3A_2494 = arith.constant 11 : i32
        %broadcast_in_dim3A_2495 = vector.broadcast %broadcast_in_dim3A_2494 : i32 to vector<16xi32>
        %gather3A_2496 = tpu.vector_load_idx %arg12[%iota3A, %broadcast_in_dim3A_2495] : memref<16x17xf32, #tpu.memory_space<vmem>>[vector<16xi32>, vector<16xi32>], vector<16xf32>,
        %broadcast_in_dim3A_2497 = arith.constant 12 : i32
        %broadcast_in_dim3A_2498 = vector.broadcast %broadcast_in_dim3A_2497 : i32 to vector<16xi32>
        %gather3A_2499 = tpu.vector_load_idx %arg12[%iota3A, %broadcast_in_dim3A_2498] : memref<16x17xf32, #tpu.memory_space<vmem>>[vector<16xi32>, vector<16xi32>], vector<16xf32>,
        %broadcast_in_dim3A_2500 = arith.constant 13 : i32
        %broadcast_in_dim3A_2501 = vector.broadcast %broadcast_in_dim3A_2500 : i32 to vector<16xi32>
        %gather3A_2502 = tpu.vector_load_idx %arg12[%iota3A, %broadcast_in_dim3A_2501] : memref<16x17xf32, #tpu.memory_space<vmem>>[vector<16xi32>, vector<16xi32>], vector<16xf32>,
        %broadcast_in_dim3A_2503 = arith.constant 14 : i32
        %broadcast_in_dim3A_2504 = vector.broadcast %broadcast_in_dim3A_2503 : i32 to vector<16xi32>
        %gather3A_2505 = tpu.vector_load_idx %arg12[%iota3A, %broadcast_in_dim3A_2504] : memref<16x17xf32, #tpu.memory_space<vmem>>[vector<16xi32>, vector<16xi32>], vector<16xf32>,
        %broadcast_in_dim3A_2506 = arith.constant 15 : i32
        %broadcast_in_dim3A_2507 = vector.broadcast %broadcast_in_dim3A_2506 : i32 to vector<16xi32>
        %gather3A_2508 = tpu.vector_load_idx %arg12[%iota3A, %broadcast_in_dim3A_2507] : memref<16x17xf32, #tpu.memory_space<vmem>>[vector<16xi32>, vector<16xi32>], vector<16xf32>,
        %add3A_2509 = arith.addf %gather3A, %gather3A_2466 : vector<16xf32>
        %add3A_2510 = arith.addf %gather3A_2469, %gather3A_2472 : vector<16xf32>
        %add3A_2511 = arith.addf %gather3A_2475, %gather3A_2478 : vector<16xf32>
        %add3A_2512 = arith.addf %gather3A_2481, %gather3A_2484 : vector<16xf32>
        %add3A_2513 = arith.addf %gather3A_2487, %gather3A_2490 : vector<16xf32>
        %add3A_2514 = arith.addf %gather3A_2493, %gather3A_2496 : vector<16xf32>
        %add3A_2515 = arith.addf %gather3A_2499, %gather3A_2502 : vector<16xf32>
        %add3A_2516 = arith.addf %gather3A_2505, %gather3A_2508 : vector<16xf32>
        %add3A_2517 = arith.addf %add3A_2509, %add3A_2510 : vector<16xf32>
        %add3A_2518 = arith.addf %add3A_2511, %add3A_2512 : vector<16xf32>
        %add3A_2519 = arith.addf %add3A_2513, %add3A_2514 : vector<16xf32>
        %add3A_2520 = arith.addf %add3A_2515, %add3A_2516 : vector<16xf32>
        %add3A_2521 = arith.addf %add3A_2517, %add3A_2518 : vector<16xf32>
        %add3A_2522 = arith.addf %add3A_2519, %add3A_2520 : vector<16xf32>
        %add3A_2523 = arith.addf %add3A_2521, %add3A_2522 : vector<16xf32>
        %mul3A_2524 = arith.constant 64 : i32
        %mul3A_2525 = arith.muli %add3A_40, %mul3A_2524 : i32
        %mul3A_2526 = arith.constant 16 : i32
        %mul3A_2527 = arith.muli %scan3A_111, %mul3A_2526 : i32
        %add3A_2528 = arith.addi %mul3A_2525, %mul3A_2527 : i32
        %swap3A_2529 = arith.index_cast %add3A_2528 : i32 to index
        %swap3A_2530 = tpu.vector_load %arg11[%swap3A_2529] {strides = array<i32>} : memref<512xf32, #tpu.memory_space<vmem>>, vector<16xf32>,
        tpu.vector_store %arg11[%swap3A_2529], %add3A_2523 {strides = array<i32>} : memref<512xf32, #tpu.memory_space<vmem>>, vector<16xf32>,
        %scan3A_2531 = arith.constant 0 : i32
        scf.yield %scan3A_2531 : i32
      }
      %scan3A_71 = arith.constant 4 : i32
      %mul3A_72 = arith.constant 2 : i32
      %mul3A_73 = arith.muli %mul3A_72, %scan3A_35 : i32
      %add3A_74 = arith.constant 1 : i32
      %add3A_75 = arith.addi %mul3A_73, %add3A_74 : i32
      %add3A_76 = arith.constant 1 : i32
      %add3A_77 = arith.addi %add3A_75, %add3A_76 : i32
      %lt3A_78 = arith.constant 8 : i32
      %lt3A_79 = arith.cmpi slt, %add3A_77, %lt3A_78 : i32
      %convert_element_type3A_80 = arith.extui %lt3A_79 : i1 to i32
      %cond3A_81 = arith.constant 0 : i32
      %cond3A_82 = arith.cmpi ne, %convert_element_type3A_80, %cond3A_81 : i32
      scf.if %cond3A_82 {
        %add3A_111 = arith.constant 1 : i32
        %add3A_112 = arith.addi %add3A_75, %add3A_111 : i32
        %mul3A_113 = arith.constant 64 : i32
        %mul3A_114 = arith.muli %add3A_112, %mul3A_113 : i32
        %dma_start3A_115 = arith.constant 0 : i32
        %dma_start3A_116 = arith.constant 0 : i32
        %dma_start3A_117 = arith.constant 0 : i32
        %dma_start3A_118 = tpu.memref_slice %arg9[%dma_start3A_115, %dma_start3A_116, %dma_start3A_117] : memref<2x64x128xf32, #tpu.memory_space<vmem>> -> memref<1x64x128xf32, #tpu.memory_space<vmem>>
        %dma_start3A_119 = tpu.memref_squeeze %dma_start3A_118 : memref<1x64x128xf32, #tpu.memory_space<vmem>> -> memref<64x128xf32, #tpu.memory_space<vmem>>
        %dma_start3A_120 = tpu.memref_slice %arg7[%mul3A_114] : memref<512xi32, #tpu.memory_space<vmem>> -> memref<64xi32, #tpu.memory_space<vmem>>
        %dma_start3A_121 = arith.constant 0 : i32
        %dma_start3A_122 = arith.constant 0 : i32
        %dma_start3A_123 = tpu.memref_slice %arg4[%dma_start3A_121, %dma_start3A_122] : memref<100000x128xf32, #tpu.memory_space<hbm>> -> memref<100000x128xf32, #tpu.memory_space<hbm>>
        tpu.enqueue_indirect_dma source(%dma_start3A_123 : memref<100000x128xf32, #tpu.memory_space<hbm>>) target(%dma_start3A_119 : memref<64x128xf32, #tpu.memory_space<vmem>>) offsets(%dma_start3A_120 : memref<64xi32, #tpu.memory_space<vmem>>) semaphore(%arg13 : memref<!tpu.dma_semaphore, #tpu.memory_space<semaphore_mem>>)
        %mul3A_124 = arith.constant 64 : i32
        %mul3A_125 = arith.muli %add3A_112, %mul3A_124 : i32
        %dma_start3A_126 = arith.constant 0 : i32
        %dma_start3A_127 = arith.constant 0 : i32
        %dma_start3A_128 = arith.constant 0 : i32
        %dma_start3A_129 = tpu.memref_slice %arg10[%dma_start3A_126, %dma_start3A_127, %dma_start3A_128] : memref<2x64x128xf32, #tpu.memory_space<vmem>> -> memref<1x64x128xf32, #tpu.memory_space<vmem>>
        %dma_start3A_130 = tpu.memref_squeeze %dma_start3A_129 : memref<1x64x128xf32, #tpu.memory_space<vmem>> -> memref<64x128xf32, #tpu.memory_space<vmem>>
        %dma_start3A_131 = tpu.memref_slice %arg8[%mul3A_125] : memref<512xi32, #tpu.memory_space<vmem>> -> memref<64xi32, #tpu.memory_space<vmem>>
        %dma_start3A_132 = arith.constant 0 : i32
        %dma_start3A_133 = arith.constant 0 : i32
        %dma_start3A_134 = tpu.memref_slice %arg5[%dma_start3A_132, %dma_start3A_133] : memref<1000000x128xf32, #tpu.memory_space<hbm>> -> memref<1000000x128xf32, #tpu.memory_space<hbm>>
        tpu.enqueue_indirect_dma source(%dma_start3A_134 : memref<1000000x128xf32, #tpu.memory_space<hbm>>) target(%dma_start3A_130 : memref<64x128xf32, #tpu.memory_space<vmem>>) offsets(%dma_start3A_131 : memref<64xi32, #tpu.memory_space<vmem>>) semaphore(%arg13 : memref<!tpu.dma_semaphore, #tpu.memory_space<semaphore_mem>>)
      } else {
      }
      %dma_wait3A_83 = arith.constant 1 : i32
      %dma_wait3A_84 = arith.constant 0 : i32
      %dma_wait3A_85 = arith.constant 0 : i32
      %dma_wait3A_86 = tpu.memref_slice %arg9[%dma_wait3A_83, %dma_wait3A_84, %dma_wait3A_85] : memref<2x64x128xf32, #tpu.memory_space<vmem>> -> memref<1x64x128xf32, #tpu.memory_space<vmem>>
      %dma_wait3A_87 = tpu.memref_squeeze %dma_wait3A_86 : memref<1x64x128xf32, #tpu.memory_space<vmem>> -> memref<64x128xf32, #tpu.memory_space<vmem>>
      %dma_wait3A_88 = arith.constant 0 : i32
      %dma_wait3A_89 = tpu.memref_slice %arg7[%dma_wait3A_88] : memref<512xi32, #tpu.memory_space<vmem>> -> memref<64xi32, #tpu.memory_space<vmem>>
      %dma_wait3A_90 = arith.constant 0 : i32
      %dma_wait3A_91 = arith.constant 0 : i32
      %dma_wait3A_92 = tpu.memref_slice %arg4[%dma_wait3A_90, %dma_wait3A_91] : memref<100000x128xf32, #tpu.memory_space<hbm>> -> memref<100000x128xf32, #tpu.memory_space<hbm>>
      tpu.wait_indirect_dma semaphore(%arg14 : memref<!tpu.dma_semaphore, #tpu.memory_space<semaphore_mem>>) src(%dma_wait3A_92 : memref<100000x128xf32, #tpu.memory_space<hbm>>) dst(%dma_wait3A_87 : memref<64x128xf32, #tpu.memory_space<vmem>>)
      %dma_wait3A_93 = arith.constant 1 : i32
      %dma_wait3A_94 = arith.constant 0 : i32
      %dma_wait3A_95 = arith.constant 0 : i32
      %dma_wait3A_96 = tpu.memref_slice %arg10[%dma_wait3A_93, %dma_wait3A_94, %dma_wait3A_95] : memref<2x64x128xf32, #tpu.memory_space<vmem>> -> memref<1x64x128xf32, #tpu.memory_space<vmem>>
      %dma_wait3A_97 = tpu.memref_squeeze %dma_wait3A_96 : memref<1x64x128xf32, #tpu.memory_space<vmem>> -> memref<64x128xf32, #tpu.memory_space<vmem>>
      %dma_wait3A_98 = arith.constant 0 : i32
      %dma_wait3A_99 = tpu.memref_slice %arg8[%dma_wait3A_98] : memref<512xi32, #tpu.memory_space<vmem>> -> memref<64xi32, #tpu.memory_space<vmem>>
      %dma_wait3A_100 = arith.constant 0 : i32
      %dma_wait3A_101 = arith.constant 0 : i32
      %dma_wait3A_102 = tpu.memref_slice %arg5[%dma_wait3A_100, %dma_wait3A_101] : memref<1000000x128xf32, #tpu.memory_space<hbm>> -> memref<1000000x128xf32, #tpu.memory_space<hbm>>
      tpu.wait_indirect_dma semaphore(%arg14 : memref<!tpu.dma_semaphore, #tpu.memory_space<semaphore_mem>>) src(%dma_wait3A_102 : memref<1000000x128xf32, #tpu.memory_space<hbm>>) dst(%dma_wait3A_97 : memref<64x128xf32, #tpu.memory_space<vmem>>)
      %scan3A_103 = arith.constant 0 : i32
      %scan3A_104 = arith.constant 0 : i32
      %scan3A_105 = arith.constant 4 : i32
      %scan3A_106 = arith.addi %scan3A_104, %scan3A_105 : i32
      %scan3A_107 = arith.constant 1 : i32
      %scan3A_108 = scf.for %scan3A_111 = %scan3A_104 to %scan3A_106 step %scan3A_107 iter_args(%scan3A_112 = %scan3A_103) -> (i32)  : i32 {
        %mul3A_113 = arith.constant 16 : i32
        %mul3A_114 = arith.muli %scan3A_111, %mul3A_113 : i32
        %add3A_115 = arith.constant 0 : i32
        %add3A_116 = arith.addi %mul3A_114, %add3A_115 : i32
        %add3A_117 = arith.constant 0 : i32
        %add3A_118 = arith.addi %add3A_116, %add3A_117 : i32
        %get3A = arith.constant 1 : i32
        %get3A_119 = arith.index_cast %get3A : i32 to index
        %get3A_120 = arith.index_cast %add3A_118 : i32 to index
        %get3A_121 = arith.constant 0 : index
        %get3A_122 = tpu.vector_load %arg9[%get3A_119, %get3A_120, %get3A_121] {strides = array<i32>} : memref<2x64x128xf32, #tpu.memory_space<vmem>>, vector<16xf32>,
        %get3A_123 = arith.constant 1 : i32
        %get3A_124 = arith.index_cast %get3A_123 : i32 to index
        %get3A_125 = arith.index_cast %add3A_118 : i32 to index
        %get3A_126 = arith.constant 0 : index
        %get3A_127 = tpu.vector_load %arg10[%get3A_124, %get3A_125, %get3A_126] {strides = array<i32>} : memref<2x64x128xf32, #tpu.memory_space<vmem>>, vector<16xf32>,
        %mul3A_128 = arith.mulf %get3A_122, %get3A_127 : vector<16xf32>
        %mul3A_129 = arith.constant 16 : i32
        %mul3A_130 = arith.muli %scan3A_111, %mul3A_129 : i32
        %add3A_131 = arith.constant 0 : i32
        %add3A_132 = arith.addi %mul3A_130, %add3A_131 : i32
        %add3A_133 = arith.constant 1 : i32
        %add3A_134 = arith.addi %add3A_132, %add3A_133 : i32
        %get3A_135 = arith.constant 1 : i32
        %get3A_136 = arith.index_cast %get3A_135 : i32 to index
        %get3A_137 = arith.index_cast %add3A_134 : i32 to index
        %get3A_138 = arith.constant 0 : index
        %get3A_139 = tpu.vector_load %arg9[%get3A_136, %get3A_137, %get3A_138] {strides = array<i32>} : memref<2x64x128xf32, #tpu.memory_space<vmem>>, vector<16xf32>,
        %get3A_140 = arith.constant 1 : i32
        %get3A_141 = arith.index_cast %get3A_140 : i32 to index
        %get3A_142 = arith.index_cast %add3A_134 : i32 to index
        %get3A_143 = arith.constant 0 : index
        %get3A_144 = tpu.vector_load %arg10[%get3A_141, %get3A_142, %get3A_143] {strides = array<i32>} : memref<2x64x128xf32, #tpu.memory_space<vmem>>, vector<16xf32>,
        %mul3A_145 = arith.mulf %get3A_139, %get3A_144 : vector<16xf32>
        %mul3A_146 = arith.constant 16 : i32
        %mul3A_147 = arith.muli %scan3A_111, %mul3A_146 : i32
        %add3A_148 = arith.constant 0 : i32
        %add3A_149 = arith.addi %mul3A_147, %add3A_148 : i32
        %add3A_150 = arith.constant 2 : i32
        %add3A_151 = arith.addi %add3A_149, %add3A_150 : i32
        %get3A_152 = arith.constant 1 : i32
        %get3A_153 = arith.index_cast %get3A_152 : i32 to index
        %get3A_154 = arith.index_cast %add3A_151 : i32 to index
        %get3A_155 = arith.constant 0 : index
        %get3A_156 = tpu.vector_load %arg9[%get3A_153, %get3A_154, %get3A_155] {strides = array<i32>} : memref<2x64x128xf32, #tpu.memory_space<vmem>>, vector<16xf32>,
        %get3A_157 = arith.constant 1 : i32
        %get3A_158 = arith.index_cast %get3A_157 : i32 to index
        %get3A_159 = arith.index_cast %add3A_151 : i32 to index
        %get3A_160 = arith.constant 0 : index
        %get3A_161 = tpu.vector_load %arg10[%get3A_158, %get3A_159, %get3A_160] {strides = array<i32>} : memref<2x64x128xf32, #tpu.memory_space<vmem>>, vector<16xf32>,
        %mul3A_162 = arith.mulf %get3A_156, %get3A_161 : vector<16xf32>
        %mul3A_163 = arith.constant 16 : i32
        %mul3A_164 = arith.muli %scan3A_111, %mul3A_163 : i32
        %add3A_165 = arith.constant 0 : i32
        %add3A_166 = arith.addi %mul3A_164, %add3A_165 : i32
        %add3A_167 = arith.constant 3 : i32
        %add3A_168 = arith.addi %add3A_166, %add3A_167 : i32
        %get3A_169 = arith.constant 1 : i32
        %get3A_170 = arith.index_cast %get3A_169 : i32 to index
        %get3A_171 = arith.index_cast %add3A_168 : i32 to index
        %get3A_172 = arith.constant 0 : index
        %get3A_173 = tpu.vector_load %arg9[%get3A_170, %get3A_171, %get3A_172] {strides = array<i32>} : memref<2x64x128xf32, #tpu.memory_space<vmem>>, vector<16xf32>,
        %get3A_174 = arith.constant 1 : i32
        %get3A_175 = arith.index_cast %get3A_174 : i32 to index
        %get3A_176 = arith.index_cast %add3A_168 : i32 to index
        %get3A_177 = arith.constant 0 : index
        %get3A_178 = tpu.vector_load %arg10[%get3A_175, %get3A_176, %get3A_177] {strides = array<i32>} : memref<2x64x128xf32, #tpu.memory_space<vmem>>, vector<16xf32>,
        %mul3A_179 = arith.mulf %get3A_173, %get3A_178 : vector<16xf32>
        %mul3A_180 = arith.constant 16 : i32
        %mul3A_181 = arith.muli %scan3A_111, %mul3A_180 : i32
        %add3A_182 = arith.constant 0 : i32
        %add3A_183 = arith.addi %mul3A_181, %add3A_182 : i32
        %add3A_184 = arith.constant 0 : i32
        %add3A_185 = arith.addi %add3A_183, %add3A_184 : i32
        %get3A_186 = arith.constant 1 : i32
        %get3A_187 = arith.index_cast %get3A_186 : i32 to index
        %get3A_188 = arith.index_cast %add3A_185 : i32 to index
        %get3A_189 = arith.constant 16 : index
        %get3A_190 = tpu.vector_load %arg9[%get3A_187, %get3A_188, %get3A_189] {strides = array<i32>} : memref<2x64x128xf32, #tpu.memory_space<vmem>>, vector<16xf32>,
        %get3A_191 = arith.constant 1 : i32
        %get3A_192 = arith.index_cast %get3A_191 : i32 to index
        %get3A_193 = arith.index_cast %add3A_185 : i32 to index
        %get3A_194 = arith.constant 16 : index
        %get3A_195 = tpu.vector_load %arg10[%get3A_192, %get3A_193, %get3A_194] {strides = array<i32>} : memref<2x64x128xf32, #tpu.memory_space<vmem>>, vector<16xf32>,
        %mul3A_196 = arith.mulf %get3A_190, %get3A_195 : vector<16xf32>
        %mul3A_197 = arith.constant 16 : i32
        %mul3A_198 = arith.muli %scan3A_111, %mul3A_197 : i32
        %add3A_199 = arith.constant 0 : i32
        %add3A_200 = arith.addi %mul3A_198, %add3A_199 : i32
        %add3A_201 = arith.constant 1 : i32
        %add3A_202 = arith.addi %add3A_200, %add3A_201 : i32
        %get3A_203 = arith.constant 1 : i32
        %get3A_204 = arith.index_cast %get3A_203 : i32 to index
        %get3A_205 = arith.index_cast %add3A_202 : i32 to index
        %get3A_206 = arith.constant 16 : index
        %get3A_207 = tpu.vector_load %arg9[%get3A_204, %get3A_205, %get3A_206] {strides = array<i32>} : memref<2x64x128xf32, #tpu.memory_space<vmem>>, vector<16xf32>,
        %get3A_208 = arith.constant 1 : i32
        %get3A_209 = arith.index_cast %get3A_208 : i32 to index
        %get3A_210 = arith.index_cast %add3A_202 : i32 to index
        %get3A_211 = arith.constant 16 : index
        %get3A_212 = tpu.vector_load %arg10[%get3A_209, %get3A_210, %get3A_211] {strides = array<i32>} : memref<2x64x128xf32, #tpu.memory_space<vmem>>, vector<16xf32>,
        %mul3A_213 = arith.mulf %get3A_207, %get3A_212 : vector<16xf32>
        %mul3A_214 = arith.constant 16 : i32
        %mul3A_215 = arith.muli %scan3A_111, %mul3A_214 : i32
        %add3A_216 = arith.constant 0 : i32
        %add3A_217 = arith.addi %mul3A_215, %add3A_216 : i32
        %add3A_218 = arith.constant 2 : i32
        %add3A_219 = arith.addi %add3A_217, %add3A_218 : i32
        %get3A_220 = arith.constant 1 : i32
        %get3A_221 = arith.index_cast %get3A_220 : i32 to index
        %get3A_222 = arith.index_cast %add3A_219 : i32 to index
        %get3A_223 = arith.constant 16 : index
        %get3A_224 = tpu.vector_load %arg9[%get3A_221, %get3A_222, %get3A_223] {strides = array<i32>} : memref<2x64x128xf32, #tpu.memory_space<vmem>>, vector<16xf32>,
        %get3A_225 = arith.constant 1 : i32
        %get3A_226 = arith.index_cast %get3A_225 : i32 to index
        %get3A_227 = arith.index_cast %add3A_219 : i32 to index
        %get3A_228 = arith.constant 16 : index
        %get3A_229 = tpu.vector_load %arg10[%get3A_226, %get3A_227, %get3A_228] {strides = array<i32>} : memref<2x64x128xf32, #tpu.memory_space<vmem>>, vector<16xf32>,
        %mul3A_230 = arith.mulf %get3A_224, %get3A_229 : vector<16xf32>
        %mul3A_231 = arith.constant 16 : i32
        %mul3A_232 = arith.muli %scan3A_111, %mul3A_231 : i32
        %add3A_233 = arith.constant 0 : i32
        %add3A_234 = arith.addi %mul3A_232, %add3A_233 : i32
        %add3A_235 = arith.constant 3 : i32
        %add3A_236 = arith.addi %add3A_234, %add3A_235 : i32
        %get3A_237 = arith.constant 1 : i32
        %get3A_238 = arith.index_cast %get3A_237 : i32 to index
        %get3A_239 = arith.index_cast %add3A_236 : i32 to index
        %get3A_240 = arith.constant 16 : index
        %get3A_241 = tpu.vector_load %arg9[%get3A_238, %get3A_239, %get3A_240] {strides = array<i32>} : memref<2x64x128xf32, #tpu.memory_space<vmem>>, vector<16xf32>,
        %get3A_242 = arith.constant 1 : i32
        %get3A_243 = arith.index_cast %get3A_242 : i32 to index
        %get3A_244 = arith.index_cast %add3A_236 : i32 to index
        %get3A_245 = arith.constant 16 : index
        %get3A_246 = tpu.vector_load %arg10[%get3A_243, %get3A_244, %get3A_245] {strides = array<i32>} : memref<2x64x128xf32, #tpu.memory_space<vmem>>, vector<16xf32>,
        %mul3A_247 = arith.mulf %get3A_241, %get3A_246 : vector<16xf32>
        %mul3A_248 = arith.constant 16 : i32
        %mul3A_249 = arith.muli %scan3A_111, %mul3A_248 : i32
        %add3A_250 = arith.constant 0 : i32
        %add3A_251 = arith.addi %mul3A_249, %add3A_250 : i32
        %add3A_252 = arith.constant 0 : i32
        %add3A_253 = arith.addi %add3A_251, %add3A_252 : i32
        %get3A_254 = arith.constant 1 : i32
        %get3A_255 = arith.index_cast %get3A_254 : i32 to index
        %get3A_256 = arith.index_cast %add3A_253 : i32 to index
        %get3A_257 = arith.constant 32 : index
        %get3A_258 = tpu.vector_load %arg9[%get3A_255, %get3A_256, %get3A_257] {strides = array<i32>} : memref<2x64x128xf32, #tpu.memory_space<vmem>>, vector<16xf32>,
        %get3A_259 = arith.constant 1 : i32
        %get3A_260 = arith.index_cast %get3A_259 : i32 to index
        %get3A_261 = arith.index_cast %add3A_253 : i32 to index
        %get3A_262 = arith.constant 32 : index
        %get3A_263 = tpu.vector_load %arg10[%get3A_260, %get3A_261, %get3A_262] {strides = array<i32>} : memref<2x64x128xf32, #tpu.memory_space<vmem>>, vector<16xf32>,
        %mul3A_264 = arith.mulf %get3A_258, %get3A_263 : vector<16xf32>
        %add3A_265 = arith.addf %mul3A_128, %mul3A_264 : vector<16xf32>
        %mul3A_266 = arith.constant 16 : i32
        %mul3A_267 = arith.muli %scan3A_111, %mul3A_266 : i32
        %add3A_268 = arith.constant 0 : i32
        %add3A_269 = arith.addi %mul3A_267, %add3A_268 : i32
        %add3A_270 = arith.constant 1 : i32
        %add3A_271 = arith.addi %add3A_269, %add3A_270 : i32
        %get3A_272 = arith.constant 1 : i32
        %get3A_273 = arith.index_cast %get3A_272 : i32 to index
        %get3A_274 = arith.index_cast %add3A_271 : i32 to index
        %get3A_275 = arith.constant 32 : index
        %get3A_276 = tpu.vector_load %arg9[%get3A_273, %get3A_274, %get3A_275] {strides = array<i32>} : memref<2x64x128xf32, #tpu.memory_space<vmem>>, vector<16xf32>,
        %get3A_277 = arith.constant 1 : i32
        %get3A_278 = arith.index_cast %get3A_277 : i32 to index
        %get3A_279 = arith.index_cast %add3A_271 : i32 to index
        %get3A_280 = arith.constant 32 : index
        %get3A_281 = tpu.vector_load %arg10[%get3A_278, %get3A_279, %get3A_280] {strides = array<i32>} : memref<2x64x128xf32, #tpu.memory_space<vmem>>, vector<16xf32>,
        %mul3A_282 = arith.mulf %get3A_276, %get3A_281 : vector<16xf32>
        %add3A_283 = arith.addf %mul3A_145, %mul3A_282 : vector<16xf32>
        %mul3A_284 = arith.constant 16 : i32
        %mul3A_285 = arith.muli %scan3A_111, %mul3A_284 : i32
        %add3A_286 = arith.constant 0 : i32
        %add3A_287 = arith.addi %mul3A_285, %add3A_286 : i32
        %add3A_288 = arith.constant 2 : i32
        %add3A_289 = arith.addi %add3A_287, %add3A_288 : i32
        %get3A_290 = arith.constant 1 : i32
        %get3A_291 = arith.index_cast %get3A_290 : i32 to index
        %get3A_292 = arith.index_cast %add3A_289 : i32 to index
        %get3A_293 = arith.constant 32 : index
        %get3A_294 = tpu.vector_load %arg9[%get3A_291, %get3A_292, %get3A_293] {strides = array<i32>} : memref<2x64x128xf32, #tpu.memory_space<vmem>>, vector<16xf32>,
        %get3A_295 = arith.constant 1 : i32
        %get3A_296 = arith.index_cast %get3A_295 : i32 to index
        %get3A_297 = arith.index_cast %add3A_289 : i32 to index
        %get3A_298 = arith.constant 32 : index
        %get3A_299 = tpu.vector_load %arg10[%get3A_296, %get3A_297, %get3A_298] {strides = array<i32>} : memref<2x64x128xf32, #tpu.memory_space<vmem>>, vector<16xf32>,
        %mul3A_300 = arith.mulf %get3A_294, %get3A_299 : vector<16xf32>
        %add3A_301 = arith.addf %mul3A_162, %mul3A_300 : vector<16xf32>
        %mul3A_302 = arith.constant 16 : i32
        %mul3A_303 = arith.muli %scan3A_111, %mul3A_302 : i32
        %add3A_304 = arith.constant 0 : i32
        %add3A_305 = arith.addi %mul3A_303, %add3A_304 : i32
        %add3A_306 = arith.constant 3 : i32
        %add3A_307 = arith.addi %add3A_305, %add3A_306 : i32
        %get3A_308 = arith.constant 1 : i32
        %get3A_309 = arith.index_cast %get3A_308 : i32 to index
        %get3A_310 = arith.index_cast %add3A_307 : i32 to index
        %get3A_311 = arith.constant 32 : index
        %get3A_312 = tpu.vector_load %arg9[%get3A_309, %get3A_310, %get3A_311] {strides = array<i32>} : memref<2x64x128xf32, #tpu.memory_space<vmem>>, vector<16xf32>,
        %get3A_313 = arith.constant 1 : i32
        %get3A_314 = arith.index_cast %get3A_313 : i32 to index
        %get3A_315 = arith.index_cast %add3A_307 : i32 to index
        %get3A_316 = arith.constant 32 : index
        %get3A_317 = tpu.vector_load %arg10[%get3A_314, %get3A_315, %get3A_316] {strides = array<i32>} : memref<2x64x128xf32, #tpu.memory_space<vmem>>, vector<16xf32>,
        %mul3A_318 = arith.mulf %get3A_312, %get3A_317 : vector<16xf32>
        %add3A_319 = arith.addf %mul3A_179, %mul3A_318 : vector<16xf32>
        %mul3A_320 = arith.constant 16 : i32
        %mul3A_321 = arith.muli %scan3A_111, %mul3A_320 : i32
        %add3A_322 = arith.constant 0 : i32
        %add3A_323 = arith.addi %mul3A_321, %add3A_322 : i32
        %add3A_324 = arith.constant 0 : i32
        %add3A_325 = arith.addi %add3A_323, %add3A_324 : i32
        %get3A_326 = arith.constant 1 : i32
        %get3A_327 = arith.index_cast %get3A_326 : i32 to index
        %get3A_328 = arith.index_cast %add3A_325 : i32 to index
        %get3A_329 = arith.constant 48 : index
        %get3A_330 = tpu.vector_load %arg9[%get3A_327, %get3A_328, %get3A_329] {strides = array<i32>} : memref<2x64x128xf32, #tpu.memory_space<vmem>>, vector<16xf32>,
        %get3A_331 = arith.constant 1 : i32
        %get3A_332 = arith.index_cast %get3A_331 : i32 to index
        %get3A_333 = arith.index_cast %add3A_325 : i32 to index
        %get3A_334 = arith.constant 48 : index
        %get3A_335 = tpu.vector_load %arg10[%get3A_332, %get3A_333, %get3A_334] {strides = array<i32>} : memref<2x64x128xf32, #tpu.memory_space<vmem>>, vector<16xf32>,
        %mul3A_336 = arith.mulf %get3A_330, %get3A_335 : vector<16xf32>
        %add3A_337 = arith.addf %mul3A_196, %mul3A_336 : vector<16xf32>
        %mul3A_338 = arith.constant 16 : i32
        %mul3A_339 = arith.muli %scan3A_111, %mul3A_338 : i32
        %add3A_340 = arith.constant 0 : i32
        %add3A_341 = arith.addi %mul3A_339, %add3A_340 : i32
        %add3A_342 = arith.constant 1 : i32
        %add3A_343 = arith.addi %add3A_341, %add3A_342 : i32
        %get3A_344 = arith.constant 1 : i32
        %get3A_345 = arith.index_cast %get3A_344 : i32 to index
        %get3A_346 = arith.index_cast %add3A_343 : i32 to index
        %get3A_347 = arith.constant 48 : index
        %get3A_348 = tpu.vector_load %arg9[%get3A_345, %get3A_346, %get3A_347] {strides = array<i32>} : memref<2x64x128xf32, #tpu.memory_space<vmem>>, vector<16xf32>,
        %get3A_349 = arith.constant 1 : i32
        %get3A_350 = arith.index_cast %get3A_349 : i32 to index
        %get3A_351 = arith.index_cast %add3A_343 : i32 to index
        %get3A_352 = arith.constant 48 : index
        %get3A_353 = tpu.vector_load %arg10[%get3A_350, %get3A_351, %get3A_352] {strides = array<i32>} : memref<2x64x128xf32, #tpu.memory_space<vmem>>, vector<16xf32>,
        %mul3A_354 = arith.mulf %get3A_348, %get3A_353 : vector<16xf32>
        %add3A_355 = arith.addf %mul3A_213, %mul3A_354 : vector<16xf32>
        %mul3A_356 = arith.constant 16 : i32
        %mul3A_357 = arith.muli %scan3A_111, %mul3A_356 : i32
        %add3A_358 = arith.constant 0 : i32
        %add3A_359 = arith.addi %mul3A_357, %add3A_358 : i32
        %add3A_360 = arith.constant 2 : i32
        %add3A_361 = arith.addi %add3A_359, %add3A_360 : i32
        %get3A_362 = arith.constant 1 : i32
        %get3A_363 = arith.index_cast %get3A_362 : i32 to index
        %get3A_364 = arith.index_cast %add3A_361 : i32 to index
        %get3A_365 = arith.constant 48 : index
        %get3A_366 = tpu.vector_load %arg9[%get3A_363, %get3A_364, %get3A_365] {strides = array<i32>} : memref<2x64x128xf32, #tpu.memory_space<vmem>>, vector<16xf32>,
        %get3A_367 = arith.constant 1 : i32
        %get3A_368 = arith.index_cast %get3A_367 : i32 to index
        %get3A_369 = arith.index_cast %add3A_361 : i32 to index
        %get3A_370 = arith.constant 48 : index
        %get3A_371 = tpu.vector_load %arg10[%get3A_368, %get3A_369, %get3A_370] {strides = array<i32>} : memref<2x64x128xf32, #tpu.memory_space<vmem>>, vector<16xf32>,
        %mul3A_372 = arith.mulf %get3A_366, %get3A_371 : vector<16xf32>
        %add3A_373 = arith.addf %mul3A_230, %mul3A_372 : vector<16xf32>
        %mul3A_374 = arith.constant 16 : i32
        %mul3A_375 = arith.muli %scan3A_111, %mul3A_374 : i32
        %add3A_376 = arith.constant 0 : i32
        %add3A_377 = arith.addi %mul3A_375, %add3A_376 : i32
        %add3A_378 = arith.constant 3 : i32
        %add3A_379 = arith.addi %add3A_377, %add3A_378 : i32
        %get3A_380 = arith.constant 1 : i32
        %get3A_381 = arith.index_cast %get3A_380 : i32 to index
        %get3A_382 = arith.index_cast %add3A_379 : i32 to index
        %get3A_383 = arith.constant 48 : index
        %get3A_384 = tpu.vector_load %arg9[%get3A_381, %get3A_382, %get3A_383] {strides = array<i32>} : memref<2x64x128xf32, #tpu.memory_space<vmem>>, vector<16xf32>,
        %get3A_385 = arith.constant 1 : i32
        %get3A_386 = arith.index_cast %get3A_385 : i32 to index
        %get3A_387 = arith.index_cast %add3A_379 : i32 to index
        %get3A_388 = arith.constant 48 : index
        %get3A_389 = tpu.vector_load %arg10[%get3A_386, %get3A_387, %get3A_388] {strides = array<i32>} : memref<2x64x128xf32, #tpu.memory_space<vmem>>, vector<16xf32>,
        %mul3A_390 = arith.mulf %get3A_384, %get3A_389 : vector<16xf32>
        %add3A_391 = arith.addf %mul3A_247, %mul3A_390 : vector<16xf32>
        %mul3A_392 = arith.constant 16 : i32
        %mul3A_393 = arith.muli %scan3A_111, %mul3A_392 : i32
        %add3A_394 = arith.constant 0 : i32
        %add3A_395 = arith.addi %mul3A_393, %add3A_394 : i32
        %add3A_396 = arith.constant 0 : i32
        %add3A_397 = arith.addi %add3A_395, %add3A_396 : i32
        %get3A_398 = arith.constant 1 : i32
        %get3A_399 = arith.index_cast %get3A_398 : i32 to index
        %get3A_400 = arith.index_cast %add3A_397 : i32 to index
        %get3A_401 = arith.constant 64 : index
        %get3A_402 = tpu.vector_load %arg9[%get3A_399, %get3A_400, %get3A_401] {strides = array<i32>} : memref<2x64x128xf32, #tpu.memory_space<vmem>>, vector<16xf32>,
        %get3A_403 = arith.constant 1 : i32
        %get3A_404 = arith.index_cast %get3A_403 : i32 to index
        %get3A_405 = arith.index_cast %add3A_397 : i32 to index
        %get3A_406 = arith.constant 64 : index
        %get3A_407 = tpu.vector_load %arg10[%get3A_404, %get3A_405, %get3A_406] {strides = array<i32>} : memref<2x64x128xf32, #tpu.memory_space<vmem>>, vector<16xf32>,
        %mul3A_408 = arith.mulf %get3A_402, %get3A_407 : vector<16xf32>
        %add3A_409 = arith.addf %add3A_265, %mul3A_408 : vector<16xf32>
        %mul3A_410 = arith.constant 16 : i32
        %mul3A_411 = arith.muli %scan3A_111, %mul3A_410 : i32
        %add3A_412 = arith.constant 0 : i32
        %add3A_413 = arith.addi %mul3A_411, %add3A_412 : i32
        %add3A_414 = arith.constant 1 : i32
        %add3A_415 = arith.addi %add3A_413, %add3A_414 : i32
        %get3A_416 = arith.constant 1 : i32
        %get3A_417 = arith.index_cast %get3A_416 : i32 to index
        %get3A_418 = arith.index_cast %add3A_415 : i32 to index
        %get3A_419 = arith.constant 64 : index
        %get3A_420 = tpu.vector_load %arg9[%get3A_417, %get3A_418, %get3A_419] {strides = array<i32>} : memref<2x64x128xf32, #tpu.memory_space<vmem>>, vector<16xf32>,
        %get3A_421 = arith.constant 1 : i32
        %get3A_422 = arith.index_cast %get3A_421 : i32 to index
        %get3A_423 = arith.index_cast %add3A_415 : i32 to index
        %get3A_424 = arith.constant 64 : index
        %get3A_425 = tpu.vector_load %arg10[%get3A_422, %get3A_423, %get3A_424] {strides = array<i32>} : memref<2x64x128xf32, #tpu.memory_space<vmem>>, vector<16xf32>,
        %mul3A_426 = arith.mulf %get3A_420, %get3A_425 : vector<16xf32>
        %add3A_427 = arith.addf %add3A_283, %mul3A_426 : vector<16xf32>
        %mul3A_428 = arith.constant 16 : i32
        %mul3A_429 = arith.muli %scan3A_111, %mul3A_428 : i32
        %add3A_430 = arith.constant 0 : i32
        %add3A_431 = arith.addi %mul3A_429, %add3A_430 : i32
        %add3A_432 = arith.constant 2 : i32
        %add3A_433 = arith.addi %add3A_431, %add3A_432 : i32
        %get3A_434 = arith.constant 1 : i32
        %get3A_435 = arith.index_cast %get3A_434 : i32 to index
        %get3A_436 = arith.index_cast %add3A_433 : i32 to index
        %get3A_437 = arith.constant 64 : index
        %get3A_438 = tpu.vector_load %arg9[%get3A_435, %get3A_436, %get3A_437] {strides = array<i32>} : memref<2x64x128xf32, #tpu.memory_space<vmem>>, vector<16xf32>,
        %get3A_439 = arith.constant 1 : i32
        %get3A_440 = arith.index_cast %get3A_439 : i32 to index
        %get3A_441 = arith.index_cast %add3A_433 : i32 to index
        %get3A_442 = arith.constant 64 : index
        %get3A_443 = tpu.vector_load %arg10[%get3A_440, %get3A_441, %get3A_442] {strides = array<i32>} : memref<2x64x128xf32, #tpu.memory_space<vmem>>, vector<16xf32>,
        %mul3A_444 = arith.mulf %get3A_438, %get3A_443 : vector<16xf32>
        %add3A_445 = arith.addf %add3A_301, %mul3A_444 : vector<16xf32>
        %mul3A_446 = arith.constant 16 : i32
        %mul3A_447 = arith.muli %scan3A_111, %mul3A_446 : i32
        %add3A_448 = arith.constant 0 : i32
        %add3A_449 = arith.addi %mul3A_447, %add3A_448 : i32
        %add3A_450 = arith.constant 3 : i32
        %add3A_451 = arith.addi %add3A_449, %add3A_450 : i32
        %get3A_452 = arith.constant 1 : i32
        %get3A_453 = arith.index_cast %get3A_452 : i32 to index
        %get3A_454 = arith.index_cast %add3A_451 : i32 to index
        %get3A_455 = arith.constant 64 : index
        %get3A_456 = tpu.vector_load %arg9[%get3A_453, %get3A_454, %get3A_455] {strides = array<i32>} : memref<2x64x128xf32, #tpu.memory_space<vmem>>, vector<16xf32>,
        %get3A_457 = arith.constant 1 : i32
        %get3A_458 = arith.index_cast %get3A_457 : i32 to index
        %get3A_459 = arith.index_cast %add3A_451 : i32 to index
        %get3A_460 = arith.constant 64 : index
        %get3A_461 = tpu.vector_load %arg10[%get3A_458, %get3A_459, %get3A_460] {strides = array<i32>} : memref<2x64x128xf32, #tpu.memory_space<vmem>>, vector<16xf32>,
        %mul3A_462 = arith.mulf %get3A_456, %get3A_461 : vector<16xf32>
        %add3A_463 = arith.addf %add3A_319, %mul3A_462 : vector<16xf32>
        %mul3A_464 = arith.constant 16 : i32
        %mul3A_465 = arith.muli %scan3A_111, %mul3A_464 : i32
        %add3A_466 = arith.constant 0 : i32
        %add3A_467 = arith.addi %mul3A_465, %add3A_466 : i32
        %add3A_468 = arith.constant 0 : i32
        %add3A_469 = arith.addi %add3A_467, %add3A_468 : i32
        %get3A_470 = arith.constant 1 : i32
        %get3A_471 = arith.index_cast %get3A_470 : i32 to index
        %get3A_472 = arith.index_cast %add3A_469 : i32 to index
        %get3A_473 = arith.constant 80 : index
        %get3A_474 = tpu.vector_load %arg9[%get3A_471, %get3A_472, %get3A_473] {strides = array<i32>} : memref<2x64x128xf32, #tpu.memory_space<vmem>>, vector<16xf32>,
        %get3A_475 = arith.constant 1 : i32
        %get3A_476 = arith.index_cast %get3A_475 : i32 to index
        %get3A_477 = arith.index_cast %add3A_469 : i32 to index
        %get3A_478 = arith.constant 80 : index
        %get3A_479 = tpu.vector_load %arg10[%get3A_476, %get3A_477, %get3A_478] {strides = array<i32>} : memref<2x64x128xf32, #tpu.memory_space<vmem>>, vector<16xf32>,
        %mul3A_480 = arith.mulf %get3A_474, %get3A_479 : vector<16xf32>
        %add3A_481 = arith.addf %add3A_337, %mul3A_480 : vector<16xf32>
        %mul3A_482 = arith.constant 16 : i32
        %mul3A_483 = arith.muli %scan3A_111, %mul3A_482 : i32
        %add3A_484 = arith.constant 0 : i32
        %add3A_485 = arith.addi %mul3A_483, %add3A_484 : i32
        %add3A_486 = arith.constant 1 : i32
        %add3A_487 = arith.addi %add3A_485, %add3A_486 : i32
        %get3A_488 = arith.constant 1 : i32
        %get3A_489 = arith.index_cast %get3A_488 : i32 to index
        %get3A_490 = arith.index_cast %add3A_487 : i32 to index
        %get3A_491 = arith.constant 80 : index
        %get3A_492 = tpu.vector_load %arg9[%get3A_489, %get3A_490, %get3A_491] {strides = array<i32>} : memref<2x64x128xf32, #tpu.memory_space<vmem>>, vector<16xf32>,
        %get3A_493 = arith.constant 1 : i32
        %get3A_494 = arith.index_cast %get3A_493 : i32 to index
        %get3A_495 = arith.index_cast %add3A_487 : i32 to index
        %get3A_496 = arith.constant 80 : index
        %get3A_497 = tpu.vector_load %arg10[%get3A_494, %get3A_495, %get3A_496] {strides = array<i32>} : memref<2x64x128xf32, #tpu.memory_space<vmem>>, vector<16xf32>,
        %mul3A_498 = arith.mulf %get3A_492, %get3A_497 : vector<16xf32>
        %add3A_499 = arith.addf %add3A_355, %mul3A_498 : vector<16xf32>
        %mul3A_500 = arith.constant 16 : i32
        %mul3A_501 = arith.muli %scan3A_111, %mul3A_500 : i32
        %add3A_502 = arith.constant 0 : i32
        %add3A_503 = arith.addi %mul3A_501, %add3A_502 : i32
        %add3A_504 = arith.constant 2 : i32
        %add3A_505 = arith.addi %add3A_503, %add3A_504 : i32
        %get3A_506 = arith.constant 1 : i32
        %get3A_507 = arith.index_cast %get3A_506 : i32 to index
        %get3A_508 = arith.index_cast %add3A_505 : i32 to index
        %get3A_509 = arith.constant 80 : index
        %get3A_510 = tpu.vector_load %arg9[%get3A_507, %get3A_508, %get3A_509] {strides = array<i32>} : memref<2x64x128xf32, #tpu.memory_space<vmem>>, vector<16xf32>,
        %get3A_511 = arith.constant 1 : i32
        %get3A_512 = arith.index_cast %get3A_511 : i32 to index
        %get3A_513 = arith.index_cast %add3A_505 : i32 to index
        %get3A_514 = arith.constant 80 : index
        %get3A_515 = tpu.vector_load %arg10[%get3A_512, %get3A_513, %get3A_514] {strides = array<i32>} : memref<2x64x128xf32, #tpu.memory_space<vmem>>, vector<16xf32>,
        %mul3A_516 = arith.mulf %get3A_510, %get3A_515 : vector<16xf32>
        %add3A_517 = arith.addf %add3A_373, %mul3A_516 : vector<16xf32>
        %mul3A_518 = arith.constant 16 : i32
        %mul3A_519 = arith.muli %scan3A_111, %mul3A_518 : i32
        %add3A_520 = arith.constant 0 : i32
        %add3A_521 = arith.addi %mul3A_519, %add3A_520 : i32
        %add3A_522 = arith.constant 3 : i32
        %add3A_523 = arith.addi %add3A_521, %add3A_522 : i32
        %get3A_524 = arith.constant 1 : i32
        %get3A_525 = arith.index_cast %get3A_524 : i32 to index
        %get3A_526 = arith.index_cast %add3A_523 : i32 to index
        %get3A_527 = arith.constant 80 : index
        %get3A_528 = tpu.vector_load %arg9[%get3A_525, %get3A_526, %get3A_527] {strides = array<i32>} : memref<2x64x128xf32, #tpu.memory_space<vmem>>, vector<16xf32>,
        %get3A_529 = arith.constant 1 : i32
        %get3A_530 = arith.index_cast %get3A_529 : i32 to index
        %get3A_531 = arith.index_cast %add3A_523 : i32 to index
        %get3A_532 = arith.constant 80 : index
        %get3A_533 = tpu.vector_load %arg10[%get3A_530, %get3A_531, %get3A_532] {strides = array<i32>} : memref<2x64x128xf32, #tpu.memory_space<vmem>>, vector<16xf32>,
        %mul3A_534 = arith.mulf %get3A_528, %get3A_533 : vector<16xf32>
        %add3A_535 = arith.addf %add3A_391, %mul3A_534 : vector<16xf32>
        %mul3A_536 = arith.constant 16 : i32
        %mul3A_537 = arith.muli %scan3A_111, %mul3A_536 : i32
        %add3A_538 = arith.constant 0 : i32
        %add3A_539 = arith.addi %mul3A_537, %add3A_538 : i32
        %add3A_540 = arith.constant 0 : i32
        %add3A_541 = arith.addi %add3A_539, %add3A_540 : i32
        %get3A_542 = arith.constant 1 : i32
        %get3A_543 = arith.index_cast %get3A_542 : i32 to index
        %get3A_544 = arith.index_cast %add3A_541 : i32 to index
        %get3A_545 = arith.constant 96 : index
        %get3A_546 = tpu.vector_load %arg9[%get3A_543, %get3A_544, %get3A_545] {strides = array<i32>} : memref<2x64x128xf32, #tpu.memory_space<vmem>>, vector<16xf32>,
        %get3A_547 = arith.constant 1 : i32
        %get3A_548 = arith.index_cast %get3A_547 : i32 to index
        %get3A_549 = arith.index_cast %add3A_541 : i32 to index
        %get3A_550 = arith.constant 96 : index
        %get3A_551 = tpu.vector_load %arg10[%get3A_548, %get3A_549, %get3A_550] {strides = array<i32>} : memref<2x64x128xf32, #tpu.memory_space<vmem>>, vector<16xf32>,
        %mul3A_552 = arith.mulf %get3A_546, %get3A_551 : vector<16xf32>
        %add3A_553 = arith.addf %add3A_409, %mul3A_552 : vector<16xf32>
        %mul3A_554 = arith.constant 16 : i32
        %mul3A_555 = arith.muli %scan3A_111, %mul3A_554 : i32
        %add3A_556 = arith.constant 0 : i32
        %add3A_557 = arith.addi %mul3A_555, %add3A_556 : i32
        %add3A_558 = arith.constant 1 : i32
        %add3A_559 = arith.addi %add3A_557, %add3A_558 : i32
        %get3A_560 = arith.constant 1 : i32
        %get3A_561 = arith.index_cast %get3A_560 : i32 to index
        %get3A_562 = arith.index_cast %add3A_559 : i32 to index
        %get3A_563 = arith.constant 96 : index
        %get3A_564 = tpu.vector_load %arg9[%get3A_561, %get3A_562, %get3A_563] {strides = array<i32>} : memref<2x64x128xf32, #tpu.memory_space<vmem>>, vector<16xf32>,
        %get3A_565 = arith.constant 1 : i32
        %get3A_566 = arith.index_cast %get3A_565 : i32 to index
        %get3A_567 = arith.index_cast %add3A_559 : i32 to index
        %get3A_568 = arith.constant 96 : index
        %get3A_569 = tpu.vector_load %arg10[%get3A_566, %get3A_567, %get3A_568] {strides = array<i32>} : memref<2x64x128xf32, #tpu.memory_space<vmem>>, vector<16xf32>,
        %mul3A_570 = arith.mulf %get3A_564, %get3A_569 : vector<16xf32>
        %add3A_571 = arith.addf %add3A_427, %mul3A_570 : vector<16xf32>
        %mul3A_572 = arith.constant 16 : i32
        %mul3A_573 = arith.muli %scan3A_111, %mul3A_572 : i32
        %add3A_574 = arith.constant 0 : i32
        %add3A_575 = arith.addi %mul3A_573, %add3A_574 : i32
        %add3A_576 = arith.constant 2 : i32
        %add3A_577 = arith.addi %add3A_575, %add3A_576 : i32
        %get3A_578 = arith.constant 1 : i32
        %get3A_579 = arith.index_cast %get3A_578 : i32 to index
        %get3A_580 = arith.index_cast %add3A_577 : i32 to index
        %get3A_581 = arith.constant 96 : index
        %get3A_582 = tpu.vector_load %arg9[%get3A_579, %get3A_580, %get3A_581] {strides = array<i32>} : memref<2x64x128xf32, #tpu.memory_space<vmem>>, vector<16xf32>,
        %get3A_583 = arith.constant 1 : i32
        %get3A_584 = arith.index_cast %get3A_583 : i32 to index
        %get3A_585 = arith.index_cast %add3A_577 : i32 to index
        %get3A_586 = arith.constant 96 : index
        %get3A_587 = tpu.vector_load %arg10[%get3A_584, %get3A_585, %get3A_586] {strides = array<i32>} : memref<2x64x128xf32, #tpu.memory_space<vmem>>, vector<16xf32>,
        %mul3A_588 = arith.mulf %get3A_582, %get3A_587 : vector<16xf32>
        %add3A_589 = arith.addf %add3A_445, %mul3A_588 : vector<16xf32>
        %mul3A_590 = arith.constant 16 : i32
        %mul3A_591 = arith.muli %scan3A_111, %mul3A_590 : i32
        %add3A_592 = arith.constant 0 : i32
        %add3A_593 = arith.addi %mul3A_591, %add3A_592 : i32
        %add3A_594 = arith.constant 3 : i32
        %add3A_595 = arith.addi %add3A_593, %add3A_594 : i32
        %get3A_596 = arith.constant 1 : i32
        %get3A_597 = arith.index_cast %get3A_596 : i32 to index
        %get3A_598 = arith.index_cast %add3A_595 : i32 to index
        %get3A_599 = arith.constant 96 : index
        %get3A_600 = tpu.vector_load %arg9[%get3A_597, %get3A_598, %get3A_599] {strides = array<i32>} : memref<2x64x128xf32, #tpu.memory_space<vmem>>, vector<16xf32>,
        %get3A_601 = arith.constant 1 : i32
        %get3A_602 = arith.index_cast %get3A_601 : i32 to index
        %get3A_603 = arith.index_cast %add3A_595 : i32 to index
        %get3A_604 = arith.constant 96 : index
        %get3A_605 = tpu.vector_load %arg10[%get3A_602, %get3A_603, %get3A_604] {strides = array<i32>} : memref<2x64x128xf32, #tpu.memory_space<vmem>>, vector<16xf32>,
        %mul3A_606 = arith.mulf %get3A_600, %get3A_605 : vector<16xf32>
        %add3A_607 = arith.addf %add3A_463, %mul3A_606 : vector<16xf32>
        %mul3A_608 = arith.constant 16 : i32
        %mul3A_609 = arith.muli %scan3A_111, %mul3A_608 : i32
        %add3A_610 = arith.constant 0 : i32
        %add3A_611 = arith.addi %mul3A_609, %add3A_610 : i32
        %add3A_612 = arith.constant 0 : i32
        %add3A_613 = arith.addi %add3A_611, %add3A_612 : i32
        %get3A_614 = arith.constant 1 : i32
        %get3A_615 = arith.index_cast %get3A_614 : i32 to index
        %get3A_616 = arith.index_cast %add3A_613 : i32 to index
        %get3A_617 = arith.constant 112 : index
        %get3A_618 = tpu.vector_load %arg9[%get3A_615, %get3A_616, %get3A_617] {strides = array<i32>} : memref<2x64x128xf32, #tpu.memory_space<vmem>>, vector<16xf32>,
        %get3A_619 = arith.constant 1 : i32
        %get3A_620 = arith.index_cast %get3A_619 : i32 to index
        %get3A_621 = arith.index_cast %add3A_613 : i32 to index
        %get3A_622 = arith.constant 112 : index
        %get3A_623 = tpu.vector_load %arg10[%get3A_620, %get3A_621, %get3A_622] {strides = array<i32>} : memref<2x64x128xf32, #tpu.memory_space<vmem>>, vector<16xf32>,
        %mul3A_624 = arith.mulf %get3A_618, %get3A_623 : vector<16xf32>
        %add3A_625 = arith.addf %add3A_481, %mul3A_624 : vector<16xf32>
        %mul3A_626 = arith.constant 16 : i32
        %mul3A_627 = arith.muli %scan3A_111, %mul3A_626 : i32
        %add3A_628 = arith.constant 0 : i32
        %add3A_629 = arith.addi %mul3A_627, %add3A_628 : i32
        %add3A_630 = arith.constant 1 : i32
        %add3A_631 = arith.addi %add3A_629, %add3A_630 : i32
        %get3A_632 = arith.constant 1 : i32
        %get3A_633 = arith.index_cast %get3A_632 : i32 to index
        %get3A_634 = arith.index_cast %add3A_631 : i32 to index
        %get3A_635 = arith.constant 112 : index
        %get3A_636 = tpu.vector_load %arg9[%get3A_633, %get3A_634, %get3A_635] {strides = array<i32>} : memref<2x64x128xf32, #tpu.memory_space<vmem>>, vector<16xf32>,
        %get3A_637 = arith.constant 1 : i32
        %get3A_638 = arith.index_cast %get3A_637 : i32 to index
        %get3A_639 = arith.index_cast %add3A_631 : i32 to index
        %get3A_640 = arith.constant 112 : index
        %get3A_641 = tpu.vector_load %arg10[%get3A_638, %get3A_639, %get3A_640] {strides = array<i32>} : memref<2x64x128xf32, #tpu.memory_space<vmem>>, vector<16xf32>,
        %mul3A_642 = arith.mulf %get3A_636, %get3A_641 : vector<16xf32>
        %add3A_643 = arith.addf %add3A_499, %mul3A_642 : vector<16xf32>
        %mul3A_644 = arith.constant 16 : i32
        %mul3A_645 = arith.muli %scan3A_111, %mul3A_644 : i32
        %add3A_646 = arith.constant 0 : i32
        %add3A_647 = arith.addi %mul3A_645, %add3A_646 : i32
        %add3A_648 = arith.constant 2 : i32
        %add3A_649 = arith.addi %add3A_647, %add3A_648 : i32
        %get3A_650 = arith.constant 1 : i32
        %get3A_651 = arith.index_cast %get3A_650 : i32 to index
        %get3A_652 = arith.index_cast %add3A_649 : i32 to index
        %get3A_653 = arith.constant 112 : index
        %get3A_654 = tpu.vector_load %arg9[%get3A_651, %get3A_652, %get3A_653] {strides = array<i32>} : memref<2x64x128xf32, #tpu.memory_space<vmem>>, vector<16xf32>,
        %get3A_655 = arith.constant 1 : i32
        %get3A_656 = arith.index_cast %get3A_655 : i32 to index
        %get3A_657 = arith.index_cast %add3A_649 : i32 to index
        %get3A_658 = arith.constant 112 : index
        %get3A_659 = tpu.vector_load %arg10[%get3A_656, %get3A_657, %get3A_658] {strides = array<i32>} : memref<2x64x128xf32, #tpu.memory_space<vmem>>, vector<16xf32>,
        %mul3A_660 = arith.mulf %get3A_654, %get3A_659 : vector<16xf32>
        %add3A_661 = arith.addf %add3A_517, %mul3A_660 : vector<16xf32>
        %mul3A_662 = arith.constant 16 : i32
        %mul3A_663 = arith.muli %scan3A_111, %mul3A_662 : i32
        %add3A_664 = arith.constant 0 : i32
        %add3A_665 = arith.addi %mul3A_663, %add3A_664 : i32
        %add3A_666 = arith.constant 3 : i32
        %add3A_667 = arith.addi %add3A_665, %add3A_666 : i32
        %get3A_668 = arith.constant 1 : i32
        %get3A_669 = arith.index_cast %get3A_668 : i32 to index
        %get3A_670 = arith.index_cast %add3A_667 : i32 to index
        %get3A_671 = arith.constant 112 : index
        %get3A_672 = tpu.vector_load %arg9[%get3A_669, %get3A_670, %get3A_671] {strides = array<i32>} : memref<2x64x128xf32, #tpu.memory_space<vmem>>, vector<16xf32>,
        %get3A_673 = arith.constant 1 : i32
        %get3A_674 = arith.index_cast %get3A_673 : i32 to index
        %get3A_675 = arith.index_cast %add3A_667 : i32 to index
        %get3A_676 = arith.constant 112 : index
        %get3A_677 = tpu.vector_load %arg10[%get3A_674, %get3A_675, %get3A_676] {strides = array<i32>} : memref<2x64x128xf32, #tpu.memory_space<vmem>>, vector<16xf32>,
        %mul3A_678 = arith.mulf %get3A_672, %get3A_677 : vector<16xf32>
        %add3A_679 = arith.addf %add3A_535, %mul3A_678 : vector<16xf32>
        %add3A_680 = arith.addf %add3A_553, %add3A_625 : vector<16xf32>
        %swap3A = arith.constant 0 : i32
        %swap3A_681 = arith.index_cast %swap3A : i32 to index
        %swap3A_682 = arith.constant 0 : index
        %swap3A_683 = tpu.vector_load %arg12[%swap3A_681, %swap3A_682] {strides = array<i32>} : memref<16x17xf32, #tpu.memory_space<vmem>>, vector<16xf32>,
        tpu.vector_store %arg12[%swap3A_681, %swap3A_682], %add3A_680 {strides = array<i32>} : memref<16x17xf32, #tpu.memory_space<vmem>>, vector<16xf32>,
        %add3A_684 = arith.addf %add3A_571, %add3A_643 : vector<16xf32>
        %swap3A_685 = arith.constant 1 : i32
        %swap3A_686 = arith.index_cast %swap3A_685 : i32 to index
        %swap3A_687 = arith.constant 0 : index
        %swap3A_688 = tpu.vector_load %arg12[%swap3A_686, %swap3A_687] {strides = array<i32>} : memref<16x17xf32, #tpu.memory_space<vmem>>, vector<16xf32>,
        tpu.vector_store %arg12[%swap3A_686, %swap3A_687], %add3A_684 {strides = array<i32>} : memref<16x17xf32, #tpu.memory_space<vmem>>, vector<16xf32>,
        %add3A_689 = arith.addf %add3A_589, %add3A_661 : vector<16xf32>
        %swap3A_690 = arith.constant 2 : i32
        %swap3A_691 = arith.index_cast %swap3A_690 : i32 to index
        %swap3A_692 = arith.constant 0 : index
        %swap3A_693 = tpu.vector_load %arg12[%swap3A_691, %swap3A_692] {strides = array<i32>} : memref<16x17xf32, #tpu.memory_space<vmem>>, vector<16xf32>,
        tpu.vector_store %arg12[%swap3A_691, %swap3A_692], %add3A_689 {strides = array<i32>} : memref<16x17xf32, #tpu.memory_space<vmem>>, vector<16xf32>,
        %add3A_694 = arith.addf %add3A_607, %add3A_679 : vector<16xf32>
        %swap3A_695 = arith.constant 3 : i32
        %swap3A_696 = arith.index_cast %swap3A_695 : i32 to index
        %swap3A_697 = arith.constant 0 : index
        %swap3A_698 = tpu.vector_load %arg12[%swap3A_696, %swap3A_697] {strides = array<i32>} : memref<16x17xf32, #tpu.memory_space<vmem>>, vector<16xf32>,
        tpu.vector_store %arg12[%swap3A_696, %swap3A_697], %add3A_694 {strides = array<i32>} : memref<16x17xf32, #tpu.memory_space<vmem>>, vector<16xf32>,
        %mul3A_699 = arith.constant 16 : i32
        %mul3A_700 = arith.muli %scan3A_111, %mul3A_699 : i32
        %add3A_701 = arith.constant 4 : i32
        %add3A_702 = arith.addi %mul3A_700, %add3A_701 : i32
        %add3A_703 = arith.constant 0 : i32
        %add3A_704 = arith.addi %add3A_702, %add3A_703 : i32
        %get3A_705 = arith.constant 1 : i32
        %get3A_706 = arith.index_cast %get3A_705 : i32 to index
        %get3A_707 = arith.index_cast %add3A_704 : i32 to index
        %get3A_708 = arith.constant 0 : index
        %get3A_709 = tpu.vector_load %arg9[%get3A_706, %get3A_707, %get3A_708] {strides = array<i32>} : memref<2x64x128xf32, #tpu.memory_space<vmem>>, vector<16xf32>,
        %get3A_710 = arith.constant 1 : i32
        %get3A_711 = arith.index_cast %get3A_710 : i32 to index
        %get3A_712 = arith.index_cast %add3A_704 : i32 to index
        %get3A_713 = arith.constant 0 : index
        %get3A_714 = tpu.vector_load %arg10[%get3A_711, %get3A_712, %get3A_713] {strides = array<i32>} : memref<2x64x128xf32, #tpu.memory_space<vmem>>, vector<16xf32>,
        %mul3A_715 = arith.mulf %get3A_709, %get3A_714 : vector<16xf32>
        %mul3A_716 = arith.constant 16 : i32
        %mul3A_717 = arith.muli %scan3A_111, %mul3A_716 : i32
        %add3A_718 = arith.constant 4 : i32
        %add3A_719 = arith.addi %mul3A_717, %add3A_718 : i32
        %add3A_720 = arith.constant 1 : i32
        %add3A_721 = arith.addi %add3A_719, %add3A_720 : i32
        %get3A_722 = arith.constant 1 : i32
        %get3A_723 = arith.index_cast %get3A_722 : i32 to index
        %get3A_724 = arith.index_cast %add3A_721 : i32 to index
        %get3A_725 = arith.constant 0 : index
        %get3A_726 = tpu.vector_load %arg9[%get3A_723, %get3A_724, %get3A_725] {strides = array<i32>} : memref<2x64x128xf32, #tpu.memory_space<vmem>>, vector<16xf32>,
        %get3A_727 = arith.constant 1 : i32
        %get3A_728 = arith.index_cast %get3A_727 : i32 to index
        %get3A_729 = arith.index_cast %add3A_721 : i32 to index
        %get3A_730 = arith.constant 0 : index
        %get3A_731 = tpu.vector_load %arg10[%get3A_728, %get3A_729, %get3A_730] {strides = array<i32>} : memref<2x64x128xf32, #tpu.memory_space<vmem>>, vector<16xf32>,
        %mul3A_732 = arith.mulf %get3A_726, %get3A_731 : vector<16xf32>
        %mul3A_733 = arith.constant 16 : i32
        %mul3A_734 = arith.muli %scan3A_111, %mul3A_733 : i32
        %add3A_735 = arith.constant 4 : i32
        %add3A_736 = arith.addi %mul3A_734, %add3A_735 : i32
        %add3A_737 = arith.constant 2 : i32
        %add3A_738 = arith.addi %add3A_736, %add3A_737 : i32
        %get3A_739 = arith.constant 1 : i32
        %get3A_740 = arith.index_cast %get3A_739 : i32 to index
        %get3A_741 = arith.index_cast %add3A_738 : i32 to index
        %get3A_742 = arith.constant 0 : index
        %get3A_743 = tpu.vector_load %arg9[%get3A_740, %get3A_741, %get3A_742] {strides = array<i32>} : memref<2x64x128xf32, #tpu.memory_space<vmem>>, vector<16xf32>,
        %get3A_744 = arith.constant 1 : i32
        %get3A_745 = arith.index_cast %get3A_744 : i32 to index
        %get3A_746 = arith.index_cast %add3A_738 : i32 to index
        %get3A_747 = arith.constant 0 : index
        %get3A_748 = tpu.vector_load %arg10[%get3A_745, %get3A_746, %get3A_747] {strides = array<i32>} : memref<2x64x128xf32, #tpu.memory_space<vmem>>, vector<16xf32>,
        %mul3A_749 = arith.mulf %get3A_743, %get3A_748 : vector<16xf32>
        %mul3A_750 = arith.constant 16 : i32
        %mul3A_751 = arith.muli %scan3A_111, %mul3A_750 : i32
        %add3A_752 = arith.constant 4 : i32
        %add3A_753 = arith.addi %mul3A_751, %add3A_752 : i32
        %add3A_754 = arith.constant 3 : i32
        %add3A_755 = arith.addi %add3A_753, %add3A_754 : i32
        %get3A_756 = arith.constant 1 : i32
        %get3A_757 = arith.index_cast %get3A_756 : i32 to index
        %get3A_758 = arith.index_cast %add3A_755 : i32 to index
        %get3A_759 = arith.constant 0 : index
        %get3A_760 = tpu.vector_load %arg9[%get3A_757, %get3A_758, %get3A_759] {strides = array<i32>} : memref<2x64x128xf32, #tpu.memory_space<vmem>>, vector<16xf32>,
        %get3A_761 = arith.constant 1 : i32
        %get3A_762 = arith.index_cast %get3A_761 : i32 to index
        %get3A_763 = arith.index_cast %add3A_755 : i32 to index
        %get3A_764 = arith.constant 0 : index
        %get3A_765 = tpu.vector_load %arg10[%get3A_762, %get3A_763, %get3A_764] {strides = array<i32>} : memref<2x64x128xf32, #tpu.memory_space<vmem>>, vector<16xf32>,
        %mul3A_766 = arith.mulf %get3A_760, %get3A_765 : vector<16xf32>
        %mul3A_767 = arith.constant 16 : i32
        %mul3A_768 = arith.muli %scan3A_111, %mul3A_767 : i32
        %add3A_769 = arith.constant 4 : i32
        %add3A_770 = arith.addi %mul3A_768, %add3A_769 : i32
        %add3A_771 = arith.constant 0 : i32
        %add3A_772 = arith.addi %add3A_770, %add3A_771 : i32
        %get3A_773 = arith.constant 1 : i32
        %get3A_774 = arith.index_cast %get3A_773 : i32 to index
        %get3A_775 = arith.index_cast %add3A_772 : i32 to index
        %get3A_776 = arith.constant 16 : index
        %get3A_777 = tpu.vector_load %arg9[%get3A_774, %get3A_775, %get3A_776] {strides = array<i32>} : memref<2x64x128xf32, #tpu.memory_space<vmem>>, vector<16xf32>,
        %get3A_778 = arith.constant 1 : i32
        %get3A_779 = arith.index_cast %get3A_778 : i32 to index
        %get3A_780 = arith.index_cast %add3A_772 : i32 to index
        %get3A_781 = arith.constant 16 : index
        %get3A_782 = tpu.vector_load %arg10[%get3A_779, %get3A_780, %get3A_781] {strides = array<i32>} : memref<2x64x128xf32, #tpu.memory_space<vmem>>, vector<16xf32>,
        %mul3A_783 = arith.mulf %get3A_777, %get3A_782 : vector<16xf32>
        %mul3A_784 = arith.constant 16 : i32
        %mul3A_785 = arith.muli %scan3A_111, %mul3A_784 : i32
        %add3A_786 = arith.constant 4 : i32
        %add3A_787 = arith.addi %mul3A_785, %add3A_786 : i32
        %add3A_788 = arith.constant 1 : i32
        %add3A_789 = arith.addi %add3A_787, %add3A_788 : i32
        %get3A_790 = arith.constant 1 : i32
        %get3A_791 = arith.index_cast %get3A_790 : i32 to index
        %get3A_792 = arith.index_cast %add3A_789 : i32 to index
        %get3A_793 = arith.constant 16 : index
        %get3A_794 = tpu.vector_load %arg9[%get3A_791, %get3A_792, %get3A_793] {strides = array<i32>} : memref<2x64x128xf32, #tpu.memory_space<vmem>>, vector<16xf32>,
        %get3A_795 = arith.constant 1 : i32
        %get3A_796 = arith.index_cast %get3A_795 : i32 to index
        %get3A_797 = arith.index_cast %add3A_789 : i32 to index
        %get3A_798 = arith.constant 16 : index
        %get3A_799 = tpu.vector_load %arg10[%get3A_796, %get3A_797, %get3A_798] {strides = array<i32>} : memref<2x64x128xf32, #tpu.memory_space<vmem>>, vector<16xf32>,
        %mul3A_800 = arith.mulf %get3A_794, %get3A_799 : vector<16xf32>
        %mul3A_801 = arith.constant 16 : i32
        %mul3A_802 = arith.muli %scan3A_111, %mul3A_801 : i32
        %add3A_803 = arith.constant 4 : i32
        %add3A_804 = arith.addi %mul3A_802, %add3A_803 : i32
        %add3A_805 = arith.constant 2 : i32
        %add3A_806 = arith.addi %add3A_804, %add3A_805 : i32
        %get3A_807 = arith.constant 1 : i32
        %get3A_808 = arith.index_cast %get3A_807 : i32 to index
        %get3A_809 = arith.index_cast %add3A_806 : i32 to index
        %get3A_810 = arith.constant 16 : index
        %get3A_811 = tpu.vector_load %arg9[%get3A_808, %get3A_809, %get3A_810] {strides = array<i32>} : memref<2x64x128xf32, #tpu.memory_space<vmem>>, vector<16xf32>,
        %get3A_812 = arith.constant 1 : i32
        %get3A_813 = arith.index_cast %get3A_812 : i32 to index
        %get3A_814 = arith.index_cast %add3A_806 : i32 to index
        %get3A_815 = arith.constant 16 : index
        %get3A_816 = tpu.vector_load %arg10[%get3A_813, %get3A_814, %get3A_815] {strides = array<i32>} : memref<2x64x128xf32, #tpu.memory_space<vmem>>, vector<16xf32>,
        %mul3A_817 = arith.mulf %get3A_811, %get3A_816 : vector<16xf32>
        %mul3A_818 = arith.constant 16 : i32
        %mul3A_819 = arith.muli %scan3A_111, %mul3A_818 : i32
        %add3A_820 = arith.constant 4 : i32
        %add3A_821 = arith.addi %mul3A_819, %add3A_820 : i32
        %add3A_822 = arith.constant 3 : i32
        %add3A_823 = arith.addi %add3A_821, %add3A_822 : i32
        %get3A_824 = arith.constant 1 : i32
        %get3A_825 = arith.index_cast %get3A_824 : i32 to index
        %get3A_826 = arith.index_cast %add3A_823 : i32 to index
        %get3A_827 = arith.constant 16 : index
        %get3A_828 = tpu.vector_load %arg9[%get3A_825, %get3A_826, %get3A_827] {strides = array<i32>} : memref<2x64x128xf32, #tpu.memory_space<vmem>>, vector<16xf32>,
        %get3A_829 = arith.constant 1 : i32
        %get3A_830 = arith.index_cast %get3A_829 : i32 to index
        %get3A_831 = arith.index_cast %add3A_823 : i32 to index
        %get3A_832 = arith.constant 16 : index
        %get3A_833 = tpu.vector_load %arg10[%get3A_830, %get3A_831, %get3A_832] {strides = array<i32>} : memref<2x64x128xf32, #tpu.memory_space<vmem>>, vector<16xf32>,
        %mul3A_834 = arith.mulf %get3A_828, %get3A_833 : vector<16xf32>
        %mul3A_835 = arith.constant 16 : i32
        %mul3A_836 = arith.muli %scan3A_111, %mul3A_835 : i32
        %add3A_837 = arith.constant 4 : i32
        %add3A_838 = arith.addi %mul3A_836, %add3A_837 : i32
        %add3A_839 = arith.constant 0 : i32
        %add3A_840 = arith.addi %add3A_838, %add3A_839 : i32
        %get3A_841 = arith.constant 1 : i32
        %get3A_842 = arith.index_cast %get3A_841 : i32 to index
        %get3A_843 = arith.index_cast %add3A_840 : i32 to index
        %get3A_844 = arith.constant 32 : index
        %get3A_845 = tpu.vector_load %arg9[%get3A_842, %get3A_843, %get3A_844] {strides = array<i32>} : memref<2x64x128xf32, #tpu.memory_space<vmem>>, vector<16xf32>,
        %get3A_846 = arith.constant 1 : i32
        %get3A_847 = arith.index_cast %get3A_846 : i32 to index
        %get3A_848 = arith.index_cast %add3A_840 : i32 to index
        %get3A_849 = arith.constant 32 : index
        %get3A_850 = tpu.vector_load %arg10[%get3A_847, %get3A_848, %get3A_849] {strides = array<i32>} : memref<2x64x128xf32, #tpu.memory_space<vmem>>, vector<16xf32>,
        %mul3A_851 = arith.mulf %get3A_845, %get3A_850 : vector<16xf32>
        %add3A_852 = arith.addf %mul3A_715, %mul3A_851 : vector<16xf32>
        %mul3A_853 = arith.constant 16 : i32
        %mul3A_854 = arith.muli %scan3A_111, %mul3A_853 : i32
        %add3A_855 = arith.constant 4 : i32
        %add3A_856 = arith.addi %mul3A_854, %add3A_855 : i32
        %add3A_857 = arith.constant 1 : i32
        %add3A_858 = arith.addi %add3A_856, %add3A_857 : i32
        %get3A_859 = arith.constant 1 : i32
        %get3A_860 = arith.index_cast %get3A_859 : i32 to index
        %get3A_861 = arith.index_cast %add3A_858 : i32 to index
        %get3A_862 = arith.constant 32 : index
        %get3A_863 = tpu.vector_load %arg9[%get3A_860, %get3A_861, %get3A_862] {strides = array<i32>} : memref<2x64x128xf32, #tpu.memory_space<vmem>>, vector<16xf32>,
        %get3A_864 = arith.constant 1 : i32
        %get3A_865 = arith.index_cast %get3A_864 : i32 to index
        %get3A_866 = arith.index_cast %add3A_858 : i32 to index
        %get3A_867 = arith.constant 32 : index
        %get3A_868 = tpu.vector_load %arg10[%get3A_865, %get3A_866, %get3A_867] {strides = array<i32>} : memref<2x64x128xf32, #tpu.memory_space<vmem>>, vector<16xf32>,
        %mul3A_869 = arith.mulf %get3A_863, %get3A_868 : vector<16xf32>
        %add3A_870 = arith.addf %mul3A_732, %mul3A_869 : vector<16xf32>
        %mul3A_871 = arith.constant 16 : i32
        %mul3A_872 = arith.muli %scan3A_111, %mul3A_871 : i32
        %add3A_873 = arith.constant 4 : i32
        %add3A_874 = arith.addi %mul3A_872, %add3A_873 : i32
        %add3A_875 = arith.constant 2 : i32
        %add3A_876 = arith.addi %add3A_874, %add3A_875 : i32
        %get3A_877 = arith.constant 1 : i32
        %get3A_878 = arith.index_cast %get3A_877 : i32 to index
        %get3A_879 = arith.index_cast %add3A_876 : i32 to index
        %get3A_880 = arith.constant 32 : index
        %get3A_881 = tpu.vector_load %arg9[%get3A_878, %get3A_879, %get3A_880] {strides = array<i32>} : memref<2x64x128xf32, #tpu.memory_space<vmem>>, vector<16xf32>,
        %get3A_882 = arith.constant 1 : i32
        %get3A_883 = arith.index_cast %get3A_882 : i32 to index
        %get3A_884 = arith.index_cast %add3A_876 : i32 to index
        %get3A_885 = arith.constant 32 : index
        %get3A_886 = tpu.vector_load %arg10[%get3A_883, %get3A_884, %get3A_885] {strides = array<i32>} : memref<2x64x128xf32, #tpu.memory_space<vmem>>, vector<16xf32>,
        %mul3A_887 = arith.mulf %get3A_881, %get3A_886 : vector<16xf32>
        %add3A_888 = arith.addf %mul3A_749, %mul3A_887 : vector<16xf32>
        %mul3A_889 = arith.constant 16 : i32
        %mul3A_890 = arith.muli %scan3A_111, %mul3A_889 : i32
        %add3A_891 = arith.constant 4 : i32
        %add3A_892 = arith.addi %mul3A_890, %add3A_891 : i32
        %add3A_893 = arith.constant 3 : i32
        %add3A_894 = arith.addi %add3A_892, %add3A_893 : i32
        %get3A_895 = arith.constant 1 : i32
        %get3A_896 = arith.index_cast %get3A_895 : i32 to index
        %get3A_897 = arith.index_cast %add3A_894 : i32 to index
        %get3A_898 = arith.constant 32 : index
        %get3A_899 = tpu.vector_load %arg9[%get3A_896, %get3A_897, %get3A_898] {strides = array<i32>} : memref<2x64x128xf32, #tpu.memory_space<vmem>>, vector<16xf32>,
        %get3A_900 = arith.constant 1 : i32
        %get3A_901 = arith.index_cast %get3A_900 : i32 to index
        %get3A_902 = arith.index_cast %add3A_894 : i32 to index
        %get3A_903 = arith.constant 32 : index
        %get3A_904 = tpu.vector_load %arg10[%get3A_901, %get3A_902, %get3A_903] {strides = array<i32>} : memref<2x64x128xf32, #tpu.memory_space<vmem>>, vector<16xf32>,
        %mul3A_905 = arith.mulf %get3A_899, %get3A_904 : vector<16xf32>
        %add3A_906 = arith.addf %mul3A_766, %mul3A_905 : vector<16xf32>
        %mul3A_907 = arith.constant 16 : i32
        %mul3A_908 = arith.muli %scan3A_111, %mul3A_907 : i32
        %add3A_909 = arith.constant 4 : i32
        %add3A_910 = arith.addi %mul3A_908, %add3A_909 : i32
        %add3A_911 = arith.constant 0 : i32
        %add3A_912 = arith.addi %add3A_910, %add3A_911 : i32
        %get3A_913 = arith.constant 1 : i32
        %get3A_914 = arith.index_cast %get3A_913 : i32 to index
        %get3A_915 = arith.index_cast %add3A_912 : i32 to index
        %get3A_916 = arith.constant 48 : index
        %get3A_917 = tpu.vector_load %arg9[%get3A_914, %get3A_915, %get3A_916] {strides = array<i32>} : memref<2x64x128xf32, #tpu.memory_space<vmem>>, vector<16xf32>,
        %get3A_918 = arith.constant 1 : i32
        %get3A_919 = arith.index_cast %get3A_918 : i32 to index
        %get3A_920 = arith.index_cast %add3A_912 : i32 to index
        %get3A_921 = arith.constant 48 : index
        %get3A_922 = tpu.vector_load %arg10[%get3A_919, %get3A_920, %get3A_921] {strides = array<i32>} : memref<2x64x128xf32, #tpu.memory_space<vmem>>, vector<16xf32>,
        %mul3A_923 = arith.mulf %get3A_917, %get3A_922 : vector<16xf32>
        %add3A_924 = arith.addf %mul3A_783, %mul3A_923 : vector<16xf32>
        %mul3A_925 = arith.constant 16 : i32
        %mul3A_926 = arith.muli %scan3A_111, %mul3A_925 : i32
        %add3A_927 = arith.constant 4 : i32
        %add3A_928 = arith.addi %mul3A_926, %add3A_927 : i32
        %add3A_929 = arith.constant 1 : i32
        %add3A_930 = arith.addi %add3A_928, %add3A_929 : i32
        %get3A_931 = arith.constant 1 : i32
        %get3A_932 = arith.index_cast %get3A_931 : i32 to index
        %get3A_933 = arith.index_cast %add3A_930 : i32 to index
        %get3A_934 = arith.constant 48 : index
        %get3A_935 = tpu.vector_load %arg9[%get3A_932, %get3A_933, %get3A_934] {strides = array<i32>} : memref<2x64x128xf32, #tpu.memory_space<vmem>>, vector<16xf32>,
        %get3A_936 = arith.constant 1 : i32
        %get3A_937 = arith.index_cast %get3A_936 : i32 to index
        %get3A_938 = arith.index_cast %add3A_930 : i32 to index
        %get3A_939 = arith.constant 48 : index
        %get3A_940 = tpu.vector_load %arg10[%get3A_937, %get3A_938, %get3A_939] {strides = array<i32>} : memref<2x64x128xf32, #tpu.memory_space<vmem>>, vector<16xf32>,
        %mul3A_941 = arith.mulf %get3A_935, %get3A_940 : vector<16xf32>
        %add3A_942 = arith.addf %mul3A_800, %mul3A_941 : vector<16xf32>
        %mul3A_943 = arith.constant 16 : i32
        %mul3A_944 = arith.muli %scan3A_111, %mul3A_943 : i32
        %add3A_945 = arith.constant 4 : i32
        %add3A_946 = arith.addi %mul3A_944, %add3A_945 : i32
        %add3A_947 = arith.constant 2 : i32
        %add3A_948 = arith.addi %add3A_946, %add3A_947 : i32
        %get3A_949 = arith.constant 1 : i32
        %get3A_950 = arith.index_cast %get3A_949 : i32 to index
        %get3A_951 = arith.index_cast %add3A_948 : i32 to index
        %get3A_952 = arith.constant 48 : index
        %get3A_953 = tpu.vector_load %arg9[%get3A_950, %get3A_951, %get3A_952] {strides = array<i32>} : memref<2x64x128xf32, #tpu.memory_space<vmem>>, vector<16xf32>,
        %get3A_954 = arith.constant 1 : i32
        %get3A_955 = arith.index_cast %get3A_954 : i32 to index
        %get3A_956 = arith.index_cast %add3A_948 : i32 to index
        %get3A_957 = arith.constant 48 : index
        %get3A_958 = tpu.vector_load %arg10[%get3A_955, %get3A_956, %get3A_957] {strides = array<i32>} : memref<2x64x128xf32, #tpu.memory_space<vmem>>, vector<16xf32>,
        %mul3A_959 = arith.mulf %get3A_953, %get3A_958 : vector<16xf32>
        %add3A_960 = arith.addf %mul3A_817, %mul3A_959 : vector<16xf32>
        %mul3A_961 = arith.constant 16 : i32
        %mul3A_962 = arith.muli %scan3A_111, %mul3A_961 : i32
        %add3A_963 = arith.constant 4 : i32
        %add3A_964 = arith.addi %mul3A_962, %add3A_963 : i32
        %add3A_965 = arith.constant 3 : i32
        %add3A_966 = arith.addi %add3A_964, %add3A_965 : i32
        %get3A_967 = arith.constant 1 : i32
        %get3A_968 = arith.index_cast %get3A_967 : i32 to index
        %get3A_969 = arith.index_cast %add3A_966 : i32 to index
        %get3A_970 = arith.constant 48 : index
        %get3A_971 = tpu.vector_load %arg9[%get3A_968, %get3A_969, %get3A_970] {strides = array<i32>} : memref<2x64x128xf32, #tpu.memory_space<vmem>>, vector<16xf32>,
        %get3A_972 = arith.constant 1 : i32
        %get3A_973 = arith.index_cast %get3A_972 : i32 to index
        %get3A_974 = arith.index_cast %add3A_966 : i32 to index
        %get3A_975 = arith.constant 48 : index
        %get3A_976 = tpu.vector_load %arg10[%get3A_973, %get3A_974, %get3A_975] {strides = array<i32>} : memref<2x64x128xf32, #tpu.memory_space<vmem>>, vector<16xf32>,
        %mul3A_977 = arith.mulf %get3A_971, %get3A_976 : vector<16xf32>
        %add3A_978 = arith.addf %mul3A_834, %mul3A_977 : vector<16xf32>
        %mul3A_979 = arith.constant 16 : i32
        %mul3A_980 = arith.muli %scan3A_111, %mul3A_979 : i32
        %add3A_981 = arith.constant 4 : i32
        %add3A_982 = arith.addi %mul3A_980, %add3A_981 : i32
        %add3A_983 = arith.constant 0 : i32
        %add3A_984 = arith.addi %add3A_982, %add3A_983 : i32
        %get3A_985 = arith.constant 1 : i32
        %get3A_986 = arith.index_cast %get3A_985 : i32 to index
        %get3A_987 = arith.index_cast %add3A_984 : i32 to index
        %get3A_988 = arith.constant 64 : index
        %get3A_989 = tpu.vector_load %arg9[%get3A_986, %get3A_987, %get3A_988] {strides = array<i32>} : memref<2x64x128xf32, #tpu.memory_space<vmem>>, vector<16xf32>,
        %get3A_990 = arith.constant 1 : i32
        %get3A_991 = arith.index_cast %get3A_990 : i32 to index
        %get3A_992 = arith.index_cast %add3A_984 : i32 to index
        %get3A_993 = arith.constant 64 : index
        %get3A_994 = tpu.vector_load %arg10[%get3A_991, %get3A_992, %get3A_993] {strides = array<i32>} : memref<2x64x128xf32, #tpu.memory_space<vmem>>, vector<16xf32>,
        %mul3A_995 = arith.mulf %get3A_989, %get3A_994 : vector<16xf32>
        %add3A_996 = arith.addf %add3A_852, %mul3A_995 : vector<16xf32>
        %mul3A_997 = arith.constant 16 : i32
        %mul3A_998 = arith.muli %scan3A_111, %mul3A_997 : i32
        %add3A_999 = arith.constant 4 : i32
        %add3A_1000 = arith.addi %mul3A_998, %add3A_999 : i32
        %add3A_1001 = arith.constant 1 : i32
        %add3A_1002 = arith.addi %add3A_1000, %add3A_1001 : i32
        %get3A_1003 = arith.constant 1 : i32
        %get3A_1004 = arith.index_cast %get3A_1003 : i32 to index
        %get3A_1005 = arith.index_cast %add3A_1002 : i32 to index
        %get3A_1006 = arith.constant 64 : index
        %get3A_1007 = tpu.vector_load %arg9[%get3A_1004, %get3A_1005, %get3A_1006] {strides = array<i32>} : memref<2x64x128xf32, #tpu.memory_space<vmem>>, vector<16xf32>,
        %get3A_1008 = arith.constant 1 : i32
        %get3A_1009 = arith.index_cast %get3A_1008 : i32 to index
        %get3A_1010 = arith.index_cast %add3A_1002 : i32 to index
        %get3A_1011 = arith.constant 64 : index
        %get3A_1012 = tpu.vector_load %arg10[%get3A_1009, %get3A_1010, %get3A_1011] {strides = array<i32>} : memref<2x64x128xf32, #tpu.memory_space<vmem>>, vector<16xf32>,
        %mul3A_1013 = arith.mulf %get3A_1007, %get3A_1012 : vector<16xf32>
        %add3A_1014 = arith.addf %add3A_870, %mul3A_1013 : vector<16xf32>
        %mul3A_1015 = arith.constant 16 : i32
        %mul3A_1016 = arith.muli %scan3A_111, %mul3A_1015 : i32
        %add3A_1017 = arith.constant 4 : i32
        %add3A_1018 = arith.addi %mul3A_1016, %add3A_1017 : i32
        %add3A_1019 = arith.constant 2 : i32
        %add3A_1020 = arith.addi %add3A_1018, %add3A_1019 : i32
        %get3A_1021 = arith.constant 1 : i32
        %get3A_1022 = arith.index_cast %get3A_1021 : i32 to index
        %get3A_1023 = arith.index_cast %add3A_1020 : i32 to index
        %get3A_1024 = arith.constant 64 : index
        %get3A_1025 = tpu.vector_load %arg9[%get3A_1022, %get3A_1023, %get3A_1024] {strides = array<i32>} : memref<2x64x128xf32, #tpu.memory_space<vmem>>, vector<16xf32>,
        %get3A_1026 = arith.constant 1 : i32
        %get3A_1027 = arith.index_cast %get3A_1026 : i32 to index
        %get3A_1028 = arith.index_cast %add3A_1020 : i32 to index
        %get3A_1029 = arith.constant 64 : index
        %get3A_1030 = tpu.vector_load %arg10[%get3A_1027, %get3A_1028, %get3A_1029] {strides = array<i32>} : memref<2x64x128xf32, #tpu.memory_space<vmem>>, vector<16xf32>,
        %mul3A_1031 = arith.mulf %get3A_1025, %get3A_1030 : vector<16xf32>
        %add3A_1032 = arith.addf %add3A_888, %mul3A_1031 : vector<16xf32>
        %mul3A_1033 = arith.constant 16 : i32
        %mul3A_1034 = arith.muli %scan3A_111, %mul3A_1033 : i32
        %add3A_1035 = arith.constant 4 : i32
        %add3A_1036 = arith.addi %mul3A_1034, %add3A_1035 : i32
        %add3A_1037 = arith.constant 3 : i32
        %add3A_1038 = arith.addi %add3A_1036, %add3A_1037 : i32
        %get3A_1039 = arith.constant 1 : i32
        %get3A_1040 = arith.index_cast %get3A_1039 : i32 to index
        %get3A_1041 = arith.index_cast %add3A_1038 : i32 to index
        %get3A_1042 = arith.constant 64 : index
        %get3A_1043 = tpu.vector_load %arg9[%get3A_1040, %get3A_1041, %get3A_1042] {strides = array<i32>} : memref<2x64x128xf32, #tpu.memory_space<vmem>>, vector<16xf32>,
        %get3A_1044 = arith.constant 1 : i32
        %get3A_1045 = arith.index_cast %get3A_1044 : i32 to index
        %get3A_1046 = arith.index_cast %add3A_1038 : i32 to index
        %get3A_1047 = arith.constant 64 : index
        %get3A_1048 = tpu.vector_load %arg10[%get3A_1045, %get3A_1046, %get3A_1047] {strides = array<i32>} : memref<2x64x128xf32, #tpu.memory_space<vmem>>, vector<16xf32>,
        %mul3A_1049 = arith.mulf %get3A_1043, %get3A_1048 : vector<16xf32>
        %add3A_1050 = arith.addf %add3A_906, %mul3A_1049 : vector<16xf32>
        %mul3A_1051 = arith.constant 16 : i32
        %mul3A_1052 = arith.muli %scan3A_111, %mul3A_1051 : i32
        %add3A_1053 = arith.constant 4 : i32
        %add3A_1054 = arith.addi %mul3A_1052, %add3A_1053 : i32
        %add3A_1055 = arith.constant 0 : i32
        %add3A_1056 = arith.addi %add3A_1054, %add3A_1055 : i32
        %get3A_1057 = arith.constant 1 : i32
        %get3A_1058 = arith.index_cast %get3A_1057 : i32 to index
        %get3A_1059 = arith.index_cast %add3A_1056 : i32 to index
        %get3A_1060 = arith.constant 80 : index
        %get3A_1061 = tpu.vector_load %arg9[%get3A_1058, %get3A_1059, %get3A_1060] {strides = array<i32>} : memref<2x64x128xf32, #tpu.memory_space<vmem>>, vector<16xf32>,
        %get3A_1062 = arith.constant 1 : i32
        %get3A_1063 = arith.index_cast %get3A_1062 : i32 to index
        %get3A_1064 = arith.index_cast %add3A_1056 : i32 to index
        %get3A_1065 = arith.constant 80 : index
        %get3A_1066 = tpu.vector_load %arg10[%get3A_1063, %get3A_1064, %get3A_1065] {strides = array<i32>} : memref<2x64x128xf32, #tpu.memory_space<vmem>>, vector<16xf32>,
        %mul3A_1067 = arith.mulf %get3A_1061, %get3A_1066 : vector<16xf32>
        %add3A_1068 = arith.addf %add3A_924, %mul3A_1067 : vector<16xf32>
        %mul3A_1069 = arith.constant 16 : i32
        %mul3A_1070 = arith.muli %scan3A_111, %mul3A_1069 : i32
        %add3A_1071 = arith.constant 4 : i32
        %add3A_1072 = arith.addi %mul3A_1070, %add3A_1071 : i32
        %add3A_1073 = arith.constant 1 : i32
        %add3A_1074 = arith.addi %add3A_1072, %add3A_1073 : i32
        %get3A_1075 = arith.constant 1 : i32
        %get3A_1076 = arith.index_cast %get3A_1075 : i32 to index
        %get3A_1077 = arith.index_cast %add3A_1074 : i32 to index
        %get3A_1078 = arith.constant 80 : index
        %get3A_1079 = tpu.vector_load %arg9[%get3A_1076, %get3A_1077, %get3A_1078] {strides = array<i32>} : memref<2x64x128xf32, #tpu.memory_space<vmem>>, vector<16xf32>,
        %get3A_1080 = arith.constant 1 : i32
        %get3A_1081 = arith.index_cast %get3A_1080 : i32 to index
        %get3A_1082 = arith.index_cast %add3A_1074 : i32 to index
        %get3A_1083 = arith.constant 80 : index
        %get3A_1084 = tpu.vector_load %arg10[%get3A_1081, %get3A_1082, %get3A_1083] {strides = array<i32>} : memref<2x64x128xf32, #tpu.memory_space<vmem>>, vector<16xf32>,
        %mul3A_1085 = arith.mulf %get3A_1079, %get3A_1084 : vector<16xf32>
        %add3A_1086 = arith.addf %add3A_942, %mul3A_1085 : vector<16xf32>
        %mul3A_1087 = arith.constant 16 : i32
        %mul3A_1088 = arith.muli %scan3A_111, %mul3A_1087 : i32
        %add3A_1089 = arith.constant 4 : i32
        %add3A_1090 = arith.addi %mul3A_1088, %add3A_1089 : i32
        %add3A_1091 = arith.constant 2 : i32
        %add3A_1092 = arith.addi %add3A_1090, %add3A_1091 : i32
        %get3A_1093 = arith.constant 1 : i32
        %get3A_1094 = arith.index_cast %get3A_1093 : i32 to index
        %get3A_1095 = arith.index_cast %add3A_1092 : i32 to index
        %get3A_1096 = arith.constant 80 : index
        %get3A_1097 = tpu.vector_load %arg9[%get3A_1094, %get3A_1095, %get3A_1096] {strides = array<i32>} : memref<2x64x128xf32, #tpu.memory_space<vmem>>, vector<16xf32>,
        %get3A_1098 = arith.constant 1 : i32
        %get3A_1099 = arith.index_cast %get3A_1098 : i32 to index
        %get3A_1100 = arith.index_cast %add3A_1092 : i32 to index
        %get3A_1101 = arith.constant 80 : index
        %get3A_1102 = tpu.vector_load %arg10[%get3A_1099, %get3A_1100, %get3A_1101] {strides = array<i32>} : memref<2x64x128xf32, #tpu.memory_space<vmem>>, vector<16xf32>,
        %mul3A_1103 = arith.mulf %get3A_1097, %get3A_1102 : vector<16xf32>
        %add3A_1104 = arith.addf %add3A_960, %mul3A_1103 : vector<16xf32>
        %mul3A_1105 = arith.constant 16 : i32
        %mul3A_1106 = arith.muli %scan3A_111, %mul3A_1105 : i32
        %add3A_1107 = arith.constant 4 : i32
        %add3A_1108 = arith.addi %mul3A_1106, %add3A_1107 : i32
        %add3A_1109 = arith.constant 3 : i32
        %add3A_1110 = arith.addi %add3A_1108, %add3A_1109 : i32
        %get3A_1111 = arith.constant 1 : i32
        %get3A_1112 = arith.index_cast %get3A_1111 : i32 to index
        %get3A_1113 = arith.index_cast %add3A_1110 : i32 to index
        %get3A_1114 = arith.constant 80 : index
        %get3A_1115 = tpu.vector_load %arg9[%get3A_1112, %get3A_1113, %get3A_1114] {strides = array<i32>} : memref<2x64x128xf32, #tpu.memory_space<vmem>>, vector<16xf32>,
        %get3A_1116 = arith.constant 1 : i32
        %get3A_1117 = arith.index_cast %get3A_1116 : i32 to index
        %get3A_1118 = arith.index_cast %add3A_1110 : i32 to index
        %get3A_1119 = arith.constant 80 : index
        %get3A_1120 = tpu.vector_load %arg10[%get3A_1117, %get3A_1118, %get3A_1119] {strides = array<i32>} : memref<2x64x128xf32, #tpu.memory_space<vmem>>, vector<16xf32>,
        %mul3A_1121 = arith.mulf %get3A_1115, %get3A_1120 : vector<16xf32>
        %add3A_1122 = arith.addf %add3A_978, %mul3A_1121 : vector<16xf32>
        %mul3A_1123 = arith.constant 16 : i32
        %mul3A_1124 = arith.muli %scan3A_111, %mul3A_1123 : i32
        %add3A_1125 = arith.constant 4 : i32
        %add3A_1126 = arith.addi %mul3A_1124, %add3A_1125 : i32
        %add3A_1127 = arith.constant 0 : i32
        %add3A_1128 = arith.addi %add3A_1126, %add3A_1127 : i32
        %get3A_1129 = arith.constant 1 : i32
        %get3A_1130 = arith.index_cast %get3A_1129 : i32 to index
        %get3A_1131 = arith.index_cast %add3A_1128 : i32 to index
        %get3A_1132 = arith.constant 96 : index
        %get3A_1133 = tpu.vector_load %arg9[%get3A_1130, %get3A_1131, %get3A_1132] {strides = array<i32>} : memref<2x64x128xf32, #tpu.memory_space<vmem>>, vector<16xf32>,
        %get3A_1134 = arith.constant 1 : i32
        %get3A_1135 = arith.index_cast %get3A_1134 : i32 to index
        %get3A_1136 = arith.index_cast %add3A_1128 : i32 to index
        %get3A_1137 = arith.constant 96 : index
        %get3A_1138 = tpu.vector_load %arg10[%get3A_1135, %get3A_1136, %get3A_1137] {strides = array<i32>} : memref<2x64x128xf32, #tpu.memory_space<vmem>>, vector<16xf32>,
        %mul3A_1139 = arith.mulf %get3A_1133, %get3A_1138 : vector<16xf32>
        %add3A_1140 = arith.addf %add3A_996, %mul3A_1139 : vector<16xf32>
        %mul3A_1141 = arith.constant 16 : i32
        %mul3A_1142 = arith.muli %scan3A_111, %mul3A_1141 : i32
        %add3A_1143 = arith.constant 4 : i32
        %add3A_1144 = arith.addi %mul3A_1142, %add3A_1143 : i32
        %add3A_1145 = arith.constant 1 : i32
        %add3A_1146 = arith.addi %add3A_1144, %add3A_1145 : i32
        %get3A_1147 = arith.constant 1 : i32
        %get3A_1148 = arith.index_cast %get3A_1147 : i32 to index
        %get3A_1149 = arith.index_cast %add3A_1146 : i32 to index
        %get3A_1150 = arith.constant 96 : index
        %get3A_1151 = tpu.vector_load %arg9[%get3A_1148, %get3A_1149, %get3A_1150] {strides = array<i32>} : memref<2x64x128xf32, #tpu.memory_space<vmem>>, vector<16xf32>,
        %get3A_1152 = arith.constant 1 : i32
        %get3A_1153 = arith.index_cast %get3A_1152 : i32 to index
        %get3A_1154 = arith.index_cast %add3A_1146 : i32 to index
        %get3A_1155 = arith.constant 96 : index
        %get3A_1156 = tpu.vector_load %arg10[%get3A_1153, %get3A_1154, %get3A_1155] {strides = array<i32>} : memref<2x64x128xf32, #tpu.memory_space<vmem>>, vector<16xf32>,
        %mul3A_1157 = arith.mulf %get3A_1151, %get3A_1156 : vector<16xf32>
        %add3A_1158 = arith.addf %add3A_1014, %mul3A_1157 : vector<16xf32>
        %mul3A_1159 = arith.constant 16 : i32
        %mul3A_1160 = arith.muli %scan3A_111, %mul3A_1159 : i32
        %add3A_1161 = arith.constant 4 : i32
        %add3A_1162 = arith.addi %mul3A_1160, %add3A_1161 : i32
        %add3A_1163 = arith.constant 2 : i32
        %add3A_1164 = arith.addi %add3A_1162, %add3A_1163 : i32
        %get3A_1165 = arith.constant 1 : i32
        %get3A_1166 = arith.index_cast %get3A_1165 : i32 to index
        %get3A_1167 = arith.index_cast %add3A_1164 : i32 to index
        %get3A_1168 = arith.constant 96 : index
        %get3A_1169 = tpu.vector_load %arg9[%get3A_1166, %get3A_1167, %get3A_1168] {strides = array<i32>} : memref<2x64x128xf32, #tpu.memory_space<vmem>>, vector<16xf32>,
        %get3A_1170 = arith.constant 1 : i32
        %get3A_1171 = arith.index_cast %get3A_1170 : i32 to index
        %get3A_1172 = arith.index_cast %add3A_1164 : i32 to index
        %get3A_1173 = arith.constant 96 : index
        %get3A_1174 = tpu.vector_load %arg10[%get3A_1171, %get3A_1172, %get3A_1173] {strides = array<i32>} : memref<2x64x128xf32, #tpu.memory_space<vmem>>, vector<16xf32>,
        %mul3A_1175 = arith.mulf %get3A_1169, %get3A_1174 : vector<16xf32>
        %add3A_1176 = arith.addf %add3A_1032, %mul3A_1175 : vector<16xf32>
        %mul3A_1177 = arith.constant 16 : i32
        %mul3A_1178 = arith.muli %scan3A_111, %mul3A_1177 : i32
        %add3A_1179 = arith.constant 4 : i32
        %add3A_1180 = arith.addi %mul3A_1178, %add3A_1179 : i32
        %add3A_1181 = arith.constant 3 : i32
        %add3A_1182 = arith.addi %add3A_1180, %add3A_1181 : i32
        %get3A_1183 = arith.constant 1 : i32
        %get3A_1184 = arith.index_cast %get3A_1183 : i32 to index
        %get3A_1185 = arith.index_cast %add3A_1182 : i32 to index
        %get3A_1186 = arith.constant 96 : index
        %get3A_1187 = tpu.vector_load %arg9[%get3A_1184, %get3A_1185, %get3A_1186] {strides = array<i32>} : memref<2x64x128xf32, #tpu.memory_space<vmem>>, vector<16xf32>,
        %get3A_1188 = arith.constant 1 : i32
        %get3A_1189 = arith.index_cast %get3A_1188 : i32 to index
        %get3A_1190 = arith.index_cast %add3A_1182 : i32 to index
        %get3A_1191 = arith.constant 96 : index
        %get3A_1192 = tpu.vector_load %arg10[%get3A_1189, %get3A_1190, %get3A_1191] {strides = array<i32>} : memref<2x64x128xf32, #tpu.memory_space<vmem>>, vector<16xf32>,
        %mul3A_1193 = arith.mulf %get3A_1187, %get3A_1192 : vector<16xf32>
        %add3A_1194 = arith.addf %add3A_1050, %mul3A_1193 : vector<16xf32>
        %mul3A_1195 = arith.constant 16 : i32
        %mul3A_1196 = arith.muli %scan3A_111, %mul3A_1195 : i32
        %add3A_1197 = arith.constant 4 : i32
        %add3A_1198 = arith.addi %mul3A_1196, %add3A_1197 : i32
        %add3A_1199 = arith.constant 0 : i32
        %add3A_1200 = arith.addi %add3A_1198, %add3A_1199 : i32
        %get3A_1201 = arith.constant 1 : i32
        %get3A_1202 = arith.index_cast %get3A_1201 : i32 to index
        %get3A_1203 = arith.index_cast %add3A_1200 : i32 to index
        %get3A_1204 = arith.constant 112 : index
        %get3A_1205 = tpu.vector_load %arg9[%get3A_1202, %get3A_1203, %get3A_1204] {strides = array<i32>} : memref<2x64x128xf32, #tpu.memory_space<vmem>>, vector<16xf32>,
        %get3A_1206 = arith.constant 1 : i32
        %get3A_1207 = arith.index_cast %get3A_1206 : i32 to index
        %get3A_1208 = arith.index_cast %add3A_1200 : i32 to index
        %get3A_1209 = arith.constant 112 : index
        %get3A_1210 = tpu.vector_load %arg10[%get3A_1207, %get3A_1208, %get3A_1209] {strides = array<i32>} : memref<2x64x128xf32, #tpu.memory_space<vmem>>, vector<16xf32>,
        %mul3A_1211 = arith.mulf %get3A_1205, %get3A_1210 : vector<16xf32>
        %add3A_1212 = arith.addf %add3A_1068, %mul3A_1211 : vector<16xf32>
        %mul3A_1213 = arith.constant 16 : i32
        %mul3A_1214 = arith.muli %scan3A_111, %mul3A_1213 : i32
        %add3A_1215 = arith.constant 4 : i32
        %add3A_1216 = arith.addi %mul3A_1214, %add3A_1215 : i32
        %add3A_1217 = arith.constant 1 : i32
        %add3A_1218 = arith.addi %add3A_1216, %add3A_1217 : i32
        %get3A_1219 = arith.constant 1 : i32
        %get3A_1220 = arith.index_cast %get3A_1219 : i32 to index
        %get3A_1221 = arith.index_cast %add3A_1218 : i32 to index
        %get3A_1222 = arith.constant 112 : index
        %get3A_1223 = tpu.vector_load %arg9[%get3A_1220, %get3A_1221, %get3A_1222] {strides = array<i32>} : memref<2x64x128xf32, #tpu.memory_space<vmem>>, vector<16xf32>,
        %get3A_1224 = arith.constant 1 : i32
        %get3A_1225 = arith.index_cast %get3A_1224 : i32 to index
        %get3A_1226 = arith.index_cast %add3A_1218 : i32 to index
        %get3A_1227 = arith.constant 112 : index
        %get3A_1228 = tpu.vector_load %arg10[%get3A_1225, %get3A_1226, %get3A_1227] {strides = array<i32>} : memref<2x64x128xf32, #tpu.memory_space<vmem>>, vector<16xf32>,
        %mul3A_1229 = arith.mulf %get3A_1223, %get3A_1228 : vector<16xf32>
        %add3A_1230 = arith.addf %add3A_1086, %mul3A_1229 : vector<16xf32>
        %mul3A_1231 = arith.constant 16 : i32
        %mul3A_1232 = arith.muli %scan3A_111, %mul3A_1231 : i32
        %add3A_1233 = arith.constant 4 : i32
        %add3A_1234 = arith.addi %mul3A_1232, %add3A_1233 : i32
        %add3A_1235 = arith.constant 2 : i32
        %add3A_1236 = arith.addi %add3A_1234, %add3A_1235 : i32
        %get3A_1237 = arith.constant 1 : i32
        %get3A_1238 = arith.index_cast %get3A_1237 : i32 to index
        %get3A_1239 = arith.index_cast %add3A_1236 : i32 to index
        %get3A_1240 = arith.constant 112 : index
        %get3A_1241 = tpu.vector_load %arg9[%get3A_1238, %get3A_1239, %get3A_1240] {strides = array<i32>} : memref<2x64x128xf32, #tpu.memory_space<vmem>>, vector<16xf32>,
        %get3A_1242 = arith.constant 1 : i32
        %get3A_1243 = arith.index_cast %get3A_1242 : i32 to index
        %get3A_1244 = arith.index_cast %add3A_1236 : i32 to index
        %get3A_1245 = arith.constant 112 : index
        %get3A_1246 = tpu.vector_load %arg10[%get3A_1243, %get3A_1244, %get3A_1245] {strides = array<i32>} : memref<2x64x128xf32, #tpu.memory_space<vmem>>, vector<16xf32>,
        %mul3A_1247 = arith.mulf %get3A_1241, %get3A_1246 : vector<16xf32>
        %add3A_1248 = arith.addf %add3A_1104, %mul3A_1247 : vector<16xf32>
        %mul3A_1249 = arith.constant 16 : i32
        %mul3A_1250 = arith.muli %scan3A_111, %mul3A_1249 : i32
        %add3A_1251 = arith.constant 4 : i32
        %add3A_1252 = arith.addi %mul3A_1250, %add3A_1251 : i32
        %add3A_1253 = arith.constant 3 : i32
        %add3A_1254 = arith.addi %add3A_1252, %add3A_1253 : i32
        %get3A_1255 = arith.constant 1 : i32
        %get3A_1256 = arith.index_cast %get3A_1255 : i32 to index
        %get3A_1257 = arith.index_cast %add3A_1254 : i32 to index
        %get3A_1258 = arith.constant 112 : index
        %get3A_1259 = tpu.vector_load %arg9[%get3A_1256, %get3A_1257, %get3A_1258] {strides = array<i32>} : memref<2x64x128xf32, #tpu.memory_space<vmem>>, vector<16xf32>,
        %get3A_1260 = arith.constant 1 : i32
        %get3A_1261 = arith.index_cast %get3A_1260 : i32 to index
        %get3A_1262 = arith.index_cast %add3A_1254 : i32 to index
        %get3A_1263 = arith.constant 112 : index
        %get3A_1264 = tpu.vector_load %arg10[%get3A_1261, %get3A_1262, %get3A_1263] {strides = array<i32>} : memref<2x64x128xf32, #tpu.memory_space<vmem>>, vector<16xf32>,
        %mul3A_1265 = arith.mulf %get3A_1259, %get3A_1264 : vector<16xf32>
        %add3A_1266 = arith.addf %add3A_1122, %mul3A_1265 : vector<16xf32>
        %add3A_1267 = arith.addf %add3A_1140, %add3A_1212 : vector<16xf32>
        %swap3A_1268 = arith.constant 4 : i32
        %swap3A_1269 = arith.index_cast %swap3A_1268 : i32 to index
        %swap3A_1270 = arith.constant 0 : index
        %swap3A_1271 = tpu.vector_load %arg12[%swap3A_1269, %swap3A_1270] {strides = array<i32>} : memref<16x17xf32, #tpu.memory_space<vmem>>, vector<16xf32>,
        tpu.vector_store %arg12[%swap3A_1269, %swap3A_1270], %add3A_1267 {strides = array<i32>} : memref<16x17xf32, #tpu.memory_space<vmem>>, vector<16xf32>,
        %add3A_1272 = arith.addf %add3A_1158, %add3A_1230 : vector<16xf32>
        %swap3A_1273 = arith.constant 5 : i32
        %swap3A_1274 = arith.index_cast %swap3A_1273 : i32 to index
        %swap3A_1275 = arith.constant 0 : index
        %swap3A_1276 = tpu.vector_load %arg12[%swap3A_1274, %swap3A_1275] {strides = array<i32>} : memref<16x17xf32, #tpu.memory_space<vmem>>, vector<16xf32>,
        tpu.vector_store %arg12[%swap3A_1274, %swap3A_1275], %add3A_1272 {strides = array<i32>} : memref<16x17xf32, #tpu.memory_space<vmem>>, vector<16xf32>,
        %add3A_1277 = arith.addf %add3A_1176, %add3A_1248 : vector<16xf32>
        %swap3A_1278 = arith.constant 6 : i32
        %swap3A_1279 = arith.index_cast %swap3A_1278 : i32 to index
        %swap3A_1280 = arith.constant 0 : index
        %swap3A_1281 = tpu.vector_load %arg12[%swap3A_1279, %swap3A_1280] {strides = array<i32>} : memref<16x17xf32, #tpu.memory_space<vmem>>, vector<16xf32>,
        tpu.vector_store %arg12[%swap3A_1279, %swap3A_1280], %add3A_1277 {strides = array<i32>} : memref<16x17xf32, #tpu.memory_space<vmem>>, vector<16xf32>,
        %add3A_1282 = arith.addf %add3A_1194, %add3A_1266 : vector<16xf32>
        %swap3A_1283 = arith.constant 7 : i32
        %swap3A_1284 = arith.index_cast %swap3A_1283 : i32 to index
        %swap3A_1285 = arith.constant 0 : index
        %swap3A_1286 = tpu.vector_load %arg12[%swap3A_1284, %swap3A_1285] {strides = array<i32>} : memref<16x17xf32, #tpu.memory_space<vmem>>, vector<16xf32>,
        tpu.vector_store %arg12[%swap3A_1284, %swap3A_1285], %add3A_1282 {strides = array<i32>} : memref<16x17xf32, #tpu.memory_space<vmem>>, vector<16xf32>,
        %mul3A_1287 = arith.constant 16 : i32
        %mul3A_1288 = arith.muli %scan3A_111, %mul3A_1287 : i32
        %add3A_1289 = arith.constant 8 : i32
        %add3A_1290 = arith.addi %mul3A_1288, %add3A_1289 : i32
        %add3A_1291 = arith.constant 0 : i32
        %add3A_1292 = arith.addi %add3A_1290, %add3A_1291 : i32
        %get3A_1293 = arith.constant 1 : i32
        %get3A_1294 = arith.index_cast %get3A_1293 : i32 to index
        %get3A_1295 = arith.index_cast %add3A_1292 : i32 to index
        %get3A_1296 = arith.constant 0 : index
        %get3A_1297 = tpu.vector_load %arg9[%get3A_1294, %get3A_1295, %get3A_1296] {strides = array<i32>} : memref<2x64x128xf32, #tpu.memory_space<vmem>>, vector<16xf32>,
        %get3A_1298 = arith.constant 1 : i32
        %get3A_1299 = arith.index_cast %get3A_1298 : i32 to index
        %get3A_1300 = arith.index_cast %add3A_1292 : i32 to index
        %get3A_1301 = arith.constant 0 : index
        %get3A_1302 = tpu.vector_load %arg10[%get3A_1299, %get3A_1300, %get3A_1301] {strides = array<i32>} : memref<2x64x128xf32, #tpu.memory_space<vmem>>, vector<16xf32>,
        %mul3A_1303 = arith.mulf %get3A_1297, %get3A_1302 : vector<16xf32>
        %mul3A_1304 = arith.constant 16 : i32
        %mul3A_1305 = arith.muli %scan3A_111, %mul3A_1304 : i32
        %add3A_1306 = arith.constant 8 : i32
        %add3A_1307 = arith.addi %mul3A_1305, %add3A_1306 : i32
        %add3A_1308 = arith.constant 1 : i32
        %add3A_1309 = arith.addi %add3A_1307, %add3A_1308 : i32
        %get3A_1310 = arith.constant 1 : i32
        %get3A_1311 = arith.index_cast %get3A_1310 : i32 to index
        %get3A_1312 = arith.index_cast %add3A_1309 : i32 to index
        %get3A_1313 = arith.constant 0 : index
        %get3A_1314 = tpu.vector_load %arg9[%get3A_1311, %get3A_1312, %get3A_1313] {strides = array<i32>} : memref<2x64x128xf32, #tpu.memory_space<vmem>>, vector<16xf32>,
        %get3A_1315 = arith.constant 1 : i32
        %get3A_1316 = arith.index_cast %get3A_1315 : i32 to index
        %get3A_1317 = arith.index_cast %add3A_1309 : i32 to index
        %get3A_1318 = arith.constant 0 : index
        %get3A_1319 = tpu.vector_load %arg10[%get3A_1316, %get3A_1317, %get3A_1318] {strides = array<i32>} : memref<2x64x128xf32, #tpu.memory_space<vmem>>, vector<16xf32>,
        %mul3A_1320 = arith.mulf %get3A_1314, %get3A_1319 : vector<16xf32>
        %mul3A_1321 = arith.constant 16 : i32
        %mul3A_1322 = arith.muli %scan3A_111, %mul3A_1321 : i32
        %add3A_1323 = arith.constant 8 : i32
        %add3A_1324 = arith.addi %mul3A_1322, %add3A_1323 : i32
        %add3A_1325 = arith.constant 2 : i32
        %add3A_1326 = arith.addi %add3A_1324, %add3A_1325 : i32
        %get3A_1327 = arith.constant 1 : i32
        %get3A_1328 = arith.index_cast %get3A_1327 : i32 to index
        %get3A_1329 = arith.index_cast %add3A_1326 : i32 to index
        %get3A_1330 = arith.constant 0 : index
        %get3A_1331 = tpu.vector_load %arg9[%get3A_1328, %get3A_1329, %get3A_1330] {strides = array<i32>} : memref<2x64x128xf32, #tpu.memory_space<vmem>>, vector<16xf32>,
        %get3A_1332 = arith.constant 1 : i32
        %get3A_1333 = arith.index_cast %get3A_1332 : i32 to index
        %get3A_1334 = arith.index_cast %add3A_1326 : i32 to index
        %get3A_1335 = arith.constant 0 : index
        %get3A_1336 = tpu.vector_load %arg10[%get3A_1333, %get3A_1334, %get3A_1335] {strides = array<i32>} : memref<2x64x128xf32, #tpu.memory_space<vmem>>, vector<16xf32>,
        %mul3A_1337 = arith.mulf %get3A_1331, %get3A_1336 : vector<16xf32>
        %mul3A_1338 = arith.constant 16 : i32
        %mul3A_1339 = arith.muli %scan3A_111, %mul3A_1338 : i32
        %add3A_1340 = arith.constant 8 : i32
        %add3A_1341 = arith.addi %mul3A_1339, %add3A_1340 : i32
        %add3A_1342 = arith.constant 3 : i32
        %add3A_1343 = arith.addi %add3A_1341, %add3A_1342 : i32
        %get3A_1344 = arith.constant 1 : i32
        %get3A_1345 = arith.index_cast %get3A_1344 : i32 to index
        %get3A_1346 = arith.index_cast %add3A_1343 : i32 to index
        %get3A_1347 = arith.constant 0 : index
        %get3A_1348 = tpu.vector_load %arg9[%get3A_1345, %get3A_1346, %get3A_1347] {strides = array<i32>} : memref<2x64x128xf32, #tpu.memory_space<vmem>>, vector<16xf32>,
        %get3A_1349 = arith.constant 1 : i32
        %get3A_1350 = arith.index_cast %get3A_1349 : i32 to index
        %get3A_1351 = arith.index_cast %add3A_1343 : i32 to index
        %get3A_1352 = arith.constant 0 : index
        %get3A_1353 = tpu.vector_load %arg10[%get3A_1350, %get3A_1351, %get3A_1352] {strides = array<i32>} : memref<2x64x128xf32, #tpu.memory_space<vmem>>, vector<16xf32>,
        %mul3A_1354 = arith.mulf %get3A_1348, %get3A_1353 : vector<16xf32>
        %mul3A_1355 = arith.constant 16 : i32
        %mul3A_1356 = arith.muli %scan3A_111, %mul3A_1355 : i32
        %add3A_1357 = arith.constant 8 : i32
        %add3A_1358 = arith.addi %mul3A_1356, %add3A_1357 : i32
        %add3A_1359 = arith.constant 0 : i32
        %add3A_1360 = arith.addi %add3A_1358, %add3A_1359 : i32
        %get3A_1361 = arith.constant 1 : i32
        %get3A_1362 = arith.index_cast %get3A_1361 : i32 to index
        %get3A_1363 = arith.index_cast %add3A_1360 : i32 to index
        %get3A_1364 = arith.constant 16 : index
        %get3A_1365 = tpu.vector_load %arg9[%get3A_1362, %get3A_1363, %get3A_1364] {strides = array<i32>} : memref<2x64x128xf32, #tpu.memory_space<vmem>>, vector<16xf32>,
        %get3A_1366 = arith.constant 1 : i32
        %get3A_1367 = arith.index_cast %get3A_1366 : i32 to index
        %get3A_1368 = arith.index_cast %add3A_1360 : i32 to index
        %get3A_1369 = arith.constant 16 : index
        %get3A_1370 = tpu.vector_load %arg10[%get3A_1367, %get3A_1368, %get3A_1369] {strides = array<i32>} : memref<2x64x128xf32, #tpu.memory_space<vmem>>, vector<16xf32>,
        %mul3A_1371 = arith.mulf %get3A_1365, %get3A_1370 : vector<16xf32>
        %mul3A_1372 = arith.constant 16 : i32
        %mul3A_1373 = arith.muli %scan3A_111, %mul3A_1372 : i32
        %add3A_1374 = arith.constant 8 : i32
        %add3A_1375 = arith.addi %mul3A_1373, %add3A_1374 : i32
        %add3A_1376 = arith.constant 1 : i32
        %add3A_1377 = arith.addi %add3A_1375, %add3A_1376 : i32
        %get3A_1378 = arith.constant 1 : i32
        %get3A_1379 = arith.index_cast %get3A_1378 : i32 to index
        %get3A_1380 = arith.index_cast %add3A_1377 : i32 to index
        %get3A_1381 = arith.constant 16 : index
        %get3A_1382 = tpu.vector_load %arg9[%get3A_1379, %get3A_1380, %get3A_1381] {strides = array<i32>} : memref<2x64x128xf32, #tpu.memory_space<vmem>>, vector<16xf32>,
        %get3A_1383 = arith.constant 1 : i32
        %get3A_1384 = arith.index_cast %get3A_1383 : i32 to index
        %get3A_1385 = arith.index_cast %add3A_1377 : i32 to index
        %get3A_1386 = arith.constant 16 : index
        %get3A_1387 = tpu.vector_load %arg10[%get3A_1384, %get3A_1385, %get3A_1386] {strides = array<i32>} : memref<2x64x128xf32, #tpu.memory_space<vmem>>, vector<16xf32>,
        %mul3A_1388 = arith.mulf %get3A_1382, %get3A_1387 : vector<16xf32>
        %mul3A_1389 = arith.constant 16 : i32
        %mul3A_1390 = arith.muli %scan3A_111, %mul3A_1389 : i32
        %add3A_1391 = arith.constant 8 : i32
        %add3A_1392 = arith.addi %mul3A_1390, %add3A_1391 : i32
        %add3A_1393 = arith.constant 2 : i32
        %add3A_1394 = arith.addi %add3A_1392, %add3A_1393 : i32
        %get3A_1395 = arith.constant 1 : i32
        %get3A_1396 = arith.index_cast %get3A_1395 : i32 to index
        %get3A_1397 = arith.index_cast %add3A_1394 : i32 to index
        %get3A_1398 = arith.constant 16 : index
        %get3A_1399 = tpu.vector_load %arg9[%get3A_1396, %get3A_1397, %get3A_1398] {strides = array<i32>} : memref<2x64x128xf32, #tpu.memory_space<vmem>>, vector<16xf32>,
        %get3A_1400 = arith.constant 1 : i32
        %get3A_1401 = arith.index_cast %get3A_1400 : i32 to index
        %get3A_1402 = arith.index_cast %add3A_1394 : i32 to index
        %get3A_1403 = arith.constant 16 : index
        %get3A_1404 = tpu.vector_load %arg10[%get3A_1401, %get3A_1402, %get3A_1403] {strides = array<i32>} : memref<2x64x128xf32, #tpu.memory_space<vmem>>, vector<16xf32>,
        %mul3A_1405 = arith.mulf %get3A_1399, %get3A_1404 : vector<16xf32>
        %mul3A_1406 = arith.constant 16 : i32
        %mul3A_1407 = arith.muli %scan3A_111, %mul3A_1406 : i32
        %add3A_1408 = arith.constant 8 : i32
        %add3A_1409 = arith.addi %mul3A_1407, %add3A_1408 : i32
        %add3A_1410 = arith.constant 3 : i32
        %add3A_1411 = arith.addi %add3A_1409, %add3A_1410 : i32
        %get3A_1412 = arith.constant 1 : i32
        %get3A_1413 = arith.index_cast %get3A_1412 : i32 to index
        %get3A_1414 = arith.index_cast %add3A_1411 : i32 to index
        %get3A_1415 = arith.constant 16 : index
        %get3A_1416 = tpu.vector_load %arg9[%get3A_1413, %get3A_1414, %get3A_1415] {strides = array<i32>} : memref<2x64x128xf32, #tpu.memory_space<vmem>>, vector<16xf32>,
        %get3A_1417 = arith.constant 1 : i32
        %get3A_1418 = arith.index_cast %get3A_1417 : i32 to index
        %get3A_1419 = arith.index_cast %add3A_1411 : i32 to index
        %get3A_1420 = arith.constant 16 : index
        %get3A_1421 = tpu.vector_load %arg10[%get3A_1418, %get3A_1419, %get3A_1420] {strides = array<i32>} : memref<2x64x128xf32, #tpu.memory_space<vmem>>, vector<16xf32>,
        %mul3A_1422 = arith.mulf %get3A_1416, %get3A_1421 : vector<16xf32>
        %mul3A_1423 = arith.constant 16 : i32
        %mul3A_1424 = arith.muli %scan3A_111, %mul3A_1423 : i32
        %add3A_1425 = arith.constant 8 : i32
        %add3A_1426 = arith.addi %mul3A_1424, %add3A_1425 : i32
        %add3A_1427 = arith.constant 0 : i32
        %add3A_1428 = arith.addi %add3A_1426, %add3A_1427 : i32
        %get3A_1429 = arith.constant 1 : i32
        %get3A_1430 = arith.index_cast %get3A_1429 : i32 to index
        %get3A_1431 = arith.index_cast %add3A_1428 : i32 to index
        %get3A_1432 = arith.constant 32 : index
        %get3A_1433 = tpu.vector_load %arg9[%get3A_1430, %get3A_1431, %get3A_1432] {strides = array<i32>} : memref<2x64x128xf32, #tpu.memory_space<vmem>>, vector<16xf32>,
        %get3A_1434 = arith.constant 1 : i32
        %get3A_1435 = arith.index_cast %get3A_1434 : i32 to index
        %get3A_1436 = arith.index_cast %add3A_1428 : i32 to index
        %get3A_1437 = arith.constant 32 : index
        %get3A_1438 = tpu.vector_load %arg10[%get3A_1435, %get3A_1436, %get3A_1437] {strides = array<i32>} : memref<2x64x128xf32, #tpu.memory_space<vmem>>, vector<16xf32>,
        %mul3A_1439 = arith.mulf %get3A_1433, %get3A_1438 : vector<16xf32>
        %add3A_1440 = arith.addf %mul3A_1303, %mul3A_1439 : vector<16xf32>
        %mul3A_1441 = arith.constant 16 : i32
        %mul3A_1442 = arith.muli %scan3A_111, %mul3A_1441 : i32
        %add3A_1443 = arith.constant 8 : i32
        %add3A_1444 = arith.addi %mul3A_1442, %add3A_1443 : i32
        %add3A_1445 = arith.constant 1 : i32
        %add3A_1446 = arith.addi %add3A_1444, %add3A_1445 : i32
        %get3A_1447 = arith.constant 1 : i32
        %get3A_1448 = arith.index_cast %get3A_1447 : i32 to index
        %get3A_1449 = arith.index_cast %add3A_1446 : i32 to index
        %get3A_1450 = arith.constant 32 : index
        %get3A_1451 = tpu.vector_load %arg9[%get3A_1448, %get3A_1449, %get3A_1450] {strides = array<i32>} : memref<2x64x128xf32, #tpu.memory_space<vmem>>, vector<16xf32>,
        %get3A_1452 = arith.constant 1 : i32
        %get3A_1453 = arith.index_cast %get3A_1452 : i32 to index
        %get3A_1454 = arith.index_cast %add3A_1446 : i32 to index
        %get3A_1455 = arith.constant 32 : index
        %get3A_1456 = tpu.vector_load %arg10[%get3A_1453, %get3A_1454, %get3A_1455] {strides = array<i32>} : memref<2x64x128xf32, #tpu.memory_space<vmem>>, vector<16xf32>,
        %mul3A_1457 = arith.mulf %get3A_1451, %get3A_1456 : vector<16xf32>
        %add3A_1458 = arith.addf %mul3A_1320, %mul3A_1457 : vector<16xf32>
        %mul3A_1459 = arith.constant 16 : i32
        %mul3A_1460 = arith.muli %scan3A_111, %mul3A_1459 : i32
        %add3A_1461 = arith.constant 8 : i32
        %add3A_1462 = arith.addi %mul3A_1460, %add3A_1461 : i32
        %add3A_1463 = arith.constant 2 : i32
        %add3A_1464 = arith.addi %add3A_1462, %add3A_1463 : i32
        %get3A_1465 = arith.constant 1 : i32
        %get3A_1466 = arith.index_cast %get3A_1465 : i32 to index
        %get3A_1467 = arith.index_cast %add3A_1464 : i32 to index
        %get3A_1468 = arith.constant 32 : index
        %get3A_1469 = tpu.vector_load %arg9[%get3A_1466, %get3A_1467, %get3A_1468] {strides = array<i32>} : memref<2x64x128xf32, #tpu.memory_space<vmem>>, vector<16xf32>,
        %get3A_1470 = arith.constant 1 : i32
        %get3A_1471 = arith.index_cast %get3A_1470 : i32 to index
        %get3A_1472 = arith.index_cast %add3A_1464 : i32 to index
        %get3A_1473 = arith.constant 32 : index
        %get3A_1474 = tpu.vector_load %arg10[%get3A_1471, %get3A_1472, %get3A_1473] {strides = array<i32>} : memref<2x64x128xf32, #tpu.memory_space<vmem>>, vector<16xf32>,
        %mul3A_1475 = arith.mulf %get3A_1469, %get3A_1474 : vector<16xf32>
        %add3A_1476 = arith.addf %mul3A_1337, %mul3A_1475 : vector<16xf32>
        %mul3A_1477 = arith.constant 16 : i32
        %mul3A_1478 = arith.muli %scan3A_111, %mul3A_1477 : i32
        %add3A_1479 = arith.constant 8 : i32
        %add3A_1480 = arith.addi %mul3A_1478, %add3A_1479 : i32
        %add3A_1481 = arith.constant 3 : i32
        %add3A_1482 = arith.addi %add3A_1480, %add3A_1481 : i32
        %get3A_1483 = arith.constant 1 : i32
        %get3A_1484 = arith.index_cast %get3A_1483 : i32 to index
        %get3A_1485 = arith.index_cast %add3A_1482 : i32 to index
        %get3A_1486 = arith.constant 32 : index
        %get3A_1487 = tpu.vector_load %arg9[%get3A_1484, %get3A_1485, %get3A_1486] {strides = array<i32>} : memref<2x64x128xf32, #tpu.memory_space<vmem>>, vector<16xf32>,
        %get3A_1488 = arith.constant 1 : i32
        %get3A_1489 = arith.index_cast %get3A_1488 : i32 to index
        %get3A_1490 = arith.index_cast %add3A_1482 : i32 to index
        %get3A_1491 = arith.constant 32 : index
        %get3A_1492 = tpu.vector_load %arg10[%get3A_1489, %get3A_1490, %get3A_1491] {strides = array<i32>} : memref<2x64x128xf32, #tpu.memory_space<vmem>>, vector<16xf32>,
        %mul3A_1493 = arith.mulf %get3A_1487, %get3A_1492 : vector<16xf32>
        %add3A_1494 = arith.addf %mul3A_1354, %mul3A_1493 : vector<16xf32>
        %mul3A_1495 = arith.constant 16 : i32
        %mul3A_1496 = arith.muli %scan3A_111, %mul3A_1495 : i32
        %add3A_1497 = arith.constant 8 : i32
        %add3A_1498 = arith.addi %mul3A_1496, %add3A_1497 : i32
        %add3A_1499 = arith.constant 0 : i32
        %add3A_1500 = arith.addi %add3A_1498, %add3A_1499 : i32
        %get3A_1501 = arith.constant 1 : i32
        %get3A_1502 = arith.index_cast %get3A_1501 : i32 to index
        %get3A_1503 = arith.index_cast %add3A_1500 : i32 to index
        %get3A_1504 = arith.constant 48 : index
        %get3A_1505 = tpu.vector_load %arg9[%get3A_1502, %get3A_1503, %get3A_1504] {strides = array<i32>} : memref<2x64x128xf32, #tpu.memory_space<vmem>>, vector<16xf32>,
        %get3A_1506 = arith.constant 1 : i32
        %get3A_1507 = arith.index_cast %get3A_1506 : i32 to index
        %get3A_1508 = arith.index_cast %add3A_1500 : i32 to index
        %get3A_1509 = arith.constant 48 : index
        %get3A_1510 = tpu.vector_load %arg10[%get3A_1507, %get3A_1508, %get3A_1509] {strides = array<i32>} : memref<2x64x128xf32, #tpu.memory_space<vmem>>, vector<16xf32>,
        %mul3A_1511 = arith.mulf %get3A_1505, %get3A_1510 : vector<16xf32>
        %add3A_1512 = arith.addf %mul3A_1371, %mul3A_1511 : vector<16xf32>
        %mul3A_1513 = arith.constant 16 : i32
        %mul3A_1514 = arith.muli %scan3A_111, %mul3A_1513 : i32
        %add3A_1515 = arith.constant 8 : i32
        %add3A_1516 = arith.addi %mul3A_1514, %add3A_1515 : i32
        %add3A_1517 = arith.constant 1 : i32
        %add3A_1518 = arith.addi %add3A_1516, %add3A_1517 : i32
        %get3A_1519 = arith.constant 1 : i32
        %get3A_1520 = arith.index_cast %get3A_1519 : i32 to index
        %get3A_1521 = arith.index_cast %add3A_1518 : i32 to index
        %get3A_1522 = arith.constant 48 : index
        %get3A_1523 = tpu.vector_load %arg9[%get3A_1520, %get3A_1521, %get3A_1522] {strides = array<i32>} : memref<2x64x128xf32, #tpu.memory_space<vmem>>, vector<16xf32>,
        %get3A_1524 = arith.constant 1 : i32
        %get3A_1525 = arith.index_cast %get3A_1524 : i32 to index
        %get3A_1526 = arith.index_cast %add3A_1518 : i32 to index
        %get3A_1527 = arith.constant 48 : index
        %get3A_1528 = tpu.vector_load %arg10[%get3A_1525, %get3A_1526, %get3A_1527] {strides = array<i32>} : memref<2x64x128xf32, #tpu.memory_space<vmem>>, vector<16xf32>,
        %mul3A_1529 = arith.mulf %get3A_1523, %get3A_1528 : vector<16xf32>
        %add3A_1530 = arith.addf %mul3A_1388, %mul3A_1529 : vector<16xf32>
        %mul3A_1531 = arith.constant 16 : i32
        %mul3A_1532 = arith.muli %scan3A_111, %mul3A_1531 : i32
        %add3A_1533 = arith.constant 8 : i32
        %add3A_1534 = arith.addi %mul3A_1532, %add3A_1533 : i32
        %add3A_1535 = arith.constant 2 : i32
        %add3A_1536 = arith.addi %add3A_1534, %add3A_1535 : i32
        %get3A_1537 = arith.constant 1 : i32
        %get3A_1538 = arith.index_cast %get3A_1537 : i32 to index
        %get3A_1539 = arith.index_cast %add3A_1536 : i32 to index
        %get3A_1540 = arith.constant 48 : index
        %get3A_1541 = tpu.vector_load %arg9[%get3A_1538, %get3A_1539, %get3A_1540] {strides = array<i32>} : memref<2x64x128xf32, #tpu.memory_space<vmem>>, vector<16xf32>,
        %get3A_1542 = arith.constant 1 : i32
        %get3A_1543 = arith.index_cast %get3A_1542 : i32 to index
        %get3A_1544 = arith.index_cast %add3A_1536 : i32 to index
        %get3A_1545 = arith.constant 48 : index
        %get3A_1546 = tpu.vector_load %arg10[%get3A_1543, %get3A_1544, %get3A_1545] {strides = array<i32>} : memref<2x64x128xf32, #tpu.memory_space<vmem>>, vector<16xf32>,
        %mul3A_1547 = arith.mulf %get3A_1541, %get3A_1546 : vector<16xf32>
        %add3A_1548 = arith.addf %mul3A_1405, %mul3A_1547 : vector<16xf32>
        %mul3A_1549 = arith.constant 16 : i32
        %mul3A_1550 = arith.muli %scan3A_111, %mul3A_1549 : i32
        %add3A_1551 = arith.constant 8 : i32
        %add3A_1552 = arith.addi %mul3A_1550, %add3A_1551 : i32
        %add3A_1553 = arith.constant 3 : i32
        %add3A_1554 = arith.addi %add3A_1552, %add3A_1553 : i32
        %get3A_1555 = arith.constant 1 : i32
        %get3A_1556 = arith.index_cast %get3A_1555 : i32 to index
        %get3A_1557 = arith.index_cast %add3A_1554 : i32 to index
        %get3A_1558 = arith.constant 48 : index
        %get3A_1559 = tpu.vector_load %arg9[%get3A_1556, %get3A_1557, %get3A_1558] {strides = array<i32>} : memref<2x64x128xf32, #tpu.memory_space<vmem>>, vector<16xf32>,
        %get3A_1560 = arith.constant 1 : i32
        %get3A_1561 = arith.index_cast %get3A_1560 : i32 to index
        %get3A_1562 = arith.index_cast %add3A_1554 : i32 to index
        %get3A_1563 = arith.constant 48 : index
        %get3A_1564 = tpu.vector_load %arg10[%get3A_1561, %get3A_1562, %get3A_1563] {strides = array<i32>} : memref<2x64x128xf32, #tpu.memory_space<vmem>>, vector<16xf32>,
        %mul3A_1565 = arith.mulf %get3A_1559, %get3A_1564 : vector<16xf32>
        %add3A_1566 = arith.addf %mul3A_1422, %mul3A_1565 : vector<16xf32>
        %mul3A_1567 = arith.constant 16 : i32
        %mul3A_1568 = arith.muli %scan3A_111, %mul3A_1567 : i32
        %add3A_1569 = arith.constant 8 : i32
        %add3A_1570 = arith.addi %mul3A_1568, %add3A_1569 : i32
        %add3A_1571 = arith.constant 0 : i32
        %add3A_1572 = arith.addi %add3A_1570, %add3A_1571 : i32
        %get3A_1573 = arith.constant 1 : i32
        %get3A_1574 = arith.index_cast %get3A_1573 : i32 to index
        %get3A_1575 = arith.index_cast %add3A_1572 : i32 to index
        %get3A_1576 = arith.constant 64 : index
        %get3A_1577 = tpu.vector_load %arg9[%get3A_1574, %get3A_1575, %get3A_1576] {strides = array<i32>} : memref<2x64x128xf32, #tpu.memory_space<vmem>>, vector<16xf32>,
        %get3A_1578 = arith.constant 1 : i32
        %get3A_1579 = arith.index_cast %get3A_1578 : i32 to index
        %get3A_1580 = arith.index_cast %add3A_1572 : i32 to index
        %get3A_1581 = arith.constant 64 : index
        %get3A_1582 = tpu.vector_load %arg10[%get3A_1579, %get3A_1580, %get3A_1581] {strides = array<i32>} : memref<2x64x128xf32, #tpu.memory_space<vmem>>, vector<16xf32>,
        %mul3A_1583 = arith.mulf %get3A_1577, %get3A_1582 : vector<16xf32>
        %add3A_1584 = arith.addf %add3A_1440, %mul3A_1583 : vector<16xf32>
        %mul3A_1585 = arith.constant 16 : i32
        %mul3A_1586 = arith.muli %scan3A_111, %mul3A_1585 : i32
        %add3A_1587 = arith.constant 8 : i32
        %add3A_1588 = arith.addi %mul3A_1586, %add3A_1587 : i32
        %add3A_1589 = arith.constant 1 : i32
        %add3A_1590 = arith.addi %add3A_1588, %add3A_1589 : i32
        %get3A_1591 = arith.constant 1 : i32
        %get3A_1592 = arith.index_cast %get3A_1591 : i32 to index
        %get3A_1593 = arith.index_cast %add3A_1590 : i32 to index
        %get3A_1594 = arith.constant 64 : index
        %get3A_1595 = tpu.vector_load %arg9[%get3A_1592, %get3A_1593, %get3A_1594] {strides = array<i32>} : memref<2x64x128xf32, #tpu.memory_space<vmem>>, vector<16xf32>,
        %get3A_1596 = arith.constant 1 : i32
        %get3A_1597 = arith.index_cast %get3A_1596 : i32 to index
        %get3A_1598 = arith.index_cast %add3A_1590 : i32 to index
        %get3A_1599 = arith.constant 64 : index
        %get3A_1600 = tpu.vector_load %arg10[%get3A_1597, %get3A_1598, %get3A_1599] {strides = array<i32>} : memref<2x64x128xf32, #tpu.memory_space<vmem>>, vector<16xf32>,
        %mul3A_1601 = arith.mulf %get3A_1595, %get3A_1600 : vector<16xf32>
        %add3A_1602 = arith.addf %add3A_1458, %mul3A_1601 : vector<16xf32>
        %mul3A_1603 = arith.constant 16 : i32
        %mul3A_1604 = arith.muli %scan3A_111, %mul3A_1603 : i32
        %add3A_1605 = arith.constant 8 : i32
        %add3A_1606 = arith.addi %mul3A_1604, %add3A_1605 : i32
        %add3A_1607 = arith.constant 2 : i32
        %add3A_1608 = arith.addi %add3A_1606, %add3A_1607 : i32
        %get3A_1609 = arith.constant 1 : i32
        %get3A_1610 = arith.index_cast %get3A_1609 : i32 to index
        %get3A_1611 = arith.index_cast %add3A_1608 : i32 to index
        %get3A_1612 = arith.constant 64 : index
        %get3A_1613 = tpu.vector_load %arg9[%get3A_1610, %get3A_1611, %get3A_1612] {strides = array<i32>} : memref<2x64x128xf32, #tpu.memory_space<vmem>>, vector<16xf32>,
        %get3A_1614 = arith.constant 1 : i32
        %get3A_1615 = arith.index_cast %get3A_1614 : i32 to index
        %get3A_1616 = arith.index_cast %add3A_1608 : i32 to index
        %get3A_1617 = arith.constant 64 : index
        %get3A_1618 = tpu.vector_load %arg10[%get3A_1615, %get3A_1616, %get3A_1617] {strides = array<i32>} : memref<2x64x128xf32, #tpu.memory_space<vmem>>, vector<16xf32>,
        %mul3A_1619 = arith.mulf %get3A_1613, %get3A_1618 : vector<16xf32>
        %add3A_1620 = arith.addf %add3A_1476, %mul3A_1619 : vector<16xf32>
        %mul3A_1621 = arith.constant 16 : i32
        %mul3A_1622 = arith.muli %scan3A_111, %mul3A_1621 : i32
        %add3A_1623 = arith.constant 8 : i32
        %add3A_1624 = arith.addi %mul3A_1622, %add3A_1623 : i32
        %add3A_1625 = arith.constant 3 : i32
        %add3A_1626 = arith.addi %add3A_1624, %add3A_1625 : i32
        %get3A_1627 = arith.constant 1 : i32
        %get3A_1628 = arith.index_cast %get3A_1627 : i32 to index
        %get3A_1629 = arith.index_cast %add3A_1626 : i32 to index
        %get3A_1630 = arith.constant 64 : index
        %get3A_1631 = tpu.vector_load %arg9[%get3A_1628, %get3A_1629, %get3A_1630] {strides = array<i32>} : memref<2x64x128xf32, #tpu.memory_space<vmem>>, vector<16xf32>,
        %get3A_1632 = arith.constant 1 : i32
        %get3A_1633 = arith.index_cast %get3A_1632 : i32 to index
        %get3A_1634 = arith.index_cast %add3A_1626 : i32 to index
        %get3A_1635 = arith.constant 64 : index
        %get3A_1636 = tpu.vector_load %arg10[%get3A_1633, %get3A_1634, %get3A_1635] {strides = array<i32>} : memref<2x64x128xf32, #tpu.memory_space<vmem>>, vector<16xf32>,
        %mul3A_1637 = arith.mulf %get3A_1631, %get3A_1636 : vector<16xf32>
        %add3A_1638 = arith.addf %add3A_1494, %mul3A_1637 : vector<16xf32>
        %mul3A_1639 = arith.constant 16 : i32
        %mul3A_1640 = arith.muli %scan3A_111, %mul3A_1639 : i32
        %add3A_1641 = arith.constant 8 : i32
        %add3A_1642 = arith.addi %mul3A_1640, %add3A_1641 : i32
        %add3A_1643 = arith.constant 0 : i32
        %add3A_1644 = arith.addi %add3A_1642, %add3A_1643 : i32
        %get3A_1645 = arith.constant 1 : i32
        %get3A_1646 = arith.index_cast %get3A_1645 : i32 to index
        %get3A_1647 = arith.index_cast %add3A_1644 : i32 to index
        %get3A_1648 = arith.constant 80 : index
        %get3A_1649 = tpu.vector_load %arg9[%get3A_1646, %get3A_1647, %get3A_1648] {strides = array<i32>} : memref<2x64x128xf32, #tpu.memory_space<vmem>>, vector<16xf32>,
        %get3A_1650 = arith.constant 1 : i32
        %get3A_1651 = arith.index_cast %get3A_1650 : i32 to index
        %get3A_1652 = arith.index_cast %add3A_1644 : i32 to index
        %get3A_1653 = arith.constant 80 : index
        %get3A_1654 = tpu.vector_load %arg10[%get3A_1651, %get3A_1652, %get3A_1653] {strides = array<i32>} : memref<2x64x128xf32, #tpu.memory_space<vmem>>, vector<16xf32>,
        %mul3A_1655 = arith.mulf %get3A_1649, %get3A_1654 : vector<16xf32>
        %add3A_1656 = arith.addf %add3A_1512, %mul3A_1655 : vector<16xf32>
        %mul3A_1657 = arith.constant 16 : i32
        %mul3A_1658 = arith.muli %scan3A_111, %mul3A_1657 : i32
        %add3A_1659 = arith.constant 8 : i32
        %add3A_1660 = arith.addi %mul3A_1658, %add3A_1659 : i32
        %add3A_1661 = arith.constant 1 : i32
        %add3A_1662 = arith.addi %add3A_1660, %add3A_1661 : i32
        %get3A_1663 = arith.constant 1 : i32
        %get3A_1664 = arith.index_cast %get3A_1663 : i32 to index
        %get3A_1665 = arith.index_cast %add3A_1662 : i32 to index
        %get3A_1666 = arith.constant 80 : index
        %get3A_1667 = tpu.vector_load %arg9[%get3A_1664, %get3A_1665, %get3A_1666] {strides = array<i32>} : memref<2x64x128xf32, #tpu.memory_space<vmem>>, vector<16xf32>,
        %get3A_1668 = arith.constant 1 : i32
        %get3A_1669 = arith.index_cast %get3A_1668 : i32 to index
        %get3A_1670 = arith.index_cast %add3A_1662 : i32 to index
        %get3A_1671 = arith.constant 80 : index
        %get3A_1672 = tpu.vector_load %arg10[%get3A_1669, %get3A_1670, %get3A_1671] {strides = array<i32>} : memref<2x64x128xf32, #tpu.memory_space<vmem>>, vector<16xf32>,
        %mul3A_1673 = arith.mulf %get3A_1667, %get3A_1672 : vector<16xf32>
        %add3A_1674 = arith.addf %add3A_1530, %mul3A_1673 : vector<16xf32>
        %mul3A_1675 = arith.constant 16 : i32
        %mul3A_1676 = arith.muli %scan3A_111, %mul3A_1675 : i32
        %add3A_1677 = arith.constant 8 : i32
        %add3A_1678 = arith.addi %mul3A_1676, %add3A_1677 : i32
        %add3A_1679 = arith.constant 2 : i32
        %add3A_1680 = arith.addi %add3A_1678, %add3A_1679 : i32
        %get3A_1681 = arith.constant 1 : i32
        %get3A_1682 = arith.index_cast %get3A_1681 : i32 to index
        %get3A_1683 = arith.index_cast %add3A_1680 : i32 to index
        %get3A_1684 = arith.constant 80 : index
        %get3A_1685 = tpu.vector_load %arg9[%get3A_1682, %get3A_1683, %get3A_1684] {strides = array<i32>} : memref<2x64x128xf32, #tpu.memory_space<vmem>>, vector<16xf32>,
        %get3A_1686 = arith.constant 1 : i32
        %get3A_1687 = arith.index_cast %get3A_1686 : i32 to index
        %get3A_1688 = arith.index_cast %add3A_1680 : i32 to index
        %get3A_1689 = arith.constant 80 : index
        %get3A_1690 = tpu.vector_load %arg10[%get3A_1687, %get3A_1688, %get3A_1689] {strides = array<i32>} : memref<2x64x128xf32, #tpu.memory_space<vmem>>, vector<16xf32>,
        %mul3A_1691 = arith.mulf %get3A_1685, %get3A_1690 : vector<16xf32>
        %add3A_1692 = arith.addf %add3A_1548, %mul3A_1691 : vector<16xf32>
        %mul3A_1693 = arith.constant 16 : i32
        %mul3A_1694 = arith.muli %scan3A_111, %mul3A_1693 : i32
        %add3A_1695 = arith.constant 8 : i32
        %add3A_1696 = arith.addi %mul3A_1694, %add3A_1695 : i32
        %add3A_1697 = arith.constant 3 : i32
        %add3A_1698 = arith.addi %add3A_1696, %add3A_1697 : i32
        %get3A_1699 = arith.constant 1 : i32
        %get3A_1700 = arith.index_cast %get3A_1699 : i32 to index
        %get3A_1701 = arith.index_cast %add3A_1698 : i32 to index
        %get3A_1702 = arith.constant 80 : index
        %get3A_1703 = tpu.vector_load %arg9[%get3A_1700, %get3A_1701, %get3A_1702] {strides = array<i32>} : memref<2x64x128xf32, #tpu.memory_space<vmem>>, vector<16xf32>,
        %get3A_1704 = arith.constant 1 : i32
        %get3A_1705 = arith.index_cast %get3A_1704 : i32 to index
        %get3A_1706 = arith.index_cast %add3A_1698 : i32 to index
        %get3A_1707 = arith.constant 80 : index
        %get3A_1708 = tpu.vector_load %arg10[%get3A_1705, %get3A_1706, %get3A_1707] {strides = array<i32>} : memref<2x64x128xf32, #tpu.memory_space<vmem>>, vector<16xf32>,
        %mul3A_1709 = arith.mulf %get3A_1703, %get3A_1708 : vector<16xf32>
        %add3A_1710 = arith.addf %add3A_1566, %mul3A_1709 : vector<16xf32>
        %mul3A_1711 = arith.constant 16 : i32
        %mul3A_1712 = arith.muli %scan3A_111, %mul3A_1711 : i32
        %add3A_1713 = arith.constant 8 : i32
        %add3A_1714 = arith.addi %mul3A_1712, %add3A_1713 : i32
        %add3A_1715 = arith.constant 0 : i32
        %add3A_1716 = arith.addi %add3A_1714, %add3A_1715 : i32
        %get3A_1717 = arith.constant 1 : i32
        %get3A_1718 = arith.index_cast %get3A_1717 : i32 to index
        %get3A_1719 = arith.index_cast %add3A_1716 : i32 to index
        %get3A_1720 = arith.constant 96 : index
        %get3A_1721 = tpu.vector_load %arg9[%get3A_1718, %get3A_1719, %get3A_1720] {strides = array<i32>} : memref<2x64x128xf32, #tpu.memory_space<vmem>>, vector<16xf32>,
        %get3A_1722 = arith.constant 1 : i32
        %get3A_1723 = arith.index_cast %get3A_1722 : i32 to index
        %get3A_1724 = arith.index_cast %add3A_1716 : i32 to index
        %get3A_1725 = arith.constant 96 : index
        %get3A_1726 = tpu.vector_load %arg10[%get3A_1723, %get3A_1724, %get3A_1725] {strides = array<i32>} : memref<2x64x128xf32, #tpu.memory_space<vmem>>, vector<16xf32>,
        %mul3A_1727 = arith.mulf %get3A_1721, %get3A_1726 : vector<16xf32>
        %add3A_1728 = arith.addf %add3A_1584, %mul3A_1727 : vector<16xf32>
        %mul3A_1729 = arith.constant 16 : i32
        %mul3A_1730 = arith.muli %scan3A_111, %mul3A_1729 : i32
        %add3A_1731 = arith.constant 8 : i32
        %add3A_1732 = arith.addi %mul3A_1730, %add3A_1731 : i32
        %add3A_1733 = arith.constant 1 : i32
        %add3A_1734 = arith.addi %add3A_1732, %add3A_1733 : i32
        %get3A_1735 = arith.constant 1 : i32
        %get3A_1736 = arith.index_cast %get3A_1735 : i32 to index
        %get3A_1737 = arith.index_cast %add3A_1734 : i32 to index
        %get3A_1738 = arith.constant 96 : index
        %get3A_1739 = tpu.vector_load %arg9[%get3A_1736, %get3A_1737, %get3A_1738] {strides = array<i32>} : memref<2x64x128xf32, #tpu.memory_space<vmem>>, vector<16xf32>,
        %get3A_1740 = arith.constant 1 : i32
        %get3A_1741 = arith.index_cast %get3A_1740 : i32 to index
        %get3A_1742 = arith.index_cast %add3A_1734 : i32 to index
        %get3A_1743 = arith.constant 96 : index
        %get3A_1744 = tpu.vector_load %arg10[%get3A_1741, %get3A_1742, %get3A_1743] {strides = array<i32>} : memref<2x64x128xf32, #tpu.memory_space<vmem>>, vector<16xf32>,
        %mul3A_1745 = arith.mulf %get3A_1739, %get3A_1744 : vector<16xf32>
        %add3A_1746 = arith.addf %add3A_1602, %mul3A_1745 : vector<16xf32>
        %mul3A_1747 = arith.constant 16 : i32
        %mul3A_1748 = arith.muli %scan3A_111, %mul3A_1747 : i32
        %add3A_1749 = arith.constant 8 : i32
        %add3A_1750 = arith.addi %mul3A_1748, %add3A_1749 : i32
        %add3A_1751 = arith.constant 2 : i32
        %add3A_1752 = arith.addi %add3A_1750, %add3A_1751 : i32
        %get3A_1753 = arith.constant 1 : i32
        %get3A_1754 = arith.index_cast %get3A_1753 : i32 to index
        %get3A_1755 = arith.index_cast %add3A_1752 : i32 to index
        %get3A_1756 = arith.constant 96 : index
        %get3A_1757 = tpu.vector_load %arg9[%get3A_1754, %get3A_1755, %get3A_1756] {strides = array<i32>} : memref<2x64x128xf32, #tpu.memory_space<vmem>>, vector<16xf32>,
        %get3A_1758 = arith.constant 1 : i32
        %get3A_1759 = arith.index_cast %get3A_1758 : i32 to index
        %get3A_1760 = arith.index_cast %add3A_1752 : i32 to index
        %get3A_1761 = arith.constant 96 : index
        %get3A_1762 = tpu.vector_load %arg10[%get3A_1759, %get3A_1760, %get3A_1761] {strides = array<i32>} : memref<2x64x128xf32, #tpu.memory_space<vmem>>, vector<16xf32>,
        %mul3A_1763 = arith.mulf %get3A_1757, %get3A_1762 : vector<16xf32>
        %add3A_1764 = arith.addf %add3A_1620, %mul3A_1763 : vector<16xf32>
        %mul3A_1765 = arith.constant 16 : i32
        %mul3A_1766 = arith.muli %scan3A_111, %mul3A_1765 : i32
        %add3A_1767 = arith.constant 8 : i32
        %add3A_1768 = arith.addi %mul3A_1766, %add3A_1767 : i32
        %add3A_1769 = arith.constant 3 : i32
        %add3A_1770 = arith.addi %add3A_1768, %add3A_1769 : i32
        %get3A_1771 = arith.constant 1 : i32
        %get3A_1772 = arith.index_cast %get3A_1771 : i32 to index
        %get3A_1773 = arith.index_cast %add3A_1770 : i32 to index
        %get3A_1774 = arith.constant 96 : index
        %get3A_1775 = tpu.vector_load %arg9[%get3A_1772, %get3A_1773, %get3A_1774] {strides = array<i32>} : memref<2x64x128xf32, #tpu.memory_space<vmem>>, vector<16xf32>,
        %get3A_1776 = arith.constant 1 : i32
        %get3A_1777 = arith.index_cast %get3A_1776 : i32 to index
        %get3A_1778 = arith.index_cast %add3A_1770 : i32 to index
        %get3A_1779 = arith.constant 96 : index
        %get3A_1780 = tpu.vector_load %arg10[%get3A_1777, %get3A_1778, %get3A_1779] {strides = array<i32>} : memref<2x64x128xf32, #tpu.memory_space<vmem>>, vector<16xf32>,
        %mul3A_1781 = arith.mulf %get3A_1775, %get3A_1780 : vector<16xf32>
        %add3A_1782 = arith.addf %add3A_1638, %mul3A_1781 : vector<16xf32>
        %mul3A_1783 = arith.constant 16 : i32
        %mul3A_1784 = arith.muli %scan3A_111, %mul3A_1783 : i32
        %add3A_1785 = arith.constant 8 : i32
        %add3A_1786 = arith.addi %mul3A_1784, %add3A_1785 : i32
        %add3A_1787 = arith.constant 0 : i32
        %add3A_1788 = arith.addi %add3A_1786, %add3A_1787 : i32
        %get3A_1789 = arith.constant 1 : i32
        %get3A_1790 = arith.index_cast %get3A_1789 : i32 to index
        %get3A_1791 = arith.index_cast %add3A_1788 : i32 to index
        %get3A_1792 = arith.constant 112 : index
        %get3A_1793 = tpu.vector_load %arg9[%get3A_1790, %get3A_1791, %get3A_1792] {strides = array<i32>} : memref<2x64x128xf32, #tpu.memory_space<vmem>>, vector<16xf32>,
        %get3A_1794 = arith.constant 1 : i32
        %get3A_1795 = arith.index_cast %get3A_1794 : i32 to index
        %get3A_1796 = arith.index_cast %add3A_1788 : i32 to index
        %get3A_1797 = arith.constant 112 : index
        %get3A_1798 = tpu.vector_load %arg10[%get3A_1795, %get3A_1796, %get3A_1797] {strides = array<i32>} : memref<2x64x128xf32, #tpu.memory_space<vmem>>, vector<16xf32>,
        %mul3A_1799 = arith.mulf %get3A_1793, %get3A_1798 : vector<16xf32>
        %add3A_1800 = arith.addf %add3A_1656, %mul3A_1799 : vector<16xf32>
        %mul3A_1801 = arith.constant 16 : i32
        %mul3A_1802 = arith.muli %scan3A_111, %mul3A_1801 : i32
        %add3A_1803 = arith.constant 8 : i32
        %add3A_1804 = arith.addi %mul3A_1802, %add3A_1803 : i32
        %add3A_1805 = arith.constant 1 : i32
        %add3A_1806 = arith.addi %add3A_1804, %add3A_1805 : i32
        %get3A_1807 = arith.constant 1 : i32
        %get3A_1808 = arith.index_cast %get3A_1807 : i32 to index
        %get3A_1809 = arith.index_cast %add3A_1806 : i32 to index
        %get3A_1810 = arith.constant 112 : index
        %get3A_1811 = tpu.vector_load %arg9[%get3A_1808, %get3A_1809, %get3A_1810] {strides = array<i32>} : memref<2x64x128xf32, #tpu.memory_space<vmem>>, vector<16xf32>,
        %get3A_1812 = arith.constant 1 : i32
        %get3A_1813 = arith.index_cast %get3A_1812 : i32 to index
        %get3A_1814 = arith.index_cast %add3A_1806 : i32 to index
        %get3A_1815 = arith.constant 112 : index
        %get3A_1816 = tpu.vector_load %arg10[%get3A_1813, %get3A_1814, %get3A_1815] {strides = array<i32>} : memref<2x64x128xf32, #tpu.memory_space<vmem>>, vector<16xf32>,
        %mul3A_1817 = arith.mulf %get3A_1811, %get3A_1816 : vector<16xf32>
        %add3A_1818 = arith.addf %add3A_1674, %mul3A_1817 : vector<16xf32>
        %mul3A_1819 = arith.constant 16 : i32
        %mul3A_1820 = arith.muli %scan3A_111, %mul3A_1819 : i32
        %add3A_1821 = arith.constant 8 : i32
        %add3A_1822 = arith.addi %mul3A_1820, %add3A_1821 : i32
        %add3A_1823 = arith.constant 2 : i32
        %add3A_1824 = arith.addi %add3A_1822, %add3A_1823 : i32
        %get3A_1825 = arith.constant 1 : i32
        %get3A_1826 = arith.index_cast %get3A_1825 : i32 to index
        %get3A_1827 = arith.index_cast %add3A_1824 : i32 to index
        %get3A_1828 = arith.constant 112 : index
        %get3A_1829 = tpu.vector_load %arg9[%get3A_1826, %get3A_1827, %get3A_1828] {strides = array<i32>} : memref<2x64x128xf32, #tpu.memory_space<vmem>>, vector<16xf32>,
        %get3A_1830 = arith.constant 1 : i32
        %get3A_1831 = arith.index_cast %get3A_1830 : i32 to index
        %get3A_1832 = arith.index_cast %add3A_1824 : i32 to index
        %get3A_1833 = arith.constant 112 : index
        %get3A_1834 = tpu.vector_load %arg10[%get3A_1831, %get3A_1832, %get3A_1833] {strides = array<i32>} : memref<2x64x128xf32, #tpu.memory_space<vmem>>, vector<16xf32>,
        %mul3A_1835 = arith.mulf %get3A_1829, %get3A_1834 : vector<16xf32>
        %add3A_1836 = arith.addf %add3A_1692, %mul3A_1835 : vector<16xf32>
        %mul3A_1837 = arith.constant 16 : i32
        %mul3A_1838 = arith.muli %scan3A_111, %mul3A_1837 : i32
        %add3A_1839 = arith.constant 8 : i32
        %add3A_1840 = arith.addi %mul3A_1838, %add3A_1839 : i32
        %add3A_1841 = arith.constant 3 : i32
        %add3A_1842 = arith.addi %add3A_1840, %add3A_1841 : i32
        %get3A_1843 = arith.constant 1 : i32
        %get3A_1844 = arith.index_cast %get3A_1843 : i32 to index
        %get3A_1845 = arith.index_cast %add3A_1842 : i32 to index
        %get3A_1846 = arith.constant 112 : index
        %get3A_1847 = tpu.vector_load %arg9[%get3A_1844, %get3A_1845, %get3A_1846] {strides = array<i32>} : memref<2x64x128xf32, #tpu.memory_space<vmem>>, vector<16xf32>,
        %get3A_1848 = arith.constant 1 : i32
        %get3A_1849 = arith.index_cast %get3A_1848 : i32 to index
        %get3A_1850 = arith.index_cast %add3A_1842 : i32 to index
        %get3A_1851 = arith.constant 112 : index
        %get3A_1852 = tpu.vector_load %arg10[%get3A_1849, %get3A_1850, %get3A_1851] {strides = array<i32>} : memref<2x64x128xf32, #tpu.memory_space<vmem>>, vector<16xf32>,
        %mul3A_1853 = arith.mulf %get3A_1847, %get3A_1852 : vector<16xf32>
        %add3A_1854 = arith.addf %add3A_1710, %mul3A_1853 : vector<16xf32>
        %add3A_1855 = arith.addf %add3A_1728, %add3A_1800 : vector<16xf32>
        %swap3A_1856 = arith.constant 8 : i32
        %swap3A_1857 = arith.index_cast %swap3A_1856 : i32 to index
        %swap3A_1858 = arith.constant 0 : index
        %swap3A_1859 = tpu.vector_load %arg12[%swap3A_1857, %swap3A_1858] {strides = array<i32>} : memref<16x17xf32, #tpu.memory_space<vmem>>, vector<16xf32>,
        tpu.vector_store %arg12[%swap3A_1857, %swap3A_1858], %add3A_1855 {strides = array<i32>} : memref<16x17xf32, #tpu.memory_space<vmem>>, vector<16xf32>,
        %add3A_1860 = arith.addf %add3A_1746, %add3A_1818 : vector<16xf32>
        %swap3A_1861 = arith.constant 9 : i32
        %swap3A_1862 = arith.index_cast %swap3A_1861 : i32 to index
        %swap3A_1863 = arith.constant 0 : index
        %swap3A_1864 = tpu.vector_load %arg12[%swap3A_1862, %swap3A_1863] {strides = array<i32>} : memref<16x17xf32, #tpu.memory_space<vmem>>, vector<16xf32>,
        tpu.vector_store %arg12[%swap3A_1862, %swap3A_1863], %add3A_1860 {strides = array<i32>} : memref<16x17xf32, #tpu.memory_space<vmem>>, vector<16xf32>,
        %add3A_1865 = arith.addf %add3A_1764, %add3A_1836 : vector<16xf32>
        %swap3A_1866 = arith.constant 10 : i32
        %swap3A_1867 = arith.index_cast %swap3A_1866 : i32 to index
        %swap3A_1868 = arith.constant 0 : index
        %swap3A_1869 = tpu.vector_load %arg12[%swap3A_1867, %swap3A_1868] {strides = array<i32>} : memref<16x17xf32, #tpu.memory_space<vmem>>, vector<16xf32>,
        tpu.vector_store %arg12[%swap3A_1867, %swap3A_1868], %add3A_1865 {strides = array<i32>} : memref<16x17xf32, #tpu.memory_space<vmem>>, vector<16xf32>,
        %add3A_1870 = arith.addf %add3A_1782, %add3A_1854 : vector<16xf32>
        %swap3A_1871 = arith.constant 11 : i32
        %swap3A_1872 = arith.index_cast %swap3A_1871 : i32 to index
        %swap3A_1873 = arith.constant 0 : index
        %swap3A_1874 = tpu.vector_load %arg12[%swap3A_1872, %swap3A_1873] {strides = array<i32>} : memref<16x17xf32, #tpu.memory_space<vmem>>, vector<16xf32>,
        tpu.vector_store %arg12[%swap3A_1872, %swap3A_1873], %add3A_1870 {strides = array<i32>} : memref<16x17xf32, #tpu.memory_space<vmem>>, vector<16xf32>,
        %mul3A_1875 = arith.constant 16 : i32
        %mul3A_1876 = arith.muli %scan3A_111, %mul3A_1875 : i32
        %add3A_1877 = arith.constant 12 : i32
        %add3A_1878 = arith.addi %mul3A_1876, %add3A_1877 : i32
        %add3A_1879 = arith.constant 0 : i32
        %add3A_1880 = arith.addi %add3A_1878, %add3A_1879 : i32
        %get3A_1881 = arith.constant 1 : i32
        %get3A_1882 = arith.index_cast %get3A_1881 : i32 to index
        %get3A_1883 = arith.index_cast %add3A_1880 : i32 to index
        %get3A_1884 = arith.constant 0 : index
        %get3A_1885 = tpu.vector_load %arg9[%get3A_1882, %get3A_1883, %get3A_1884] {strides = array<i32>} : memref<2x64x128xf32, #tpu.memory_space<vmem>>, vector<16xf32>,
        %get3A_1886 = arith.constant 1 : i32
        %get3A_1887 = arith.index_cast %get3A_1886 : i32 to index
        %get3A_1888 = arith.index_cast %add3A_1880 : i32 to index
        %get3A_1889 = arith.constant 0 : index
        %get3A_1890 = tpu.vector_load %arg10[%get3A_1887, %get3A_1888, %get3A_1889] {strides = array<i32>} : memref<2x64x128xf32, #tpu.memory_space<vmem>>, vector<16xf32>,
        %mul3A_1891 = arith.mulf %get3A_1885, %get3A_1890 : vector<16xf32>
        %mul3A_1892 = arith.constant 16 : i32
        %mul3A_1893 = arith.muli %scan3A_111, %mul3A_1892 : i32
        %add3A_1894 = arith.constant 12 : i32
        %add3A_1895 = arith.addi %mul3A_1893, %add3A_1894 : i32
        %add3A_1896 = arith.constant 1 : i32
        %add3A_1897 = arith.addi %add3A_1895, %add3A_1896 : i32
        %get3A_1898 = arith.constant 1 : i32
        %get3A_1899 = arith.index_cast %get3A_1898 : i32 to index
        %get3A_1900 = arith.index_cast %add3A_1897 : i32 to index
        %get3A_1901 = arith.constant 0 : index
        %get3A_1902 = tpu.vector_load %arg9[%get3A_1899, %get3A_1900, %get3A_1901] {strides = array<i32>} : memref<2x64x128xf32, #tpu.memory_space<vmem>>, vector<16xf32>,
        %get3A_1903 = arith.constant 1 : i32
        %get3A_1904 = arith.index_cast %get3A_1903 : i32 to index
        %get3A_1905 = arith.index_cast %add3A_1897 : i32 to index
        %get3A_1906 = arith.constant 0 : index
        %get3A_1907 = tpu.vector_load %arg10[%get3A_1904, %get3A_1905, %get3A_1906] {strides = array<i32>} : memref<2x64x128xf32, #tpu.memory_space<vmem>>, vector<16xf32>,
        %mul3A_1908 = arith.mulf %get3A_1902, %get3A_1907 : vector<16xf32>
        %mul3A_1909 = arith.constant 16 : i32
        %mul3A_1910 = arith.muli %scan3A_111, %mul3A_1909 : i32
        %add3A_1911 = arith.constant 12 : i32
        %add3A_1912 = arith.addi %mul3A_1910, %add3A_1911 : i32
        %add3A_1913 = arith.constant 2 : i32
        %add3A_1914 = arith.addi %add3A_1912, %add3A_1913 : i32
        %get3A_1915 = arith.constant 1 : i32
        %get3A_1916 = arith.index_cast %get3A_1915 : i32 to index
        %get3A_1917 = arith.index_cast %add3A_1914 : i32 to index
        %get3A_1918 = arith.constant 0 : index
        %get3A_1919 = tpu.vector_load %arg9[%get3A_1916, %get3A_1917, %get3A_1918] {strides = array<i32>} : memref<2x64x128xf32, #tpu.memory_space<vmem>>, vector<16xf32>,
        %get3A_1920 = arith.constant 1 : i32
        %get3A_1921 = arith.index_cast %get3A_1920 : i32 to index
        %get3A_1922 = arith.index_cast %add3A_1914 : i32 to index
        %get3A_1923 = arith.constant 0 : index
        %get3A_1924 = tpu.vector_load %arg10[%get3A_1921, %get3A_1922, %get3A_1923] {strides = array<i32>} : memref<2x64x128xf32, #tpu.memory_space<vmem>>, vector<16xf32>,
        %mul3A_1925 = arith.mulf %get3A_1919, %get3A_1924 : vector<16xf32>
        %mul3A_1926 = arith.constant 16 : i32
        %mul3A_1927 = arith.muli %scan3A_111, %mul3A_1926 : i32
        %add3A_1928 = arith.constant 12 : i32
        %add3A_1929 = arith.addi %mul3A_1927, %add3A_1928 : i32
        %add3A_1930 = arith.constant 3 : i32
        %add3A_1931 = arith.addi %add3A_1929, %add3A_1930 : i32
        %get3A_1932 = arith.constant 1 : i32
        %get3A_1933 = arith.index_cast %get3A_1932 : i32 to index
        %get3A_1934 = arith.index_cast %add3A_1931 : i32 to index
        %get3A_1935 = arith.constant 0 : index
        %get3A_1936 = tpu.vector_load %arg9[%get3A_1933, %get3A_1934, %get3A_1935] {strides = array<i32>} : memref<2x64x128xf32, #tpu.memory_space<vmem>>, vector<16xf32>,
        %get3A_1937 = arith.constant 1 : i32
        %get3A_1938 = arith.index_cast %get3A_1937 : i32 to index
        %get3A_1939 = arith.index_cast %add3A_1931 : i32 to index
        %get3A_1940 = arith.constant 0 : index
        %get3A_1941 = tpu.vector_load %arg10[%get3A_1938, %get3A_1939, %get3A_1940] {strides = array<i32>} : memref<2x64x128xf32, #tpu.memory_space<vmem>>, vector<16xf32>,
        %mul3A_1942 = arith.mulf %get3A_1936, %get3A_1941 : vector<16xf32>
        %mul3A_1943 = arith.constant 16 : i32
        %mul3A_1944 = arith.muli %scan3A_111, %mul3A_1943 : i32
        %add3A_1945 = arith.constant 12 : i32
        %add3A_1946 = arith.addi %mul3A_1944, %add3A_1945 : i32
        %add3A_1947 = arith.constant 0 : i32
        %add3A_1948 = arith.addi %add3A_1946, %add3A_1947 : i32
        %get3A_1949 = arith.constant 1 : i32
        %get3A_1950 = arith.index_cast %get3A_1949 : i32 to index
        %get3A_1951 = arith.index_cast %add3A_1948 : i32 to index
        %get3A_1952 = arith.constant 16 : index
        %get3A_1953 = tpu.vector_load %arg9[%get3A_1950, %get3A_1951, %get3A_1952] {strides = array<i32>} : memref<2x64x128xf32, #tpu.memory_space<vmem>>, vector<16xf32>,
        %get3A_1954 = arith.constant 1 : i32
        %get3A_1955 = arith.index_cast %get3A_1954 : i32 to index
        %get3A_1956 = arith.index_cast %add3A_1948 : i32 to index
        %get3A_1957 = arith.constant 16 : index
        %get3A_1958 = tpu.vector_load %arg10[%get3A_1955, %get3A_1956, %get3A_1957] {strides = array<i32>} : memref<2x64x128xf32, #tpu.memory_space<vmem>>, vector<16xf32>,
        %mul3A_1959 = arith.mulf %get3A_1953, %get3A_1958 : vector<16xf32>
        %mul3A_1960 = arith.constant 16 : i32
        %mul3A_1961 = arith.muli %scan3A_111, %mul3A_1960 : i32
        %add3A_1962 = arith.constant 12 : i32
        %add3A_1963 = arith.addi %mul3A_1961, %add3A_1962 : i32
        %add3A_1964 = arith.constant 1 : i32
        %add3A_1965 = arith.addi %add3A_1963, %add3A_1964 : i32
        %get3A_1966 = arith.constant 1 : i32
        %get3A_1967 = arith.index_cast %get3A_1966 : i32 to index
        %get3A_1968 = arith.index_cast %add3A_1965 : i32 to index
        %get3A_1969 = arith.constant 16 : index
        %get3A_1970 = tpu.vector_load %arg9[%get3A_1967, %get3A_1968, %get3A_1969] {strides = array<i32>} : memref<2x64x128xf32, #tpu.memory_space<vmem>>, vector<16xf32>,
        %get3A_1971 = arith.constant 1 : i32
        %get3A_1972 = arith.index_cast %get3A_1971 : i32 to index
        %get3A_1973 = arith.index_cast %add3A_1965 : i32 to index
        %get3A_1974 = arith.constant 16 : index
        %get3A_1975 = tpu.vector_load %arg10[%get3A_1972, %get3A_1973, %get3A_1974] {strides = array<i32>} : memref<2x64x128xf32, #tpu.memory_space<vmem>>, vector<16xf32>,
        %mul3A_1976 = arith.mulf %get3A_1970, %get3A_1975 : vector<16xf32>
        %mul3A_1977 = arith.constant 16 : i32
        %mul3A_1978 = arith.muli %scan3A_111, %mul3A_1977 : i32
        %add3A_1979 = arith.constant 12 : i32
        %add3A_1980 = arith.addi %mul3A_1978, %add3A_1979 : i32
        %add3A_1981 = arith.constant 2 : i32
        %add3A_1982 = arith.addi %add3A_1980, %add3A_1981 : i32
        %get3A_1983 = arith.constant 1 : i32
        %get3A_1984 = arith.index_cast %get3A_1983 : i32 to index
        %get3A_1985 = arith.index_cast %add3A_1982 : i32 to index
        %get3A_1986 = arith.constant 16 : index
        %get3A_1987 = tpu.vector_load %arg9[%get3A_1984, %get3A_1985, %get3A_1986] {strides = array<i32>} : memref<2x64x128xf32, #tpu.memory_space<vmem>>, vector<16xf32>,
        %get3A_1988 = arith.constant 1 : i32
        %get3A_1989 = arith.index_cast %get3A_1988 : i32 to index
        %get3A_1990 = arith.index_cast %add3A_1982 : i32 to index
        %get3A_1991 = arith.constant 16 : index
        %get3A_1992 = tpu.vector_load %arg10[%get3A_1989, %get3A_1990, %get3A_1991] {strides = array<i32>} : memref<2x64x128xf32, #tpu.memory_space<vmem>>, vector<16xf32>,
        %mul3A_1993 = arith.mulf %get3A_1987, %get3A_1992 : vector<16xf32>
        %mul3A_1994 = arith.constant 16 : i32
        %mul3A_1995 = arith.muli %scan3A_111, %mul3A_1994 : i32
        %add3A_1996 = arith.constant 12 : i32
        %add3A_1997 = arith.addi %mul3A_1995, %add3A_1996 : i32
        %add3A_1998 = arith.constant 3 : i32
        %add3A_1999 = arith.addi %add3A_1997, %add3A_1998 : i32
        %get3A_2000 = arith.constant 1 : i32
        %get3A_2001 = arith.index_cast %get3A_2000 : i32 to index
        %get3A_2002 = arith.index_cast %add3A_1999 : i32 to index
        %get3A_2003 = arith.constant 16 : index
        %get3A_2004 = tpu.vector_load %arg9[%get3A_2001, %get3A_2002, %get3A_2003] {strides = array<i32>} : memref<2x64x128xf32, #tpu.memory_space<vmem>>, vector<16xf32>,
        %get3A_2005 = arith.constant 1 : i32
        %get3A_2006 = arith.index_cast %get3A_2005 : i32 to index
        %get3A_2007 = arith.index_cast %add3A_1999 : i32 to index
        %get3A_2008 = arith.constant 16 : index
        %get3A_2009 = tpu.vector_load %arg10[%get3A_2006, %get3A_2007, %get3A_2008] {strides = array<i32>} : memref<2x64x128xf32, #tpu.memory_space<vmem>>, vector<16xf32>,
        %mul3A_2010 = arith.mulf %get3A_2004, %get3A_2009 : vector<16xf32>
        %mul3A_2011 = arith.constant 16 : i32
        %mul3A_2012 = arith.muli %scan3A_111, %mul3A_2011 : i32
        %add3A_2013 = arith.constant 12 : i32
        %add3A_2014 = arith.addi %mul3A_2012, %add3A_2013 : i32
        %add3A_2015 = arith.constant 0 : i32
        %add3A_2016 = arith.addi %add3A_2014, %add3A_2015 : i32
        %get3A_2017 = arith.constant 1 : i32
        %get3A_2018 = arith.index_cast %get3A_2017 : i32 to index
        %get3A_2019 = arith.index_cast %add3A_2016 : i32 to index
        %get3A_2020 = arith.constant 32 : index
        %get3A_2021 = tpu.vector_load %arg9[%get3A_2018, %get3A_2019, %get3A_2020] {strides = array<i32>} : memref<2x64x128xf32, #tpu.memory_space<vmem>>, vector<16xf32>,
        %get3A_2022 = arith.constant 1 : i32
        %get3A_2023 = arith.index_cast %get3A_2022 : i32 to index
        %get3A_2024 = arith.index_cast %add3A_2016 : i32 to index
        %get3A_2025 = arith.constant 32 : index
        %get3A_2026 = tpu.vector_load %arg10[%get3A_2023, %get3A_2024, %get3A_2025] {strides = array<i32>} : memref<2x64x128xf32, #tpu.memory_space<vmem>>, vector<16xf32>,
        %mul3A_2027 = arith.mulf %get3A_2021, %get3A_2026 : vector<16xf32>
        %add3A_2028 = arith.addf %mul3A_1891, %mul3A_2027 : vector<16xf32>
        %mul3A_2029 = arith.constant 16 : i32
        %mul3A_2030 = arith.muli %scan3A_111, %mul3A_2029 : i32
        %add3A_2031 = arith.constant 12 : i32
        %add3A_2032 = arith.addi %mul3A_2030, %add3A_2031 : i32
        %add3A_2033 = arith.constant 1 : i32
        %add3A_2034 = arith.addi %add3A_2032, %add3A_2033 : i32
        %get3A_2035 = arith.constant 1 : i32
        %get3A_2036 = arith.index_cast %get3A_2035 : i32 to index
        %get3A_2037 = arith.index_cast %add3A_2034 : i32 to index
        %get3A_2038 = arith.constant 32 : index
        %get3A_2039 = tpu.vector_load %arg9[%get3A_2036, %get3A_2037, %get3A_2038] {strides = array<i32>} : memref<2x64x128xf32, #tpu.memory_space<vmem>>, vector<16xf32>,
        %get3A_2040 = arith.constant 1 : i32
        %get3A_2041 = arith.index_cast %get3A_2040 : i32 to index
        %get3A_2042 = arith.index_cast %add3A_2034 : i32 to index
        %get3A_2043 = arith.constant 32 : index
        %get3A_2044 = tpu.vector_load %arg10[%get3A_2041, %get3A_2042, %get3A_2043] {strides = array<i32>} : memref<2x64x128xf32, #tpu.memory_space<vmem>>, vector<16xf32>,
        %mul3A_2045 = arith.mulf %get3A_2039, %get3A_2044 : vector<16xf32>
        %add3A_2046 = arith.addf %mul3A_1908, %mul3A_2045 : vector<16xf32>
        %mul3A_2047 = arith.constant 16 : i32
        %mul3A_2048 = arith.muli %scan3A_111, %mul3A_2047 : i32
        %add3A_2049 = arith.constant 12 : i32
        %add3A_2050 = arith.addi %mul3A_2048, %add3A_2049 : i32
        %add3A_2051 = arith.constant 2 : i32
        %add3A_2052 = arith.addi %add3A_2050, %add3A_2051 : i32
        %get3A_2053 = arith.constant 1 : i32
        %get3A_2054 = arith.index_cast %get3A_2053 : i32 to index
        %get3A_2055 = arith.index_cast %add3A_2052 : i32 to index
        %get3A_2056 = arith.constant 32 : index
        %get3A_2057 = tpu.vector_load %arg9[%get3A_2054, %get3A_2055, %get3A_2056] {strides = array<i32>} : memref<2x64x128xf32, #tpu.memory_space<vmem>>, vector<16xf32>,
        %get3A_2058 = arith.constant 1 : i32
        %get3A_2059 = arith.index_cast %get3A_2058 : i32 to index
        %get3A_2060 = arith.index_cast %add3A_2052 : i32 to index
        %get3A_2061 = arith.constant 32 : index
        %get3A_2062 = tpu.vector_load %arg10[%get3A_2059, %get3A_2060, %get3A_2061] {strides = array<i32>} : memref<2x64x128xf32, #tpu.memory_space<vmem>>, vector<16xf32>,
        %mul3A_2063 = arith.mulf %get3A_2057, %get3A_2062 : vector<16xf32>
        %add3A_2064 = arith.addf %mul3A_1925, %mul3A_2063 : vector<16xf32>
        %mul3A_2065 = arith.constant 16 : i32
        %mul3A_2066 = arith.muli %scan3A_111, %mul3A_2065 : i32
        %add3A_2067 = arith.constant 12 : i32
        %add3A_2068 = arith.addi %mul3A_2066, %add3A_2067 : i32
        %add3A_2069 = arith.constant 3 : i32
        %add3A_2070 = arith.addi %add3A_2068, %add3A_2069 : i32
        %get3A_2071 = arith.constant 1 : i32
        %get3A_2072 = arith.index_cast %get3A_2071 : i32 to index
        %get3A_2073 = arith.index_cast %add3A_2070 : i32 to index
        %get3A_2074 = arith.constant 32 : index
        %get3A_2075 = tpu.vector_load %arg9[%get3A_2072, %get3A_2073, %get3A_2074] {strides = array<i32>} : memref<2x64x128xf32, #tpu.memory_space<vmem>>, vector<16xf32>,
        %get3A_2076 = arith.constant 1 : i32
        %get3A_2077 = arith.index_cast %get3A_2076 : i32 to index
        %get3A_2078 = arith.index_cast %add3A_2070 : i32 to index
        %get3A_2079 = arith.constant 32 : index
        %get3A_2080 = tpu.vector_load %arg10[%get3A_2077, %get3A_2078, %get3A_2079] {strides = array<i32>} : memref<2x64x128xf32, #tpu.memory_space<vmem>>, vector<16xf32>,
        %mul3A_2081 = arith.mulf %get3A_2075, %get3A_2080 : vector<16xf32>
        %add3A_2082 = arith.addf %mul3A_1942, %mul3A_2081 : vector<16xf32>
        %mul3A_2083 = arith.constant 16 : i32
        %mul3A_2084 = arith.muli %scan3A_111, %mul3A_2083 : i32
        %add3A_2085 = arith.constant 12 : i32
        %add3A_2086 = arith.addi %mul3A_2084, %add3A_2085 : i32
        %add3A_2087 = arith.constant 0 : i32
        %add3A_2088 = arith.addi %add3A_2086, %add3A_2087 : i32
        %get3A_2089 = arith.constant 1 : i32
        %get3A_2090 = arith.index_cast %get3A_2089 : i32 to index
        %get3A_2091 = arith.index_cast %add3A_2088 : i32 to index
        %get3A_2092 = arith.constant 48 : index
        %get3A_2093 = tpu.vector_load %arg9[%get3A_2090, %get3A_2091, %get3A_2092] {strides = array<i32>} : memref<2x64x128xf32, #tpu.memory_space<vmem>>, vector<16xf32>,
        %get3A_2094 = arith.constant 1 : i32
        %get3A_2095 = arith.index_cast %get3A_2094 : i32 to index
        %get3A_2096 = arith.index_cast %add3A_2088 : i32 to index
        %get3A_2097 = arith.constant 48 : index
        %get3A_2098 = tpu.vector_load %arg10[%get3A_2095, %get3A_2096, %get3A_2097] {strides = array<i32>} : memref<2x64x128xf32, #tpu.memory_space<vmem>>, vector<16xf32>,
        %mul3A_2099 = arith.mulf %get3A_2093, %get3A_2098 : vector<16xf32>
        %add3A_2100 = arith.addf %mul3A_1959, %mul3A_2099 : vector<16xf32>
        %mul3A_2101 = arith.constant 16 : i32
        %mul3A_2102 = arith.muli %scan3A_111, %mul3A_2101 : i32
        %add3A_2103 = arith.constant 12 : i32
        %add3A_2104 = arith.addi %mul3A_2102, %add3A_2103 : i32
        %add3A_2105 = arith.constant 1 : i32
        %add3A_2106 = arith.addi %add3A_2104, %add3A_2105 : i32
        %get3A_2107 = arith.constant 1 : i32
        %get3A_2108 = arith.index_cast %get3A_2107 : i32 to index
        %get3A_2109 = arith.index_cast %add3A_2106 : i32 to index
        %get3A_2110 = arith.constant 48 : index
        %get3A_2111 = tpu.vector_load %arg9[%get3A_2108, %get3A_2109, %get3A_2110] {strides = array<i32>} : memref<2x64x128xf32, #tpu.memory_space<vmem>>, vector<16xf32>,
        %get3A_2112 = arith.constant 1 : i32
        %get3A_2113 = arith.index_cast %get3A_2112 : i32 to index
        %get3A_2114 = arith.index_cast %add3A_2106 : i32 to index
        %get3A_2115 = arith.constant 48 : index
        %get3A_2116 = tpu.vector_load %arg10[%get3A_2113, %get3A_2114, %get3A_2115] {strides = array<i32>} : memref<2x64x128xf32, #tpu.memory_space<vmem>>, vector<16xf32>,
        %mul3A_2117 = arith.mulf %get3A_2111, %get3A_2116 : vector<16xf32>
        %add3A_2118 = arith.addf %mul3A_1976, %mul3A_2117 : vector<16xf32>
        %mul3A_2119 = arith.constant 16 : i32
        %mul3A_2120 = arith.muli %scan3A_111, %mul3A_2119 : i32
        %add3A_2121 = arith.constant 12 : i32
        %add3A_2122 = arith.addi %mul3A_2120, %add3A_2121 : i32
        %add3A_2123 = arith.constant 2 : i32
        %add3A_2124 = arith.addi %add3A_2122, %add3A_2123 : i32
        %get3A_2125 = arith.constant 1 : i32
        %get3A_2126 = arith.index_cast %get3A_2125 : i32 to index
        %get3A_2127 = arith.index_cast %add3A_2124 : i32 to index
        %get3A_2128 = arith.constant 48 : index
        %get3A_2129 = tpu.vector_load %arg9[%get3A_2126, %get3A_2127, %get3A_2128] {strides = array<i32>} : memref<2x64x128xf32, #tpu.memory_space<vmem>>, vector<16xf32>,
        %get3A_2130 = arith.constant 1 : i32
        %get3A_2131 = arith.index_cast %get3A_2130 : i32 to index
        %get3A_2132 = arith.index_cast %add3A_2124 : i32 to index
        %get3A_2133 = arith.constant 48 : index
        %get3A_2134 = tpu.vector_load %arg10[%get3A_2131, %get3A_2132, %get3A_2133] {strides = array<i32>} : memref<2x64x128xf32, #tpu.memory_space<vmem>>, vector<16xf32>,
        %mul3A_2135 = arith.mulf %get3A_2129, %get3A_2134 : vector<16xf32>
        %add3A_2136 = arith.addf %mul3A_1993, %mul3A_2135 : vector<16xf32>
        %mul3A_2137 = arith.constant 16 : i32
        %mul3A_2138 = arith.muli %scan3A_111, %mul3A_2137 : i32
        %add3A_2139 = arith.constant 12 : i32
        %add3A_2140 = arith.addi %mul3A_2138, %add3A_2139 : i32
        %add3A_2141 = arith.constant 3 : i32
        %add3A_2142 = arith.addi %add3A_2140, %add3A_2141 : i32
        %get3A_2143 = arith.constant 1 : i32
        %get3A_2144 = arith.index_cast %get3A_2143 : i32 to index
        %get3A_2145 = arith.index_cast %add3A_2142 : i32 to index
        %get3A_2146 = arith.constant 48 : index
        %get3A_2147 = tpu.vector_load %arg9[%get3A_2144, %get3A_2145, %get3A_2146] {strides = array<i32>} : memref<2x64x128xf32, #tpu.memory_space<vmem>>, vector<16xf32>,
        %get3A_2148 = arith.constant 1 : i32
        %get3A_2149 = arith.index_cast %get3A_2148 : i32 to index
        %get3A_2150 = arith.index_cast %add3A_2142 : i32 to index
        %get3A_2151 = arith.constant 48 : index
        %get3A_2152 = tpu.vector_load %arg10[%get3A_2149, %get3A_2150, %get3A_2151] {strides = array<i32>} : memref<2x64x128xf32, #tpu.memory_space<vmem>>, vector<16xf32>,
        %mul3A_2153 = arith.mulf %get3A_2147, %get3A_2152 : vector<16xf32>
        %add3A_2154 = arith.addf %mul3A_2010, %mul3A_2153 : vector<16xf32>
        %mul3A_2155 = arith.constant 16 : i32
        %mul3A_2156 = arith.muli %scan3A_111, %mul3A_2155 : i32
        %add3A_2157 = arith.constant 12 : i32
        %add3A_2158 = arith.addi %mul3A_2156, %add3A_2157 : i32
        %add3A_2159 = arith.constant 0 : i32
        %add3A_2160 = arith.addi %add3A_2158, %add3A_2159 : i32
        %get3A_2161 = arith.constant 1 : i32
        %get3A_2162 = arith.index_cast %get3A_2161 : i32 to index
        %get3A_2163 = arith.index_cast %add3A_2160 : i32 to index
        %get3A_2164 = arith.constant 64 : index
        %get3A_2165 = tpu.vector_load %arg9[%get3A_2162, %get3A_2163, %get3A_2164] {strides = array<i32>} : memref<2x64x128xf32, #tpu.memory_space<vmem>>, vector<16xf32>,
        %get3A_2166 = arith.constant 1 : i32
        %get3A_2167 = arith.index_cast %get3A_2166 : i32 to index
        %get3A_2168 = arith.index_cast %add3A_2160 : i32 to index
        %get3A_2169 = arith.constant 64 : index
        %get3A_2170 = tpu.vector_load %arg10[%get3A_2167, %get3A_2168, %get3A_2169] {strides = array<i32>} : memref<2x64x128xf32, #tpu.memory_space<vmem>>, vector<16xf32>,
        %mul3A_2171 = arith.mulf %get3A_2165, %get3A_2170 : vector<16xf32>
        %add3A_2172 = arith.addf %add3A_2028, %mul3A_2171 : vector<16xf32>
        %mul3A_2173 = arith.constant 16 : i32
        %mul3A_2174 = arith.muli %scan3A_111, %mul3A_2173 : i32
        %add3A_2175 = arith.constant 12 : i32
        %add3A_2176 = arith.addi %mul3A_2174, %add3A_2175 : i32
        %add3A_2177 = arith.constant 1 : i32
        %add3A_2178 = arith.addi %add3A_2176, %add3A_2177 : i32
        %get3A_2179 = arith.constant 1 : i32
        %get3A_2180 = arith.index_cast %get3A_2179 : i32 to index
        %get3A_2181 = arith.index_cast %add3A_2178 : i32 to index
        %get3A_2182 = arith.constant 64 : index
        %get3A_2183 = tpu.vector_load %arg9[%get3A_2180, %get3A_2181, %get3A_2182] {strides = array<i32>} : memref<2x64x128xf32, #tpu.memory_space<vmem>>, vector<16xf32>,
        %get3A_2184 = arith.constant 1 : i32
        %get3A_2185 = arith.index_cast %get3A_2184 : i32 to index
        %get3A_2186 = arith.index_cast %add3A_2178 : i32 to index
        %get3A_2187 = arith.constant 64 : index
        %get3A_2188 = tpu.vector_load %arg10[%get3A_2185, %get3A_2186, %get3A_2187] {strides = array<i32>} : memref<2x64x128xf32, #tpu.memory_space<vmem>>, vector<16xf32>,
        %mul3A_2189 = arith.mulf %get3A_2183, %get3A_2188 : vector<16xf32>
        %add3A_2190 = arith.addf %add3A_2046, %mul3A_2189 : vector<16xf32>
        %mul3A_2191 = arith.constant 16 : i32
        %mul3A_2192 = arith.muli %scan3A_111, %mul3A_2191 : i32
        %add3A_2193 = arith.constant 12 : i32
        %add3A_2194 = arith.addi %mul3A_2192, %add3A_2193 : i32
        %add3A_2195 = arith.constant 2 : i32
        %add3A_2196 = arith.addi %add3A_2194, %add3A_2195 : i32
        %get3A_2197 = arith.constant 1 : i32
        %get3A_2198 = arith.index_cast %get3A_2197 : i32 to index
        %get3A_2199 = arith.index_cast %add3A_2196 : i32 to index
        %get3A_2200 = arith.constant 64 : index
        %get3A_2201 = tpu.vector_load %arg9[%get3A_2198, %get3A_2199, %get3A_2200] {strides = array<i32>} : memref<2x64x128xf32, #tpu.memory_space<vmem>>, vector<16xf32>,
        %get3A_2202 = arith.constant 1 : i32
        %get3A_2203 = arith.index_cast %get3A_2202 : i32 to index
        %get3A_2204 = arith.index_cast %add3A_2196 : i32 to index
        %get3A_2205 = arith.constant 64 : index
        %get3A_2206 = tpu.vector_load %arg10[%get3A_2203, %get3A_2204, %get3A_2205] {strides = array<i32>} : memref<2x64x128xf32, #tpu.memory_space<vmem>>, vector<16xf32>,
        %mul3A_2207 = arith.mulf %get3A_2201, %get3A_2206 : vector<16xf32>
        %add3A_2208 = arith.addf %add3A_2064, %mul3A_2207 : vector<16xf32>
        %mul3A_2209 = arith.constant 16 : i32
        %mul3A_2210 = arith.muli %scan3A_111, %mul3A_2209 : i32
        %add3A_2211 = arith.constant 12 : i32
        %add3A_2212 = arith.addi %mul3A_2210, %add3A_2211 : i32
        %add3A_2213 = arith.constant 3 : i32
        %add3A_2214 = arith.addi %add3A_2212, %add3A_2213 : i32
        %get3A_2215 = arith.constant 1 : i32
        %get3A_2216 = arith.index_cast %get3A_2215 : i32 to index
        %get3A_2217 = arith.index_cast %add3A_2214 : i32 to index
        %get3A_2218 = arith.constant 64 : index
        %get3A_2219 = tpu.vector_load %arg9[%get3A_2216, %get3A_2217, %get3A_2218] {strides = array<i32>} : memref<2x64x128xf32, #tpu.memory_space<vmem>>, vector<16xf32>,
        %get3A_2220 = arith.constant 1 : i32
        %get3A_2221 = arith.index_cast %get3A_2220 : i32 to index
        %get3A_2222 = arith.index_cast %add3A_2214 : i32 to index
        %get3A_2223 = arith.constant 64 : index
        %get3A_2224 = tpu.vector_load %arg10[%get3A_2221, %get3A_2222, %get3A_2223] {strides = array<i32>} : memref<2x64x128xf32, #tpu.memory_space<vmem>>, vector<16xf32>,
        %mul3A_2225 = arith.mulf %get3A_2219, %get3A_2224 : vector<16xf32>
        %add3A_2226 = arith.addf %add3A_2082, %mul3A_2225 : vector<16xf32>
        %mul3A_2227 = arith.constant 16 : i32
        %mul3A_2228 = arith.muli %scan3A_111, %mul3A_2227 : i32
        %add3A_2229 = arith.constant 12 : i32
        %add3A_2230 = arith.addi %mul3A_2228, %add3A_2229 : i32
        %add3A_2231 = arith.constant 0 : i32
        %add3A_2232 = arith.addi %add3A_2230, %add3A_2231 : i32
        %get3A_2233 = arith.constant 1 : i32
        %get3A_2234 = arith.index_cast %get3A_2233 : i32 to index
        %get3A_2235 = arith.index_cast %add3A_2232 : i32 to index
        %get3A_2236 = arith.constant 80 : index
        %get3A_2237 = tpu.vector_load %arg9[%get3A_2234, %get3A_2235, %get3A_2236] {strides = array<i32>} : memref<2x64x128xf32, #tpu.memory_space<vmem>>, vector<16xf32>,
        %get3A_2238 = arith.constant 1 : i32
        %get3A_2239 = arith.index_cast %get3A_2238 : i32 to index
        %get3A_2240 = arith.index_cast %add3A_2232 : i32 to index
        %get3A_2241 = arith.constant 80 : index
        %get3A_2242 = tpu.vector_load %arg10[%get3A_2239, %get3A_2240, %get3A_2241] {strides = array<i32>} : memref<2x64x128xf32, #tpu.memory_space<vmem>>, vector<16xf32>,
        %mul3A_2243 = arith.mulf %get3A_2237, %get3A_2242 : vector<16xf32>
        %add3A_2244 = arith.addf %add3A_2100, %mul3A_2243 : vector<16xf32>
        %mul3A_2245 = arith.constant 16 : i32
        %mul3A_2246 = arith.muli %scan3A_111, %mul3A_2245 : i32
        %add3A_2247 = arith.constant 12 : i32
        %add3A_2248 = arith.addi %mul3A_2246, %add3A_2247 : i32
        %add3A_2249 = arith.constant 1 : i32
        %add3A_2250 = arith.addi %add3A_2248, %add3A_2249 : i32
        %get3A_2251 = arith.constant 1 : i32
        %get3A_2252 = arith.index_cast %get3A_2251 : i32 to index
        %get3A_2253 = arith.index_cast %add3A_2250 : i32 to index
        %get3A_2254 = arith.constant 80 : index
        %get3A_2255 = tpu.vector_load %arg9[%get3A_2252, %get3A_2253, %get3A_2254] {strides = array<i32>} : memref<2x64x128xf32, #tpu.memory_space<vmem>>, vector<16xf32>,
        %get3A_2256 = arith.constant 1 : i32
        %get3A_2257 = arith.index_cast %get3A_2256 : i32 to index
        %get3A_2258 = arith.index_cast %add3A_2250 : i32 to index
        %get3A_2259 = arith.constant 80 : index
        %get3A_2260 = tpu.vector_load %arg10[%get3A_2257, %get3A_2258, %get3A_2259] {strides = array<i32>} : memref<2x64x128xf32, #tpu.memory_space<vmem>>, vector<16xf32>,
        %mul3A_2261 = arith.mulf %get3A_2255, %get3A_2260 : vector<16xf32>
        %add3A_2262 = arith.addf %add3A_2118, %mul3A_2261 : vector<16xf32>
        %mul3A_2263 = arith.constant 16 : i32
        %mul3A_2264 = arith.muli %scan3A_111, %mul3A_2263 : i32
        %add3A_2265 = arith.constant 12 : i32
        %add3A_2266 = arith.addi %mul3A_2264, %add3A_2265 : i32
        %add3A_2267 = arith.constant 2 : i32
        %add3A_2268 = arith.addi %add3A_2266, %add3A_2267 : i32
        %get3A_2269 = arith.constant 1 : i32
        %get3A_2270 = arith.index_cast %get3A_2269 : i32 to index
        %get3A_2271 = arith.index_cast %add3A_2268 : i32 to index
        %get3A_2272 = arith.constant 80 : index
        %get3A_2273 = tpu.vector_load %arg9[%get3A_2270, %get3A_2271, %get3A_2272] {strides = array<i32>} : memref<2x64x128xf32, #tpu.memory_space<vmem>>, vector<16xf32>,
        %get3A_2274 = arith.constant 1 : i32
        %get3A_2275 = arith.index_cast %get3A_2274 : i32 to index
        %get3A_2276 = arith.index_cast %add3A_2268 : i32 to index
        %get3A_2277 = arith.constant 80 : index
        %get3A_2278 = tpu.vector_load %arg10[%get3A_2275, %get3A_2276, %get3A_2277] {strides = array<i32>} : memref<2x64x128xf32, #tpu.memory_space<vmem>>, vector<16xf32>,
        %mul3A_2279 = arith.mulf %get3A_2273, %get3A_2278 : vector<16xf32>
        %add3A_2280 = arith.addf %add3A_2136, %mul3A_2279 : vector<16xf32>
        %mul3A_2281 = arith.constant 16 : i32
        %mul3A_2282 = arith.muli %scan3A_111, %mul3A_2281 : i32
        %add3A_2283 = arith.constant 12 : i32
        %add3A_2284 = arith.addi %mul3A_2282, %add3A_2283 : i32
        %add3A_2285 = arith.constant 3 : i32
        %add3A_2286 = arith.addi %add3A_2284, %add3A_2285 : i32
        %get3A_2287 = arith.constant 1 : i32
        %get3A_2288 = arith.index_cast %get3A_2287 : i32 to index
        %get3A_2289 = arith.index_cast %add3A_2286 : i32 to index
        %get3A_2290 = arith.constant 80 : index
        %get3A_2291 = tpu.vector_load %arg9[%get3A_2288, %get3A_2289, %get3A_2290] {strides = array<i32>} : memref<2x64x128xf32, #tpu.memory_space<vmem>>, vector<16xf32>,
        %get3A_2292 = arith.constant 1 : i32
        %get3A_2293 = arith.index_cast %get3A_2292 : i32 to index
        %get3A_2294 = arith.index_cast %add3A_2286 : i32 to index
        %get3A_2295 = arith.constant 80 : index
        %get3A_2296 = tpu.vector_load %arg10[%get3A_2293, %get3A_2294, %get3A_2295] {strides = array<i32>} : memref<2x64x128xf32, #tpu.memory_space<vmem>>, vector<16xf32>,
        %mul3A_2297 = arith.mulf %get3A_2291, %get3A_2296 : vector<16xf32>
        %add3A_2298 = arith.addf %add3A_2154, %mul3A_2297 : vector<16xf32>
        %mul3A_2299 = arith.constant 16 : i32
        %mul3A_2300 = arith.muli %scan3A_111, %mul3A_2299 : i32
        %add3A_2301 = arith.constant 12 : i32
        %add3A_2302 = arith.addi %mul3A_2300, %add3A_2301 : i32
        %add3A_2303 = arith.constant 0 : i32
        %add3A_2304 = arith.addi %add3A_2302, %add3A_2303 : i32
        %get3A_2305 = arith.constant 1 : i32
        %get3A_2306 = arith.index_cast %get3A_2305 : i32 to index
        %get3A_2307 = arith.index_cast %add3A_2304 : i32 to index
        %get3A_2308 = arith.constant 96 : index
        %get3A_2309 = tpu.vector_load %arg9[%get3A_2306, %get3A_2307, %get3A_2308] {strides = array<i32>} : memref<2x64x128xf32, #tpu.memory_space<vmem>>, vector<16xf32>,
        %get3A_2310 = arith.constant 1 : i32
        %get3A_2311 = arith.index_cast %get3A_2310 : i32 to index
        %get3A_2312 = arith.index_cast %add3A_2304 : i32 to index
        %get3A_2313 = arith.constant 96 : index
        %get3A_2314 = tpu.vector_load %arg10[%get3A_2311, %get3A_2312, %get3A_2313] {strides = array<i32>} : memref<2x64x128xf32, #tpu.memory_space<vmem>>, vector<16xf32>,
        %mul3A_2315 = arith.mulf %get3A_2309, %get3A_2314 : vector<16xf32>
        %add3A_2316 = arith.addf %add3A_2172, %mul3A_2315 : vector<16xf32>
        %mul3A_2317 = arith.constant 16 : i32
        %mul3A_2318 = arith.muli %scan3A_111, %mul3A_2317 : i32
        %add3A_2319 = arith.constant 12 : i32
        %add3A_2320 = arith.addi %mul3A_2318, %add3A_2319 : i32
        %add3A_2321 = arith.constant 1 : i32
        %add3A_2322 = arith.addi %add3A_2320, %add3A_2321 : i32
        %get3A_2323 = arith.constant 1 : i32
        %get3A_2324 = arith.index_cast %get3A_2323 : i32 to index
        %get3A_2325 = arith.index_cast %add3A_2322 : i32 to index
        %get3A_2326 = arith.constant 96 : index
        %get3A_2327 = tpu.vector_load %arg9[%get3A_2324, %get3A_2325, %get3A_2326] {strides = array<i32>} : memref<2x64x128xf32, #tpu.memory_space<vmem>>, vector<16xf32>,
        %get3A_2328 = arith.constant 1 : i32
        %get3A_2329 = arith.index_cast %get3A_2328 : i32 to index
        %get3A_2330 = arith.index_cast %add3A_2322 : i32 to index
        %get3A_2331 = arith.constant 96 : index
        %get3A_2332 = tpu.vector_load %arg10[%get3A_2329, %get3A_2330, %get3A_2331] {strides = array<i32>} : memref<2x64x128xf32, #tpu.memory_space<vmem>>, vector<16xf32>,
        %mul3A_2333 = arith.mulf %get3A_2327, %get3A_2332 : vector<16xf32>
        %add3A_2334 = arith.addf %add3A_2190, %mul3A_2333 : vector<16xf32>
        %mul3A_2335 = arith.constant 16 : i32
        %mul3A_2336 = arith.muli %scan3A_111, %mul3A_2335 : i32
        %add3A_2337 = arith.constant 12 : i32
        %add3A_2338 = arith.addi %mul3A_2336, %add3A_2337 : i32
        %add3A_2339 = arith.constant 2 : i32
        %add3A_2340 = arith.addi %add3A_2338, %add3A_2339 : i32
        %get3A_2341 = arith.constant 1 : i32
        %get3A_2342 = arith.index_cast %get3A_2341 : i32 to index
        %get3A_2343 = arith.index_cast %add3A_2340 : i32 to index
        %get3A_2344 = arith.constant 96 : index
        %get3A_2345 = tpu.vector_load %arg9[%get3A_2342, %get3A_2343, %get3A_2344] {strides = array<i32>} : memref<2x64x128xf32, #tpu.memory_space<vmem>>, vector<16xf32>,
        %get3A_2346 = arith.constant 1 : i32
        %get3A_2347 = arith.index_cast %get3A_2346 : i32 to index
        %get3A_2348 = arith.index_cast %add3A_2340 : i32 to index
        %get3A_2349 = arith.constant 96 : index
        %get3A_2350 = tpu.vector_load %arg10[%get3A_2347, %get3A_2348, %get3A_2349] {strides = array<i32>} : memref<2x64x128xf32, #tpu.memory_space<vmem>>, vector<16xf32>,
        %mul3A_2351 = arith.mulf %get3A_2345, %get3A_2350 : vector<16xf32>
        %add3A_2352 = arith.addf %add3A_2208, %mul3A_2351 : vector<16xf32>
        %mul3A_2353 = arith.constant 16 : i32
        %mul3A_2354 = arith.muli %scan3A_111, %mul3A_2353 : i32
        %add3A_2355 = arith.constant 12 : i32
        %add3A_2356 = arith.addi %mul3A_2354, %add3A_2355 : i32
        %add3A_2357 = arith.constant 3 : i32
        %add3A_2358 = arith.addi %add3A_2356, %add3A_2357 : i32
        %get3A_2359 = arith.constant 1 : i32
        %get3A_2360 = arith.index_cast %get3A_2359 : i32 to index
        %get3A_2361 = arith.index_cast %add3A_2358 : i32 to index
        %get3A_2362 = arith.constant 96 : index
        %get3A_2363 = tpu.vector_load %arg9[%get3A_2360, %get3A_2361, %get3A_2362] {strides = array<i32>} : memref<2x64x128xf32, #tpu.memory_space<vmem>>, vector<16xf32>,
        %get3A_2364 = arith.constant 1 : i32
        %get3A_2365 = arith.index_cast %get3A_2364 : i32 to index
        %get3A_2366 = arith.index_cast %add3A_2358 : i32 to index
        %get3A_2367 = arith.constant 96 : index
        %get3A_2368 = tpu.vector_load %arg10[%get3A_2365, %get3A_2366, %get3A_2367] {strides = array<i32>} : memref<2x64x128xf32, #tpu.memory_space<vmem>>, vector<16xf32>,
        %mul3A_2369 = arith.mulf %get3A_2363, %get3A_2368 : vector<16xf32>
        %add3A_2370 = arith.addf %add3A_2226, %mul3A_2369 : vector<16xf32>
        %mul3A_2371 = arith.constant 16 : i32
        %mul3A_2372 = arith.muli %scan3A_111, %mul3A_2371 : i32
        %add3A_2373 = arith.constant 12 : i32
        %add3A_2374 = arith.addi %mul3A_2372, %add3A_2373 : i32
        %add3A_2375 = arith.constant 0 : i32
        %add3A_2376 = arith.addi %add3A_2374, %add3A_2375 : i32
        %get3A_2377 = arith.constant 1 : i32
        %get3A_2378 = arith.index_cast %get3A_2377 : i32 to index
        %get3A_2379 = arith.index_cast %add3A_2376 : i32 to index
        %get3A_2380 = arith.constant 112 : index
        %get3A_2381 = tpu.vector_load %arg9[%get3A_2378, %get3A_2379, %get3A_2380] {strides = array<i32>} : memref<2x64x128xf32, #tpu.memory_space<vmem>>, vector<16xf32>,
        %get3A_2382 = arith.constant 1 : i32
        %get3A_2383 = arith.index_cast %get3A_2382 : i32 to index
        %get3A_2384 = arith.index_cast %add3A_2376 : i32 to index
        %get3A_2385 = arith.constant 112 : index
        %get3A_2386 = tpu.vector_load %arg10[%get3A_2383, %get3A_2384, %get3A_2385] {strides = array<i32>} : memref<2x64x128xf32, #tpu.memory_space<vmem>>, vector<16xf32>,
        %mul3A_2387 = arith.mulf %get3A_2381, %get3A_2386 : vector<16xf32>
        %add3A_2388 = arith.addf %add3A_2244, %mul3A_2387 : vector<16xf32>
        %mul3A_2389 = arith.constant 16 : i32
        %mul3A_2390 = arith.muli %scan3A_111, %mul3A_2389 : i32
        %add3A_2391 = arith.constant 12 : i32
        %add3A_2392 = arith.addi %mul3A_2390, %add3A_2391 : i32
        %add3A_2393 = arith.constant 1 : i32
        %add3A_2394 = arith.addi %add3A_2392, %add3A_2393 : i32
        %get3A_2395 = arith.constant 1 : i32
        %get3A_2396 = arith.index_cast %get3A_2395 : i32 to index
        %get3A_2397 = arith.index_cast %add3A_2394 : i32 to index
        %get3A_2398 = arith.constant 112 : index
        %get3A_2399 = tpu.vector_load %arg9[%get3A_2396, %get3A_2397, %get3A_2398] {strides = array<i32>} : memref<2x64x128xf32, #tpu.memory_space<vmem>>, vector<16xf32>,
        %get3A_2400 = arith.constant 1 : i32
        %get3A_2401 = arith.index_cast %get3A_2400 : i32 to index
        %get3A_2402 = arith.index_cast %add3A_2394 : i32 to index
        %get3A_2403 = arith.constant 112 : index
        %get3A_2404 = tpu.vector_load %arg10[%get3A_2401, %get3A_2402, %get3A_2403] {strides = array<i32>} : memref<2x64x128xf32, #tpu.memory_space<vmem>>, vector<16xf32>,
        %mul3A_2405 = arith.mulf %get3A_2399, %get3A_2404 : vector<16xf32>
        %add3A_2406 = arith.addf %add3A_2262, %mul3A_2405 : vector<16xf32>
        %mul3A_2407 = arith.constant 16 : i32
        %mul3A_2408 = arith.muli %scan3A_111, %mul3A_2407 : i32
        %add3A_2409 = arith.constant 12 : i32
        %add3A_2410 = arith.addi %mul3A_2408, %add3A_2409 : i32
        %add3A_2411 = arith.constant 2 : i32
        %add3A_2412 = arith.addi %add3A_2410, %add3A_2411 : i32
        %get3A_2413 = arith.constant 1 : i32
        %get3A_2414 = arith.index_cast %get3A_2413 : i32 to index
        %get3A_2415 = arith.index_cast %add3A_2412 : i32 to index
        %get3A_2416 = arith.constant 112 : index
        %get3A_2417 = tpu.vector_load %arg9[%get3A_2414, %get3A_2415, %get3A_2416] {strides = array<i32>} : memref<2x64x128xf32, #tpu.memory_space<vmem>>, vector<16xf32>,
        %get3A_2418 = arith.constant 1 : i32
        %get3A_2419 = arith.index_cast %get3A_2418 : i32 to index
        %get3A_2420 = arith.index_cast %add3A_2412 : i32 to index
        %get3A_2421 = arith.constant 112 : index
        %get3A_2422 = tpu.vector_load %arg10[%get3A_2419, %get3A_2420, %get3A_2421] {strides = array<i32>} : memref<2x64x128xf32, #tpu.memory_space<vmem>>, vector<16xf32>,
        %mul3A_2423 = arith.mulf %get3A_2417, %get3A_2422 : vector<16xf32>
        %add3A_2424 = arith.addf %add3A_2280, %mul3A_2423 : vector<16xf32>
        %mul3A_2425 = arith.constant 16 : i32
        %mul3A_2426 = arith.muli %scan3A_111, %mul3A_2425 : i32
        %add3A_2427 = arith.constant 12 : i32
        %add3A_2428 = arith.addi %mul3A_2426, %add3A_2427 : i32
        %add3A_2429 = arith.constant 3 : i32
        %add3A_2430 = arith.addi %add3A_2428, %add3A_2429 : i32
        %get3A_2431 = arith.constant 1 : i32
        %get3A_2432 = arith.index_cast %get3A_2431 : i32 to index
        %get3A_2433 = arith.index_cast %add3A_2430 : i32 to index
        %get3A_2434 = arith.constant 112 : index
        %get3A_2435 = tpu.vector_load %arg9[%get3A_2432, %get3A_2433, %get3A_2434] {strides = array<i32>} : memref<2x64x128xf32, #tpu.memory_space<vmem>>, vector<16xf32>,
        %get3A_2436 = arith.constant 1 : i32
        %get3A_2437 = arith.index_cast %get3A_2436 : i32 to index
        %get3A_2438 = arith.index_cast %add3A_2430 : i32 to index
        %get3A_2439 = arith.constant 112 : index
        %get3A_2440 = tpu.vector_load %arg10[%get3A_2437, %get3A_2438, %get3A_2439] {strides = array<i32>} : memref<2x64x128xf32, #tpu.memory_space<vmem>>, vector<16xf32>,
        %mul3A_2441 = arith.mulf %get3A_2435, %get3A_2440 : vector<16xf32>
        %add3A_2442 = arith.addf %add3A_2298, %mul3A_2441 : vector<16xf32>
        %add3A_2443 = arith.addf %add3A_2316, %add3A_2388 : vector<16xf32>
        %swap3A_2444 = arith.constant 12 : i32
        %swap3A_2445 = arith.index_cast %swap3A_2444 : i32 to index
        %swap3A_2446 = arith.constant 0 : index
        %swap3A_2447 = tpu.vector_load %arg12[%swap3A_2445, %swap3A_2446] {strides = array<i32>} : memref<16x17xf32, #tpu.memory_space<vmem>>, vector<16xf32>,
        tpu.vector_store %arg12[%swap3A_2445, %swap3A_2446], %add3A_2443 {strides = array<i32>} : memref<16x17xf32, #tpu.memory_space<vmem>>, vector<16xf32>,
        %add3A_2448 = arith.addf %add3A_2334, %add3A_2406 : vector<16xf32>
        %swap3A_2449 = arith.constant 13 : i32
        %swap3A_2450 = arith.index_cast %swap3A_2449 : i32 to index
        %swap3A_2451 = arith.constant 0 : index
        %swap3A_2452 = tpu.vector_load %arg12[%swap3A_2450, %swap3A_2451] {strides = array<i32>} : memref<16x17xf32, #tpu.memory_space<vmem>>, vector<16xf32>,
        tpu.vector_store %arg12[%swap3A_2450, %swap3A_2451], %add3A_2448 {strides = array<i32>} : memref<16x17xf32, #tpu.memory_space<vmem>>, vector<16xf32>,
        %add3A_2453 = arith.addf %add3A_2352, %add3A_2424 : vector<16xf32>
        %swap3A_2454 = arith.constant 14 : i32
        %swap3A_2455 = arith.index_cast %swap3A_2454 : i32 to index
        %swap3A_2456 = arith.constant 0 : index
        %swap3A_2457 = tpu.vector_load %arg12[%swap3A_2455, %swap3A_2456] {strides = array<i32>} : memref<16x17xf32, #tpu.memory_space<vmem>>, vector<16xf32>,
        tpu.vector_store %arg12[%swap3A_2455, %swap3A_2456], %add3A_2453 {strides = array<i32>} : memref<16x17xf32, #tpu.memory_space<vmem>>, vector<16xf32>,
        %add3A_2458 = arith.addf %add3A_2370, %add3A_2442 : vector<16xf32>
        %swap3A_2459 = arith.constant 15 : i32
        %swap3A_2460 = arith.index_cast %swap3A_2459 : i32 to index
        %swap3A_2461 = arith.constant 0 : index
        %swap3A_2462 = tpu.vector_load %arg12[%swap3A_2460, %swap3A_2461] {strides = array<i32>} : memref<16x17xf32, #tpu.memory_space<vmem>>, vector<16xf32>,
        tpu.vector_store %arg12[%swap3A_2460, %swap3A_2461], %add3A_2458 {strides = array<i32>} : memref<16x17xf32, #tpu.memory_space<vmem>>, vector<16xf32>,
        %broadcast_in_dim3A = arith.constant 0 : i32
        %broadcast_in_dim3A_2463 = vector.broadcast %broadcast_in_dim3A : i32 to vector<16xi32>
        %gather3A = tpu.vector_load_idx %arg12[%iota3A, %broadcast_in_dim3A_2463] : memref<16x17xf32, #tpu.memory_space<vmem>>[vector<16xi32>, vector<16xi32>], vector<16xf32>,
        %broadcast_in_dim3A_2464 = arith.constant 1 : i32
        %broadcast_in_dim3A_2465 = vector.broadcast %broadcast_in_dim3A_2464 : i32 to vector<16xi32>
        %gather3A_2466 = tpu.vector_load_idx %arg12[%iota3A, %broadcast_in_dim3A_2465] : memref<16x17xf32, #tpu.memory_space<vmem>>[vector<16xi32>, vector<16xi32>], vector<16xf32>,
        %broadcast_in_dim3A_2467 = arith.constant 2 : i32
        %broadcast_in_dim3A_2468 = vector.broadcast %broadcast_in_dim3A_2467 : i32 to vector<16xi32>
        %gather3A_2469 = tpu.vector_load_idx %arg12[%iota3A, %broadcast_in_dim3A_2468] : memref<16x17xf32, #tpu.memory_space<vmem>>[vector<16xi32>, vector<16xi32>], vector<16xf32>,
        %broadcast_in_dim3A_2470 = arith.constant 3 : i32
        %broadcast_in_dim3A_2471 = vector.broadcast %broadcast_in_dim3A_2470 : i32 to vector<16xi32>
        %gather3A_2472 = tpu.vector_load_idx %arg12[%iota3A, %broadcast_in_dim3A_2471] : memref<16x17xf32, #tpu.memory_space<vmem>>[vector<16xi32>, vector<16xi32>], vector<16xf32>,
        %broadcast_in_dim3A_2473 = arith.constant 4 : i32
        %broadcast_in_dim3A_2474 = vector.broadcast %broadcast_in_dim3A_2473 : i32 to vector<16xi32>
        %gather3A_2475 = tpu.vector_load_idx %arg12[%iota3A, %broadcast_in_dim3A_2474] : memref<16x17xf32, #tpu.memory_space<vmem>>[vector<16xi32>, vector<16xi32>], vector<16xf32>,
        %broadcast_in_dim3A_2476 = arith.constant 5 : i32
        %broadcast_in_dim3A_2477 = vector.broadcast %broadcast_in_dim3A_2476 : i32 to vector<16xi32>
        %gather3A_2478 = tpu.vector_load_idx %arg12[%iota3A, %broadcast_in_dim3A_2477] : memref<16x17xf32, #tpu.memory_space<vmem>>[vector<16xi32>, vector<16xi32>], vector<16xf32>,
        %broadcast_in_dim3A_2479 = arith.constant 6 : i32
        %broadcast_in_dim3A_2480 = vector.broadcast %broadcast_in_dim3A_2479 : i32 to vector<16xi32>
        %gather3A_2481 = tpu.vector_load_idx %arg12[%iota3A, %broadcast_in_dim3A_2480] : memref<16x17xf32, #tpu.memory_space<vmem>>[vector<16xi32>, vector<16xi32>], vector<16xf32>,
        %broadcast_in_dim3A_2482 = arith.constant 7 : i32
        %broadcast_in_dim3A_2483 = vector.broadcast %broadcast_in_dim3A_2482 : i32 to vector<16xi32>
        %gather3A_2484 = tpu.vector_load_idx %arg12[%iota3A, %broadcast_in_dim3A_2483] : memref<16x17xf32, #tpu.memory_space<vmem>>[vector<16xi32>, vector<16xi32>], vector<16xf32>,
        %broadcast_in_dim3A_2485 = arith.constant 8 : i32
        %broadcast_in_dim3A_2486 = vector.broadcast %broadcast_in_dim3A_2485 : i32 to vector<16xi32>
        %gather3A_2487 = tpu.vector_load_idx %arg12[%iota3A, %broadcast_in_dim3A_2486] : memref<16x17xf32, #tpu.memory_space<vmem>>[vector<16xi32>, vector<16xi32>], vector<16xf32>,
        %broadcast_in_dim3A_2488 = arith.constant 9 : i32
        %broadcast_in_dim3A_2489 = vector.broadcast %broadcast_in_dim3A_2488 : i32 to vector<16xi32>
        %gather3A_2490 = tpu.vector_load_idx %arg12[%iota3A, %broadcast_in_dim3A_2489] : memref<16x17xf32, #tpu.memory_space<vmem>>[vector<16xi32>, vector<16xi32>], vector<16xf32>,
        %broadcast_in_dim3A_2491 = arith.constant 10 : i32
        %broadcast_in_dim3A_2492 = vector.broadcast %broadcast_in_dim3A_2491 : i32 to vector<16xi32>
        %gather3A_2493 = tpu.vector_load_idx %arg12[%iota3A, %broadcast_in_dim3A_2492] : memref<16x17xf32, #tpu.memory_space<vmem>>[vector<16xi32>, vector<16xi32>], vector<16xf32>,
        %broadcast_in_dim3A_2494 = arith.constant 11 : i32
        %broadcast_in_dim3A_2495 = vector.broadcast %broadcast_in_dim3A_2494 : i32 to vector<16xi32>
        %gather3A_2496 = tpu.vector_load_idx %arg12[%iota3A, %broadcast_in_dim3A_2495] : memref<16x17xf32, #tpu.memory_space<vmem>>[vector<16xi32>, vector<16xi32>], vector<16xf32>,
        %broadcast_in_dim3A_2497 = arith.constant 12 : i32
        %broadcast_in_dim3A_2498 = vector.broadcast %broadcast_in_dim3A_2497 : i32 to vector<16xi32>
        %gather3A_2499 = tpu.vector_load_idx %arg12[%iota3A, %broadcast_in_dim3A_2498] : memref<16x17xf32, #tpu.memory_space<vmem>>[vector<16xi32>, vector<16xi32>], vector<16xf32>,
        %broadcast_in_dim3A_2500 = arith.constant 13 : i32
        %broadcast_in_dim3A_2501 = vector.broadcast %broadcast_in_dim3A_2500 : i32 to vector<16xi32>
        %gather3A_2502 = tpu.vector_load_idx %arg12[%iota3A, %broadcast_in_dim3A_2501] : memref<16x17xf32, #tpu.memory_space<vmem>>[vector<16xi32>, vector<16xi32>], vector<16xf32>,
        %broadcast_in_dim3A_2503 = arith.constant 14 : i32
        %broadcast_in_dim3A_2504 = vector.broadcast %broadcast_in_dim3A_2503 : i32 to vector<16xi32>
        %gather3A_2505 = tpu.vector_load_idx %arg12[%iota3A, %broadcast_in_dim3A_2504] : memref<16x17xf32, #tpu.memory_space<vmem>>[vector<16xi32>, vector<16xi32>], vector<16xf32>,
        %broadcast_in_dim3A_2506 = arith.constant 15 : i32
        %broadcast_in_dim3A_2507 = vector.broadcast %broadcast_in_dim3A_2506 : i32 to vector<16xi32>
        %gather3A_2508 = tpu.vector_load_idx %arg12[%iota3A, %broadcast_in_dim3A_2507] : memref<16x17xf32, #tpu.memory_space<vmem>>[vector<16xi32>, vector<16xi32>], vector<16xf32>,
        %add3A_2509 = arith.addf %gather3A, %gather3A_2466 : vector<16xf32>
        %add3A_2510 = arith.addf %gather3A_2469, %gather3A_2472 : vector<16xf32>
        %add3A_2511 = arith.addf %gather3A_2475, %gather3A_2478 : vector<16xf32>
        %add3A_2512 = arith.addf %gather3A_2481, %gather3A_2484 : vector<16xf32>
        %add3A_2513 = arith.addf %gather3A_2487, %gather3A_2490 : vector<16xf32>
        %add3A_2514 = arith.addf %gather3A_2493, %gather3A_2496 : vector<16xf32>
        %add3A_2515 = arith.addf %gather3A_2499, %gather3A_2502 : vector<16xf32>
        %add3A_2516 = arith.addf %gather3A_2505, %gather3A_2508 : vector<16xf32>
        %add3A_2517 = arith.addf %add3A_2509, %add3A_2510 : vector<16xf32>
        %add3A_2518 = arith.addf %add3A_2511, %add3A_2512 : vector<16xf32>
        %add3A_2519 = arith.addf %add3A_2513, %add3A_2514 : vector<16xf32>
        %add3A_2520 = arith.addf %add3A_2515, %add3A_2516 : vector<16xf32>
        %add3A_2521 = arith.addf %add3A_2517, %add3A_2518 : vector<16xf32>
        %add3A_2522 = arith.addf %add3A_2519, %add3A_2520 : vector<16xf32>
        %add3A_2523 = arith.addf %add3A_2521, %add3A_2522 : vector<16xf32>
        %mul3A_2524 = arith.constant 64 : i32
        %mul3A_2525 = arith.muli %add3A_75, %mul3A_2524 : i32
        %mul3A_2526 = arith.constant 16 : i32
        %mul3A_2527 = arith.muli %scan3A_111, %mul3A_2526 : i32
        %add3A_2528 = arith.addi %mul3A_2525, %mul3A_2527 : i32
        %swap3A_2529 = arith.index_cast %add3A_2528 : i32 to index
        %swap3A_2530 = tpu.vector_load %arg11[%swap3A_2529] {strides = array<i32>} : memref<512xf32, #tpu.memory_space<vmem>>, vector<16xf32>,
        tpu.vector_store %arg11[%swap3A_2529], %add3A_2523 {strides = array<i32>} : memref<512xf32, #tpu.memory_space<vmem>>, vector<16xf32>,
        %scan3A_2531 = arith.constant 0 : i32
        scf.yield %scan3A_2531 : i32
      }
      %scan3A_109 = arith.constant 4 : i32
      %scan3A_110 = arith.constant 0 : i32
      scf.yield %scan3A_110 : i32
    }
    %scan3A_34 = arith.constant 4 : i32
    "tpu.region"() ({
      %run_scoped3A = tpu.sem_alloc : memref<!tpu.dma_semaphore, #tpu.memory_space<semaphore_mem>>
      %dma_start3A_35 = tpu.memref_slice %arg6[%mul3A_2] : memref<16384xf32, #tpu.memory_space<hbm>> -> memref<512xf32, #tpu.memory_space<hbm>>
      %dma_start3A_36 = tpu.memref_slice %arg6[%mul3A_2] : memref<16384xf32, #tpu.memory_space<hbm>> -> memref<512xf32, #tpu.memory_space<hbm>>
      tpu.enqueue_dma source(%arg11 : memref<512xf32, #tpu.memory_space<vmem>>) target(%dma_start3A_36 : memref<512xf32, #tpu.memory_space<hbm>>) target_semaphore(%run_scoped3A : memref<!tpu.dma_semaphore, #tpu.memory_space<semaphore_mem>>)
      %dma_wait3A_37 = tpu.memref_slice %arg6[%mul3A_2] : memref<16384xf32, #tpu.memory_space<hbm>> -> memref<512xf32, #tpu.memory_space<hbm>>
      %dma_wait3A_38 = tpu.memref_slice %arg6[%mul3A_2] : memref<16384xf32, #tpu.memory_space<hbm>> -> memref<512xf32, #tpu.memory_space<hbm>>
      tpu.wait_dma2 semaphore(%run_scoped3A : memref<!tpu.dma_semaphore, #tpu.memory_space<semaphore_mem>>) src(%arg11 : memref<512xf32, #tpu.memory_space<vmem>>) dst(%dma_wait3A_38 : memref<512xf32, #tpu.memory_space<hbm>>)
      tpu.yield
    }) : () -> ()
    return
  }
}

</mosaic_0001>

<sc_bundles>
// kernel: kernel.3.cloned.1.call-start
scs
__scs_entry_jumppad:
0x0: {  	(pc) =	sbr.rel $0x88, $3  }
0x1: {  	(tag) =	ssettag $0x0;
	lr =	simm.s32 $0x1  }
0x2: {  	[smem:$0x3F9D] =	sst lr;
	_ =	strace $0xD0000000  }
0x3: {  	_ = 	snop  }
0x4: {  	_ = 	snop  }
0x5: {  	_ = 	snop  }
0x6: {  	_ = 	snop  }
0x7: {  	_ = 	snop  }
__scs_overlays_trampoline_lowered:
0x8: {  	[smem:$0x3FAC] =	sst s0  }
0x9: {  	[smem:$0x3FAD] =	sst s1  }
0xa: {  	[smem:$0x3FAE] =	sst s2  }
0xb: {  	[smem:$0x3FAF] =	sst s3  }
0xc: {  	[smem:$0x3FB0] =	sst s4  }
0xd: {  	[smem:$0x3FB1] =	sst s5  }
0xe: {  	[smem:$0x3FB2] =	sst s6  }
0xf: {  	[smem:$0x3FB3] =	sst s7  }
0x10: {  	[smem:$0x3FB4] =	sst s8  }
0x11: {  	[smem:$0x3FB5] =	sst s9;
	s0 =	simm.s32 @!p0 $0x0  }
0x12: {  	s1 =	sld [smem:$0x3F9B];
	s0 =	simm.s32 @p0 $0x1  }
0x13: {  	[smem:$0x3FB6] =	sst s0;
	s0 =	simm.s32 @!p1 $0x0  }
0x14: {  	s2 =	sld [smem:$0x3F9A];
	s0 =	simm.s32 @p1 $0x1  }
0x15: {  	[smem:$0x3FB7] =	sst s0;
	s0 =	simm.s32 @!p2 $0x0  }
0x16: {  	s3 =	sld [smem:$0x3FDB];
	s0 =	simm.s32 @p2 $0x1  }
0x17: {  	s4 =	simm.s32 $0x1BF5;
	[smem:$0x3FB9] =	sst s0  }
0x18: {  	s0 =	sld [smem:$0x3F9C];
	_ =	swait.ge [sflag:s4], $0x0  }
0x19: {  	s7 =	sld [smem:$0x3F9D]  }
0x1a: {  	s8 =	sadd.s32 $0xFFFFE003, lr  }
0x1b: {  	s9 =	sadd.s32 $0xFFFFFEF7, lr;
	s5 =	simm.s32 $0xFFFFFFFF;
	p2 =	slt.u32 s8, $0xFFFFF086  }
0x1c: {  	p1 =	slt.u32 s9, $0xF7A;
	s5 =	simm.s32 @!p2 $0x0  }
0x1d: {  	s5 =	simm.s32 @p1 $0x1;
	p0 =	seq.s32 s7, s2  }
0x1e: {  	s7 =	smul.u32 @!p0 $0xF7A, s2;
	p2 =	seq.s32 @!p0 s5, $0x0  }
0x1f: {  	s9 =	smul.u32 $0xF7A, s1;
	s8 =	simm.s32 @!p0 $0x1BF5;
	p2 =	por !p2, p0  }
0x20: {  	[sflag:s8] =	ssyncset.s32 @!p0 $0xFFFFF086;
	s6 =	sadd.s32 @!p0 s3, s7;
	s7 =	simm.s32 @!p0 $0x108  }
0x21: {  	s3 =	sadd.s32 s3, s9;
	s6 =	sadd.s32 @!p0 $0x88, s6;
	s7 =	simm.s32 @p2 $0x1082  }
0x22: {  	[simem:s7], [sflag:s8] =	dma.local @!p0 [hbm:s6], $0xF7A  }
0x23: {  	s9 =	sor.u32 $0xD0000000, s2;
	s6 =	simm.s32 $0x108;
	_ =	swait.ge @!p0 [sflag:s8], $0x0  }
0x24: {  	s3 =	sadd.s32 $0x88, s3;
	s6 =	simm.s32 @!p1 $0x1082;
	[sflag:s4] =	ssyncset.s32 $0xFFFFF086  }
0x25: {  	[simem:s6], [sflag:s4] =	dma.local [hbm:s3], $0xF7A  }
0x26: {  	[smem:$0x3F9D] =	sst s1;
	(tag) =	ssettag s2;
	_ =	strace s9  }
0x27: {  	s1 =	sld [smem:$0x3FAD]  }
0x28: {  	s2 =	sld [smem:$0x3FAE]  }
0x29: {  	s4 =	sld [smem:$0x3FB0]  }
0x2a: {  	p0 =	seq.s32 s5, $0x0;
	s5 =	sld [smem:$0x3FB1]  }
0x2b: {  	s6 =	sld [smem:$0x3FB2]  }
0x2c: {  	s7 =	sld [smem:$0x3FB3]  }
0x2d: {  	s3 =	simm.s32 $0x108;
	s8 =	sld [smem:$0x3FB4]  }
0x2e: {  	s3 =	simm.s32 @!p0 $0x1082;
	s9 =	sld [smem:$0x3FB5]  }
0x2f: {  	lr =	sadd.s32 s0, s3;
	s0 =	sld [smem:$0x3FAC]  }
0x30: {  	s3 =	sld [smem:$0x3FAF]  }
0x31: {  	[smem:$0x3FB8] =	sst s10  }
0x32: {  	s10 =	sld [smem:$0x3FB6];
	_ =	sdelay $0x3  }
0x33: {  	p0 =	seq.s32 s10, $0x1;
	s10 =	sld [smem:$0x3FB8];
	_ =	sdelay $0x3  }
0x34: {  	[smem:$0x3FB8] =	sst s10  }
0x35: {  	s10 =	sld [smem:$0x3FB7];
	_ =	sdelay $0x3  }
0x36: {  	p1 =	seq.s32 s10, $0x1;
	s10 =	sld [smem:$0x3FB8];
	_ =	sdelay $0x3  }
0x37: {  	[smem:$0x3FB8] =	sst s10  }
0x38: {  	s10 =	sld [smem:$0x3FB9]  }
0x39: {  	_ = 	snop;
	(pc) =	sbr.ind lr, $3  }
0x3a: {  	_ = 	snop  }
0x3b: {  	_ = 	snop  }
0x3c: {  	p2 =	seq.s32 s10, $0x1;
	s10 =	sld [smem:$0x3FB8]  }
0x3d: {  	_ =	shalt  }
0x3e: {  	_ =	shalt  }
0x3f: {  	_ =	shalt  }
0x40: {  	_ =	shalt  }
0x41: {  	_ =	shalt  }
0x42: {  	_ =	shalt  }
0x43: {  	_ =	shalt  }
0x44: {  	_ =	shalt  }
0x45: {  	_ =	shalt  }
0x46: {  	_ =	shalt  }
0x47: {  	_ =	shalt  }
0x48: {  	_ =	shalt  }
0x49: {  	_ =	shalt  }
0x4a: {  	_ =	shalt  }
0x4b: {  	_ =	shalt  }
0x4c: {  	_ =	shalt  }
0x4d: {  	_ =	shalt  }
0x4e: {  	_ =	shalt  }
0x4f: {  	_ =	shalt  }
0x50: {  	_ =	shalt  }
0x51: {  	_ =	shalt  }
0x52: {  	_ =	shalt  }
0x53: {  	_ =	shalt  }
0x54: {  	_ =	shalt  }
0x55: {  	_ =	shalt  }
0x56: {  	_ =	shalt  }
0x57: {  	_ =	shalt  }
0x58: {  	_ =	shalt  }
0x59: {  	_ =	shalt  }
0x5a: {  	_ =	shalt  }
0x5b: {  	_ =	shalt  }
0x5c: {  	_ =	shalt  }
0x5d: {  	_ =	shalt  }
0x5e: {  	_ =	shalt  }
0x5f: {  	_ =	shalt  }
0x60: {  	_ =	shalt  }
0x61: {  	_ =	shalt  }
0x62: {  	_ =	shalt  }
0x63: {  	_ =	shalt  }
0x64: {  	_ =	shalt  }
0x65: {  	_ =	shalt  }
0x66: {  	_ =	shalt  }
0x67: {  	_ =	shalt  }
0x68: {  	_ =	shalt  }
0x69: {  	_ =	shalt  }
0x6a: {  	_ =	shalt  }
0x6b: {  	_ =	shalt  }
0x6c: {  	_ =	shalt  }
0x6d: {  	_ =	shalt  }
0x6e: {  	_ =	shalt  }
0x6f: {  	_ =	shalt  }
0x70: {  	_ =	shalt  }
0x71: {  	_ =	shalt  }
0x72: {  	_ =	shalt  }
0x73: {  	_ =	shalt  }
0x74: {  	_ =	shalt  }
0x75: {  	_ =	shalt  }
0x76: {  	_ =	shalt  }
0x77: {  	_ =	shalt  }
0x78: {  	_ =	shalt  }
0x79: {  	_ =	shalt  }
0x7a: {  	_ =	shalt  }
0x7b: {  	_ =	shalt  }
0x7c: {  	_ =	shalt  }
0x7d: {  	_ =	shalt  }
0x7e: {  	_ =	shalt  }
0x7f: {  	_ =	shalt  }
0x80: {  	_ =	shalt  }
0x81: {  	_ =	shalt  }
0x82: {  	_ =	shalt  }
0x83: {  	_ =	shalt  }
0x84: {  	_ =	shalt  }
0x85: {  	_ =	shalt  }
0x86: {  	_ =	shalt  }
0x87: {  	_ =	shalt  }
.Lfunc_end0:
.L_simem_size_0:
called_computation_lowered:
.L_overlay_start_0:
0x88: {  	s2 =	sld [smem:$0x3FD9]  }
0x89: {  	s3 =	sld [smem:$0x3FFE];
	_ =	sdelay $0x1  }
0x8a: {  	s1 =	srdreg.scid  }
0x8b: {  	s0 =	sand.u32 $0x1, s1  }
0x8c: {  	s18 =	sshll.u32 s0, $0xA;
	s2 =	sadd.s32 s3, s2  }
0x8d: {  	s2 =	sadd.s32 s2, s18  }
0x8e: {  	[smem:$0x3FC4] =	sst s2  }
0x8f: {  	_ = 	snop  }
0x90: {  	s2 =	sld [smem:$0x3FC9]  }
0x91: {  	s19 =	sld [smem:$0x3FC8]  }
0x92: {  	s4 =	sld [smem:$0x3FC7]  }
0x93: {  	s5 =	sld [smem:$0x3FC6]  }
0x94: {  	s6 =	sld [smem:$0x3FD0];
	(tm) =	ssettm $0x1  }
0x95: {  	s7 =	sld [smem:$0x3FFB];
	_ =	sdelay $0x3  }
0x96: {  	_ =	strace s7  }
0x97: {  	s7 =	sld [smem:$0x3FFC];
	_ =	sdelay $0x3  }
0x98: {  	_ =	strace s7  }
0x99: {  	s7 =	sld [smem:$0x3FFD];
	_ =	sdelay $0x3  }
0x9a: {  	_ =	strace s7  }
0x9b: {  	_ =	strace $0x8FFFFFFF  }
0x9c: {  	s20 =	sld [smem:$0x3FDB];
	_ =	sdelay $0x1  }
0x9d: {  	s8 =	simm.s32 $_scs_section_size  }
0x9e: {  	s9 =	simm.s32 $_size__tile_overlayer_lowered;
	s10 =	simm.s32 $_tile_overlayer_lowered  }
0x9f: {  	s23 =	simm.s32 $0x1BFF;
	s22 =	sshll.u32 s10, $0x1;
	s7 =	sadd.s32 s8, s20  }
0xa0: {  	s11 =	simm.s32 $0x0;
	s21 =	sshll.u32 s9, $0x1;
	s9 =	sadd.s32 s22, s7  }
0xa1: {  	[timem:s11], [sflag:s23] =	dma.local [hbm:s9], s21  }
0xa2: {  	_ =	swait.ge [sflag:s23], s21  }
0xa3: {  	s8 =	ssub.s32 $0x0, s21;
	[sflag:s23] =	ssyncset.done $0x0  }
0xa4: {  	[sflag:s23] =	ssyncadd.s32 s8;
	_ =	sdelay $0x1  }
0xa5: {  	s24 =	simm.s32 $0x1B8B  }
0xa6: {  	_ =	swait.ge [sflag:s24], $0x1  }
0xa7: {  	[sflag:s24] =	ssyncset.done $0x0  }
0xa8: {  	s25 =	simm.s32 $0x1B8E;
	[sflag:s24] =	ssyncadd.s32 $0xFFFFFFFF  }
0xa9: {  	s26 =	simm.s32 $execute0_lowered;
	[smem:$0x3FD2] =	sst s25  }
0xaa: {  	s8 =	sshll.u32 s26, $0x1;
	_ =	strace $0x80000046;
	[dreg:$0x1] =	wrdreg $0xFFFFFFFF  }
0xab: {  	s28 =	simm.s32 $_size_execute0_lowered;
	s7 =	sadd.s32 s7, s8;
	[dreg:$0x0] =	wrdreg $0x0  }
0xac: {  	s8 =	sshll.u32 s28, $0x1;
	[dreg:$0x2] =	wrdreg s7  }
0xad: {  	[dreg:$0x3] =	wrdreg s8  }
0xae: {  	[dreg:$0x4] =	wrdreg $0xC0  }
0xaf: {  	_ =	task [dreg:s11], $0x5FFFF  }
0xb0: {  	[dreg:$0x1] =	wrdreg $0xFFFFFFFF  }
0xb1: {  	[dreg:$0x0] =	wrdreg $0x60  }
0xb2: {  	[dreg:$0x2] =	wrdreg s2  }
0xb3: {  	[dreg:$0x3] =	wrdreg s19  }
0xb4: {  	[dreg:$0x4] =	wrdreg s4  }
0xb5: {  	[dreg:$0x5] =	wrdreg s5  }
0xb6: {  	[dreg:$0x6] =	wrdreg s6  }
0xb7: {  	[dreg:$0x7] =	wrdreg $0x9  }
0xb8: {  	_ =	task.clear_ibuf [dreg:s11], $0x8FFFF;
	_ =	strace $0x90000046  }
0xb9: {  	s29 =	simm.s32 $0x9;
	_ =	strace $0x80000048  }
0xba: {  	_ =	swait.ge [sflag:s29], $0x1  }
0xbb: {  	[sflag:s29] =	ssyncadd.s32 $0xFFFFFFFF  }
0xbc: {  	_ =	strace $0x90000048  }
0xbd: {  	_ =	sfence  }
0xbe: {  	s30 =	sld [smem:$0x0];
	_ =	sdelay $0x2  }
0xbf: {  	s31 =	sshll.u32 s1, $0xD;
	s1 =	sshrl.u32 s1, $0x2  }
0xc0: {  	s3 =	sand.u32 $0x4000, s31;
	s1 =	sadd.s32 s1, s30  }
0xc1: {  	s0 =	sor.u32 s3, s0;
	s1 =	sshll.u32 s1, $0x11  }
0xc2: {  	s0 =	sor.u32 s1, s0  }
0xc3: {  	s0 =	sadd.s32 $0x8F2B, s0  }
0xc4: {  	[sflag:s0] =	ssyncadd.remote.s32 $0x1  }
0xc5: {  	_ =	sfence.sel $0xFFFF  }
0xc6: {  	[dreg:$0x0] =	wrdreg $0xFFFFFFFF;
	(pc) =	sbr.abs _section_cstart, $3  }
0xc7: {  	[dreg:$0x1] =	wrdreg $0xFFFFFFFF  }
0xc8: {  	_ =	task.clear_ibuf [dreg:s11], $0x2FFFF;
	_ =	strace $0x9FFFFFFF  }
0xc9: {  	(tm) =	ssettm $0x7FFFFFFF  }
tec
execute0_lowered:
.L_overlay_start_1:
0x0: {  	(tag) =	ssettag $0x1  }
0x1: {  	s5 =	rddreg [dreg:$0x0]  }
0x2: {  	s6 =	rddreg [dreg:$0x1]  }
0x3: {  	s1 =	rddreg [dreg:$0x2]  }
0x4: {  	s2 =	rddreg [dreg:$0x3]  }
0x5: {  	s7 =	rddreg [dreg:$0x4]  }
0x6: {  	s0 =	rddreg [dreg:$0x5];
	s8 =	srdreg.scid  }
0x7: {  	s4 =	simm.s32 $0x0;
	s3 =	stileid.u32;
	s12 =	simm.s32 $0x400  }
0x8: {  	v0 =	vlaneseq.u32;
	s13 =	simm.s32 $0x2;
	s14 =	simm.s32 $0x4400;
	s15 =	simm.s32 $0x2400  }
0x9: {  	s16 =	simm.s32 $0x6400;
	s17 =	simm.s32 $0x8600;
	s18 =	simm.s32 $0x8400;
	v31 =	vmul.u32 $0x80, v0  }
0xa: {  	s19 =	simm.s32 $0x3;
	s20 =	simm.s32 $0x0;
	s8 =	sand.u32 $0x1, s8  }
0xb: {  	s10 =	sshll.u32 s3, $0x7;
	[smem:$0x7FF] =	sst s4;
	s9 =	ssub.s32 $0x2, s8;
	v32 =	vor.u32 $0x1, v31;
	v33 =	vor.u32 $0x2, v31;
	v34 =	vor.u32 $0x3, v31  }
0xc: {  	s8 =	sshll.u32 s8, $0x6;
	_ =	strace $0x80000047;
	s11 =	sshrl.u32 s9, $0x1;
	v35 =	vor.u32 $0x4, v31;
	v36 =	vor.u32 $0x5, v31;
	v37 =	vor.u32 $0x6, v31  }
0xd: {  	s8 =	sor.u32 s8, s10;
	s10 =	simm.s32 $0x1;
	v38 =	vor.u32 $0x7, v31;
	v39 =	vor.u32 $0x8, v31;
	v40 =	vor.u32 $0x9, v31;
	s9 =	ssub.s32 s9, s11  }
0xe: {  	v41 =	vor.u32 $0xA, v31;
	v42 =	vor.u32 $0xB, v31;
	v43 =	vor.u32 $0xC, v31;
	s5 =	sadd.s32 s5, s8;
	s6 =	sadd.s32 s6, s8;
	s7 =	sadd.s32 s7, s8  }
0xf: {  	v44 =	vor.u32 $0xD, v31;
	v45 =	vor.u32 $0xE, v31;
	v46 =	vor.u32 $0xF, v31;
	[tilespmem:$0x1FFF0] =	vst v31;
	s11 =	simm.s32 $0x40;
	s8 =	smax.u32 s9, $0x1;
	s9 =	simm.s32 $0x200  }
.LBB2_1:
0x10: {  	[tilespmem:s4], [sflag:$0x1] =	stream.linear.gather [hbm4b:s5+s4], $0x200, $0x38;
	[tilespmem:$0x8E00] =	vst v63  }
0x11: {  	_ = 	snop  }
0x12: {  	[tilespmem:s9], [sflag:$0x2] =	stream.linear.gather [hbm4b:s6+s4], $0x200, $0x38;
	[tilespmem:$0x8E00] =	vst v63  }
0x13: {  	_ =	swait.ge [sflag:s10], $0x200  }
0x14: {  	[sflag:s10] =	ssyncset.done $0x0  }
0x15: {  	[sflag:s10] =	ssyncadd.s32 $0xFFFFFE00  }
0x16: {  	[tilespmem:s12], [sflag:$0x1] =	stream.indirect.gather [hbm4b:s1+s11], $0x80, s4, s11, $0xb8;
	[tilespmem:$0x8E00] =	vst v63  }
0x17: {  	_ =	swait.ge [sflag:s13], $0x200  }
0x18: {  	[sflag:s13] =	ssyncset.done $0x0  }
0x19: {  	s21 =	simm.s32 $0x0;
	[sflag:s13] =	ssyncadd.s32 $0xFFFFFE00  }
0x1a: {  	[tilespmem:s14], [sflag:$0x1] =	stream.indirect.gather [hbm4b:s2+s11], $0x80, s9, s11, $0xb8;
	[tilespmem:$0x8E00] =	vst v63  }
.LBB2_2:
0x1b: {  	s22 =	sshllo.u32 s21, $0x1  }
0x1c: {  	s22 =	sshll.u32 s22, $0x6  }
0x1d: {  	[tilespmem:s15], [sflag:$0x2] =	stream.indirect.gather [hbm4b:s1+s11], $0x80, s22, s11, $0xb8;
	[tilespmem:$0x8E00] =	vst v63  }
0x1e: {  	s23 =	sadd.s32 $0x200, s22  }
0x1f: {  	[tilespmem:s16], [sflag:$0x2] =	stream.indirect.gather [hbm4b:s2+s11], $0x80, s23, s11, $0xb8;
	[tilespmem:$0x8E00] =	vst v63  }
0x20: {  	_ =	swait.ge [sflag:s10], $0x2000  }
0x21: {  	s31 =	sshll.u32 s21, $0x7;
	[sflag:s10] =	ssyncset.done $0x0  }
0x22: {  	s23 =	sand.u32 $0x3FFFFF80, s31;
	[sflag:s10] =	ssyncadd.s32 $0xFFFFE000  }
0x23: {  	s24 =	sadd.s32 $0x8400, s23;
	_ =	swait.ge [sflag:s10], $0x2000  }
0x24: {  	v0 =	vmov s24;
	[sflag:s10] =	ssyncset.done $0x0  }
0x25: {  	s23 =	simm.s32 $0x0;
	[tilespmem:$0x1FFE0] =	vst v0;
	[sflag:s10] =	ssyncadd.s32 $0xFFFFE000  }
.LBB2_3:
0x26: {  	s24 =	sshll.u32 s23, $0xB  }
0x27: {  	v17 =	vld [tilespmem:s24+$0x400]  }
0x28: {  	v18 =	vld [tilespmem:s24+$0x4400]  }
0x29: {  	v19 =	vld [tilespmem:s24+$0x480]  }
0x2a: {  	v20 =	vld [tilespmem:s24+$0x4480]  }
0x2b: {  	v21 =	vld [tilespmem:s24+$0x500]  }
0x2c: {  	v22 =	vld [tilespmem:s24+$0x4500]  }
0x2d: {  	v23 =	vld [tilespmem:s24+$0x580]  }
0x2e: {  	v24 =	vld [tilespmem:s24+$0x4580]  }
0x2f: {  	v25 =	vld [tilespmem:s24+$0x410]  }
0x30: {  	v26 =	vld [tilespmem:s24+$0x4410]  }
0x31: {  	v27 =	vld [tilespmem:s24+$0x490]  }
0x32: {  	v28 =	vld [tilespmem:s24+$0x4490]  }
0x33: {  	v29 =	vld [tilespmem:s24+$0x510]  }
0x34: {  	v30 =	vld [tilespmem:s24+$0x4510]  }
0x35: {  	v31 =	vld [tilespmem:s24+$0x590]  }
0x36: {  	v3 =	vmov v32;
	v32 =	vld [tilespmem:s24+$0x4590]  }
0x37: {  	v4 =	vmov v33;
	v33 =	vld [tilespmem:s24+$0x420]  }
0x38: {  	v5 =	vmov v34;
	v34 =	vld [tilespmem:s24+$0x4420]  }
0x39: {  	v6 =	vmov v35;
	v35 =	vld [tilespmem:s24+$0x4A0]  }
0x3a: {  	v7 =	vmov v36;
	v36 =	vld [tilespmem:s24+$0x44A0]  }
0x3b: {  	v8 =	vmov v37;
	v37 =	vld [tilespmem:s24+$0x520]  }
0x3c: {  	v9 =	vmov v38;
	v38 =	vld [tilespmem:s24+$0x4520]  }
0x3d: {  	v10 =	vmov v39;
	v39 =	vld [tilespmem:s24+$0x5A0]  }
0x3e: {  	v11 =	vmov v40;
	v40 =	vld [tilespmem:s24+$0x45A0]  }
0x3f: {  	v12 =	vmov v41;
	v41 =	vld [tilespmem:s24+$0x430]  }
0x40: {  	v13 =	vmov v42;
	v42 =	vld [tilespmem:s24+$0x4430]  }
0x41: {  	v14 =	vmov v43;
	v43 =	vld [tilespmem:s24+$0x4B0]  }
0x42: {  	v15 =	vmov v44;
	v44 =	vld [tilespmem:s24+$0x44B0]  }
0x43: {  	v16 =	vmov v45;
	v45 =	vld [tilespmem:s24+$0x530]  }
0x44: {  	v2 =	vmov v46;
	v46 =	vld [tilespmem:s24+$0x4530]  }
0x45: {  	v47 =	vld [tilespmem:s24+$0x5B0]  }
0x46: {  	v48 =	vld [tilespmem:s24+$0x45B0]  }
0x47: {  	v49 =	vld [tilespmem:s24+$0x440]  }
0x48: {  	v50 =	vld [tilespmem:s24+$0x4440]  }
0x49: {  	v51 =	vld [tilespmem:s24+$0x4C0]  }
0x4a: {  	v52 =	vld [tilespmem:s24+$0x44C0]  }
0x4b: {  	v53 =	vld [tilespmem:s24+$0x540]  }
0x4c: {  	v54 =	vld [tilespmem:s24+$0x4540]  }
0x4d: {  	v55 =	vld [tilespmem:s24+$0x5C0]  }
0x4e: {  	v56 =	vld [tilespmem:s24+$0x45C0]  }
0x4f: {  	v57 =	vld [tilespmem:s24+$0x450]  }
0x50: {  	v58 =	vld [tilespmem:s24+$0x4450]  }
0x51: {  	v59 =	vld [tilespmem:s24+$0x4D0]  }
0x52: {  	v60 =	vld [tilespmem:s24+$0x44D0]  }
0x53: {  	v61 =	vld [tilespmem:s24+$0x550]  }
0x54: {  	v62 =	vld [tilespmem:s24+$0x4550]  }
0x55: {  	v63 =	vld [tilespmem:s24+$0x5D0]  }
0x56: {  	v0 =	vld [tilespmem:s24+$0x45D0]  }
0x57: {  	v1 =	vld [tilespmem:s24+$0x460];
	v17 =	vmul.f32 v18, v17;
	v18 =	vmul.f32 v20, v19  }
0x58: {  	v19 =	vld [tilespmem:s24+$0x4460];
	v20 =	vmul.f32 v22, v21;
	v21 =	vmul.f32 v24, v23  }
0x59: {  	v22 =	vld [tilespmem:s24+$0x4E0];
	v23 =	vmul.f32 v26, v25;
	v24 =	vmul.f32 v28, v27  }
0x5a: {  	v25 =	vld [tilespmem:s24+$0x44E0];
	v26 =	vmul.f32 v30, v29;
	v27 =	vmul.f32 v32, v31  }
0x5b: {  	v28 =	vld [tilespmem:s24+$0x560];
	v29 =	vmul.f32 v34, v33;
	v36 =	vmul.f32 v36, v35  }
0x5c: {  	v31 =	vld [tilespmem:s24+$0x4560];
	v38 =	vmul.f32 v38, v37;
	v40 =	vmul.f32 v40, v39  }
0x5d: {  	v34 =	vld [tilespmem:s24+$0x5E0];
	v42 =	vmul.f32 v42, v41;
	v43 =	vmul.f32 v44, v43  }
0x5e: {  	v30 =	vld [tilespmem:s24+$0x45E0];
	v46 =	vmul.f32 v46, v45;
	v47 =	vmul.f32 v48, v47  }
0x5f: {  	v44 =	vld [tilespmem:s24+$0x470];
	v50 =	vmul.f32 v50, v49;
	v51 =	vmul.f32 v52, v51  }
0x60: {  	v48 =	vld [tilespmem:s24+$0x4470];
	v53 =	vmul.f32 v54, v53;
	v17 =	vadd.f32 v29, v17;
	v18 =	vadd.f32 v36, v18  }
0x61: {  	v52 =	vld [tilespmem:s24+$0x4F0];
	v55 =	vmul.f32 v56, v55;
	v20 =	vadd.f32 v38, v20;
	v21 =	vadd.f32 v40, v21  }
0x62: {  	v54 =	vld [tilespmem:s24+$0x44F0];
	v58 =	vmul.f32 v58, v57;
	v23 =	vadd.f32 v42, v23;
	v24 =	vadd.f32 v43, v24  }
0x63: {  	v56 =	vld [tilespmem:s24+$0x570];
	v59 =	vmul.f32 v60, v59;
	v26 =	vadd.f32 v46, v26;
	v27 =	vadd.f32 v47, v27  }
0x64: {  	v60 =	vld [tilespmem:s24+$0x4570];
	v61 =	vmul.f32 v62, v61;
	v17 =	vadd.f32 v50, v17;
	v18 =	vadd.f32 v51, v18  }
0x65: {  	v0 =	vmul.f32 v0, v63;
	v62 =	vld [tilespmem:s24+$0x5F0];
	v20 =	vadd.f32 v53, v20;
	v21 =	vadd.f32 v55, v21  }
0x66: {  	v23 =	vadd.f32 v58, v23;
	v24 =	vadd.f32 v59, v24;
	v1 =	vmul.f32 v19, v1;
	v19 =	vld [tilespmem:s24+$0x45F0]  }
0x67: {  	v26 =	vadd.f32 v61, v26;
	v0 =	vadd.f32 v0, v27;
	v22 =	vmul.f32 v25, v22  }
0x68: {  	v63 =	vmul.f32 v48, v44;
	v32 =	vmul.f32 v54, v52;
	v1 =	vadd.f32 v1, v17  }
0x69: {  	v17 =	vmul.f32 v31, v28;
	v18 =	vadd.f32 v22, v18;
	v31 =	vmul.f32 v30, v34  }
0x6a: {  	v33 =	vadd.f32 v63, v23;
	v34 =	vmul.f32 v60, v56;
	v35 =	vadd.f32 v32, v24  }
0x6b: {  	v17 =	vadd.f32 v17, v20;
	v21 =	vadd.f32 v31, v21;
	v19 =	vmul.f32 v19, v62  }
0x6c: {  	v23 =	vadd.f32 v34, v26;
	v1 =	vadd.f32 v33, v1  }
0x6d: {  	v18 =	vadd.f32 v35, v18;
	v0 =	vadd.f32 v19, v0  }
0x6e: {  	[tilespmem:$0x8600] =	vst v1;
	v1 =	vadd.f32 v23, v17  }
0x6f: {  	[tilespmem:$0x8680] =	vst v18;
	v0 =	vadd.f32 v0, v21  }
0x70: {  	[tilespmem:$0x8700] =	vst v1  }
0x71: {  	[tilespmem:$0x8780] =	vst v0  }
0x72: {  	v0 =	vld [tilespmem:s24+$0x600]  }
0x73: {  	v1 =	vld [tilespmem:s24+$0x4600]  }
0x74: {  	v17 =	vld [tilespmem:s24+$0x680]  }
0x75: {  	v18 =	vld [tilespmem:s24+$0x4680]  }
0x76: {  	v19 =	vld [tilespmem:s24+$0x700]  }
0x77: {  	v20 =	vld [tilespmem:s24+$0x4700]  }
0x78: {  	v21 =	vld [tilespmem:s24+$0x780]  }
0x79: {  	v22 =	vld [tilespmem:s24+$0x4780]  }
0x7a: {  	v23 =	vld [tilespmem:s24+$0x610]  }
0x7b: {  	v24 =	vld [tilespmem:s24+$0x4610]  }
0x7c: {  	v25 =	vld [tilespmem:s24+$0x690]  }
0x7d: {  	v26 =	vld [tilespmem:s24+$0x4690]  }
0x7e: {  	v27 =	vld [tilespmem:s24+$0x710]  }
0x7f: {  	v28 =	vld [tilespmem:s24+$0x4710]  }
0x80: {  	v29 =	vld [tilespmem:s24+$0x790]  }
0x81: {  	v30 =	vld [tilespmem:s24+$0x4790]  }
0x82: {  	v31 =	vld [tilespmem:s24+$0x620]  }
0x83: {  	v32 =	vld [tilespmem:s24+$0x4620]  }
0x84: {  	v33 =	vld [tilespmem:s24+$0x6A0]  }
0x85: {  	v34 =	vld [tilespmem:s24+$0x46A0]  }
0x86: {  	v35 =	vld [tilespmem:s24+$0x720]  }
0x87: {  	v36 =	vld [tilespmem:s24+$0x4720]  }
0x88: {  	v37 =	vld [tilespmem:s24+$0x7A0]  }
0x89: {  	v38 =	vld [tilespmem:s24+$0x47A0]  }
0x8a: {  	v39 =	vld [tilespmem:s24+$0x630]  }
0x8b: {  	v40 =	vld [tilespmem:s24+$0x4630]  }
0x8c: {  	v41 =	vld [tilespmem:s24+$0x6B0]  }
0x8d: {  	v42 =	vld [tilespmem:s24+$0x46B0]  }
0x8e: {  	v43 =	vld [tilespmem:s24+$0x730]  }
0x8f: {  	v44 =	vld [tilespmem:s24+$0x4730]  }
0x90: {  	v45 =	vld [tilespmem:s24+$0x7B0]  }
0x91: {  	v46 =	vld [tilespmem:s24+$0x47B0]  }
0x92: {  	v47 =	vld [tilespmem:s24+$0x640]  }
0x93: {  	v48 =	vld [tilespmem:s24+$0x4640]  }
0x94: {  	v49 =	vld [tilespmem:s24+$0x6C0]  }
0x95: {  	v50 =	vld [tilespmem:s24+$0x46C0]  }
0x96: {  	v51 =	vld [tilespmem:s24+$0x740]  }
0x97: {  	v52 =	vld [tilespmem:s24+$0x4740]  }
0x98: {  	v53 =	vld [tilespmem:s24+$0x7C0]  }
0x99: {  	v54 =	vld [tilespmem:s24+$0x47C0]  }
0x9a: {  	v55 =	vld [tilespmem:s24+$0x650]  }
0x9b: {  	v56 =	vld [tilespmem:s24+$0x4650]  }
0x9c: {  	v57 =	vld [tilespmem:s24+$0x6D0]  }
0x9d: {  	v58 =	vld [tilespmem:s24+$0x46D0]  }
0x9e: {  	v59 =	vld [tilespmem:s24+$0x750]  }
0x9f: {  	v60 =	vld [tilespmem:s24+$0x4750]  }
0xa0: {  	v61 =	vld [tilespmem:s24+$0x7D0]  }
0xa1: {  	v62 =	vld [tilespmem:s24+$0x47D0]  }
0xa2: {  	v63 =	vld [tilespmem:s24+$0x660];
	v0 =	vmul.f32 v1, v0;
	v1 =	vmul.f32 v18, v17  }
0xa3: {  	v17 =	vld [tilespmem:s24+$0x4660];
	v18 =	vmul.f32 v20, v19;
	v19 =	vmul.f32 v22, v21  }
0xa4: {  	v20 =	vld [tilespmem:s24+$0x6E0];
	v21 =	vmul.f32 v24, v23;
	v22 =	vmul.f32 v26, v25  }
0xa5: {  	v23 =	vld [tilespmem:s24+$0x46E0];
	v24 =	vmul.f32 v28, v27;
	v25 =	vmul.f32 v30, v29  }
0xa6: {  	v26 =	vld [tilespmem:s24+$0x760];
	v27 =	vmul.f32 v32, v31;
	v28 =	vmul.f32 v34, v33  }
0xa7: {  	v29 =	vld [tilespmem:s24+$0x4760];
	v36 =	vmul.f32 v36, v35;
	v38 =	vmul.f32 v38, v37  }
0xa8: {  	v32 =	vld [tilespmem:s24+$0x7E0];
	v40 =	vmul.f32 v40, v39;
	v42 =	vmul.f32 v42, v41  }
0xa9: {  	v31 =	vld [tilespmem:s24+$0x670];
	v44 =	vmul.f32 v44, v43;
	v45 =	vmul.f32 v46, v45  }
0xaa: {  	v46 =	vld [tilespmem:s24+$0x4670];
	v48 =	vmul.f32 v48, v47;
	v49 =	vmul.f32 v50, v49  }
0xab: {  	v50 =	vld [tilespmem:s24+$0x6F0];
	v51 =	vmul.f32 v52, v51;
	v0 =	vadd.f32 v27, v0;
	v1 =	vadd.f32 v28, v1  }
0xac: {  	v52 =	vld [tilespmem:s24+$0x46F0];
	v53 =	vmul.f32 v54, v53;
	v18 =	vadd.f32 v36, v18;
	v19 =	vadd.f32 v38, v19  }
0xad: {  	v54 =	vld [tilespmem:s24+$0x770];
	v56 =	vmul.f32 v56, v55;
	v21 =	vadd.f32 v40, v21;
	v22 =	vadd.f32 v42, v22  }
0xae: {  	v57 =	vmul.f32 v58, v57;
	v58 =	vld [tilespmem:s24+$0x4770];
	v24 =	vadd.f32 v44, v24;
	v25 =	vadd.f32 v45, v25  }
0xaf: {  	v60 =	vmul.f32 v60, v59;
	v28 =	vld [tilespmem:s24+$0x47E0];
	v0 =	vadd.f32 v48, v0;
	v1 =	vadd.f32 v49, v1  }
0xb0: {  	v61 =	vmul.f32 v62, v61;
	v62 =	vld [tilespmem:s24+$0x7F0];
	v18 =	vadd.f32 v51, v18;
	v19 =	vadd.f32 v53, v19  }
0xb1: {  	v21 =	vadd.f32 v56, v21;
	v22 =	vadd.f32 v57, v22;
	v17 =	vmul.f32 v17, v63;
	v63 =	vld [tilespmem:s24+$0x47F0]  }
0xb2: {  	v24 =	vadd.f32 v60, v24;
	v25 =	vadd.f32 v61, v25;
	v20 =	vmul.f32 v23, v20  }
0xb3: {  	v30 =	vmul.f32 v46, v31;
	v0 =	vadd.f32 v17, v0;
	v17 =	vmul.f32 v29, v26  }
0xb4: {  	v1 =	vadd.f32 v20, v1;
	v31 =	vmul.f32 v28, v32;
	v32 =	vmul.f32 v52, v50  }
0xb5: {  	v33 =	vmul.f32 v58, v54;
	v17 =	vadd.f32 v17, v18;
	v18 =	vadd.f32 v30, v21  }
0xb6: {  	v19 =	vadd.f32 v31, v19;
	v34 =	vadd.f32 v32, v22;
	v35 =	vmul.f32 v63, v62  }
0xb7: {  	v21 =	vadd.f32 v33, v24;
	v0 =	vadd.f32 v18, v0  }
0xb8: {  	v1 =	vadd.f32 v34, v1;
	v18 =	vadd.f32 v35, v25  }
0xb9: {  	[tilespmem:$0x8800] =	vst v0;
	v0 =	vadd.f32 v21, v17  }
0xba: {  	[tilespmem:$0x8880] =	vst v1;
	v1 =	vadd.f32 v18, v19  }
0xbb: {  	[tilespmem:$0x8900] =	vst v0  }
0xbc: {  	[tilespmem:$0x8980] =	vst v1  }
0xbd: {  	v0 =	vld [tilespmem:s24+$0x800]  }
0xbe: {  	v1 =	vld [tilespmem:s24+$0x4800]  }
0xbf: {  	v17 =	vld [tilespmem:s24+$0x880]  }
0xc0: {  	v18 =	vld [tilespmem:s24+$0x4880]  }
0xc1: {  	v19 =	vld [tilespmem:s24+$0x900]  }
0xc2: {  	v20 =	vld [tilespmem:s24+$0x4900]  }
0xc3: {  	v21 =	vld [tilespmem:s24+$0x980]  }
0xc4: {  	v22 =	vld [tilespmem:s24+$0x4980]  }
0xc5: {  	v23 =	vld [tilespmem:s24+$0x810]  }
0xc6: {  	v24 =	vld [tilespmem:s24+$0x4810]  }
0xc7: {  	v25 =	vld [tilespmem:s24+$0x890]  }
0xc8: {  	v26 =	vld [tilespmem:s24+$0x4890]  }
0xc9: {  	v27 =	vld [tilespmem:s24+$0x910]  }
0xca: {  	v28 =	vld [tilespmem:s24+$0x4910]  }
0xcb: {  	v29 =	vld [tilespmem:s24+$0x990]  }
0xcc: {  	v30 =	vld [tilespmem:s24+$0x4990]  }
0xcd: {  	v31 =	vld [tilespmem:s24+$0x820]  }
0xce: {  	v32 =	vld [tilespmem:s24+$0x4820]  }
0xcf: {  	v33 =	vld [tilespmem:s24+$0x8A0]  }
0xd0: {  	v34 =	vld [tilespmem:s24+$0x48A0]  }
0xd1: {  	v35 =	vld [tilespmem:s24+$0x920]  }
0xd2: {  	v36 =	vld [tilespmem:s24+$0x4920]  }
0xd3: {  	v37 =	vld [tilespmem:s24+$0x9A0]  }
0xd4: {  	v38 =	vld [tilespmem:s24+$0x49A0]  }
0xd5: {  	v39 =	vld [tilespmem:s24+$0x830]  }
0xd6: {  	v40 =	vld [tilespmem:s24+$0x4830]  }
0xd7: {  	v41 =	vld [tilespmem:s24+$0x8B0]  }
0xd8: {  	v42 =	vld [tilespmem:s24+$0x48B0]  }
0xd9: {  	v43 =	vld [tilespmem:s24+$0x930]  }
0xda: {  	v44 =	vld [tilespmem:s24+$0x4930]  }
0xdb: {  	v45 =	vld [tilespmem:s24+$0x9B0]  }
0xdc: {  	v46 =	vld [tilespmem:s24+$0x49B0]  }
0xdd: {  	v47 =	vld [tilespmem:s24+$0x840]  }
0xde: {  	v48 =	vld [tilespmem:s24+$0x4840]  }
0xdf: {  	v49 =	vld [tilespmem:s24+$0x8C0]  }
0xe0: {  	v50 =	vld [tilespmem:s24+$0x48C0]  }
0xe1: {  	v51 =	vld [tilespmem:s24+$0x940]  }
0xe2: {  	v52 =	vld [tilespmem:s24+$0x4940]  }
0xe3: {  	v53 =	vld [tilespmem:s24+$0x9C0]  }
0xe4: {  	v54 =	vld [tilespmem:s24+$0x49C0]  }
0xe5: {  	v55 =	vld [tilespmem:s24+$0x850]  }
0xe6: {  	v56 =	vld [tilespmem:s24+$0x4850]  }
0xe7: {  	v57 =	vld [tilespmem:s24+$0x8D0]  }
0xe8: {  	v58 =	vld [tilespmem:s24+$0x48D0]  }
0xe9: {  	v59 =	vld [tilespmem:s24+$0x950]  }
0xea: {  	v60 =	vld [tilespmem:s24+$0x4950]  }
0xeb: {  	v61 =	vld [tilespmem:s24+$0x9D0]  }
0xec: {  	v62 =	vld [tilespmem:s24+$0x49D0]  }
0xed: {  	v63 =	vld [tilespmem:s24+$0x860];
	v0 =	vmul.f32 v1, v0;
	v1 =	vmul.f32 v18, v17  }
0xee: {  	v17 =	vld [tilespmem:s24+$0x4860];
	v18 =	vmul.f32 v20, v19;
	v19 =	vmul.f32 v22, v21  }
0xef: {  	v20 =	vld [tilespmem:s24+$0x8E0];
	v21 =	vmul.f32 v24, v23;
	v22 =	vmul.f32 v26, v25  }
0xf0: {  	v23 =	vld [tilespmem:s24+$0x48E0];
	v24 =	vmul.f32 v28, v27;
	v25 =	vmul.f32 v30, v29  }
0xf1: {  	v26 =	vld [tilespmem:s24+$0x960];
	v27 =	vmul.f32 v32, v31;
	v28 =	vmul.f32 v34, v33  }
0xf2: {  	v29 =	vld [tilespmem:s24+$0x4960];
	v36 =	vmul.f32 v36, v35;
	v38 =	vmul.f32 v38, v37  }
0xf3: {  	v32 =	vld [tilespmem:s24+$0x9E0];
	v40 =	vmul.f32 v40, v39;
	v42 =	vmul.f32 v42, v41  }
0xf4: {  	v31 =	vld [tilespmem:s24+$0x870];
	v44 =	vmul.f32 v44, v43;
	v45 =	vmul.f32 v46, v45  }
0xf5: {  	v46 =	vld [tilespmem:s24+$0x4870];
	v48 =	vmul.f32 v48, v47;
	v49 =	vmul.f32 v50, v49  }
0xf6: {  	v50 =	vld [tilespmem:s24+$0x8F0];
	v51 =	vmul.f32 v52, v51;
	v0 =	vadd.f32 v27, v0;
	v1 =	vadd.f32 v28, v1  }
0xf7: {  	v52 =	vld [tilespmem:s24+$0x48F0];
	v53 =	vmul.f32 v54, v53;
	v18 =	vadd.f32 v36, v18;
	v19 =	vadd.f32 v38, v19  }
0xf8: {  	v54 =	vld [tilespmem:s24+$0x970];
	v56 =	vmul.f32 v56, v55;
	v21 =	vadd.f32 v40, v21;
	v22 =	vadd.f32 v42, v22  }
0xf9: {  	v57 =	vmul.f32 v58, v57;
	v58 =	vld [tilespmem:s24+$0x4970];
	v24 =	vadd.f32 v44, v24;
	v25 =	vadd.f32 v45, v25  }
0xfa: {  	v60 =	vmul.f32 v60, v59;
	v28 =	vld [tilespmem:s24+$0x49E0];
	v0 =	vadd.f32 v48, v0;
	v1 =	vadd.f32 v49, v1  }
0xfb: {  	v61 =	vmul.f32 v62, v61;
	v62 =	vld [tilespmem:s24+$0x9F0];
	v18 =	vadd.f32 v51, v18;
	v19 =	vadd.f32 v53, v19  }
0xfc: {  	v21 =	vadd.f32 v56, v21;
	v22 =	vadd.f32 v57, v22;
	v17 =	vmul.f32 v17, v63;
	v63 =	vld [tilespmem:s24+$0x49F0]  }
0xfd: {  	v24 =	vadd.f32 v60, v24;
	v25 =	vadd.f32 v61, v25;
	v20 =	vmul.f32 v23, v20  }
0xfe: {  	v30 =	vmul.f32 v46, v31;
	v0 =	vadd.f32 v17, v0;
	v17 =	vmul.f32 v29, v26  }
0xff: {  	v1 =	vadd.f32 v20, v1;
	v31 =	vmul.f32 v28, v32;
	v32 =	vmul.f32 v52, v50  }
0x100: {  	v33 =	vmul.f32 v58, v54;
	v17 =	vadd.f32 v17, v18;
	v18 =	vadd.f32 v30, v21  }
0x101: {  	v19 =	vadd.f32 v31, v19;
	v34 =	vadd.f32 v32, v22;
	v35 =	vmul.f32 v63, v62  }
0x102: {  	v21 =	vadd.f32 v33, v24;
	v0 =	vadd.f32 v18, v0  }
0x103: {  	v1 =	vadd.f32 v34, v1;
	v18 =	vadd.f32 v35, v25  }
0x104: {  	[tilespmem:$0x8A00] =	vst v0;
	v0 =	vadd.f32 v21, v17  }
0x105: {  	[tilespmem:$0x8A80] =	vst v1;
	v1 =	vadd.f32 v18, v19  }
0x106: {  	[tilespmem:$0x8B00] =	vst v0  }
0x107: {  	[tilespmem:$0x8B80] =	vst v1  }
0x108: {  	v0 =	vld [tilespmem:s24+$0xA00]  }
0x109: {  	v1 =	vld [tilespmem:s24+$0x4A00]  }
0x10a: {  	v17 =	vld [tilespmem:s24+$0xA80]  }
0x10b: {  	v18 =	vld [tilespmem:s24+$0x4A80]  }
0x10c: {  	v19 =	vld [tilespmem:s24+$0xB00]  }
0x10d: {  	v20 =	vld [tilespmem:s24+$0x4B00]  }
0x10e: {  	v21 =	vld [tilespmem:s24+$0xB80]  }
0x10f: {  	v22 =	vld [tilespmem:s24+$0x4B80]  }
0x110: {  	v23 =	vld [tilespmem:s24+$0xA10]  }
0x111: {  	v24 =	vld [tilespmem:s24+$0x4A10]  }
0x112: {  	v25 =	vld [tilespmem:s24+$0xA90]  }
0x113: {  	v26 =	vld [tilespmem:s24+$0x4A90]  }
0x114: {  	v27 =	vld [tilespmem:s24+$0xB10]  }
0x115: {  	v28 =	vld [tilespmem:s24+$0x4B10]  }
0x116: {  	v29 =	vld [tilespmem:s24+$0xB90]  }
0x117: {  	v30 =	vld [tilespmem:s24+$0x4B90]  }
0x118: {  	v31 =	vld [tilespmem:s24+$0xA20]  }
0x119: {  	v32 =	vld [tilespmem:s24+$0x4A20]  }
0x11a: {  	v33 =	vld [tilespmem:s24+$0xAA0]  }
0x11b: {  	v34 =	vld [tilespmem:s24+$0x4AA0]  }
0x11c: {  	v35 =	vld [tilespmem:s24+$0xB20]  }
0x11d: {  	v36 =	vld [tilespmem:s24+$0x4B20]  }
0x11e: {  	v37 =	vld [tilespmem:s24+$0xBA0]  }
0x11f: {  	v38 =	vld [tilespmem:s24+$0x4BA0]  }
0x120: {  	v39 =	vld [tilespmem:s24+$0xA30]  }
0x121: {  	v40 =	vld [tilespmem:s24+$0x4A30]  }
0x122: {  	v41 =	vld [tilespmem:s24+$0xAB0]  }
0x123: {  	v42 =	vld [tilespmem:s24+$0x4AB0]  }
0x124: {  	v43 =	vld [tilespmem:s24+$0xB30]  }
0x125: {  	v44 =	vld [tilespmem:s24+$0x4B30]  }
0x126: {  	v45 =	vld [tilespmem:s24+$0xBB0]  }
0x127: {  	v46 =	vld [tilespmem:s24+$0x4BB0]  }
0x128: {  	v47 =	vld [tilespmem:s24+$0xA40]  }
0x129: {  	v48 =	vld [tilespmem:s24+$0x4A40]  }
0x12a: {  	v49 =	vld [tilespmem:s24+$0xAC0]  }
0x12b: {  	v50 =	vld [tilespmem:s24+$0x4AC0]  }
0x12c: {  	v51 =	vld [tilespmem:s24+$0xB40]  }
0x12d: {  	v52 =	vld [tilespmem:s24+$0x4B40]  }
0x12e: {  	v53 =	vld [tilespmem:s24+$0xBC0]  }
0x12f: {  	v54 =	vld [tilespmem:s24+$0x4BC0]  }
0x130: {  	v55 =	vld [tilespmem:s24+$0xA50]  }
0x131: {  	v56 =	vld [tilespmem:s24+$0x4A50]  }
0x132: {  	v57 =	vld [tilespmem:s24+$0xAD0]  }
0x133: {  	v58 =	vld [tilespmem:s24+$0x4AD0]  }
0x134: {  	v59 =	vld [tilespmem:s24+$0xB50]  }
0x135: {  	v60 =	vld [tilespmem:s24+$0x4B50]  }
0x136: {  	v61 =	vld [tilespmem:s24+$0xBD0]  }
0x137: {  	v62 =	vld [tilespmem:s24+$0x4BD0]  }
0x138: {  	v63 =	vld [tilespmem:s24+$0xA60];
	v0 =	vmul.f32 v1, v0;
	v1 =	vmul.f32 v18, v17  }
0x139: {  	v17 =	vld [tilespmem:s24+$0x4A60];
	v18 =	vmul.f32 v20, v19;
	v19 =	vmul.f32 v22, v21  }
0x13a: {  	v20 =	vld [tilespmem:s24+$0xAE0];
	v21 =	vmul.f32 v24, v23;
	v22 =	vmul.f32 v26, v25  }
0x13b: {  	v23 =	vld [tilespmem:s24+$0x4AE0];
	v24 =	vmul.f32 v28, v27;
	v25 =	vmul.f32 v30, v29  }
0x13c: {  	v26 =	vld [tilespmem:s24+$0xB60];
	v27 =	vmul.f32 v32, v31;
	v28 =	vmul.f32 v34, v33  }
0x13d: {  	v29 =	vld [tilespmem:s24+$0x4B60];
	v30 =	vmul.f32 v36, v35;
	v36 =	vmul.f32 v38, v37  }
0x13e: {  	v32 =	vld [tilespmem:s24+$0xBE0];
	v37 =	vmul.f32 v40, v39;
	v38 =	vmul.f32 v42, v41  }
0x13f: {  	v31 =	vld [tilespmem:s24+$0xA70];
	v40 =	vmul.f32 v46, v45;
	v48 =	vmul.f32 v48, v47  }
0x140: {  	v34 =	vld [tilespmem:s24+$0x4A70];
	v49 =	vmul.f32 v50, v49;
	v51 =	vmul.f32 v52, v51  }
0x141: {  	v50 =	vld [tilespmem:s24+$0xAF0];
	v53 =	vmul.f32 v54, v53;
	v0 =	vadd.f32 v27, v0;
	v1 =	vadd.f32 v28, v1  }
0x142: {  	v52 =	vld [tilespmem:s24+$0x4AF0];
	v18 =	vadd.f32 v30, v18;
	v19 =	vadd.f32 v36, v19;
	v27 =	vmul.f32 v44, v43  }
0x143: {  	v54 =	vld [tilespmem:s24+$0xB70];
	v55 =	vmul.f32 v56, v55;
	v21 =	vadd.f32 v37, v21;
	v22 =	vadd.f32 v38, v22  }
0x144: {  	v56 =	vmul.f32 v58, v57;
	v57 =	vld [tilespmem:s24+$0x4B70];
	v25 =	vadd.f32 v40, v25;
	v24 =	vadd.f32 v27, v24  }
0x145: {  	v58 =	vmul.f32 v60, v59;
	v28 =	vld [tilespmem:s24+$0x4BE0];
	v0 =	vadd.f32 v48, v0;
	v1 =	vadd.f32 v49, v1  }
0x146: {  	v59 =	vmul.f32 v62, v61;
	v60 =	vld [tilespmem:s24+$0xBF0];
	v18 =	vadd.f32 v51, v18;
	v19 =	vadd.f32 v53, v19  }
0x147: {  	v61 =	vld [tilespmem:s24+$0x4BF0];
	v21 =	vadd.f32 v55, v21;
	v22 =	vadd.f32 v56, v22;
	v17 =	vmul.f32 v17, v63  }
0x148: {  	v25 =	vadd.f32 v59, v25;
	v20 =	vmul.f32 v23, v20;
	v62 =	vmul.f32 v34, v31  }
0x149: {  	v30 =	vmul.f32 v52, v50;
	v0 =	vadd.f32 v17, v0;
	v17 =	vmul.f32 v29, v26  }
0x14a: {  	v24 =	vadd.f32 v58, v24;
	v1 =	vadd.f32 v20, v1;
	v29 =	vmul.f32 v28, v32  }
0x14b: {  	v63 =	vld [tilespmem:$0x1FFF0];
	v47 =	vmul.f32 v57, v54;
	v17 =	vadd.f32 v17, v18;
	v18 =	vadd.f32 v62, v21  }
0x14c: {  	v49 =	vmul.f32 v61, v60;
	v48 =	vadd.f32 v30, v22;
	v19 =	vadd.f32 v29, v19  }
0x14d: {  	v21 =	vadd.f32 v47, v24;
	v0 =	vadd.f32 v18, v0  }
0x14e: {  	v1 =	vadd.f32 v48, v1;
	v18 =	vadd.f32 v49, v25  }
0x14f: {  	[tilespmem:$0x8C00] =	vst v0;
	v0 =	vadd.f32 v21, v17  }
0x150: {  	[tilespmem:$0x8C80] =	vst v1;
	v1 =	vadd.f32 v18, v19  }
0x151: {  	[tilespmem:$0x8D00] =	vst v0  }
0x152: {  	[tilespmem:$0x8D80] =	vst v1  }
0x153: {  	v0 =	vld.idx.msk [tilespmem:v63+s17+$0x0], $0xffff  }
0x154: {  	v1 =	vld.idx.msk [tilespmem:v3+s17+$0x0], $0xffff  }
0x155: {  	v17 =	vld.idx.msk [tilespmem:v4+s17+$0x0], $0xffff  }
0x156: {  	v18 =	vld.idx.msk [tilespmem:v5+s17+$0x0], $0xffff  }
0x157: {  	v19 =	vld.idx.msk [tilespmem:v6+s17+$0x0], $0xffff  }
0x158: {  	v50 =	vld.idx.msk [tilespmem:v7+s17+$0x0], $0xffff  }
0x159: {  	v51 =	vld.idx.msk [tilespmem:v8+s17+$0x0], $0xffff  }
0x15a: {  	v52 =	vld.idx.msk [tilespmem:v9+s17+$0x0], $0xffff  }
0x15b: {  	v53 =	vld.idx.msk [tilespmem:v10+s17+$0x0], $0xffff  }
0x15c: {  	v54 =	vld.idx.msk [tilespmem:v11+s17+$0x0], $0xffff  }
0x15d: {  	v55 =	vld.idx.msk [tilespmem:v12+s17+$0x0], $0xffff  }
0x15e: {  	v56 =	vld.idx.msk [tilespmem:v13+s17+$0x0], $0xffff  }
0x15f: {  	v57 =	vld.idx.msk [tilespmem:v14+s17+$0x0], $0xffff  }
0x160: {  	v58 =	vld.idx.msk [tilespmem:v15+s17+$0x0], $0xffff  }
0x161: {  	v59 =	vld.idx.msk [tilespmem:v16+s17+$0x0], $0xffff  }
0x162: {  	v60 =	vld.idx.msk [tilespmem:v2+s17+$0x0], $0xffff;
	_ =	sdelay $0x1  }
0x163: {  	v0 =	vadd.f32 v1, v0;
	v1 =	vadd.f32 v18, v17  }
0x164: {  	v17 =	vadd.f32 v50, v19;
	v18 =	vadd.f32 v52, v51  }
0x165: {  	v19 =	vadd.f32 v54, v53;
	v61 =	vadd.f32 v56, v55  }
0x166: {  	v62 =	vadd.f32 v58, v57;
	v63 =	vadd.f32 v60, v59  }
0x167: {  	v0 =	vadd.f32 v1, v0;
	v1 =	vadd.f32 v18, v17  }
0x168: {  	v17 =	vadd.f32 v61, v19;
	v18 =	vadd.f32 v63, v62;
	_ =	sdelay $0x1  }
0x169: {  	v0 =	vadd.f32 v1, v0;
	v1 =	vadd.f32 v18, v17;
	_ =	sdelay $0x1  }
0x16a: {  	v0 =	vadd.f32 v1, v0;
	v1 =	vld [tilespmem:$0x1FFE0];
	_ =	sdelay $0x2  }
0x16b: {  	p0 =	sne.s32 s23, $0x3  }
.Ltmp0:
0x16c: {  	_ = 	snop;
	(pc) =	sbr.rel @p0 .LBB2_3-.Ltmp0, $4  }
0x16d: {  	_ = 	snop  }
0x16e: {  	s31 =	sshll.u32 s23, $0x4;
	v42 =	vmovc v13;
	v41 =	vmovc v12;
	v46 =	vmov v2;
	v45 =	vmov v16;
	v39 =	vmov v10  }
0x16f: {  	v33 =	vmovc v4;
	v35 =	vmovc v6;
	v44 =	vmov v15;
	v43 =	vmov v14;
	s24 =	sand.u32 $0x3FFFFFF0, s31;
	v37 =	vmov v8  }
0x170: {  	s23 =	sadd.s32 $0x1, s23;
	v36 =	vmovc v7;
	v38 =	vmovc v9;
	v40 =	vmov v11;
	v34 =	vmov v5;
	v32 =	vmov v3;
	[tilespmem:v1+s24+$0x0 ss:$0x1] =	vst.idx.msk $0xffff, v0  }
0x171: {  	p0 =	seq.s32 s21, $0x3  }
0x172: {  	s23 =	sshll.u32 @!p0 s21, $0x7  }
0x173: {  	s25 =	simm.s32 @!p0 $0x40;
	s26 =	simm.s32 @!p0 $0x400;
	s24 =	sadd.s32 @!p0 $0x80, s23  }
0x174: {  	[tilespmem:s26], [sflag:$0x1] =	stream.indirect.gather @!p0 [hbm4b:s1+s25], $0x80, s24, s25, $0xb8;
	[tilespmem:$0x8E00] =	vst v63  }
0x175: {  	s23 =	sadd.s32 @!p0 $0x280, s23;
	s24 =	simm.s32 @!p0 $0x4400  }
0x176: {  	[tilespmem:s24], [sflag:$0x1] =	stream.indirect.gather @!p0 [hbm4b:s2+s25], $0x80, s23, s25, $0xb8;
	[tilespmem:$0x8E00] =	vst v63  }
0x177: {  	_ =	swait.ge [sflag:s13], $0x2000  }
0x178: {  	[sflag:s13] =	ssyncset.done $0x0  }
0x179: {  	s22 =	sand.u32 $0x3FFFFFC0, s22;
	[sflag:s13] =	ssyncadd.s32 $0xFFFFE000  }
0x17a: {  	s31 =	sadd.s32 $0x8400, s22;
	_ =	swait.ge [sflag:s13], $0x2000  }
0x17b: {  	v0 =	vmov s31;
	[sflag:s13] =	ssyncset.done $0x0  }
0x17c: {  	s22 =	simm.s32 $0x0;
	[tilespmem:$0x1FFD0] =	vst v0;
	[sflag:s13] =	ssyncadd.s32 $0xFFFFE000  }
.LBB2_5:
0x17d: {  	s23 =	sshll.u32 s22, $0xB  }
0x17e: {  	v1 =	vld [tilespmem:s23+$0x6400]  }
0x17f: {  	v18 =	vld [tilespmem:s23+$0x6480]  }
0x180: {  	v20 =	vld [tilespmem:s23+$0x6500]  }
0x181: {  	v22 =	vld [tilespmem:s23+$0x6580]  }
0x182: {  	v24 =	vld [tilespmem:s23+$0x6410]  }
0x183: {  	v26 =	vld [tilespmem:s23+$0x6490]  }
0x184: {  	v28 =	vld [tilespmem:s23+$0x6510]  }
0x185: {  	v30 =	vld [tilespmem:s23+$0x6590]  }
0x186: {  	v32 =	vld [tilespmem:s23+$0x6420]  }
0x187: {  	v34 =	vld [tilespmem:s23+$0x64A0]  }
0x188: {  	v36 =	vld [tilespmem:s23+$0x6520]  }
0x189: {  	v38 =	vld [tilespmem:s23+$0x65A0]  }
0x18a: {  	v40 =	vld [tilespmem:s23+$0x6430]  }
0x18b: {  	v42 =	vld [tilespmem:s23+$0x64B0]  }
0x18c: {  	v44 =	vld [tilespmem:s23+$0x6530]  }
0x18d: {  	v46 =	vld [tilespmem:s23+$0x65B0]  }
0x18e: {  	v48 =	vld [tilespmem:s23+$0x6440]  }
0x18f: {  	v50 =	vld [tilespmem:s23+$0x64C0]  }
0x190: {  	v52 =	vld [tilespmem:s23+$0x6540]  }
0x191: {  	v54 =	vld [tilespmem:s23+$0x65C0]  }
0x192: {  	v56 =	vld [tilespmem:s23+$0x6450]  }
0x193: {  	v58 =	vld [tilespmem:s23+$0x64D0]  }
0x194: {  	v60 =	vld [tilespmem:s23+$0x6550]  }
0x195: {  	s24 =	sor.u32 $0x2400, s23;
	v62 =	vld [tilespmem:s23+$0x65D0]  }
0x196: {  	s28 =	sor.u32 $0x2480, s23;
	v0 =	vld [tilespmem:s24+$0x0]  }
0x197: {  	s29 =	sor.u32 $0x2500, s23;
	v17 =	vld [tilespmem:s28+$0x0]  }
0x198: {  	s30 =	sor.u32 $0x2580, s23;
	v19 =	vld [tilespmem:s29+$0x0]  }
0x199: {  	s31 =	sor.u32 $0x2410, s23;
	v21 =	vld [tilespmem:s30+$0x0]  }
0x19a: {  	s25 =	sor.u32 $0x2490, s23;
	v23 =	vld [tilespmem:s31+$0x0]  }
0x19b: {  	s26 =	sor.u32 $0x2510, s23;
	v25 =	vld [tilespmem:s25+$0x0]  }
0x19c: {  	v27 =	vld [tilespmem:s26+$0x0];
	s28 =	sor.u32 $0x2590, s23  }
0x19d: {  	s29 =	sor.u32 $0x2420, s23;
	v29 =	vld [tilespmem:s28+$0x0]  }
0x19e: {  	s30 =	sor.u32 $0x24A0, s23;
	v31 =	vld [tilespmem:s29+$0x0]  }
0x19f: {  	s31 =	sor.u32 $0x2520, s23;
	v33 =	vld [tilespmem:s30+$0x0]  }
0x1a0: {  	s25 =	sor.u32 $0x25A0, s23;
	v35 =	vld [tilespmem:s31+$0x0]  }
0x1a1: {  	s26 =	sor.u32 $0x2430, s23;
	v37 =	vld [tilespmem:s25+$0x0]  }
0x1a2: {  	v39 =	vld [tilespmem:s26+$0x0];
	s28 =	sor.u32 $0x24B0, s23  }
0x1a3: {  	s29 =	sor.u32 $0x2530, s23;
	v41 =	vld [tilespmem:s28+$0x0]  }
0x1a4: {  	s30 =	sor.u32 $0x25B0, s23;
	v43 =	vld [tilespmem:s29+$0x0]  }
0x1a5: {  	s31 =	sor.u32 $0x2440, s23;
	v45 =	vld [tilespmem:s30+$0x0]  }
0x1a6: {  	s25 =	sor.u32 $0x24C0, s23;
	v47 =	vld [tilespmem:s31+$0x0]  }
0x1a7: {  	s26 =	sor.u32 $0x2540, s23;
	v49 =	vld [tilespmem:s25+$0x0]  }
0x1a8: {  	v51 =	vld [tilespmem:s26+$0x0];
	s28 =	sor.u32 $0x25C0, s23  }
0x1a9: {  	s29 =	sor.u32 $0x2450, s23;
	v53 =	vld [tilespmem:s28+$0x0]  }
0x1aa: {  	s30 =	sor.u32 $0x24D0, s23;
	v55 =	vld [tilespmem:s29+$0x0]  }
0x1ab: {  	s31 =	sor.u32 $0x2550, s23;
	v57 =	vld [tilespmem:s30+$0x0]  }
0x1ac: {  	s25 =	sor.u32 $0x25D0, s23;
	v59 =	vld [tilespmem:s31+$0x0]  }
0x1ad: {  	s26 =	sor.u32 $0x2460, s23;
	v61 =	vld [tilespmem:s25+$0x0]  }
0x1ae: {  	v63 =	vld [tilespmem:s26+$0x0];
	v0 =	vmul.f32 v1, v0  }
0x1af: {  	s28 =	sor.u32 $0x24E0, s23;
	v1 =	vmul.f32 v18, v17;
	v17 =	vld [tilespmem:s23+$0x6460];
	v18 =	vmul.f32 v20, v19  }
0x1b0: {  	v19 =	vmul.f32 v22, v21;
	v20 =	vld [tilespmem:s28+$0x0];
	v21 =	vmul.f32 v24, v23  }
0x1b1: {  	s29 =	sor.u32 $0x2560, s23;
	v22 =	vmul.f32 v26, v25;
	v23 =	vld [tilespmem:s23+$0x64E0];
	v24 =	vmul.f32 v28, v27  }
0x1b2: {  	v26 =	vld [tilespmem:s29+$0x0];
	v25 =	vmul.f32 v30, v29;
	v27 =	vmul.f32 v32, v31  }
0x1b3: {  	s30 =	sor.u32 $0x25E0, s23;
	v28 =	vmul.f32 v34, v33;
	v29 =	vld [tilespmem:s23+$0x6560];
	v36 =	vmul.f32 v36, v35  }
0x1b4: {  	s31 =	sor.u32 $0x2470, s23;
	v38 =	vmul.f32 v38, v37;
	v32 =	vld [tilespmem:s30+$0x0];
	v40 =	vmul.f32 v40, v39  }
0x1b5: {  	v31 =	vld [tilespmem:s31+$0x0];
	v42 =	vmul.f32 v42, v41;
	v44 =	vmul.f32 v44, v43  }
0x1b6: {  	s25 =	sor.u32 $0x24F0, s23;
	v45 =	vmul.f32 v46, v45;
	v46 =	vld [tilespmem:s23+$0x6470];
	v48 =	vmul.f32 v48, v47;
	v0 =	vadd.f32 v27, v0  }
0x1b7: {  	v49 =	vmul.f32 v50, v49;
	v50 =	vld [tilespmem:s25+$0x0];
	v1 =	vadd.f32 v28, v1;
	v18 =	vadd.f32 v36, v18  }
0x1b8: {  	v51 =	vmul.f32 v52, v51;
	v52 =	vld [tilespmem:s23+$0x64F0];
	v19 =	vadd.f32 v38, v19;
	v21 =	vadd.f32 v40, v21  }
0x1b9: {  	s26 =	sor.u32 $0x2570, s23;
	v28 =	vld [tilespmem:s23+$0x65E0];
	v53 =	vmul.f32 v54, v53;
	v56 =	vmul.f32 v56, v55;
	v22 =	vadd.f32 v42, v22  }
0x1ba: {  	v54 =	vld [tilespmem:s26+$0x0];
	v57 =	vmul.f32 v58, v57;
	v24 =	vadd.f32 v44, v24;
	v25 =	vadd.f32 v45, v25  }
0x1bb: {  	s28 =	sor.u32 $0x25F0, s23;
	v58 =	vld [tilespmem:s23+$0x6570];
	v60 =	vmul.f32 v60, v59;
	v0 =	vadd.f32 v48, v0;
	v1 =	vadd.f32 v49, v1  }
0x1bc: {  	v61 =	vmul.f32 v62, v61;
	v62 =	vld [tilespmem:s28+$0x0];
	v18 =	vadd.f32 v51, v18;
	v19 =	vadd.f32 v53, v19  }
0x1bd: {  	v21 =	vadd.f32 v56, v21;
	v17 =	vmul.f32 v17, v63;
	v63 =	vld [tilespmem:s23+$0x65F0];
	v22 =	vadd.f32 v57, v22  }
0x1be: {  	v20 =	vmul.f32 v23, v20;
	v24 =	vadd.f32 v60, v24;
	v25 =	vadd.f32 v61, v25  }
0x1bf: {  	v0 =	vadd.f32 v17, v0;
	v17 =	vmul.f32 v29, v26;
	v30 =	vmul.f32 v46, v31  }
0x1c0: {  	v1 =	vadd.f32 v20, v1;
	v31 =	vmul.f32 v28, v32;
	v32 =	vmul.f32 v52, v50  }
0x1c1: {  	v33 =	vmul.f32 v58, v54;
	v17 =	vadd.f32 v17, v18;
	v18 =	vadd.f32 v30, v21  }
0x1c2: {  	v19 =	vadd.f32 v31, v19;
	v34 =	vadd.f32 v32, v22;
	v35 =	vmul.f32 v63, v62  }
0x1c3: {  	v21 =	vadd.f32 v33, v24;
	v0 =	vadd.f32 v18, v0  }
0x1c4: {  	v18 =	vadd.f32 v35, v25;
	v1 =	vadd.f32 v34, v1  }
0x1c5: {  	[tilespmem:$0x8600] =	vst v0;
	v0 =	vadd.f32 v21, v17  }
0x1c6: {  	[tilespmem:$0x8680] =	vst v1;
	v1 =	vadd.f32 v18, v19  }
0x1c7: {  	[tilespmem:$0x8700] =	vst v0  }
0x1c8: {  	s29 =	sor.u32 $0x2600, s23;
	[tilespmem:$0x8780] =	vst v1  }
0x1c9: {  	v0 =	vld [tilespmem:s29+$0x0]  }
0x1ca: {  	s30 =	sor.u32 $0x2680, s23;
	v1 =	vld [tilespmem:s23+$0x6600]  }
0x1cb: {  	v17 =	vld [tilespmem:s30+$0x0]  }
0x1cc: {  	s31 =	sor.u32 $0x2700, s23;
	v18 =	vld [tilespmem:s23+$0x6680]  }
0x1cd: {  	v19 =	vld [tilespmem:s31+$0x0]  }
0x1ce: {  	s25 =	sor.u32 $0x2780, s23;
	v20 =	vld [tilespmem:s23+$0x6700]  }
0x1cf: {  	v21 =	vld [tilespmem:s25+$0x0]  }
0x1d0: {  	s26 =	sor.u32 $0x2610, s23;
	v22 =	vld [tilespmem:s23+$0x6780]  }
0x1d1: {  	v23 =	vld [tilespmem:s26+$0x0]  }
0x1d2: {  	s28 =	sor.u32 $0x2690, s23;
	v24 =	vld [tilespmem:s23+$0x6610]  }
0x1d3: {  	v25 =	vld [tilespmem:s28+$0x0]  }
0x1d4: {  	v26 =	vld [tilespmem:s23+$0x6690]  }
0x1d5: {  	v28 =	vld [tilespmem:s23+$0x6710]  }
0x1d6: {  	v30 =	vld [tilespmem:s23+$0x6790]  }
0x1d7: {  	v32 =	vld [tilespmem:s23+$0x6620]  }
0x1d8: {  	v34 =	vld [tilespmem:s23+$0x66A0]  }
0x1d9: {  	v36 =	vld [tilespmem:s23+$0x6720]  }
0x1da: {  	v38 =	vld [tilespmem:s23+$0x67A0]  }
0x1db: {  	v40 =	vld [tilespmem:s23+$0x6630]  }
0x1dc: {  	v42 =	vld [tilespmem:s23+$0x66B0]  }
0x1dd: {  	v44 =	vld [tilespmem:s23+$0x6730]  }
0x1de: {  	v46 =	vld [tilespmem:s23+$0x67B0]  }
0x1df: {  	v48 =	vld [tilespmem:s23+$0x6640]  }
0x1e0: {  	v50 =	vld [tilespmem:s23+$0x66C0]  }
0x1e1: {  	v52 =	vld [tilespmem:s23+$0x6740]  }
0x1e2: {  	v54 =	vld [tilespmem:s23+$0x67C0]  }
0x1e3: {  	v56 =	vld [tilespmem:s23+$0x6650]  }
0x1e4: {  	v58 =	vld [tilespmem:s23+$0x66D0]  }
0x1e5: {  	v60 =	vld [tilespmem:s23+$0x6750]  }
0x1e6: {  	s29 =	sor.u32 $0x2710, s23;
	v62 =	vld [tilespmem:s23+$0x67D0]  }
0x1e7: {  	s30 =	sor.u32 $0x2790, s23;
	v27 =	vld [tilespmem:s29+$0x0]  }
0x1e8: {  	s31 =	sor.u32 $0x2620, s23;
	v29 =	vld [tilespmem:s30+$0x0]  }
0x1e9: {  	s25 =	sor.u32 $0x26A0, s23;
	v31 =	vld [tilespmem:s31+$0x0]  }
0x1ea: {  	s26 =	sor.u32 $0x2720, s23;
	v33 =	vld [tilespmem:s25+$0x0]  }
0x1eb: {  	s28 =	sor.u32 $0x27A0, s23;
	v35 =	vld [tilespmem:s26+$0x0]  }
0x1ec: {  	v37 =	vld [tilespmem:s28+$0x0];
	s29 =	sor.u32 $0x2630, s23  }
0x1ed: {  	s30 =	sor.u32 $0x26B0, s23;
	v39 =	vld [tilespmem:s29+$0x0]  }
0x1ee: {  	s31 =	sor.u32 $0x2730, s23;
	v41 =	vld [tilespmem:s30+$0x0]  }
0x1ef: {  	s25 =	sor.u32 $0x27B0, s23;
	v43 =	vld [tilespmem:s31+$0x0]  }
0x1f0: {  	s26 =	sor.u32 $0x2640, s23;
	v45 =	vld [tilespmem:s25+$0x0]  }
0x1f1: {  	s28 =	sor.u32 $0x26C0, s23;
	v47 =	vld [tilespmem:s26+$0x0]  }
0x1f2: {  	v49 =	vld [tilespmem:s28+$0x0];
	s29 =	sor.u32 $0x2740, s23  }
0x1f3: {  	s30 =	sor.u32 $0x27C0, s23;
	v51 =	vld [tilespmem:s29+$0x0]  }
0x1f4: {  	s31 =	sor.u32 $0x2650, s23;
	v53 =	vld [tilespmem:s30+$0x0]  }
0x1f5: {  	s25 =	sor.u32 $0x26D0, s23;
	v55 =	vld [tilespmem:s31+$0x0]  }
0x1f6: {  	s26 =	sor.u32 $0x2750, s23;
	v57 =	vld [tilespmem:s25+$0x0]  }
0x1f7: {  	s28 =	sor.u32 $0x27D0, s23;
	v59 =	vld [tilespmem:s26+$0x0]  }
0x1f8: {  	v61 =	vld [tilespmem:s28+$0x0];
	s29 =	sor.u32 $0x2660, s23  }
0x1f9: {  	v63 =	vld [tilespmem:s29+$0x0];
	v0 =	vmul.f32 v1, v0  }
0x1fa: {  	s30 =	sor.u32 $0x26E0, s23;
	v1 =	vmul.f32 v18, v17;
	v17 =	vld [tilespmem:s23+$0x6660];
	v18 =	vmul.f32 v20, v19  }
0x1fb: {  	v19 =	vmul.f32 v22, v21;
	v20 =	vld [tilespmem:s30+$0x0];
	v21 =	vmul.f32 v24, v23  }
0x1fc: {  	s31 =	sor.u32 $0x2760, s23;
	v22 =	vmul.f32 v26, v25;
	v23 =	vld [tilespmem:s23+$0x66E0];
	v24 =	vmul.f32 v28, v27  }
0x1fd: {  	v26 =	vld [tilespmem:s31+$0x0];
	v25 =	vmul.f32 v30, v29;
	v27 =	vmul.f32 v32, v31  }
0x1fe: {  	s25 =	sor.u32 $0x27E0, s23;
	v28 =	vmul.f32 v34, v33;
	v29 =	vld [tilespmem:s23+$0x6760];
	v36 =	vmul.f32 v36, v35  }
0x1ff: {  	s26 =	sor.u32 $0x2670, s23;
	v38 =	vmul.f32 v38, v37;
	v32 =	vld [tilespmem:s25+$0x0];
	v40 =	vmul.f32 v40, v39  }
0x200: {  	v31 =	vld [tilespmem:s26+$0x0];
	v42 =	vmul.f32 v42, v41;
	v44 =	vmul.f32 v44, v43  }
0x201: {  	s28 =	sor.u32 $0x26F0, s23;
	v45 =	vmul.f32 v46, v45;
	v46 =	vld [tilespmem:s23+$0x6670];
	v48 =	vmul.f32 v48, v47;
	v0 =	vadd.f32 v27, v0  }
0x202: {  	v49 =	vmul.f32 v50, v49;
	v50 =	vld [tilespmem:s28+$0x0];
	v1 =	vadd.f32 v28, v1;
	v18 =	vadd.f32 v36, v18  }
0x203: {  	v28 =	vld [tilespmem:s23+$0x67E0];
	v19 =	vadd.f32 v38, v19;
	v51 =	vmul.f32 v52, v51;
	v53 =	vmul.f32 v54, v53  }
0x204: {  	s29 =	sor.u32 $0x2770, s23;
	v52 =	vld [tilespmem:s23+$0x66F0];
	v56 =	vmul.f32 v56, v55;
	v21 =	vadd.f32 v40, v21;
	v22 =	vadd.f32 v42, v22  }
0x205: {  	v54 =	vld [tilespmem:s29+$0x0];
	v57 =	vmul.f32 v58, v57;
	v24 =	vadd.f32 v44, v24;
	v25 =	vadd.f32 v45, v25  }
0x206: {  	s30 =	sor.u32 $0x27F0, s23;
	v58 =	vld [tilespmem:s23+$0x6770];
	v60 =	vmul.f32 v60, v59;
	v0 =	vadd.f32 v48, v0;
	v1 =	vadd.f32 v49, v1  }
0x207: {  	v61 =	vmul.f32 v62, v61;
	v62 =	vld [tilespmem:s30+$0x0];
	v18 =	vadd.f32 v51, v18;
	v19 =	vadd.f32 v53, v19  }
0x208: {  	v17 =	vmul.f32 v17, v63;
	v63 =	vld [tilespmem:s23+$0x67F0];
	v21 =	vadd.f32 v56, v21;
	v22 =	vadd.f32 v57, v22  }
0x209: {  	v20 =	vmul.f32 v23, v20;
	v24 =	vadd.f32 v60, v24;
	v25 =	vadd.f32 v61, v25  }
0x20a: {  	v0 =	vadd.f32 v17, v0;
	v17 =	vmul.f32 v29, v26;
	v30 =	vmul.f32 v46, v31  }
0x20b: {  	v1 =	vadd.f32 v20, v1;
	v31 =	vmul.f32 v28, v32;
	v32 =	vmul.f32 v52, v50  }
0x20c: {  	v33 =	vmul.f32 v58, v54;
	v17 =	vadd.f32 v17, v18;
	v18 =	vadd.f32 v30, v21  }
0x20d: {  	v19 =	vadd.f32 v31, v19;
	v34 =	vadd.f32 v32, v22;
	v35 =	vmul.f32 v63, v62  }
0x20e: {  	v21 =	vadd.f32 v33, v24;
	v0 =	vadd.f32 v18, v0  }
0x20f: {  	v18 =	vadd.f32 v35, v25;
	v1 =	vadd.f32 v34, v1  }
0x210: {  	[tilespmem:$0x8800] =	vst v0;
	v0 =	vadd.f32 v21, v17  }
0x211: {  	[tilespmem:$0x8880] =	vst v1;
	v1 =	vadd.f32 v18, v19  }
0x212: {  	[tilespmem:$0x8900] =	vst v0  }
0x213: {  	[tilespmem:$0x8980] =	vst v1  }
0x214: {  	v0 =	vld [tilespmem:s23+$0x2800]  }
0x215: {  	v1 =	vld [tilespmem:s23+$0x6800]  }
0x216: {  	v17 =	vld [tilespmem:s23+$0x2880]  }
0x217: {  	v18 =	vld [tilespmem:s23+$0x6880]  }
0x218: {  	v19 =	vld [tilespmem:s23+$0x2900]  }
0x219: {  	v20 =	vld [tilespmem:s23+$0x6900]  }
0x21a: {  	v21 =	vld [tilespmem:s23+$0x2980]  }
0x21b: {  	v22 =	vld [tilespmem:s23+$0x6980]  }
0x21c: {  	v23 =	vld [tilespmem:s23+$0x2810]  }
0x21d: {  	v24 =	vld [tilespmem:s23+$0x6810]  }
0x21e: {  	v25 =	vld [tilespmem:s23+$0x2890]  }
0x21f: {  	v26 =	vld [tilespmem:s23+$0x6890]  }
0x220: {  	v27 =	vld [tilespmem:s23+$0x2910]  }
0x221: {  	v28 =	vld [tilespmem:s23+$0x6910]  }
0x222: {  	v29 =	vld [tilespmem:s23+$0x2990]  }
0x223: {  	v30 =	vld [tilespmem:s23+$0x6990]  }
0x224: {  	v31 =	vld [tilespmem:s23+$0x2820]  }
0x225: {  	v32 =	vld [tilespmem:s23+$0x6820]  }
0x226: {  	v33 =	vld [tilespmem:s23+$0x28A0]  }
0x227: {  	v34 =	vld [tilespmem:s23+$0x68A0]  }
0x228: {  	v35 =	vld [tilespmem:s23+$0x2920]  }
0x229: {  	v36 =	vld [tilespmem:s23+$0x6920]  }
0x22a: {  	v37 =	vld [tilespmem:s23+$0x29A0]  }
0x22b: {  	v38 =	vld [tilespmem:s23+$0x69A0]  }
0x22c: {  	v39 =	vld [tilespmem:s23+$0x2830]  }
0x22d: {  	v40 =	vld [tilespmem:s23+$0x6830]  }
0x22e: {  	v41 =	vld [tilespmem:s23+$0x28B0]  }
0x22f: {  	v42 =	vld [tilespmem:s23+$0x68B0]  }
0x230: {  	v43 =	vld [tilespmem:s23+$0x2930]  }
0x231: {  	v44 =	vld [tilespmem:s23+$0x6930]  }
0x232: {  	v45 =	vld [tilespmem:s23+$0x29B0]  }
0x233: {  	v46 =	vld [tilespmem:s23+$0x69B0]  }
0x234: {  	v47 =	vld [tilespmem:s23+$0x2840]  }
0x235: {  	v48 =	vld [tilespmem:s23+$0x6840]  }
0x236: {  	v49 =	vld [tilespmem:s23+$0x28C0]  }
0x237: {  	v50 =	vld [tilespmem:s23+$0x68C0]  }
0x238: {  	v51 =	vld [tilespmem:s23+$0x2940]  }
0x239: {  	v52 =	vld [tilespmem:s23+$0x6940]  }
0x23a: {  	v53 =	vld [tilespmem:s23+$0x29C0]  }
0x23b: {  	v54 =	vld [tilespmem:s23+$0x69C0]  }
0x23c: {  	v55 =	vld [tilespmem:s23+$0x2850]  }
0x23d: {  	v56 =	vld [tilespmem:s23+$0x6850]  }
0x23e: {  	v57 =	vld [tilespmem:s23+$0x28D0]  }
0x23f: {  	v58 =	vld [tilespmem:s23+$0x68D0]  }
0x240: {  	v59 =	vld [tilespmem:s23+$0x2950]  }
0x241: {  	v60 =	vld [tilespmem:s23+$0x6950]  }
0x242: {  	v61 =	vld [tilespmem:s23+$0x29D0]  }
0x243: {  	v62 =	vld [tilespmem:s23+$0x69D0]  }
0x244: {  	v63 =	vld [tilespmem:s23+$0x2860];
	v0 =	vmul.f32 v1, v0;
	v1 =	vmul.f32 v18, v17  }
0x245: {  	v17 =	vld [tilespmem:s23+$0x6860];
	v18 =	vmul.f32 v20, v19;
	v19 =	vmul.f32 v22, v21  }
0x246: {  	v20 =	vld [tilespmem:s23+$0x28E0];
	v21 =	vmul.f32 v24, v23;
	v22 =	vmul.f32 v26, v25  }
0x247: {  	v23 =	vld [tilespmem:s23+$0x68E0];
	v24 =	vmul.f32 v28, v27;
	v25 =	vmul.f32 v30, v29  }
0x248: {  	v26 =	vld [tilespmem:s23+$0x2960];
	v27 =	vmul.f32 v32, v31;
	v28 =	vmul.f32 v34, v33  }
0x249: {  	v29 =	vld [tilespmem:s23+$0x6960];
	v36 =	vmul.f32 v36, v35;
	v38 =	vmul.f32 v38, v37  }
0x24a: {  	v32 =	vld [tilespmem:s23+$0x29E0];
	v40 =	vmul.f32 v40, v39;
	v42 =	vmul.f32 v42, v41  }
0x24b: {  	v31 =	vld [tilespmem:s23+$0x2870];
	v44 =	vmul.f32 v44, v43;
	v45 =	vmul.f32 v46, v45  }
0x24c: {  	v46 =	vld [tilespmem:s23+$0x6870];
	v48 =	vmul.f32 v48, v47;
	v49 =	vmul.f32 v50, v49  }
0x24d: {  	v50 =	vld [tilespmem:s23+$0x28F0];
	v51 =	vmul.f32 v52, v51;
	v0 =	vadd.f32 v27, v0;
	v1 =	vadd.f32 v28, v1  }
0x24e: {  	v52 =	vld [tilespmem:s23+$0x68F0];
	v53 =	vmul.f32 v54, v53;
	v18 =	vadd.f32 v36, v18;
	v19 =	vadd.f32 v38, v19  }
0x24f: {  	v54 =	vld [tilespmem:s23+$0x2970];
	v56 =	vmul.f32 v56, v55;
	v21 =	vadd.f32 v40, v21;
	v22 =	vadd.f32 v42, v22  }
0x250: {  	v57 =	vmul.f32 v58, v57;
	v58 =	vld [tilespmem:s23+$0x6970];
	v24 =	vadd.f32 v44, v24;
	v25 =	vadd.f32 v45, v25  }
0x251: {  	v60 =	vmul.f32 v60, v59;
	v28 =	vld [tilespmem:s23+$0x69E0];
	v0 =	vadd.f32 v48, v0;
	v1 =	vadd.f32 v49, v1  }
0x252: {  	v61 =	vmul.f32 v62, v61;
	v62 =	vld [tilespmem:s23+$0x29F0];
	v18 =	vadd.f32 v51, v18;
	v19 =	vadd.f32 v53, v19  }
0x253: {  	v21 =	vadd.f32 v56, v21;
	v22 =	vadd.f32 v57, v22;
	v17 =	vmul.f32 v17, v63;
	v63 =	vld [tilespmem:s23+$0x69F0]  }
0x254: {  	v24 =	vadd.f32 v60, v24;
	v25 =	vadd.f32 v61, v25;
	v20 =	vmul.f32 v23, v20  }
0x255: {  	v30 =	vmul.f32 v46, v31;
	v0 =	vadd.f32 v17, v0;
	v17 =	vmul.f32 v29, v26  }
0x256: {  	v1 =	vadd.f32 v20, v1;
	v31 =	vmul.f32 v28, v32;
	v32 =	vmul.f32 v52, v50  }
0x257: {  	v33 =	vmul.f32 v58, v54;
	v17 =	vadd.f32 v17, v18;
	v18 =	vadd.f32 v30, v21  }
0x258: {  	v19 =	vadd.f32 v31, v19;
	v34 =	vadd.f32 v32, v22;
	v35 =	vmul.f32 v63, v62  }
0x259: {  	v21 =	vadd.f32 v33, v24;
	v0 =	vadd.f32 v18, v0  }
0x25a: {  	v1 =	vadd.f32 v34, v1;
	v18 =	vadd.f32 v35, v25  }
0x25b: {  	[tilespmem:$0x8A00] =	vst v0;
	v0 =	vadd.f32 v21, v17  }
0x25c: {  	[tilespmem:$0x8A80] =	vst v1;
	v1 =	vadd.f32 v18, v19  }
0x25d: {  	[tilespmem:$0x8B00] =	vst v0  }
0x25e: {  	[tilespmem:$0x8B80] =	vst v1  }
0x25f: {  	v0 =	vld [tilespmem:s23+$0x2A00]  }
0x260: {  	v1 =	vld [tilespmem:s23+$0x6A00]  }
0x261: {  	v17 =	vld [tilespmem:s23+$0x2A80]  }
0x262: {  	v18 =	vld [tilespmem:s23+$0x6A80]  }
0x263: {  	v19 =	vld [tilespmem:s23+$0x2B00]  }
0x264: {  	v20 =	vld [tilespmem:s23+$0x6B00]  }
0x265: {  	v21 =	vld [tilespmem:s23+$0x2B80]  }
0x266: {  	v22 =	vld [tilespmem:s23+$0x6B80]  }
0x267: {  	v23 =	vld [tilespmem:s23+$0x2A10]  }
0x268: {  	v24 =	vld [tilespmem:s23+$0x6A10]  }
0x269: {  	v25 =	vld [tilespmem:s23+$0x2A90]  }
0x26a: {  	v26 =	vld [tilespmem:s23+$0x6A90]  }
0x26b: {  	v27 =	vld [tilespmem:s23+$0x2B10]  }
0x26c: {  	v28 =	vld [tilespmem:s23+$0x6B10]  }
0x26d: {  	v29 =	vld [tilespmem:s23+$0x2B90]  }
0x26e: {  	v30 =	vld [tilespmem:s23+$0x6B90]  }
0x26f: {  	v31 =	vld [tilespmem:s23+$0x2A20]  }
0x270: {  	v32 =	vld [tilespmem:s23+$0x6A20]  }
0x271: {  	v33 =	vld [tilespmem:s23+$0x2AA0]  }
0x272: {  	v34 =	vld [tilespmem:s23+$0x6AA0]  }
0x273: {  	v35 =	vld [tilespmem:s23+$0x2B20]  }
0x274: {  	v36 =	vld [tilespmem:s23+$0x6B20]  }
0x275: {  	v37 =	vld [tilespmem:s23+$0x2BA0]  }
0x276: {  	v38 =	vld [tilespmem:s23+$0x6BA0]  }
0x277: {  	v39 =	vld [tilespmem:s23+$0x2A30]  }
0x278: {  	v40 =	vld [tilespmem:s23+$0x6A30]  }
0x279: {  	v41 =	vld [tilespmem:s23+$0x2AB0]  }
0x27a: {  	v42 =	vld [tilespmem:s23+$0x6AB0]  }
0x27b: {  	v43 =	vld [tilespmem:s23+$0x2B30]  }
0x27c: {  	v44 =	vld [tilespmem:s23+$0x6B30]  }
0x27d: {  	v45 =	vld [tilespmem:s23+$0x2BB0]  }
0x27e: {  	v46 =	vld [tilespmem:s23+$0x6BB0]  }
0x27f: {  	v47 =	vld [tilespmem:s23+$0x2A40]  }
0x280: {  	v48 =	vld [tilespmem:s23+$0x6A40]  }
0x281: {  	v49 =	vld [tilespmem:s23+$0x2AC0]  }
0x282: {  	v50 =	vld [tilespmem:s23+$0x6AC0]  }
0x283: {  	v51 =	vld [tilespmem:s23+$0x2B40]  }
0x284: {  	v52 =	vld [tilespmem:s23+$0x6B40]  }
0x285: {  	v53 =	vld [tilespmem:s23+$0x2BC0]  }
0x286: {  	v54 =	vld [tilespmem:s23+$0x6BC0]  }
0x287: {  	v55 =	vld [tilespmem:s23+$0x2A50]  }
0x288: {  	v56 =	vld [tilespmem:s23+$0x6A50]  }
0x289: {  	v57 =	vld [tilespmem:s23+$0x2AD0]  }
0x28a: {  	v58 =	vld [tilespmem:s23+$0x6AD0]  }
0x28b: {  	v59 =	vld [tilespmem:s23+$0x2B50]  }
0x28c: {  	v60 =	vld [tilespmem:s23+$0x6B50]  }
0x28d: {  	v61 =	vld [tilespmem:s23+$0x2BD0]  }
0x28e: {  	v62 =	vld [tilespmem:s23+$0x6BD0]  }
0x28f: {  	v63 =	vld [tilespmem:s23+$0x2A60];
	v0 =	vmul.f32 v1, v0;
	v1 =	vmul.f32 v18, v17  }
0x290: {  	v17 =	vld [tilespmem:s23+$0x6A60];
	v18 =	vmul.f32 v20, v19;
	v19 =	vmul.f32 v22, v21  }
0x291: {  	v20 =	vld [tilespmem:s23+$0x2AE0];
	v21 =	vmul.f32 v24, v23;
	v22 =	vmul.f32 v26, v25  }
0x292: {  	v23 =	vld [tilespmem:s23+$0x6AE0];
	v24 =	vmul.f32 v28, v27;
	v25 =	vmul.f32 v30, v29  }
0x293: {  	v26 =	vld [tilespmem:s23+$0x2B60];
	v27 =	vmul.f32 v32, v31;
	v28 =	vmul.f32 v34, v33  }
0x294: {  	v29 =	vld [tilespmem:s23+$0x6B60];
	v36 =	vmul.f32 v36, v35;
	v38 =	vmul.f32 v38, v37  }
0x295: {  	v32 =	vld [tilespmem:s23+$0x2BE0];
	v40 =	vmul.f32 v40, v39;
	v42 =	vmul.f32 v42, v41  }
0x296: {  	v31 =	vld [tilespmem:s23+$0x2A70];
	v44 =	vmul.f32 v44, v43;
	v45 =	vmul.f32 v46, v45  }
0x297: {  	v46 =	vld [tilespmem:s23+$0x6A70];
	v48 =	vmul.f32 v48, v47;
	v49 =	vmul.f32 v50, v49  }
0x298: {  	v50 =	vld [tilespmem:s23+$0x2AF0];
	v51 =	vmul.f32 v52, v51;
	v0 =	vadd.f32 v27, v0;
	v1 =	vadd.f32 v28, v1  }
0x299: {  	v52 =	vld [tilespmem:s23+$0x6AF0];
	v53 =	vmul.f32 v54, v53;
	v18 =	vadd.f32 v36, v18;
	v19 =	vadd.f32 v38, v19  }
0x29a: {  	v54 =	vld [tilespmem:s23+$0x2B70];
	v56 =	vmul.f32 v56, v55;
	v21 =	vadd.f32 v40, v21;
	v22 =	vadd.f32 v42, v22  }
0x29b: {  	v57 =	vmul.f32 v58, v57;
	v58 =	vld [tilespmem:s23+$0x6B70];
	v24 =	vadd.f32 v44, v24;
	v25 =	vadd.f32 v45, v25  }
0x29c: {  	v60 =	vmul.f32 v60, v59;
	v28 =	vld [tilespmem:s23+$0x6BE0];
	v0 =	vadd.f32 v48, v0;
	v1 =	vadd.f32 v49, v1  }
0x29d: {  	v61 =	vmul.f32 v62, v61;
	v62 =	vld [tilespmem:s23+$0x2BF0];
	v18 =	vadd.f32 v51, v18;
	v19 =	vadd.f32 v53, v19  }
0x29e: {  	v42 =	vld [tilespmem:s23+$0x6BF0];
	v21 =	vadd.f32 v56, v21;
	v22 =	vadd.f32 v57, v22;
	v17 =	vmul.f32 v17, v63  }
0x29f: {  	v24 =	vadd.f32 v60, v24;
	v25 =	vadd.f32 v61, v25;
	v20 =	vmul.f32 v23, v20  }
0x2a0: {  	v43 =	vmul.f32 v46, v31;
	v0 =	vadd.f32 v17, v0;
	v17 =	vmul.f32 v29, v26  }
0x2a1: {  	v46 =	vmul.f32 v52, v50;
	v1 =	vadd.f32 v20, v1;
	v45 =	vmul.f32 v28, v32  }
0x2a2: {  	v44 =	vld [tilespmem:$0x1FFF0];
	v47 =	vmul.f32 v58, v54;
	v17 =	vadd.f32 v17, v18;
	v18 =	vadd.f32 v43, v21  }
0x2a3: {  	v48 =	vadd.f32 v46, v22;
	v49 =	vmul.f32 v42, v62;
	v19 =	vadd.f32 v45, v19  }
0x2a4: {  	v21 =	vadd.f32 v47, v24;
	v0 =	vadd.f32 v18, v0  }
0x2a5: {  	v1 =	vadd.f32 v48, v1;
	v18 =	vadd.f32 v49, v25  }
0x2a6: {  	[tilespmem:$0x8C00] =	vst v0;
	v0 =	vadd.f32 v21, v17  }
0x2a7: {  	[tilespmem:$0x8C80] =	vst v1;
	v1 =	vadd.f32 v18, v19  }
0x2a8: {  	[tilespmem:$0x8D00] =	vst v0  }
0x2a9: {  	[tilespmem:$0x8D80] =	vst v1  }
0x2aa: {  	v0 =	vld.idx.msk [tilespmem:v44+s17+$0x0], $0xffff  }
0x2ab: {  	v1 =	vld.idx.msk [tilespmem:v3+s17+$0x0], $0xffff  }
0x2ac: {  	v17 =	vld.idx.msk [tilespmem:v4+s17+$0x0], $0xffff  }
0x2ad: {  	v18 =	vld.idx.msk [tilespmem:v5+s17+$0x0], $0xffff  }
0x2ae: {  	v19 =	vld.idx.msk [tilespmem:v6+s17+$0x0], $0xffff  }
0x2af: {  	v50 =	vld.idx.msk [tilespmem:v7+s17+$0x0], $0xffff  }
0x2b0: {  	v51 =	vld.idx.msk [tilespmem:v8+s17+$0x0], $0xffff  }
0x2b1: {  	v52 =	vld.idx.msk [tilespmem:v9+s17+$0x0], $0xffff  }
0x2b2: {  	v53 =	vld.idx.msk [tilespmem:v10+s17+$0x0], $0xffff  }
0x2b3: {  	v54 =	vld.idx.msk [tilespmem:v11+s17+$0x0], $0xffff  }
0x2b4: {  	v55 =	vld.idx.msk [tilespmem:v12+s17+$0x0], $0xffff  }
0x2b5: {  	v56 =	vld.idx.msk [tilespmem:v13+s17+$0x0], $0xffff  }
0x2b6: {  	v57 =	vld.idx.msk [tilespmem:v14+s17+$0x0], $0xffff  }
0x2b7: {  	v58 =	vld.idx.msk [tilespmem:v15+s17+$0x0], $0xffff  }
0x2b8: {  	v59 =	vld.idx.msk [tilespmem:v16+s17+$0x0], $0xffff  }
0x2b9: {  	v60 =	vld.idx.msk [tilespmem:v2+s17+$0x0], $0xffff;
	_ =	sdelay $0x1  }
0x2ba: {  	v0 =	vadd.f32 v1, v0;
	v1 =	vadd.f32 v18, v17  }
0x2bb: {  	v17 =	vadd.f32 v50, v19;
	v18 =	vadd.f32 v52, v51  }
0x2bc: {  	v19 =	vadd.f32 v54, v53;
	v61 =	vadd.f32 v56, v55  }
0x2bd: {  	v62 =	vadd.f32 v58, v57;
	v63 =	vadd.f32 v60, v59  }
0x2be: {  	v0 =	vadd.f32 v1, v0;
	v1 =	vadd.f32 v18, v17  }
0x2bf: {  	v17 =	vadd.f32 v61, v19;
	v18 =	vadd.f32 v63, v62;
	_ =	sdelay $0x1  }
0x2c0: {  	v0 =	vadd.f32 v1, v0;
	v1 =	vadd.f32 v18, v17;
	_ =	sdelay $0x1  }
0x2c1: {  	v0 =	vadd.f32 v1, v0;
	v1 =	vld [tilespmem:$0x1FFD0];
	_ =	sdelay $0x2  }
0x2c2: {  	p0 =	sne.s32 s22, $0x3  }
.Ltmp1:
0x2c3: {  	_ = 	snop;
	(pc) =	sbr.rel @p0 .LBB2_5-.Ltmp1, $4  }
0x2c4: {  	_ = 	snop  }
0x2c5: {  	s31 =	sshll.u32 s22, $0x4  }
0x2c6: {  	s23 =	sand.u32 $0x3FFFFFF0, s31  }
0x2c7: {  	s22 =	sadd.s32 $0x1, s22;
	[tilespmem:v1+s23+$0x0 ss:$0x1] =	vst.idx.msk $0xffff, v0  }
0x2c8: {  	s21 =	sadd.s32 $0x1, s21  }
0x2c9: {  	p0 =	sne.s32 s21, $0x4  }
.Ltmp2:
0x2ca: {  	_ = 	snop;
	(pc) =	sbr.rel @p0 .LBB2_2-.Ltmp2, $4  }
0x2cb: {  	_ = 	snop  }
0x2cc: {  	v42 =	vmovc v13;
	v41 =	vmovc v12;
	v44 =	vmov v15;
	v43 =	vmov v14;
	v46 =	vmov v2  }
0x2cd: {  	v45 =	vmovc v16;
	v37 =	vmovc v8;
	v39 =	vmov v10;
	v34 =	vmov v5;
	v32 =	vmov v3  }
0x2ce: {  	v36 =	vmovc v7;
	v33 =	vmovc v4;
	v38 =	vmov v9;
	v35 =	vmov v6;
	v40 =	vmov v11  }
0x2cf: {  	s20 =	sadd.s32 $0x1, s20  }
0x2d0: {  	p0 =	sne.s32 s20, s8  }
.Ltmp3:
0x2d1: {  	_ = 	snop;
	(pc) =	sbr.rel @p0 .LBB2_1-.Ltmp3, $4  }
0x2d2: {  	[hbm4b:s7+s4] =	stream.linear.scatter [tilespmem:s18], [sflag:$0x3], $0x200, $0x38;
	[tilespmem:$0x8E00] =	vst v63  }
0x2d3: {  	_ =	swait.ge [sflag:s19], $0x200  }
0x2d4: {  	[sflag:s19] =	ssyncset.done $0x0  }
0x2d5: {  	[sflag:s19] =	ssyncadd.s32 $0xFFFFFE00  }
0x2d6: {  	_ =	sfence.sel $0x180000  }
0x2d7: {  	[bflag:$0x0] =	sbarrier.arrive $0xFFFF  }
0x2d8: {  	p0 =	sne.s32 s3, $0x0;
	_ =	strace $0x90000047  }
0x2d9: {  	s0 =	sadd.s32 @!p0 $0x100000, s0;
	[bflag:$0x2] =	sbarrier.arrive $0xFFFF  }
0x2da: {  	[sflag:s0] =	ssyncadd.tile.s32 @!p0 $0x1;
	_ =	shalt  }
.Lfunc_end2:
_tile_overlayer_lowered:
.L_overlay_start_2:
0x2db: {  	(tag) =	ssettag $0x2  }
0x2dc: {  	s0 =	rddreg [dreg:$0x0];
	s2 =	stileid.u32  }
0x2dd: {  	s1 =	rddreg [dreg:$0x1];
	p0 =	sne.s32 s2, $0x0  }
0x2de: {  	s3 =	rddreg [dreg:$0x2];
	[bflag:$0x3] =	sbarrier.arrive $0xFFFF;
	s2 =	simm.s32 @!p0 $0x1C03  }
0x2df: {  	[timem:s3], [sflag:s2] =	dma.local @!p0 [hbm:s0], s1  }
0x2e0: {  	s0 =	simm.s32 @!p0 $0x3  }
0x2e1: {  	_ =	swait.ge @!p0 [sflag:s0], s1  }
0x2e2: {  	s1 =	ssub.s32 @!p0 $0x0, s1;
	[sflag:s0] =	ssyncset.done @!p0 $0x0  }
0x2e3: {  	[sflag:s0] =	ssyncadd.s32 @!p0 s1  }
0x2e4: {  	[bflag:$0x3] =	sbarrier.arrive $0xFFFF  }
0x2e5: {  	_ =	shalt  }

</sc_bundles>
